<compile_context>
chip_gen: v7x
topology: tpu7x:2x2x1
jax: 0.10.2.dev20260603
libtpu: 0.0.44.dev20260713+nightly
codegen_flags: <defaults>
</compile_context>

<pallas_src>
import functools

import jax
import jax.numpy as jnp
from jax import lax
from jax.experimental import pallas as pl
from jax.experimental.pallas import tpu as pltpu
from jax.experimental.pallas import tpu_sc as plsc

NC = 2
NS = 16
L = 16

_MESH = plsc.VectorSubcoreMesh(core_axis_name="c", subcore_axis_name="s")
_SC_PARAMS = pltpu.CompilerParams(needs_layout_passes=False)



def _rsqrt16(x):
    i = plsc.bitcast(x, jnp.int32)
    i = jnp.int32(0x5F3759DF) - lax.shift_right_logical(i, 1)
    y = plsc.bitcast(i, jnp.float32)
    for _ in range(3):
        y = y * (1.5 - 0.5 * x * y * y)
    return y


_CH = 20000
_CW = 640


def _fused_body(n, e, gt_hbm, pk_hbm, parts_hbm, dinv_hbm,
                hcol, acc, pkbuf0, pkbuf1, degl, cbuf, dslice, dinvv,
                shared_deg, shared_dinv, sem0, sem1, gsem):
    cid = lax.axis_index("c")
    sid = lax.axis_index("s")
    n2 = NS * _CW
    eps = e // NC
    base = cid * eps
    nch = eps // _CH
    pkbufs = (pkbuf0, pkbuf1)
    sems = (sem0, sem1)
    epw = e // NS

    ca = pltpu.make_async_copy(pk_hbm.at[pl.ds(sid * epw, epw)], pkbuf0, sem0)
    ca.start()
    cg = pltpu.make_async_copy(gt_hbm.at[sid], hcol, gsem)
    cg.start()
    zeros = jnp.zeros((L,), jnp.float32)

    @plsc.parallel_loop(0, n2 // L, unroll=8)
    def _(i):
        degl[pl.ds(i * L, L)] = zeros

    @plsc.parallel_loop(0, n // L, unroll=8)
    def _(i):
        acc[pl.ds(i * L, L)] = zeros

    ca.wait()
    ones = jnp.ones((L,), jnp.float32)

    @plsc.parallel_loop(0, epw // L, unroll=8)
    def _(i):
        d16 = lax.shift_right_logical(pkbuf0[pl.ds(i * L, L)], 16)
        plsc.addupdate_scatter(degl, [d16], ones)

    pltpu.sync_copy(degl, shared_deg.at[sid])
    plsc.subcore_barrier()

    o = sid * _CW
    pltpu.sync_copy(shared_deg.at[:, pl.ds(o, _CW)], cbuf)

    @plsc.parallel_loop(0, _CW // L, unroll=4)
    def _(j):
        s = cbuf[0, pl.ds(j * L, L)]
        for k in range(1, NS):
            s = s + cbuf[k, pl.ds(j * L, L)]
        dslice[pl.ds(j * L, L)] = _rsqrt16(s + 1.0)

    pltpu.sync_copy(dslice, shared_dinv.at[pl.ds(o, _CW)])

    @pl.when(cid == 0)
    def _():
        pltpu.sync_copy(dslice, dinv_hbm.at[0, pl.ds(o, _CW)])

    plsc.subcore_barrier()

    cg.wait()
    pltpu.sync_copy(shared_dinv, dinvv)

    def start(c, slot):
        off = base + lax.rem(c + sid, nch) * _CH
        cp = pltpu.make_async_copy(pk_hbm.at[pl.ds(off, _CH)],
                                   pkbufs[slot], sems[slot])
        cp.start()
        return cp

    pending = [None, None]
    pending[0] = start(0, 0)

    @plsc.parallel_loop(0, n // L, unroll=8)
    def _(i):
        hcol[pl.ds(i * L, L)] = hcol[pl.ds(i * L, L)] * dinvv[pl.ds(i * L, L)]

    for c in range(nch):
        slot = c % 2
        if c + 1 < nch:
            pending[(c + 1) % 2] = start(c + 1, (c + 1) % 2)
        pending[slot].wait()
        pb = pkbufs[slot]
        mask = jnp.full((L,), 0xFFFF, jnp.int32)

        @plsc.parallel_loop(0, _CH // L, unroll=12)
        def _(i):
            p = pb[pl.ds(i * L, L)]
            s16 = lax.bitwise_and(p, mask)
            d16 = lax.shift_right_logical(p, 16)
            v = plsc.load_gather(hcol, [s16])
            plsc.addupdate_scatter(acc, [d16], v)

    pltpu.sync_copy(acc, parts_hbm.at[cid, sid])


def _fused_call(gtraw, packed, n, e):
    body = functools.partial(_fused_body, n, e)
    n2 = NS * _CW
    return pl.kernel(
        body,
        out_type=[
            jax.ShapeDtypeStruct((NC, NS, n), jnp.float32),
            jax.ShapeDtypeStruct((1, n2), jnp.float32),
        ],
        mesh=_MESH,
        scratch_types=[
            pltpu.VMEM((n,), jnp.float32),
            pltpu.VMEM((n,), jnp.float32),
            pltpu.VMEM((_CH,), jnp.int32),
            pltpu.VMEM((_CH,), jnp.int32),
            pltpu.VMEM((n2,), jnp.float32),
            pltpu.VMEM((NS, _CW), jnp.float32),
            pltpu.VMEM((_CW,), jnp.float32),
            pltpu.VMEM((n2,), jnp.float32),
            pltpu.VMEM_SHARED((NS, n2), jnp.float32),
            pltpu.VMEM_SHARED((n2,), jnp.float32),
            pltpu.SemaphoreType.DMA,
            pltpu.SemaphoreType.DMA,
            pltpu.SemaphoreType.DMA,
        ],
        compiler_params=_SC_PARAMS,
    )(gtraw, packed)


def _scatter_body(n, e, gt_hbm, pk_hbm, parts_hbm,
                  hcol, acc, pkbuf0, pkbuf1, sem0, sem1):
    cid = lax.axis_index("c")
    sid = lax.axis_index("s")
    eps = e // NC
    base = cid * eps
    nch = eps // _CH
    pkbufs = (pkbuf0, pkbuf1)
    sems = (sem0, sem1)

    def start(c, slot):
        off = base + lax.rem(c + sid, nch) * _CH
        cp = pltpu.make_async_copy(pk_hbm.at[pl.ds(off, _CH)],
                                   pkbufs[slot], sems[slot])
        cp.start()
        return cp

    pending = [None, None]
    pending[0] = start(0, 0)
    pltpu.sync_copy(gt_hbm.at[sid], hcol)
    zeros = jnp.zeros((L,), jnp.float32)

    @plsc.parallel_loop(0, n // L, unroll=8)
    def _(i):
        acc[pl.ds(i * L, L)] = zeros

    mask = jnp.full((L,), 0xFFFF, jnp.int32)

    for c in range(nch):
        slot = c % 2
        if c + 1 < nch:
            pending[(c + 1) % 2] = start(c + 1, (c + 1) % 2)
        pending[slot].wait()
        pb = pkbufs[slot]

        @plsc.parallel_loop(0, _CH // L, unroll=12)
        def _(i):
            p = pb[pl.ds(i * L, L)]
            s16 = lax.bitwise_and(p, mask)
            d16 = lax.shift_right_logical(p, 16)
            v = plsc.load_gather(hcol, [s16])
            plsc.addupdate_scatter(acc, [d16], v)

    pltpu.sync_copy(acc, parts_hbm.at[cid, sid])


def _scatter_call(gt, packed, n, e):
    body = functools.partial(_scatter_body, n, e)
    return pl.kernel(
        body,
        out_type=jax.ShapeDtypeStruct((NC, NS, n), jnp.float32),
        mesh=_MESH,
        scratch_types=[
            pltpu.VMEM((n,), jnp.float32),
            pltpu.VMEM((n,), jnp.float32),
            pltpu.VMEM((_CH,), jnp.int32),
            pltpu.VMEM((_CH,), jnp.int32),
            pltpu.SemaphoreType.DMA,
            pltpu.SemaphoreType.DMA,
        ],
        compiler_params=_SC_PARAMS,
    )(gt, packed)



_PREC = lax.Precision.HIGHEST


def _pack_mm_body(ei_ref, x_ref, w1_ref, pk_ref, graw_ref):
    pk_ref[...] = ei_ref[0] + (ei_ref[1] << 16)
    graw_ref[...] = lax.dot_general(w1_ref[...], x_ref[...],
                                    (((0,), (1,)), ((), ())),
                                    precision=_PREC,
                                    preferred_element_type=jnp.float32)


def _pack_mm_call(edge_index, x, w1, n, h, e):
    return pl.pallas_call(
        _pack_mm_body,
        out_shape=[
            jax.ShapeDtypeStruct((e,), jnp.int32),
            jax.ShapeDtypeStruct((h, n), jnp.float32),
        ],
    )(edge_index, x, w1)


def _mid_body(parts_ref, graw_ref, dinv_ref, w2_ref, b1_ref, out_ref):
    nn = out_ref.shape[1]
    dinv = dinv_ref[...][:, :nn]
    tot = parts_ref[0] + parts_ref[1] + graw_ref[...][:, :nn] * dinv
    hid = jnp.maximum(tot * dinv + b1_ref[...], 0.0)
    g2 = lax.dot_general(w2_ref[...], hid,
                         (((0,), (0,)), ((), ())),
                         precision=_PREC,
                         preferred_element_type=jnp.float32)
    out_ref[...] = g2 * dinv


def _mid_call(parts, g, dinv, w2, b1, n, h):
    return pl.pallas_call(
        _mid_body,
        out_shape=jax.ShapeDtypeStruct((h, n), jnp.float32),
    )(parts, g, dinv, w2, b1.reshape(h, 1))


def _fin_body(parts_ref, g_ref, dinv_ref, wf_ref, b2_ref, bf_ref, out_ref):
    tot = parts_ref[0] + parts_ref[1] + g_ref[...]
    dinv = dinv_ref[...][:, :g_ref.shape[1]]
    hid = jnp.maximum(tot * dinv + b2_ref[...], 0.0)
    o = lax.dot_general(wf_ref[...], hid,
                        (((0,), (0,)), ((), ())),
                        precision=_PREC,
                        preferred_element_type=jnp.float32)
    out_ref[...] = jax.nn.sigmoid(o + bf_ref[...])


def _fin_call(parts, g, dinv, wf, b2, bf, n, h):
    return pl.pallas_call(
        _fin_body,
        out_shape=jax.ShapeDtypeStruct((1, n), jnp.float32),
    )(parts, g, dinv, wf, b2.reshape(h, 1), bf.reshape(1, 1))



def kernel(x, edge_index, edge_attr, batch, W1, b1, W2, b2, Wf, bf):
    n = x.shape[0]
    e = edge_index.shape[1]
    h = W1.shape[1]
    packed, g1raw = _pack_mm_call(edge_index, x, W1, n, h, e)
    parts1, dinv = _fused_call(g1raw, packed, n, e)
    g2 = _mid_call(parts1, g1raw, dinv, W2, b1, n, h)
    parts2 = _scatter_call(g2, packed, n, e)
    out_t = _fin_call(parts2, g2, dinv, Wf, b2, bf, n, h)
    return out_t.reshape(n, 1)

# --- scband reference (transcript-rebuilt; emitter-appended) ---
"""Pipeline reference for scband-gnnmodule-55585466745373 (READ-ONLY COPY).

The authoritative reference and input builder live on the scoring server;
editing this copy changes nothing except your own understanding.
"""

import jax, jax.numpy as jnp
import numpy as np

N = 10000
E = 320000
DIN = 128
H = 16


def setup_inputs(seed: int = 0):
    key = jax.random.key(seed)
    ks = jax.random.split(key, 9)
    x = jax.random.normal(ks[0], (N, DIN), dtype=jnp.float32)
    edge_index = jax.random.randint(ks[1], (2, E), 0, N)
    edge_attr = jax.random.normal(ks[2], (E, 4), dtype=jnp.float32)
    batch = jnp.zeros((N,), dtype=jnp.int32)
    W1 = jax.random.normal(ks[3], (DIN, H), dtype=jnp.float32) * 0.05
    b1 = jnp.zeros((H,), jnp.float32)
    W2 = jax.random.normal(ks[4], (H, H), dtype=jnp.float32) * 0.05
    b2 = jnp.zeros((H,), jnp.float32)
    Wf = jax.random.normal(ks[5], (H, 1), dtype=jnp.float32) * 0.05
    bf = jnp.zeros((1,), jnp.float32)
    return {"x": x, "edge_index": edge_index, "edge_attr": edge_attr, "batch": batch,
            "W1": W1, "b1": b1, "W2": W2, "b2": b2, "Wf": Wf, "bf": bf}


def _gcn_layer(x, W, b, src, dst, n):
    # PyG GCNConv: linear (no bias) -> symmetric normalization with self-loops -> scatter-add -> bias
    h = x @ W
    ones = jnp.ones(src.shape[0], h.dtype)
    deg = jnp.zeros((n,), h.dtype).at[dst].add(ones)
    dinv = jnp.where(deg > 0.0, 1.0 / jnp.sqrt(deg), 0.0)
    norm = dinv[src] * dinv[dst]
    out = jnp.zeros((n, W.shape[1]), h.dtype).at[dst].add(h[src] * norm[:, None])
    return out + b


def reference(x, edge_index, edge_attr, batch, W1, b1, W2, b2, Wf, bf):
    # edge_attr and batch are unused by GCNModel with pool=False (GCNConv called without edge_weight)
    n = x.shape[0]
    loop = jnp.arange(n, dtype=edge_index.dtype)
    src = jnp.concatenate([edge_index[0], loop])
    dst = jnp.concatenate([edge_index[1], loop])
    # layer 1: GCNConv -> dropout (identity at eval) -> ReLU
    h = jax.nn.relu(_gcn_layer(x, W1, b1, src, dst, n))
    # layer 2
    h = jax.nn.relu(_gcn_layer(h, W2, b2, src, dst, n))
    # final linear + sigmoid
    out = jax.nn.sigmoid(h @ Wf + bf)
    return out

if __name__ == "__main__":
    import jax
    _d = setup_inputs()
    print(jax.jit(kernel)(*tuple(_d.values())))

</pallas_src>

<mosaic_0001>
#map = affine_map<(d0, d1) -> (0, 0)>
#map1 = affine_map<(d0, d1) -> (0)>
#map2 = affine_map<(d0, d1) -> (0, 0, 0)>
module attributes {stable_mosaic.version = 14 : i64} {
  func.func @_fused_body(%arg0: i32, %arg1: i32, %arg2: memref<16x10000xf32, #tpu.memory_space<hbm>>, %arg3: memref<320000xi32, #tpu.memory_space<hbm>>, %arg4: memref<2x16x10000xf32, #tpu.memory_space<hbm>>, %arg5: memref<1x10240xf32, #tpu.memory_space<hbm>>, %arg6: memref<10000xf32, #tpu.memory_space<vmem>>, %arg7: memref<10000xf32, #tpu.memory_space<vmem>>, %arg8: memref<20000xi32, #tpu.memory_space<vmem>>, %arg9: memref<20000xi32, #tpu.memory_space<vmem>>, %arg10: memref<10240xf32, #tpu.memory_space<vmem>>, %arg11: memref<16x640xf32, #tpu.memory_space<vmem>>, %arg12: memref<640xf32, #tpu.memory_space<vmem>>, %arg13: memref<10240xf32, #tpu.memory_space<vmem>>, %arg14: memref<16x10240xf32, #tpu.memory_space<vmem_shared>>, %arg15: memref<10240xf32, #tpu.memory_space<vmem_shared>>, %arg16: memref<!tpu.dma_semaphore, #tpu.memory_space<semaphore_mem>>, %arg17: memref<!tpu.dma_semaphore, #tpu.memory_space<semaphore_mem>>, %arg18: memref<!tpu.dma_semaphore, #tpu.memory_space<semaphore_mem>>) attributes {dimension_semantics = [#tpu.dimension_semantics<core_parallel>, #tpu.dimension_semantics<subcore_parallel>], iteration_bounds = array<i64: 2, 16>, scalar_prefetch = 0 : i64, scratch_operands = 13 : i64, tpu.core_type = #tpu.core_type<sc_vector_subcore>, window_params = [{transform_indices = #map}, {transform_indices = #map1}, {transform_indices = #map2}, {transform_indices = #map}]} {
    %mul3A = arith.constant 160000 : i32
    %mul3A_0 = arith.muli %arg0, %mul3A : i32
    %mul3A_1 = arith.constant 20000 : i32
    %mul3A_2 = arith.muli %arg1, %mul3A_1 : i32
    %dma_start3A = tpu.memref_slice %arg3[%mul3A_2] : memref<320000xi32, #tpu.memory_space<hbm>> -> memref<20000xi32, #tpu.memory_space<hbm>>
    %dma_start3A_3 = tpu.memref_slice %arg3[%mul3A_2] : memref<320000xi32, #tpu.memory_space<hbm>> -> memref<20000xi32, #tpu.memory_space<hbm>>
    tpu.enqueue_dma source(%dma_start3A_3 : memref<20000xi32, #tpu.memory_space<hbm>>) target(%arg8 : memref<20000xi32, #tpu.memory_space<vmem>>) target_semaphore(%arg16 : memref<!tpu.dma_semaphore, #tpu.memory_space<semaphore_mem>>)
    %dma_start3A_4 = arith.constant 0 : i32
    %dma_start3A_5 = tpu.memref_slice %arg2[%arg1, %dma_start3A_4] : memref<16x10000xf32, #tpu.memory_space<hbm>> -> memref<1x10000xf32, #tpu.memory_space<hbm>>
    %dma_start3A_6 = tpu.memref_squeeze %dma_start3A_5 : memref<1x10000xf32, #tpu.memory_space<hbm>> -> memref<10000xf32, #tpu.memory_space<hbm>>
    %dma_start3A_7 = arith.constant 0 : i32
    %dma_start3A_8 = tpu.memref_slice %arg2[%arg1, %dma_start3A_7] : memref<16x10000xf32, #tpu.memory_space<hbm>> -> memref<1x10000xf32, #tpu.memory_space<hbm>>
    %dma_start3A_9 = tpu.memref_squeeze %dma_start3A_8 : memref<1x10000xf32, #tpu.memory_space<hbm>> -> memref<10000xf32, #tpu.memory_space<hbm>>
    tpu.enqueue_dma source(%dma_start3A_9 : memref<10000xf32, #tpu.memory_space<hbm>>) target(%arg6 : memref<10000xf32, #tpu.memory_space<vmem>>) target_semaphore(%arg18 : memref<!tpu.dma_semaphore, #tpu.memory_space<semaphore_mem>>)
    %broadcast_in_dim3A = arith.constant 0.000000e+00 : f32
    %broadcast_in_dim3A_10 = vector.broadcast %broadcast_in_dim3A : f32 to vector<16xf32>
    %parallel_loop3A = arith.constant 0 : i32
    %parallel_loop3A_11 = arith.constant 640 : i32
    %parallel_loop3A_12 = arith.constant 1 : i32
    scf.for %parallel_loop3A_165 = %parallel_loop3A to %parallel_loop3A_11 step %parallel_loop3A_12  : i32 {
      %parallel_loop3A_166 = arith.constant 16 : i32
      %parallel_loop3A_167 = arith.muli %parallel_loop3A_165, %parallel_loop3A_166 : i32
      %parallel_loop3A_168 = arith.index_cast %parallel_loop3A_167 : i32 to index
      %parallel_loop3A_169 = tpu.vector_load %arg10[%parallel_loop3A_168] {strides = array<i32>} : memref<10240xf32, #tpu.memory_space<vmem>>, vector<16xf32>,
      tpu.vector_store %arg10[%parallel_loop3A_168], %broadcast_in_dim3A_10 {strides = array<i32>} : memref<10240xf32, #tpu.memory_space<vmem>>, vector<16xf32>,
    } {sc.loop_unroll_factor = 8 : i64, sc.parallel_access}
    %parallel_loop3A_13 = arith.constant 0 : i32
    %parallel_loop3A_14 = arith.constant 625 : i32
    %parallel_loop3A_15 = arith.constant 1 : i32
    scf.for %parallel_loop3A_165 = %parallel_loop3A_13 to %parallel_loop3A_14 step %parallel_loop3A_15  : i32 {
      %parallel_loop3A_166 = arith.constant 16 : i32
      %parallel_loop3A_167 = arith.muli %parallel_loop3A_165, %parallel_loop3A_166 : i32
      %parallel_loop3A_168 = arith.index_cast %parallel_loop3A_167 : i32 to index
      %parallel_loop3A_169 = tpu.vector_load %arg7[%parallel_loop3A_168] {strides = array<i32>} : memref<10000xf32, #tpu.memory_space<vmem>>, vector<16xf32>,
      tpu.vector_store %arg7[%parallel_loop3A_168], %broadcast_in_dim3A_10 {strides = array<i32>} : memref<10000xf32, #tpu.memory_space<vmem>>, vector<16xf32>,
    } {sc.loop_unroll_factor = 8 : i64, sc.parallel_access}
    %dma_wait3A = tpu.memref_slice %arg3[%mul3A_2] : memref<320000xi32, #tpu.memory_space<hbm>> -> memref<20000xi32, #tpu.memory_space<hbm>>
    %dma_wait3A_16 = tpu.memref_slice %arg3[%mul3A_2] : memref<320000xi32, #tpu.memory_space<hbm>> -> memref<20000xi32, #tpu.memory_space<hbm>>
    tpu.wait_dma2 semaphore(%arg16 : memref<!tpu.dma_semaphore, #tpu.memory_space<semaphore_mem>>) src(%dma_wait3A_16 : memref<20000xi32, #tpu.memory_space<hbm>>) dst(%arg8 : memref<20000xi32, #tpu.memory_space<vmem>>)
    %broadcast_in_dim3A_17 = arith.constant 1.000000e+00 : f32
    %broadcast_in_dim3A_18 = vector.broadcast %broadcast_in_dim3A_17 : f32 to vector<16xf32>
    %parallel_loop3A_19 = arith.constant 0 : i32
    %parallel_loop3A_20 = arith.constant 1250 : i32
    %parallel_loop3A_21 = arith.constant 1 : i32
    scf.for %parallel_loop3A_165 = %parallel_loop3A_19 to %parallel_loop3A_20 step %parallel_loop3A_21  : i32 {
      %parallel_loop3A_166 = arith.constant 16 : i32
      %parallel_loop3A_167 = arith.muli %parallel_loop3A_165, %parallel_loop3A_166 : i32
      %parallel_loop3A_168 = arith.index_cast %parallel_loop3A_167 : i32 to index
      %parallel_loop3A_169 = tpu.vector_load %arg8[%parallel_loop3A_168] {strides = array<i32>} : memref<20000xi32, #tpu.memory_space<vmem>>, vector<16xi32>,
      %parallel_loop3A_170 = arith.constant 16 : i32
      %parallel_loop3A_171 = vector.broadcast %parallel_loop3A_170 : i32 to vector<16xi32>
      %parallel_loop3A_172 = arith.shrui %parallel_loop3A_169, %parallel_loop3A_171 : vector<16xi32>
      tpu.vector_store_idx %arg10[%parallel_loop3A_172], %broadcast_in_dim3A_18 {add = true} : memref<10240xf32, #tpu.memory_space<vmem>>[vector<16xi32>], vector<16xf32>,
    } {sc.loop_unroll_factor = 8 : i64, sc.parallel_access}
    "tpu.region"() ({
      %run_scoped3A = tpu.sem_alloc : memref<!tpu.dma_semaphore, #tpu.memory_space<semaphore_mem>>
      %dma_start3A_165 = arith.constant 0 : i32
      %dma_start3A_166 = tpu.memref_slice %arg14[%arg1, %dma_start3A_165] : memref<16x10240xf32, #tpu.memory_space<vmem_shared>> -> memref<1x10240xf32, #tpu.memory_space<vmem_shared>>
      %dma_start3A_167 = tpu.memref_squeeze %dma_start3A_166 : memref<1x10240xf32, #tpu.memory_space<vmem_shared>> -> memref<10240xf32, #tpu.memory_space<vmem_shared>>
      %dma_start3A_168 = arith.constant 0 : i32
      %dma_start3A_169 = tpu.memref_slice %arg14[%arg1, %dma_start3A_168] : memref<16x10240xf32, #tpu.memory_space<vmem_shared>> -> memref<1x10240xf32, #tpu.memory_space<vmem_shared>>
      %dma_start3A_170 = tpu.memref_squeeze %dma_start3A_169 : memref<1x10240xf32, #tpu.memory_space<vmem_shared>> -> memref<10240xf32, #tpu.memory_space<vmem_shared>>
      tpu.enqueue_dma source(%arg10 : memref<10240xf32, #tpu.memory_space<vmem>>) target(%dma_start3A_170 : memref<10240xf32, #tpu.memory_space<vmem_shared>>) target_semaphore(%run_scoped3A : memref<!tpu.dma_semaphore, #tpu.memory_space<semaphore_mem>>)
      %dma_wait3A_171 = arith.constant 0 : i32
      %dma_wait3A_172 = tpu.memref_slice %arg14[%arg1, %dma_wait3A_171] : memref<16x10240xf32, #tpu.memory_space<vmem_shared>> -> memref<1x10240xf32, #tpu.memory_space<vmem_shared>>
      %dma_wait3A_173 = tpu.memref_squeeze %dma_wait3A_172 : memref<1x10240xf32, #tpu.memory_space<vmem_shared>> -> memref<10240xf32, #tpu.memory_space<vmem_shared>>
      %dma_wait3A_174 = arith.constant 0 : i32
      %dma_wait3A_175 = tpu.memref_slice %arg14[%arg1, %dma_wait3A_174] : memref<16x10240xf32, #tpu.memory_space<vmem_shared>> -> memref<1x10240xf32, #tpu.memory_space<vmem_shared>>
      %dma_wait3A_176 = tpu.memref_squeeze %dma_wait3A_175 : memref<1x10240xf32, #tpu.memory_space<vmem_shared>> -> memref<10240xf32, #tpu.memory_space<vmem_shared>>
      tpu.wait_dma2 semaphore(%run_scoped3A : memref<!tpu.dma_semaphore, #tpu.memory_space<semaphore_mem>>) src(%arg10 : memref<10240xf32, #tpu.memory_space<vmem>>) dst(%dma_wait3A_176 : memref<10240xf32, #tpu.memory_space<vmem_shared>>)
      tpu.yield
    }) : () -> ()
    %barrier3A = arith.constant 0 : index
    tpu.barrier barrier_id(%barrier3A)
    %mul3A_22 = arith.constant 640 : i32
    %mul3A_23 = arith.muli %arg1, %mul3A_22 : i32
    "tpu.region"() ({
      %run_scoped3A = tpu.sem_alloc : memref<!tpu.dma_semaphore, #tpu.memory_space<semaphore_mem>>
      %dma_start3A_165 = arith.constant 0 : i32
      %dma_start3A_166 = tpu.memref_slice %arg14[%dma_start3A_165, %mul3A_23] : memref<16x10240xf32, #tpu.memory_space<vmem_shared>> -> memref<16x640xf32, #tpu.memory_space<vmem_shared>>
      %dma_start3A_167 = arith.constant 0 : i32
      %dma_start3A_168 = tpu.memref_slice %arg14[%dma_start3A_167, %mul3A_23] : memref<16x10240xf32, #tpu.memory_space<vmem_shared>> -> memref<16x640xf32, #tpu.memory_space<vmem_shared>>
      tpu.enqueue_dma source(%dma_start3A_168 : memref<16x640xf32, #tpu.memory_space<vmem_shared>>) target(%arg11 : memref<16x640xf32, #tpu.memory_space<vmem>>) target_semaphore(%run_scoped3A : memref<!tpu.dma_semaphore, #tpu.memory_space<semaphore_mem>>)
      %dma_wait3A_169 = arith.constant 0 : i32
      %dma_wait3A_170 = tpu.memref_slice %arg14[%dma_wait3A_169, %mul3A_23] : memref<16x10240xf32, #tpu.memory_space<vmem_shared>> -> memref<16x640xf32, #tpu.memory_space<vmem_shared>>
      %dma_wait3A_171 = arith.constant 0 : i32
      %dma_wait3A_172 = tpu.memref_slice %arg14[%dma_wait3A_171, %mul3A_23] : memref<16x10240xf32, #tpu.memory_space<vmem_shared>> -> memref<16x640xf32, #tpu.memory_space<vmem_shared>>
      tpu.wait_dma2 semaphore(%run_scoped3A : memref<!tpu.dma_semaphore, #tpu.memory_space<semaphore_mem>>) src(%dma_wait3A_172 : memref<16x640xf32, #tpu.memory_space<vmem_shared>>) dst(%arg11 : memref<16x640xf32, #tpu.memory_space<vmem>>)
      tpu.yield
    }) : () -> ()
    %parallel_loop3A_24 = arith.constant 0 : i32
    %parallel_loop3A_25 = arith.constant 40 : i32
    %parallel_loop3A_26 = arith.constant 1 : i32
    scf.for %parallel_loop3A_165 = %parallel_loop3A_24 to %parallel_loop3A_25 step %parallel_loop3A_26  : i32 {
      %parallel_loop3A_166 = arith.constant 16 : i32
      %parallel_loop3A_167 = arith.muli %parallel_loop3A_165, %parallel_loop3A_166 : i32
      %parallel_loop3A_168 = arith.constant 0 : i32
      %parallel_loop3A_169 = arith.index_cast %parallel_loop3A_168 : i32 to index
      %parallel_loop3A_170 = arith.index_cast %parallel_loop3A_167 : i32 to index
      %parallel_loop3A_171 = tpu.vector_load %arg11[%parallel_loop3A_169, %parallel_loop3A_170] {strides = array<i32>} : memref<16x640xf32, #tpu.memory_space<vmem>>, vector<16xf32>,
      %parallel_loop3A_172 = arith.constant 16 : i32
      %parallel_loop3A_173 = arith.muli %parallel_loop3A_165, %parallel_loop3A_172 : i32
      %parallel_loop3A_174 = arith.constant 1 : i32
      %parallel_loop3A_175 = arith.index_cast %parallel_loop3A_174 : i32 to index
      %parallel_loop3A_176 = arith.index_cast %parallel_loop3A_173 : i32 to index
      %parallel_loop3A_177 = tpu.vector_load %arg11[%parallel_loop3A_175, %parallel_loop3A_176] {strides = array<i32>} : memref<16x640xf32, #tpu.memory_space<vmem>>, vector<16xf32>,
      %parallel_loop3A_178 = arith.addf %parallel_loop3A_171, %parallel_loop3A_177 : vector<16xf32>
      %parallel_loop3A_179 = arith.constant 16 : i32
      %parallel_loop3A_180 = arith.muli %parallel_loop3A_165, %parallel_loop3A_179 : i32
      %parallel_loop3A_181 = arith.constant 2 : i32
      %parallel_loop3A_182 = arith.index_cast %parallel_loop3A_181 : i32 to index
      %parallel_loop3A_183 = arith.index_cast %parallel_loop3A_180 : i32 to index
      %parallel_loop3A_184 = tpu.vector_load %arg11[%parallel_loop3A_182, %parallel_loop3A_183] {strides = array<i32>} : memref<16x640xf32, #tpu.memory_space<vmem>>, vector<16xf32>,
      %parallel_loop3A_185 = arith.addf %parallel_loop3A_178, %parallel_loop3A_184 : vector<16xf32>
      %parallel_loop3A_186 = arith.constant 16 : i32
      %parallel_loop3A_187 = arith.muli %parallel_loop3A_165, %parallel_loop3A_186 : i32
      %parallel_loop3A_188 = arith.constant 3 : i32
      %parallel_loop3A_189 = arith.index_cast %parallel_loop3A_188 : i32 to index
      %parallel_loop3A_190 = arith.index_cast %parallel_loop3A_187 : i32 to index
      %parallel_loop3A_191 = tpu.vector_load %arg11[%parallel_loop3A_189, %parallel_loop3A_190] {strides = array<i32>} : memref<16x640xf32, #tpu.memory_space<vmem>>, vector<16xf32>,
      %parallel_loop3A_192 = arith.addf %parallel_loop3A_185, %parallel_loop3A_191 : vector<16xf32>
      %parallel_loop3A_193 = arith.constant 16 : i32
      %parallel_loop3A_194 = arith.muli %parallel_loop3A_165, %parallel_loop3A_193 : i32
      %parallel_loop3A_195 = arith.constant 4 : i32
      %parallel_loop3A_196 = arith.index_cast %parallel_loop3A_195 : i32 to index
      %parallel_loop3A_197 = arith.index_cast %parallel_loop3A_194 : i32 to index
      %parallel_loop3A_198 = tpu.vector_load %arg11[%parallel_loop3A_196, %parallel_loop3A_197] {strides = array<i32>} : memref<16x640xf32, #tpu.memory_space<vmem>>, vector<16xf32>,
      %parallel_loop3A_199 = arith.addf %parallel_loop3A_192, %parallel_loop3A_198 : vector<16xf32>
      %parallel_loop3A_200 = arith.constant 16 : i32
      %parallel_loop3A_201 = arith.muli %parallel_loop3A_165, %parallel_loop3A_200 : i32
      %parallel_loop3A_202 = arith.constant 5 : i32
      %parallel_loop3A_203 = arith.index_cast %parallel_loop3A_202 : i32 to index
      %parallel_loop3A_204 = arith.index_cast %parallel_loop3A_201 : i32 to index
      %parallel_loop3A_205 = tpu.vector_load %arg11[%parallel_loop3A_203, %parallel_loop3A_204] {strides = array<i32>} : memref<16x640xf32, #tpu.memory_space<vmem>>, vector<16xf32>,
      %parallel_loop3A_206 = arith.addf %parallel_loop3A_199, %parallel_loop3A_205 : vector<16xf32>
      %parallel_loop3A_207 = arith.constant 16 : i32
      %parallel_loop3A_208 = arith.muli %parallel_loop3A_165, %parallel_loop3A_207 : i32
      %parallel_loop3A_209 = arith.constant 6 : i32
      %parallel_loop3A_210 = arith.index_cast %parallel_loop3A_209 : i32 to index
      %parallel_loop3A_211 = arith.index_cast %parallel_loop3A_208 : i32 to index
      %parallel_loop3A_212 = tpu.vector_load %arg11[%parallel_loop3A_210, %parallel_loop3A_211] {strides = array<i32>} : memref<16x640xf32, #tpu.memory_space<vmem>>, vector<16xf32>,
      %parallel_loop3A_213 = arith.addf %parallel_loop3A_206, %parallel_loop3A_212 : vector<16xf32>
      %parallel_loop3A_214 = arith.constant 16 : i32
      %parallel_loop3A_215 = arith.muli %parallel_loop3A_165, %parallel_loop3A_214 : i32
      %parallel_loop3A_216 = arith.constant 7 : i32
      %parallel_loop3A_217 = arith.index_cast %parallel_loop3A_216 : i32 to index
      %parallel_loop3A_218 = arith.index_cast %parallel_loop3A_215 : i32 to index
      %parallel_loop3A_219 = tpu.vector_load %arg11[%parallel_loop3A_217, %parallel_loop3A_218] {strides = array<i32>} : memref<16x640xf32, #tpu.memory_space<vmem>>, vector<16xf32>,
      %parallel_loop3A_220 = arith.addf %parallel_loop3A_213, %parallel_loop3A_219 : vector<16xf32>
      %parallel_loop3A_221 = arith.constant 16 : i32
      %parallel_loop3A_222 = arith.muli %parallel_loop3A_165, %parallel_loop3A_221 : i32
      %parallel_loop3A_223 = arith.constant 8 : i32
      %parallel_loop3A_224 = arith.index_cast %parallel_loop3A_223 : i32 to index
      %parallel_loop3A_225 = arith.index_cast %parallel_loop3A_222 : i32 to index
      %parallel_loop3A_226 = tpu.vector_load %arg11[%parallel_loop3A_224, %parallel_loop3A_225] {strides = array<i32>} : memref<16x640xf32, #tpu.memory_space<vmem>>, vector<16xf32>,
      %parallel_loop3A_227 = arith.addf %parallel_loop3A_220, %parallel_loop3A_226 : vector<16xf32>
      %parallel_loop3A_228 = arith.constant 16 : i32
      %parallel_loop3A_229 = arith.muli %parallel_loop3A_165, %parallel_loop3A_228 : i32
      %parallel_loop3A_230 = arith.constant 9 : i32
      %parallel_loop3A_231 = arith.index_cast %parallel_loop3A_230 : i32 to index
      %parallel_loop3A_232 = arith.index_cast %parallel_loop3A_229 : i32 to index
      %parallel_loop3A_233 = tpu.vector_load %arg11[%parallel_loop3A_231, %parallel_loop3A_232] {strides = array<i32>} : memref<16x640xf32, #tpu.memory_space<vmem>>, vector<16xf32>,
      %parallel_loop3A_234 = arith.addf %parallel_loop3A_227, %parallel_loop3A_233 : vector<16xf32>
      %parallel_loop3A_235 = arith.constant 16 : i32
      %parallel_loop3A_236 = arith.muli %parallel_loop3A_165, %parallel_loop3A_235 : i32
      %parallel_loop3A_237 = arith.constant 10 : i32
      %parallel_loop3A_238 = arith.index_cast %parallel_loop3A_237 : i32 to index
      %parallel_loop3A_239 = arith.index_cast %parallel_loop3A_236 : i32 to index
      %parallel_loop3A_240 = tpu.vector_load %arg11[%parallel_loop3A_238, %parallel_loop3A_239] {strides = array<i32>} : memref<16x640xf32, #tpu.memory_space<vmem>>, vector<16xf32>,
      %parallel_loop3A_241 = arith.addf %parallel_loop3A_234, %parallel_loop3A_240 : vector<16xf32>
      %parallel_loop3A_242 = arith.constant 16 : i32
      %parallel_loop3A_243 = arith.muli %parallel_loop3A_165, %parallel_loop3A_242 : i32
      %parallel_loop3A_244 = arith.constant 11 : i32
      %parallel_loop3A_245 = arith.index_cast %parallel_loop3A_244 : i32 to index
      %parallel_loop3A_246 = arith.index_cast %parallel_loop3A_243 : i32 to index
      %parallel_loop3A_247 = tpu.vector_load %arg11[%parallel_loop3A_245, %parallel_loop3A_246] {strides = array<i32>} : memref<16x640xf32, #tpu.memory_space<vmem>>, vector<16xf32>,
      %parallel_loop3A_248 = arith.addf %parallel_loop3A_241, %parallel_loop3A_247 : vector<16xf32>
      %parallel_loop3A_249 = arith.constant 16 : i32
      %parallel_loop3A_250 = arith.muli %parallel_loop3A_165, %parallel_loop3A_249 : i32
      %parallel_loop3A_251 = arith.constant 12 : i32
      %parallel_loop3A_252 = arith.index_cast %parallel_loop3A_251 : i32 to index
      %parallel_loop3A_253 = arith.index_cast %parallel_loop3A_250 : i32 to index
      %parallel_loop3A_254 = tpu.vector_load %arg11[%parallel_loop3A_252, %parallel_loop3A_253] {strides = array<i32>} : memref<16x640xf32, #tpu.memory_space<vmem>>, vector<16xf32>,
      %parallel_loop3A_255 = arith.addf %parallel_loop3A_248, %parallel_loop3A_254 : vector<16xf32>
      %parallel_loop3A_256 = arith.constant 16 : i32
      %parallel_loop3A_257 = arith.muli %parallel_loop3A_165, %parallel_loop3A_256 : i32
      %parallel_loop3A_258 = arith.constant 13 : i32
      %parallel_loop3A_259 = arith.index_cast %parallel_loop3A_258 : i32 to index
      %parallel_loop3A_260 = arith.index_cast %parallel_loop3A_257 : i32 to index
      %parallel_loop3A_261 = tpu.vector_load %arg11[%parallel_loop3A_259, %parallel_loop3A_260] {strides = array<i32>} : memref<16x640xf32, #tpu.memory_space<vmem>>, vector<16xf32>,
      %parallel_loop3A_262 = arith.addf %parallel_loop3A_255, %parallel_loop3A_261 : vector<16xf32>
      %parallel_loop3A_263 = arith.constant 16 : i32
      %parallel_loop3A_264 = arith.muli %parallel_loop3A_165, %parallel_loop3A_263 : i32
      %parallel_loop3A_265 = arith.constant 14 : i32
      %parallel_loop3A_266 = arith.index_cast %parallel_loop3A_265 : i32 to index
      %parallel_loop3A_267 = arith.index_cast %parallel_loop3A_264 : i32 to index
      %parallel_loop3A_268 = tpu.vector_load %arg11[%parallel_loop3A_266, %parallel_loop3A_267] {strides = array<i32>} : memref<16x640xf32, #tpu.memory_space<vmem>>, vector<16xf32>,
      %parallel_loop3A_269 = arith.addf %parallel_loop3A_262, %parallel_loop3A_268 : vector<16xf32>
      %parallel_loop3A_270 = arith.constant 16 : i32
      %parallel_loop3A_271 = arith.muli %parallel_loop3A_165, %parallel_loop3A_270 : i32
      %parallel_loop3A_272 = arith.constant 15 : i32
      %parallel_loop3A_273 = arith.index_cast %parallel_loop3A_272 : i32 to index
      %parallel_loop3A_274 = arith.index_cast %parallel_loop3A_271 : i32 to index
      %parallel_loop3A_275 = tpu.vector_load %arg11[%parallel_loop3A_273, %parallel_loop3A_274] {strides = array<i32>} : memref<16x640xf32, #tpu.memory_space<vmem>>, vector<16xf32>,
      %parallel_loop3A_276 = arith.addf %parallel_loop3A_269, %parallel_loop3A_275 : vector<16xf32>
      %parallel_loop3A_277 = arith.constant 1.000000e+00 : f32
      %parallel_loop3A_278 = vector.broadcast %parallel_loop3A_277 : f32 to vector<16xf32>
      %parallel_loop3A_279 = arith.addf %parallel_loop3A_276, %parallel_loop3A_278 : vector<16xf32>
      %parallel_loop3A_280 = vector.bitcast %parallel_loop3A_279 : vector<16xf32> to vector<16xi32>
      %parallel_loop3A_281 = arith.constant 1 : i32
      %parallel_loop3A_282 = vector.broadcast %parallel_loop3A_281 : i32 to vector<16xi32>
      %parallel_loop3A_283 = arith.shrui %parallel_loop3A_280, %parallel_loop3A_282 : vector<16xi32>
      %parallel_loop3A_284 = arith.constant 1597463007 : i32
      %parallel_loop3A_285 = vector.broadcast %parallel_loop3A_284 : i32 to vector<16xi32>
      %parallel_loop3A_286 = arith.subi %parallel_loop3A_285, %parallel_loop3A_283 : vector<16xi32>
      %parallel_loop3A_287 = vector.bitcast %parallel_loop3A_286 : vector<16xi32> to vector<16xf32>
      %parallel_loop3A_288 = arith.constant 5.000000e-01 : f32
      %parallel_loop3A_289 = vector.broadcast %parallel_loop3A_288 : f32 to vector<16xf32>
      %parallel_loop3A_290 = arith.mulf %parallel_loop3A_289, %parallel_loop3A_279 : vector<16xf32>
      %parallel_loop3A_291 = arith.mulf %parallel_loop3A_290, %parallel_loop3A_287 : vector<16xf32>
      %parallel_loop3A_292 = arith.mulf %parallel_loop3A_291, %parallel_loop3A_287 : vector<16xf32>
      %parallel_loop3A_293 = arith.constant 1.500000e+00 : f32
      %parallel_loop3A_294 = vector.broadcast %parallel_loop3A_293 : f32 to vector<16xf32>
      %parallel_loop3A_295 = arith.subf %parallel_loop3A_294, %parallel_loop3A_292 : vector<16xf32>
      %parallel_loop3A_296 = arith.mulf %parallel_loop3A_287, %parallel_loop3A_295 : vector<16xf32>
      %parallel_loop3A_297 = arith.constant 5.000000e-01 : f32
      %parallel_loop3A_298 = vector.broadcast %parallel_loop3A_297 : f32 to vector<16xf32>
      %parallel_loop3A_299 = arith.mulf %parallel_loop3A_298, %parallel_loop3A_279 : vector<16xf32>
      %parallel_loop3A_300 = arith.mulf %parallel_loop3A_299, %parallel_loop3A_296 : vector<16xf32>
      %parallel_loop3A_301 = arith.mulf %parallel_loop3A_300, %parallel_loop3A_296 : vector<16xf32>
      %parallel_loop3A_302 = arith.constant 1.500000e+00 : f32
      %parallel_loop3A_303 = vector.broadcast %parallel_loop3A_302 : f32 to vector<16xf32>
      %parallel_loop3A_304 = arith.subf %parallel_loop3A_303, %parallel_loop3A_301 : vector<16xf32>
      %parallel_loop3A_305 = arith.mulf %parallel_loop3A_296, %parallel_loop3A_304 : vector<16xf32>
      %parallel_loop3A_306 = arith.constant 5.000000e-01 : f32
      %parallel_loop3A_307 = vector.broadcast %parallel_loop3A_306 : f32 to vector<16xf32>
      %parallel_loop3A_308 = arith.mulf %parallel_loop3A_307, %parallel_loop3A_279 : vector<16xf32>
      %parallel_loop3A_309 = arith.mulf %parallel_loop3A_308, %parallel_loop3A_305 : vector<16xf32>
      %parallel_loop3A_310 = arith.mulf %parallel_loop3A_309, %parallel_loop3A_305 : vector<16xf32>
      %parallel_loop3A_311 = arith.constant 1.500000e+00 : f32
      %parallel_loop3A_312 = vector.broadcast %parallel_loop3A_311 : f32 to vector<16xf32>
      %parallel_loop3A_313 = arith.subf %parallel_loop3A_312, %parallel_loop3A_310 : vector<16xf32>
      %parallel_loop3A_314 = arith.mulf %parallel_loop3A_305, %parallel_loop3A_313 : vector<16xf32>
      %parallel_loop3A_315 = arith.constant 16 : i32
      %parallel_loop3A_316 = arith.muli %parallel_loop3A_165, %parallel_loop3A_315 : i32
      %parallel_loop3A_317 = arith.index_cast %parallel_loop3A_316 : i32 to index
      %parallel_loop3A_318 = tpu.vector_load %arg12[%parallel_loop3A_317] {strides = array<i32>} : memref<640xf32, #tpu.memory_space<vmem>>, vector<16xf32>,
      tpu.vector_store %arg12[%parallel_loop3A_317], %parallel_loop3A_314 {strides = array<i32>} : memref<640xf32, #tpu.memory_space<vmem>>, vector<16xf32>,
    } {sc.loop_unroll_factor = 4 : i64, sc.parallel_access}
    "tpu.region"() ({
      %run_scoped3A = tpu.sem_alloc : memref<!tpu.dma_semaphore, #tpu.memory_space<semaphore_mem>>
      %dma_start3A_165 = tpu.memref_slice %arg15[%mul3A_23] : memref<10240xf32, #tpu.memory_space<vmem_shared>> -> memref<640xf32, #tpu.memory_space<vmem_shared>>
      %dma_start3A_166 = tpu.memref_slice %arg15[%mul3A_23] : memref<10240xf32, #tpu.memory_space<vmem_shared>> -> memref<640xf32, #tpu.memory_space<vmem_shared>>
      tpu.enqueue_dma source(%arg12 : memref<640xf32, #tpu.memory_space<vmem>>) target(%dma_start3A_166 : memref<640xf32, #tpu.memory_space<vmem_shared>>) target_semaphore(%run_scoped3A : memref<!tpu.dma_semaphore, #tpu.memory_space<semaphore_mem>>)
      %dma_wait3A_167 = tpu.memref_slice %arg15[%mul3A_23] : memref<10240xf32, #tpu.memory_space<vmem_shared>> -> memref<640xf32, #tpu.memory_space<vmem_shared>>
      %dma_wait3A_168 = tpu.memref_slice %arg15[%mul3A_23] : memref<10240xf32, #tpu.memory_space<vmem_shared>> -> memref<640xf32, #tpu.memory_space<vmem_shared>>
      tpu.wait_dma2 semaphore(%run_scoped3A : memref<!tpu.dma_semaphore, #tpu.memory_space<semaphore_mem>>) src(%arg12 : memref<640xf32, #tpu.memory_space<vmem>>) dst(%dma_wait3A_168 : memref<640xf32, #tpu.memory_space<vmem_shared>>)
      tpu.yield
    }) : () -> ()
    %eq3A = arith.constant 0 : i32
    %eq3A_27 = arith.cmpi eq, %arg0, %eq3A : i32
    %convert_element_type3A = arith.extui %eq3A_27 : i1 to i32
    %cond3A = arith.constant 0 : i32
    %cond3A_28 = arith.cmpi ne, %convert_element_type3A, %cond3A : i32
    scf.if %cond3A_28 {
      %run_scoped3A = arith.constant 0 : i32
      "tpu.region"() ({
        %run_scoped3A_165 = tpu.sem_alloc : memref<!tpu.dma_semaphore, #tpu.memory_space<semaphore_mem>>
        %dma_start3A_166 = tpu.memref_slice %arg5[%run_scoped3A, %mul3A_23] : memref<1x10240xf32, #tpu.memory_space<hbm>> -> memref<1x640xf32, #tpu.memory_space<hbm>>
        %dma_start3A_167 = tpu.memref_squeeze %dma_start3A_166 : memref<1x640xf32, #tpu.memory_space<hbm>> -> memref<640xf32, #tpu.memory_space<hbm>>
        %dma_start3A_168 = tpu.memref_slice %arg5[%run_scoped3A, %mul3A_23] : memref<1x10240xf32, #tpu.memory_space<hbm>> -> memref<1x640xf32, #tpu.memory_space<hbm>>
        %dma_start3A_169 = tpu.memref_squeeze %dma_start3A_168 : memref<1x640xf32, #tpu.memory_space<hbm>> -> memref<640xf32, #tpu.memory_space<hbm>>
        tpu.enqueue_dma source(%arg12 : memref<640xf32, #tpu.memory_space<vmem>>) target(%dma_start3A_169 : memref<640xf32, #tpu.memory_space<hbm>>) target_semaphore(%run_scoped3A_165 : memref<!tpu.dma_semaphore, #tpu.memory_space<semaphore_mem>>)
        %dma_wait3A_170 = tpu.memref_slice %arg5[%run_scoped3A, %mul3A_23] : memref<1x10240xf32, #tpu.memory_space<hbm>> -> memref<1x640xf32, #tpu.memory_space<hbm>>
        %dma_wait3A_171 = tpu.memref_squeeze %dma_wait3A_170 : memref<1x640xf32, #tpu.memory_space<hbm>> -> memref<640xf32, #tpu.memory_space<hbm>>
        %dma_wait3A_172 = tpu.memref_slice %arg5[%run_scoped3A, %mul3A_23] : memref<1x10240xf32, #tpu.memory_space<hbm>> -> memref<1x640xf32, #tpu.memory_space<hbm>>
        %dma_wait3A_173 = tpu.memref_squeeze %dma_wait3A_172 : memref<1x640xf32, #tpu.memory_space<hbm>> -> memref<640xf32, #tpu.memory_space<hbm>>
        tpu.wait_dma2 semaphore(%run_scoped3A_165 : memref<!tpu.dma_semaphore, #tpu.memory_space<semaphore_mem>>) src(%arg12 : memref<640xf32, #tpu.memory_space<vmem>>) dst(%dma_wait3A_173 : memref<640xf32, #tpu.memory_space<hbm>>)
        tpu.yield
      }) : () -> ()
    } else {
    }
    %barrier3A_29 = arith.constant 0 : index
    tpu.barrier barrier_id(%barrier3A_29)
    %dma_wait3A_30 = arith.constant 0 : i32
    %dma_wait3A_31 = tpu.memref_slice %arg2[%arg1, %dma_wait3A_30] : memref<16x10000xf32, #tpu.memory_space<hbm>> -> memref<1x10000xf32, #tpu.memory_space<hbm>>
    %dma_wait3A_32 = tpu.memref_squeeze %dma_wait3A_31 : memref<1x10000xf32, #tpu.memory_space<hbm>> -> memref<10000xf32, #tpu.memory_space<hbm>>
    %dma_wait3A_33 = arith.constant 0 : i32
    %dma_wait3A_34 = tpu.memref_slice %arg2[%arg1, %dma_wait3A_33] : memref<16x10000xf32, #tpu.memory_space<hbm>> -> memref<1x10000xf32, #tpu.memory_space<hbm>>
    %dma_wait3A_35 = tpu.memref_squeeze %dma_wait3A_34 : memref<1x10000xf32, #tpu.memory_space<hbm>> -> memref<10000xf32, #tpu.memory_space<hbm>>
    tpu.wait_dma2 semaphore(%arg18 : memref<!tpu.dma_semaphore, #tpu.memory_space<semaphore_mem>>) src(%dma_wait3A_35 : memref<10000xf32, #tpu.memory_space<hbm>>) dst(%arg6 : memref<10000xf32, #tpu.memory_space<vmem>>)
    "tpu.region"() ({
      %run_scoped3A = tpu.sem_alloc : memref<!tpu.dma_semaphore, #tpu.memory_space<semaphore_mem>>
      tpu.enqueue_dma source(%arg15 : memref<10240xf32, #tpu.memory_space<vmem_shared>>) target(%arg13 : memref<10240xf32, #tpu.memory_space<vmem>>) target_semaphore(%run_scoped3A : memref<!tpu.dma_semaphore, #tpu.memory_space<semaphore_mem>>)
      tpu.wait_dma2 semaphore(%run_scoped3A : memref<!tpu.dma_semaphore, #tpu.memory_space<semaphore_mem>>) src(%arg15 : memref<10240xf32, #tpu.memory_space<vmem_shared>>) dst(%arg13 : memref<10240xf32, #tpu.memory_space<vmem>>)
      tpu.yield
    }) : () -> ()
    %add3A = arith.constant 0 : i32
    %add3A_36 = arith.addi %add3A, %arg1 : i32
    %rem3A = arith.constant 8 : i32
    %rem3A_37 = arith.remsi %add3A_36, %rem3A : i32
    %mul3A_38 = arith.constant 20000 : i32
    %mul3A_39 = arith.muli %rem3A_37, %mul3A_38 : i32
    %add3A_40 = arith.addi %mul3A_0, %mul3A_39 : i32
    %dma_start3A_41 = tpu.memref_slice %arg3[%add3A_40] : memref<320000xi32, #tpu.memory_space<hbm>> -> memref<20000xi32, #tpu.memory_space<hbm>>
    %dma_start3A_42 = tpu.memref_slice %arg3[%add3A_40] : memref<320000xi32, #tpu.memory_space<hbm>> -> memref<20000xi32, #tpu.memory_space<hbm>>
    tpu.enqueue_dma source(%dma_start3A_42 : memref<20000xi32, #tpu.memory_space<hbm>>) target(%arg8 : memref<20000xi32, #tpu.memory_space<vmem>>) target_semaphore(%arg16 : memref<!tpu.dma_semaphore, #tpu.memory_space<semaphore_mem>>)
    %parallel_loop3A_43 = arith.constant 0 : i32
    %parallel_loop3A_44 = arith.constant 625 : i32
    %parallel_loop3A_45 = arith.constant 1 : i32
    scf.for %parallel_loop3A_165 = %parallel_loop3A_43 to %parallel_loop3A_44 step %parallel_loop3A_45  : i32 {
      %parallel_loop3A_166 = arith.constant 16 : i32
      %parallel_loop3A_167 = arith.muli %parallel_loop3A_165, %parallel_loop3A_166 : i32
      %parallel_loop3A_168 = arith.index_cast %parallel_loop3A_167 : i32 to index
      %parallel_loop3A_169 = tpu.vector_load %arg6[%parallel_loop3A_168] {strides = array<i32>} : memref<10000xf32, #tpu.memory_space<vmem>>, vector<16xf32>,
      %parallel_loop3A_170 = arith.constant 16 : i32
      %parallel_loop3A_171 = arith.muli %parallel_loop3A_165, %parallel_loop3A_170 : i32
      %parallel_loop3A_172 = arith.index_cast %parallel_loop3A_171 : i32 to index
      %parallel_loop3A_173 = tpu.vector_load %arg13[%parallel_loop3A_172] {strides = array<i32>} : memref<10240xf32, #tpu.memory_space<vmem>>, vector<16xf32>,
      %parallel_loop3A_174 = arith.mulf %parallel_loop3A_169, %parallel_loop3A_173 : vector<16xf32>
      %parallel_loop3A_175 = arith.constant 16 : i32
      %parallel_loop3A_176 = arith.muli %parallel_loop3A_165, %parallel_loop3A_175 : i32
      %parallel_loop3A_177 = arith.index_cast %parallel_loop3A_176 : i32 to index
      %parallel_loop3A_178 = tpu.vector_load %arg6[%parallel_loop3A_177] {strides = array<i32>} : memref<10000xf32, #tpu.memory_space<vmem>>, vector<16xf32>,
      tpu.vector_store %arg6[%parallel_loop3A_177], %parallel_loop3A_174 {strides = array<i32>} : memref<10000xf32, #tpu.memory_space<vmem>>, vector<16xf32>,
    } {sc.loop_unroll_factor = 8 : i64, sc.parallel_access}
    %add3A_46 = arith.constant 1 : i32
    %add3A_47 = arith.addi %add3A_46, %arg1 : i32
    %rem3A_48 = arith.constant 8 : i32
    %rem3A_49 = arith.remsi %add3A_47, %rem3A_48 : i32
    %mul3A_50 = arith.constant 20000 : i32
    %mul3A_51 = arith.muli %rem3A_49, %mul3A_50 : i32
    %add3A_52 = arith.addi %mul3A_0, %mul3A_51 : i32
    %dma_start3A_53 = tpu.memref_slice %arg3[%add3A_52] : memref<320000xi32, #tpu.memory_space<hbm>> -> memref<20000xi32, #tpu.memory_space<hbm>>
    %dma_start3A_54 = tpu.memref_slice %arg3[%add3A_52] : memref<320000xi32, #tpu.memory_space<hbm>> -> memref<20000xi32, #tpu.memory_space<hbm>>
    tpu.enqueue_dma source(%dma_start3A_54 : memref<20000xi32, #tpu.memory_space<hbm>>) target(%arg9 : memref<20000xi32, #tpu.memory_space<vmem>>) target_semaphore(%arg17 : memref<!tpu.dma_semaphore, #tpu.memory_space<semaphore_mem>>)
    %dma_wait3A_55 = tpu.memref_slice %arg3[%add3A_40] : memref<320000xi32, #tpu.memory_space<hbm>> -> memref<20000xi32, #tpu.memory_space<hbm>>
    %dma_wait3A_56 = tpu.memref_slice %arg3[%add3A_40] : memref<320000xi32, #tpu.memory_space<hbm>> -> memref<20000xi32, #tpu.memory_space<hbm>>
    tpu.wait_dma2 semaphore(%arg16 : memref<!tpu.dma_semaphore, #tpu.memory_space<semaphore_mem>>) src(%dma_wait3A_56 : memref<20000xi32, #tpu.memory_space<hbm>>) dst(%arg8 : memref<20000xi32, #tpu.memory_space<vmem>>)
    %broadcast_in_dim3A_57 = arith.constant 65535 : i32
    %broadcast_in_dim3A_58 = vector.broadcast %broadcast_in_dim3A_57 : i32 to vector<16xi32>
    %parallel_loop3A_59 = arith.constant 0 : i32
    %parallel_loop3A_60 = arith.constant 1250 : i32
    %parallel_loop3A_61 = arith.constant 1 : i32
    scf.for %parallel_loop3A_165 = %parallel_loop3A_59 to %parallel_loop3A_60 step %parallel_loop3A_61  : i32 {
      %parallel_loop3A_166 = arith.constant 16 : i32
      %parallel_loop3A_167 = arith.muli %parallel_loop3A_165, %parallel_loop3A_166 : i32
      %parallel_loop3A_168 = arith.index_cast %parallel_loop3A_167 : i32 to index
      %parallel_loop3A_169 = tpu.vector_load %arg8[%parallel_loop3A_168] {strides = array<i32>} : memref<20000xi32, #tpu.memory_space<vmem>>, vector<16xi32>,
      %parallel_loop3A_170 = arith.andi %parallel_loop3A_169, %broadcast_in_dim3A_58 : vector<16xi32>
      %parallel_loop3A_171 = arith.constant 16 : i32
      %parallel_loop3A_172 = vector.broadcast %parallel_loop3A_171 : i32 to vector<16xi32>
      %parallel_loop3A_173 = arith.shrui %parallel_loop3A_169, %parallel_loop3A_172 : vector<16xi32>
      %parallel_loop3A_174 = tpu.vector_load_idx %arg6[%parallel_loop3A_170] : memref<10000xf32, #tpu.memory_space<vmem>>[vector<16xi32>], vector<16xf32>,
      tpu.vector_store_idx %arg7[%parallel_loop3A_173], %parallel_loop3A_174 {add = true} : memref<10000xf32, #tpu.memory_space<vmem>>[vector<16xi32>], vector<16xf32>,
    } {sc.loop_unroll_factor = 12 : i64, sc.parallel_access}
    %add3A_62 = arith.constant 2 : i32
    %add3A_63 = arith.addi %add3A_62, %arg1 : i32
    %rem3A_64 = arith.constant 8 : i32
    %rem3A_65 = arith.remsi %add3A_63, %rem3A_64 : i32
    %mul3A_66 = arith.constant 20000 : i32
    %mul3A_67 = arith.muli %rem3A_65, %mul3A_66 : i32
    %add3A_68 = arith.addi %mul3A_0, %mul3A_67 : i32
    %dma_start3A_69 = tpu.memref_slice %arg3[%add3A_68] : memref<320000xi32, #tpu.memory_space<hbm>> -> memref<20000xi32, #tpu.memory_space<hbm>>
    %dma_start3A_70 = tpu.memref_slice %arg3[%add3A_68] : memref<320000xi32, #tpu.memory_space<hbm>> -> memref<20000xi32, #tpu.memory_space<hbm>>
    tpu.enqueue_dma source(%dma_start3A_70 : memref<20000xi32, #tpu.memory_space<hbm>>) target(%arg8 : memref<20000xi32, #tpu.memory_space<vmem>>) target_semaphore(%arg16 : memref<!tpu.dma_semaphore, #tpu.memory_space<semaphore_mem>>)
    %dma_wait3A_71 = tpu.memref_slice %arg3[%add3A_52] : memref<320000xi32, #tpu.memory_space<hbm>> -> memref<20000xi32, #tpu.memory_space<hbm>>
    %dma_wait3A_72 = tpu.memref_slice %arg3[%add3A_52] : memref<320000xi32, #tpu.memory_space<hbm>> -> memref<20000xi32, #tpu.memory_space<hbm>>
    tpu.wait_dma2 semaphore(%arg17 : memref<!tpu.dma_semaphore, #tpu.memory_space<semaphore_mem>>) src(%dma_wait3A_72 : memref<20000xi32, #tpu.memory_space<hbm>>) dst(%arg9 : memref<20000xi32, #tpu.memory_space<vmem>>)
    %broadcast_in_dim3A_73 = arith.constant 65535 : i32
    %broadcast_in_dim3A_74 = vector.broadcast %broadcast_in_dim3A_73 : i32 to vector<16xi32>
    %parallel_loop3A_75 = arith.constant 0 : i32
    %parallel_loop3A_76 = arith.constant 1250 : i32
    %parallel_loop3A_77 = arith.constant 1 : i32
    scf.for %parallel_loop3A_165 = %parallel_loop3A_75 to %parallel_loop3A_76 step %parallel_loop3A_77  : i32 {
      %parallel_loop3A_166 = arith.constant 16 : i32
      %parallel_loop3A_167 = arith.muli %parallel_loop3A_165, %parallel_loop3A_166 : i32
      %parallel_loop3A_168 = arith.index_cast %parallel_loop3A_167 : i32 to index
      %parallel_loop3A_169 = tpu.vector_load %arg9[%parallel_loop3A_168] {strides = array<i32>} : memref<20000xi32, #tpu.memory_space<vmem>>, vector<16xi32>,
      %parallel_loop3A_170 = arith.andi %parallel_loop3A_169, %broadcast_in_dim3A_74 : vector<16xi32>
      %parallel_loop3A_171 = arith.constant 16 : i32
      %parallel_loop3A_172 = vector.broadcast %parallel_loop3A_171 : i32 to vector<16xi32>
      %parallel_loop3A_173 = arith.shrui %parallel_loop3A_169, %parallel_loop3A_172 : vector<16xi32>
      %parallel_loop3A_174 = tpu.vector_load_idx %arg6[%parallel_loop3A_170] : memref<10000xf32, #tpu.memory_space<vmem>>[vector<16xi32>], vector<16xf32>,
      tpu.vector_store_idx %arg7[%parallel_loop3A_173], %parallel_loop3A_174 {add = true} : memref<10000xf32, #tpu.memory_space<vmem>>[vector<16xi32>], vector<16xf32>,
    } {sc.loop_unroll_factor = 12 : i64, sc.parallel_access}
    %add3A_78 = arith.constant 3 : i32
    %add3A_79 = arith.addi %add3A_78, %arg1 : i32
    %rem3A_80 = arith.constant 8 : i32
    %rem3A_81 = arith.remsi %add3A_79, %rem3A_80 : i32
    %mul3A_82 = arith.constant 20000 : i32
    %mul3A_83 = arith.muli %rem3A_81, %mul3A_82 : i32
    %add3A_84 = arith.addi %mul3A_0, %mul3A_83 : i32
    %dma_start3A_85 = tpu.memref_slice %arg3[%add3A_84] : memref<320000xi32, #tpu.memory_space<hbm>> -> memref<20000xi32, #tpu.memory_space<hbm>>
    %dma_start3A_86 = tpu.memref_slice %arg3[%add3A_84] : memref<320000xi32, #tpu.memory_space<hbm>> -> memref<20000xi32, #tpu.memory_space<hbm>>
    tpu.enqueue_dma source(%dma_start3A_86 : memref<20000xi32, #tpu.memory_space<hbm>>) target(%arg9 : memref<20000xi32, #tpu.memory_space<vmem>>) target_semaphore(%arg17 : memref<!tpu.dma_semaphore, #tpu.memory_space<semaphore_mem>>)
    %dma_wait3A_87 = tpu.memref_slice %arg3[%add3A_68] : memref<320000xi32, #tpu.memory_space<hbm>> -> memref<20000xi32, #tpu.memory_space<hbm>>
    %dma_wait3A_88 = tpu.memref_slice %arg3[%add3A_68] : memref<320000xi32, #tpu.memory_space<hbm>> -> memref<20000xi32, #tpu.memory_space<hbm>>
    tpu.wait_dma2 semaphore(%arg16 : memref<!tpu.dma_semaphore, #tpu.memory_space<semaphore_mem>>) src(%dma_wait3A_88 : memref<20000xi32, #tpu.memory_space<hbm>>) dst(%arg8 : memref<20000xi32, #tpu.memory_space<vmem>>)
    %broadcast_in_dim3A_89 = arith.constant 65535 : i32
    %broadcast_in_dim3A_90 = vector.broadcast %broadcast_in_dim3A_89 : i32 to vector<16xi32>
    %parallel_loop3A_91 = arith.constant 0 : i32
    %parallel_loop3A_92 = arith.constant 1250 : i32
    %parallel_loop3A_93 = arith.constant 1 : i32
    scf.for %parallel_loop3A_165 = %parallel_loop3A_91 to %parallel_loop3A_92 step %parallel_loop3A_93  : i32 {
      %parallel_loop3A_166 = arith.constant 16 : i32
      %parallel_loop3A_167 = arith.muli %parallel_loop3A_165, %parallel_loop3A_166 : i32
      %parallel_loop3A_168 = arith.index_cast %parallel_loop3A_167 : i32 to index
      %parallel_loop3A_169 = tpu.vector_load %arg8[%parallel_loop3A_168] {strides = array<i32>} : memref<20000xi32, #tpu.memory_space<vmem>>, vector<16xi32>,
      %parallel_loop3A_170 = arith.andi %parallel_loop3A_169, %broadcast_in_dim3A_90 : vector<16xi32>
      %parallel_loop3A_171 = arith.constant 16 : i32
      %parallel_loop3A_172 = vector.broadcast %parallel_loop3A_171 : i32 to vector<16xi32>
      %parallel_loop3A_173 = arith.shrui %parallel_loop3A_169, %parallel_loop3A_172 : vector<16xi32>
      %parallel_loop3A_174 = tpu.vector_load_idx %arg6[%parallel_loop3A_170] : memref<10000xf32, #tpu.memory_space<vmem>>[vector<16xi32>], vector<16xf32>,
      tpu.vector_store_idx %arg7[%parallel_loop3A_173], %parallel_loop3A_174 {add = true} : memref<10000xf32, #tpu.memory_space<vmem>>[vector<16xi32>], vector<16xf32>,
    } {sc.loop_unroll_factor = 12 : i64, sc.parallel_access}
    %add3A_94 = arith.constant 4 : i32
    %add3A_95 = arith.addi %add3A_94, %arg1 : i32
    %rem3A_96 = arith.constant 8 : i32
    %rem3A_97 = arith.remsi %add3A_95, %rem3A_96 : i32
    %mul3A_98 = arith.constant 20000 : i32
    %mul3A_99 = arith.muli %rem3A_97, %mul3A_98 : i32
    %add3A_100 = arith.addi %mul3A_0, %mul3A_99 : i32
    %dma_start3A_101 = tpu.memref_slice %arg3[%add3A_100] : memref<320000xi32, #tpu.memory_space<hbm>> -> memref<20000xi32, #tpu.memory_space<hbm>>
    %dma_start3A_102 = tpu.memref_slice %arg3[%add3A_100] : memref<320000xi32, #tpu.memory_space<hbm>> -> memref<20000xi32, #tpu.memory_space<hbm>>
    tpu.enqueue_dma source(%dma_start3A_102 : memref<20000xi32, #tpu.memory_space<hbm>>) target(%arg8 : memref<20000xi32, #tpu.memory_space<vmem>>) target_semaphore(%arg16 : memref<!tpu.dma_semaphore, #tpu.memory_space<semaphore_mem>>)
    %dma_wait3A_103 = tpu.memref_slice %arg3[%add3A_84] : memref<320000xi32, #tpu.memory_space<hbm>> -> memref<20000xi32, #tpu.memory_space<hbm>>
    %dma_wait3A_104 = tpu.memref_slice %arg3[%add3A_84] : memref<320000xi32, #tpu.memory_space<hbm>> -> memref<20000xi32, #tpu.memory_space<hbm>>
    tpu.wait_dma2 semaphore(%arg17 : memref<!tpu.dma_semaphore, #tpu.memory_space<semaphore_mem>>) src(%dma_wait3A_104 : memref<20000xi32, #tpu.memory_space<hbm>>) dst(%arg9 : memref<20000xi32, #tpu.memory_space<vmem>>)
    %broadcast_in_dim3A_105 = arith.constant 65535 : i32
    %broadcast_in_dim3A_106 = vector.broadcast %broadcast_in_dim3A_105 : i32 to vector<16xi32>
    %parallel_loop3A_107 = arith.constant 0 : i32
    %parallel_loop3A_108 = arith.constant 1250 : i32
    %parallel_loop3A_109 = arith.constant 1 : i32
    scf.for %parallel_loop3A_165 = %parallel_loop3A_107 to %parallel_loop3A_108 step %parallel_loop3A_109  : i32 {
      %parallel_loop3A_166 = arith.constant 16 : i32
      %parallel_loop3A_167 = arith.muli %parallel_loop3A_165, %parallel_loop3A_166 : i32
      %parallel_loop3A_168 = arith.index_cast %parallel_loop3A_167 : i32 to index
      %parallel_loop3A_169 = tpu.vector_load %arg9[%parallel_loop3A_168] {strides = array<i32>} : memref<20000xi32, #tpu.memory_space<vmem>>, vector<16xi32>,
      %parallel_loop3A_170 = arith.andi %parallel_loop3A_169, %broadcast_in_dim3A_106 : vector<16xi32>
      %parallel_loop3A_171 = arith.constant 16 : i32
      %parallel_loop3A_172 = vector.broadcast %parallel_loop3A_171 : i32 to vector<16xi32>
      %parallel_loop3A_173 = arith.shrui %parallel_loop3A_169, %parallel_loop3A_172 : vector<16xi32>
      %parallel_loop3A_174 = tpu.vector_load_idx %arg6[%parallel_loop3A_170] : memref<10000xf32, #tpu.memory_space<vmem>>[vector<16xi32>], vector<16xf32>,
      tpu.vector_store_idx %arg7[%parallel_loop3A_173], %parallel_loop3A_174 {add = true} : memref<10000xf32, #tpu.memory_space<vmem>>[vector<16xi32>], vector<16xf32>,
    } {sc.loop_unroll_factor = 12 : i64, sc.parallel_access}
    %add3A_110 = arith.constant 5 : i32
    %add3A_111 = arith.addi %add3A_110, %arg1 : i32
    %rem3A_112 = arith.constant 8 : i32
    %rem3A_113 = arith.remsi %add3A_111, %rem3A_112 : i32
    %mul3A_114 = arith.constant 20000 : i32
    %mul3A_115 = arith.muli %rem3A_113, %mul3A_114 : i32
    %add3A_116 = arith.addi %mul3A_0, %mul3A_115 : i32
    %dma_start3A_117 = tpu.memref_slice %arg3[%add3A_116] : memref<320000xi32, #tpu.memory_space<hbm>> -> memref<20000xi32, #tpu.memory_space<hbm>>
    %dma_start3A_118 = tpu.memref_slice %arg3[%add3A_116] : memref<320000xi32, #tpu.memory_space<hbm>> -> memref<20000xi32, #tpu.memory_space<hbm>>
    tpu.enqueue_dma source(%dma_start3A_118 : memref<20000xi32, #tpu.memory_space<hbm>>) target(%arg9 : memref<20000xi32, #tpu.memory_space<vmem>>) target_semaphore(%arg17 : memref<!tpu.dma_semaphore, #tpu.memory_space<semaphore_mem>>)
    %dma_wait3A_119 = tpu.memref_slice %arg3[%add3A_100] : memref<320000xi32, #tpu.memory_space<hbm>> -> memref<20000xi32, #tpu.memory_space<hbm>>
    %dma_wait3A_120 = tpu.memref_slice %arg3[%add3A_100] : memref<320000xi32, #tpu.memory_space<hbm>> -> memref<20000xi32, #tpu.memory_space<hbm>>
    tpu.wait_dma2 semaphore(%arg16 : memref<!tpu.dma_semaphore, #tpu.memory_space<semaphore_mem>>) src(%dma_wait3A_120 : memref<20000xi32, #tpu.memory_space<hbm>>) dst(%arg8 : memref<20000xi32, #tpu.memory_space<vmem>>)
    %broadcast_in_dim3A_121 = arith.constant 65535 : i32
    %broadcast_in_dim3A_122 = vector.broadcast %broadcast_in_dim3A_121 : i32 to vector<16xi32>
    %parallel_loop3A_123 = arith.constant 0 : i32
    %parallel_loop3A_124 = arith.constant 1250 : i32
    %parallel_loop3A_125 = arith.constant 1 : i32
    scf.for %parallel_loop3A_165 = %parallel_loop3A_123 to %parallel_loop3A_124 step %parallel_loop3A_125  : i32 {
      %parallel_loop3A_166 = arith.constant 16 : i32
      %parallel_loop3A_167 = arith.muli %parallel_loop3A_165, %parallel_loop3A_166 : i32
      %parallel_loop3A_168 = arith.index_cast %parallel_loop3A_167 : i32 to index
      %parallel_loop3A_169 = tpu.vector_load %arg8[%parallel_loop3A_168] {strides = array<i32>} : memref<20000xi32, #tpu.memory_space<vmem>>, vector<16xi32>,
      %parallel_loop3A_170 = arith.andi %parallel_loop3A_169, %broadcast_in_dim3A_122 : vector<16xi32>
      %parallel_loop3A_171 = arith.constant 16 : i32
      %parallel_loop3A_172 = vector.broadcast %parallel_loop3A_171 : i32 to vector<16xi32>
      %parallel_loop3A_173 = arith.shrui %parallel_loop3A_169, %parallel_loop3A_172 : vector<16xi32>
      %parallel_loop3A_174 = tpu.vector_load_idx %arg6[%parallel_loop3A_170] : memref<10000xf32, #tpu.memory_space<vmem>>[vector<16xi32>], vector<16xf32>,
      tpu.vector_store_idx %arg7[%parallel_loop3A_173], %parallel_loop3A_174 {add = true} : memref<10000xf32, #tpu.memory_space<vmem>>[vector<16xi32>], vector<16xf32>,
    } {sc.loop_unroll_factor = 12 : i64, sc.parallel_access}
    %add3A_126 = arith.constant 6 : i32
    %add3A_127 = arith.addi %add3A_126, %arg1 : i32
    %rem3A_128 = arith.constant 8 : i32
    %rem3A_129 = arith.remsi %add3A_127, %rem3A_128 : i32
    %mul3A_130 = arith.constant 20000 : i32
    %mul3A_131 = arith.muli %rem3A_129, %mul3A_130 : i32
    %add3A_132 = arith.addi %mul3A_0, %mul3A_131 : i32
    %dma_start3A_133 = tpu.memref_slice %arg3[%add3A_132] : memref<320000xi32, #tpu.memory_space<hbm>> -> memref<20000xi32, #tpu.memory_space<hbm>>
    %dma_start3A_134 = tpu.memref_slice %arg3[%add3A_132] : memref<320000xi32, #tpu.memory_space<hbm>> -> memref<20000xi32, #tpu.memory_space<hbm>>
    tpu.enqueue_dma source(%dma_start3A_134 : memref<20000xi32, #tpu.memory_space<hbm>>) target(%arg8 : memref<20000xi32, #tpu.memory_space<vmem>>) target_semaphore(%arg16 : memref<!tpu.dma_semaphore, #tpu.memory_space<semaphore_mem>>)
    %dma_wait3A_135 = tpu.memref_slice %arg3[%add3A_116] : memref<320000xi32, #tpu.memory_space<hbm>> -> memref<20000xi32, #tpu.memory_space<hbm>>
    %dma_wait3A_136 = tpu.memref_slice %arg3[%add3A_116] : memref<320000xi32, #tpu.memory_space<hbm>> -> memref<20000xi32, #tpu.memory_space<hbm>>
    tpu.wait_dma2 semaphore(%arg17 : memref<!tpu.dma_semaphore, #tpu.memory_space<semaphore_mem>>) src(%dma_wait3A_136 : memref<20000xi32, #tpu.memory_space<hbm>>) dst(%arg9 : memref<20000xi32, #tpu.memory_space<vmem>>)
    %broadcast_in_dim3A_137 = arith.constant 65535 : i32
    %broadcast_in_dim3A_138 = vector.broadcast %broadcast_in_dim3A_137 : i32 to vector<16xi32>
    %parallel_loop3A_139 = arith.constant 0 : i32
    %parallel_loop3A_140 = arith.constant 1250 : i32
    %parallel_loop3A_141 = arith.constant 1 : i32
    scf.for %parallel_loop3A_165 = %parallel_loop3A_139 to %parallel_loop3A_140 step %parallel_loop3A_141  : i32 {
      %parallel_loop3A_166 = arith.constant 16 : i32
      %parallel_loop3A_167 = arith.muli %parallel_loop3A_165, %parallel_loop3A_166 : i32
      %parallel_loop3A_168 = arith.index_cast %parallel_loop3A_167 : i32 to index
      %parallel_loop3A_169 = tpu.vector_load %arg9[%parallel_loop3A_168] {strides = array<i32>} : memref<20000xi32, #tpu.memory_space<vmem>>, vector<16xi32>,
      %parallel_loop3A_170 = arith.andi %parallel_loop3A_169, %broadcast_in_dim3A_138 : vector<16xi32>
      %parallel_loop3A_171 = arith.constant 16 : i32
      %parallel_loop3A_172 = vector.broadcast %parallel_loop3A_171 : i32 to vector<16xi32>
      %parallel_loop3A_173 = arith.shrui %parallel_loop3A_169, %parallel_loop3A_172 : vector<16xi32>
      %parallel_loop3A_174 = tpu.vector_load_idx %arg6[%parallel_loop3A_170] : memref<10000xf32, #tpu.memory_space<vmem>>[vector<16xi32>], vector<16xf32>,
      tpu.vector_store_idx %arg7[%parallel_loop3A_173], %parallel_loop3A_174 {add = true} : memref<10000xf32, #tpu.memory_space<vmem>>[vector<16xi32>], vector<16xf32>,
    } {sc.loop_unroll_factor = 12 : i64, sc.parallel_access}
    %add3A_142 = arith.constant 7 : i32
    %add3A_143 = arith.addi %add3A_142, %arg1 : i32
    %rem3A_144 = arith.constant 8 : i32
    %rem3A_145 = arith.remsi %add3A_143, %rem3A_144 : i32
    %mul3A_146 = arith.constant 20000 : i32
    %mul3A_147 = arith.muli %rem3A_145, %mul3A_146 : i32
    %add3A_148 = arith.addi %mul3A_0, %mul3A_147 : i32
    %dma_start3A_149 = tpu.memref_slice %arg3[%add3A_148] : memref<320000xi32, #tpu.memory_space<hbm>> -> memref<20000xi32, #tpu.memory_space<hbm>>
    %dma_start3A_150 = tpu.memref_slice %arg3[%add3A_148] : memref<320000xi32, #tpu.memory_space<hbm>> -> memref<20000xi32, #tpu.memory_space<hbm>>
    tpu.enqueue_dma source(%dma_start3A_150 : memref<20000xi32, #tpu.memory_space<hbm>>) target(%arg9 : memref<20000xi32, #tpu.memory_space<vmem>>) target_semaphore(%arg17 : memref<!tpu.dma_semaphore, #tpu.memory_space<semaphore_mem>>)
    %dma_wait3A_151 = tpu.memref_slice %arg3[%add3A_132] : memref<320000xi32, #tpu.memory_space<hbm>> -> memref<20000xi32, #tpu.memory_space<hbm>>
    %dma_wait3A_152 = tpu.memref_slice %arg3[%add3A_132] : memref<320000xi32, #tpu.memory_space<hbm>> -> memref<20000xi32, #tpu.memory_space<hbm>>
    tpu.wait_dma2 semaphore(%arg16 : memref<!tpu.dma_semaphore, #tpu.memory_space<semaphore_mem>>) src(%dma_wait3A_152 : memref<20000xi32, #tpu.memory_space<hbm>>) dst(%arg8 : memref<20000xi32, #tpu.memory_space<vmem>>)
    %broadcast_in_dim3A_153 = arith.constant 65535 : i32
    %broadcast_in_dim3A_154 = vector.broadcast %broadcast_in_dim3A_153 : i32 to vector<16xi32>
    %parallel_loop3A_155 = arith.constant 0 : i32
    %parallel_loop3A_156 = arith.constant 1250 : i32
    %parallel_loop3A_157 = arith.constant 1 : i32
    scf.for %parallel_loop3A_165 = %parallel_loop3A_155 to %parallel_loop3A_156 step %parallel_loop3A_157  : i32 {
      %parallel_loop3A_166 = arith.constant 16 : i32
      %parallel_loop3A_167 = arith.muli %parallel_loop3A_165, %parallel_loop3A_166 : i32
      %parallel_loop3A_168 = arith.index_cast %parallel_loop3A_167 : i32 to index
      %parallel_loop3A_169 = tpu.vector_load %arg8[%parallel_loop3A_168] {strides = array<i32>} : memref<20000xi32, #tpu.memory_space<vmem>>, vector<16xi32>,
      %parallel_loop3A_170 = arith.andi %parallel_loop3A_169, %broadcast_in_dim3A_154 : vector<16xi32>
      %parallel_loop3A_171 = arith.constant 16 : i32
      %parallel_loop3A_172 = vector.broadcast %parallel_loop3A_171 : i32 to vector<16xi32>
      %parallel_loop3A_173 = arith.shrui %parallel_loop3A_169, %parallel_loop3A_172 : vector<16xi32>
      %parallel_loop3A_174 = tpu.vector_load_idx %arg6[%parallel_loop3A_170] : memref<10000xf32, #tpu.memory_space<vmem>>[vector<16xi32>], vector<16xf32>,
      tpu.vector_store_idx %arg7[%parallel_loop3A_173], %parallel_loop3A_174 {add = true} : memref<10000xf32, #tpu.memory_space<vmem>>[vector<16xi32>], vector<16xf32>,
    } {sc.loop_unroll_factor = 12 : i64, sc.parallel_access}
    %dma_wait3A_158 = tpu.memref_slice %arg3[%add3A_148] : memref<320000xi32, #tpu.memory_space<hbm>> -> memref<20000xi32, #tpu.memory_space<hbm>>
    %dma_wait3A_159 = tpu.memref_slice %arg3[%add3A_148] : memref<320000xi32, #tpu.memory_space<hbm>> -> memref<20000xi32, #tpu.memory_space<hbm>>
    tpu.wait_dma2 semaphore(%arg17 : memref<!tpu.dma_semaphore, #tpu.memory_space<semaphore_mem>>) src(%dma_wait3A_159 : memref<20000xi32, #tpu.memory_space<hbm>>) dst(%arg9 : memref<20000xi32, #tpu.memory_space<vmem>>)
    %broadcast_in_dim3A_160 = arith.constant 65535 : i32
    %broadcast_in_dim3A_161 = vector.broadcast %broadcast_in_dim3A_160 : i32 to vector<16xi32>
    %parallel_loop3A_162 = arith.constant 0 : i32
    %parallel_loop3A_163 = arith.constant 1250 : i32
    %parallel_loop3A_164 = arith.constant 1 : i32
    scf.for %parallel_loop3A_165 = %parallel_loop3A_162 to %parallel_loop3A_163 step %parallel_loop3A_164  : i32 {
      %parallel_loop3A_166 = arith.constant 16 : i32
      %parallel_loop3A_167 = arith.muli %parallel_loop3A_165, %parallel_loop3A_166 : i32
      %parallel_loop3A_168 = arith.index_cast %parallel_loop3A_167 : i32 to index
      %parallel_loop3A_169 = tpu.vector_load %arg9[%parallel_loop3A_168] {strides = array<i32>} : memref<20000xi32, #tpu.memory_space<vmem>>, vector<16xi32>,
      %parallel_loop3A_170 = arith.andi %parallel_loop3A_169, %broadcast_in_dim3A_161 : vector<16xi32>
      %parallel_loop3A_171 = arith.constant 16 : i32
      %parallel_loop3A_172 = vector.broadcast %parallel_loop3A_171 : i32 to vector<16xi32>
      %parallel_loop3A_173 = arith.shrui %parallel_loop3A_169, %parallel_loop3A_172 : vector<16xi32>
      %parallel_loop3A_174 = tpu.vector_load_idx %arg6[%parallel_loop3A_170] : memref<10000xf32, #tpu.memory_space<vmem>>[vector<16xi32>], vector<16xf32>,
      tpu.vector_store_idx %arg7[%parallel_loop3A_173], %parallel_loop3A_174 {add = true} : memref<10000xf32, #tpu.memory_space<vmem>>[vector<16xi32>], vector<16xf32>,
    } {sc.loop_unroll_factor = 12 : i64, sc.parallel_access}
    "tpu.region"() ({
      %run_scoped3A = tpu.sem_alloc : memref<!tpu.dma_semaphore, #tpu.memory_space<semaphore_mem>>
      %dma_start3A_165 = arith.constant 0 : i32
      %dma_start3A_166 = tpu.memref_slice %arg4[%arg0, %arg1, %dma_start3A_165] : memref<2x16x10000xf32, #tpu.memory_space<hbm>> -> memref<1x1x10000xf32, #tpu.memory_space<hbm>>
      %dma_start3A_167 = tpu.memref_squeeze %dma_start3A_166 : memref<1x1x10000xf32, #tpu.memory_space<hbm>> -> memref<10000xf32, #tpu.memory_space<hbm>>
      %dma_start3A_168 = arith.constant 0 : i32
      %dma_start3A_169 = tpu.memref_slice %arg4[%arg0, %arg1, %dma_start3A_168] : memref<2x16x10000xf32, #tpu.memory_space<hbm>> -> memref<1x1x10000xf32, #tpu.memory_space<hbm>>
      %dma_start3A_170 = tpu.memref_squeeze %dma_start3A_169 : memref<1x1x10000xf32, #tpu.memory_space<hbm>> -> memref<10000xf32, #tpu.memory_space<hbm>>
      tpu.enqueue_dma source(%arg7 : memref<10000xf32, #tpu.memory_space<vmem>>) target(%dma_start3A_170 : memref<10000xf32, #tpu.memory_space<hbm>>) target_semaphore(%run_scoped3A : memref<!tpu.dma_semaphore, #tpu.memory_space<semaphore_mem>>)
      %dma_wait3A_171 = arith.constant 0 : i32
      %dma_wait3A_172 = tpu.memref_slice %arg4[%arg0, %arg1, %dma_wait3A_171] : memref<2x16x10000xf32, #tpu.memory_space<hbm>> -> memref<1x1x10000xf32, #tpu.memory_space<hbm>>
      %dma_wait3A_173 = tpu.memref_squeeze %dma_wait3A_172 : memref<1x1x10000xf32, #tpu.memory_space<hbm>> -> memref<10000xf32, #tpu.memory_space<hbm>>
      %dma_wait3A_174 = arith.constant 0 : i32
      %dma_wait3A_175 = tpu.memref_slice %arg4[%arg0, %arg1, %dma_wait3A_174] : memref<2x16x10000xf32, #tpu.memory_space<hbm>> -> memref<1x1x10000xf32, #tpu.memory_space<hbm>>
      %dma_wait3A_176 = tpu.memref_squeeze %dma_wait3A_175 : memref<1x1x10000xf32, #tpu.memory_space<hbm>> -> memref<10000xf32, #tpu.memory_space<hbm>>
      tpu.wait_dma2 semaphore(%run_scoped3A : memref<!tpu.dma_semaphore, #tpu.memory_space<semaphore_mem>>) src(%arg7 : memref<10000xf32, #tpu.memory_space<vmem>>) dst(%dma_wait3A_176 : memref<10000xf32, #tpu.memory_space<hbm>>)
      tpu.yield
    }) : () -> ()
    return
  }
}

#map = affine_map<(d0, d1) -> (0, 0)>
#map1 = affine_map<(d0, d1) -> (0)>
#map2 = affine_map<(d0, d1) -> (0, 0, 0)>
module attributes {stable_mosaic.version = 14 : i64} {
  func.func @_scatter_body(%arg0: i32, %arg1: i32, %arg2: memref<16x10000xf32, #tpu.memory_space<hbm>>, %arg3: memref<320000xi32, #tpu.memory_space<hbm>>, %arg4: memref<2x16x10000xf32, #tpu.memory_space<hbm>>, %arg5: memref<10000xf32, #tpu.memory_space<vmem>>, %arg6: memref<10000xf32, #tpu.memory_space<vmem>>, %arg7: memref<20000xi32, #tpu.memory_space<vmem>>, %arg8: memref<20000xi32, #tpu.memory_space<vmem>>, %arg9: memref<!tpu.dma_semaphore, #tpu.memory_space<semaphore_mem>>, %arg10: memref<!tpu.dma_semaphore, #tpu.memory_space<semaphore_mem>>) attributes {dimension_semantics = [#tpu.dimension_semantics<core_parallel>, #tpu.dimension_semantics<subcore_parallel>], iteration_bounds = array<i64: 2, 16>, scalar_prefetch = 0 : i64, scratch_operands = 6 : i64, tpu.core_type = #tpu.core_type<sc_vector_subcore>, window_params = [{transform_indices = #map}, {transform_indices = #map1}, {transform_indices = #map2}]} {
    %mul3A = arith.constant 160000 : i32
    %mul3A_0 = arith.muli %arg0, %mul3A : i32
    %add3A = arith.constant 0 : i32
    %add3A_1 = arith.addi %add3A, %arg1 : i32
    %rem3A = arith.constant 8 : i32
    %rem3A_2 = arith.remsi %add3A_1, %rem3A : i32
    %mul3A_3 = arith.constant 20000 : i32
    %mul3A_4 = arith.muli %rem3A_2, %mul3A_3 : i32
    %add3A_5 = arith.addi %mul3A_0, %mul3A_4 : i32
    %dma_start3A = tpu.memref_slice %arg3[%add3A_5] : memref<320000xi32, #tpu.memory_space<hbm>> -> memref<20000xi32, #tpu.memory_space<hbm>>
    %dma_start3A_6 = tpu.memref_slice %arg3[%add3A_5] : memref<320000xi32, #tpu.memory_space<hbm>> -> memref<20000xi32, #tpu.memory_space<hbm>>
    tpu.enqueue_dma source(%dma_start3A_6 : memref<20000xi32, #tpu.memory_space<hbm>>) target(%arg7 : memref<20000xi32, #tpu.memory_space<vmem>>) target_semaphore(%arg9 : memref<!tpu.dma_semaphore, #tpu.memory_space<semaphore_mem>>)
    "tpu.region"() ({
      %run_scoped3A = tpu.sem_alloc : memref<!tpu.dma_semaphore, #tpu.memory_space<semaphore_mem>>
      %dma_start3A_114 = arith.constant 0 : i32
      %dma_start3A_115 = tpu.memref_slice %arg2[%arg1, %dma_start3A_114] : memref<16x10000xf32, #tpu.memory_space<hbm>> -> memref<1x10000xf32, #tpu.memory_space<hbm>>
      %dma_start3A_116 = tpu.memref_squeeze %dma_start3A_115 : memref<1x10000xf32, #tpu.memory_space<hbm>> -> memref<10000xf32, #tpu.memory_space<hbm>>
      %dma_start3A_117 = arith.constant 0 : i32
      %dma_start3A_118 = tpu.memref_slice %arg2[%arg1, %dma_start3A_117] : memref<16x10000xf32, #tpu.memory_space<hbm>> -> memref<1x10000xf32, #tpu.memory_space<hbm>>
      %dma_start3A_119 = tpu.memref_squeeze %dma_start3A_118 : memref<1x10000xf32, #tpu.memory_space<hbm>> -> memref<10000xf32, #tpu.memory_space<hbm>>
      tpu.enqueue_dma source(%dma_start3A_119 : memref<10000xf32, #tpu.memory_space<hbm>>) target(%arg5 : memref<10000xf32, #tpu.memory_space<vmem>>) target_semaphore(%run_scoped3A : memref<!tpu.dma_semaphore, #tpu.memory_space<semaphore_mem>>)
      %dma_wait3A_120 = arith.constant 0 : i32
      %dma_wait3A_121 = tpu.memref_slice %arg2[%arg1, %dma_wait3A_120] : memref<16x10000xf32, #tpu.memory_space<hbm>> -> memref<1x10000xf32, #tpu.memory_space<hbm>>
      %dma_wait3A_122 = tpu.memref_squeeze %dma_wait3A_121 : memref<1x10000xf32, #tpu.memory_space<hbm>> -> memref<10000xf32, #tpu.memory_space<hbm>>
      %dma_wait3A_123 = arith.constant 0 : i32
      %dma_wait3A_124 = tpu.memref_slice %arg2[%arg1, %dma_wait3A_123] : memref<16x10000xf32, #tpu.memory_space<hbm>> -> memref<1x10000xf32, #tpu.memory_space<hbm>>
      %dma_wait3A_125 = tpu.memref_squeeze %dma_wait3A_124 : memref<1x10000xf32, #tpu.memory_space<hbm>> -> memref<10000xf32, #tpu.memory_space<hbm>>
      tpu.wait_dma2 semaphore(%run_scoped3A : memref<!tpu.dma_semaphore, #tpu.memory_space<semaphore_mem>>) src(%dma_wait3A_125 : memref<10000xf32, #tpu.memory_space<hbm>>) dst(%arg5 : memref<10000xf32, #tpu.memory_space<vmem>>)
      tpu.yield
    }) : () -> ()
    %broadcast_in_dim3A = arith.constant 0.000000e+00 : f32
    %broadcast_in_dim3A_7 = vector.broadcast %broadcast_in_dim3A : f32 to vector<16xf32>
    %parallel_loop3A = arith.constant 0 : i32
    %parallel_loop3A_8 = arith.constant 625 : i32
    %parallel_loop3A_9 = arith.constant 1 : i32
    scf.for %parallel_loop3A_114 = %parallel_loop3A to %parallel_loop3A_8 step %parallel_loop3A_9  : i32 {
      %parallel_loop3A_115 = arith.constant 16 : i32
      %parallel_loop3A_116 = arith.muli %parallel_loop3A_114, %parallel_loop3A_115 : i32
      %parallel_loop3A_117 = arith.index_cast %parallel_loop3A_116 : i32 to index
      %parallel_loop3A_118 = tpu.vector_load %arg6[%parallel_loop3A_117] {strides = array<i32>} : memref<10000xf32, #tpu.memory_space<vmem>>, vector<16xf32>,
      tpu.vector_store %arg6[%parallel_loop3A_117], %broadcast_in_dim3A_7 {strides = array<i32>} : memref<10000xf32, #tpu.memory_space<vmem>>, vector<16xf32>,
    } {sc.loop_unroll_factor = 8 : i64, sc.parallel_access}
    %broadcast_in_dim3A_10 = arith.constant 65535 : i32
    %broadcast_in_dim3A_11 = vector.broadcast %broadcast_in_dim3A_10 : i32 to vector<16xi32>
    %add3A_12 = arith.constant 1 : i32
    %add3A_13 = arith.addi %add3A_12, %arg1 : i32
    %rem3A_14 = arith.constant 8 : i32
    %rem3A_15 = arith.remsi %add3A_13, %rem3A_14 : i32
    %mul3A_16 = arith.constant 20000 : i32
    %mul3A_17 = arith.muli %rem3A_15, %mul3A_16 : i32
    %add3A_18 = arith.addi %mul3A_0, %mul3A_17 : i32
    %dma_start3A_19 = tpu.memref_slice %arg3[%add3A_18] : memref<320000xi32, #tpu.memory_space<hbm>> -> memref<20000xi32, #tpu.memory_space<hbm>>
    %dma_start3A_20 = tpu.memref_slice %arg3[%add3A_18] : memref<320000xi32, #tpu.memory_space<hbm>> -> memref<20000xi32, #tpu.memory_space<hbm>>
    tpu.enqueue_dma source(%dma_start3A_20 : memref<20000xi32, #tpu.memory_space<hbm>>) target(%arg8 : memref<20000xi32, #tpu.memory_space<vmem>>) target_semaphore(%arg10 : memref<!tpu.dma_semaphore, #tpu.memory_space<semaphore_mem>>)
    %dma_wait3A = tpu.memref_slice %arg3[%add3A_5] : memref<320000xi32, #tpu.memory_space<hbm>> -> memref<20000xi32, #tpu.memory_space<hbm>>
    %dma_wait3A_21 = tpu.memref_slice %arg3[%add3A_5] : memref<320000xi32, #tpu.memory_space<hbm>> -> memref<20000xi32, #tpu.memory_space<hbm>>
    tpu.wait_dma2 semaphore(%arg9 : memref<!tpu.dma_semaphore, #tpu.memory_space<semaphore_mem>>) src(%dma_wait3A_21 : memref<20000xi32, #tpu.memory_space<hbm>>) dst(%arg7 : memref<20000xi32, #tpu.memory_space<vmem>>)
    %parallel_loop3A_22 = arith.constant 0 : i32
    %parallel_loop3A_23 = arith.constant 1250 : i32
    %parallel_loop3A_24 = arith.constant 1 : i32
    scf.for %parallel_loop3A_114 = %parallel_loop3A_22 to %parallel_loop3A_23 step %parallel_loop3A_24  : i32 {
      %parallel_loop3A_115 = arith.constant 16 : i32
      %parallel_loop3A_116 = arith.muli %parallel_loop3A_114, %parallel_loop3A_115 : i32
      %parallel_loop3A_117 = arith.index_cast %parallel_loop3A_116 : i32 to index
      %parallel_loop3A_118 = tpu.vector_load %arg7[%parallel_loop3A_117] {strides = array<i32>} : memref<20000xi32, #tpu.memory_space<vmem>>, vector<16xi32>,
      %parallel_loop3A_119 = arith.andi %parallel_loop3A_118, %broadcast_in_dim3A_11 : vector<16xi32>
      %parallel_loop3A_120 = arith.constant 16 : i32
      %parallel_loop3A_121 = vector.broadcast %parallel_loop3A_120 : i32 to vector<16xi32>
      %parallel_loop3A_122 = arith.shrui %parallel_loop3A_118, %parallel_loop3A_121 : vector<16xi32>
      %parallel_loop3A_123 = tpu.vector_load_idx %arg5[%parallel_loop3A_119] : memref<10000xf32, #tpu.memory_space<vmem>>[vector<16xi32>], vector<16xf32>,
      tpu.vector_store_idx %arg6[%parallel_loop3A_122], %parallel_loop3A_123 {add = true} : memref<10000xf32, #tpu.memory_space<vmem>>[vector<16xi32>], vector<16xf32>,
    } {sc.loop_unroll_factor = 12 : i64, sc.parallel_access}
    %add3A_25 = arith.constant 2 : i32
    %add3A_26 = arith.addi %add3A_25, %arg1 : i32
    %rem3A_27 = arith.constant 8 : i32
    %rem3A_28 = arith.remsi %add3A_26, %rem3A_27 : i32
    %mul3A_29 = arith.constant 20000 : i32
    %mul3A_30 = arith.muli %rem3A_28, %mul3A_29 : i32
    %add3A_31 = arith.addi %mul3A_0, %mul3A_30 : i32
    %dma_start3A_32 = tpu.memref_slice %arg3[%add3A_31] : memref<320000xi32, #tpu.memory_space<hbm>> -> memref<20000xi32, #tpu.memory_space<hbm>>
    %dma_start3A_33 = tpu.memref_slice %arg3[%add3A_31] : memref<320000xi32, #tpu.memory_space<hbm>> -> memref<20000xi32, #tpu.memory_space<hbm>>
    tpu.enqueue_dma source(%dma_start3A_33 : memref<20000xi32, #tpu.memory_space<hbm>>) target(%arg7 : memref<20000xi32, #tpu.memory_space<vmem>>) target_semaphore(%arg9 : memref<!tpu.dma_semaphore, #tpu.memory_space<semaphore_mem>>)
    %dma_wait3A_34 = tpu.memref_slice %arg3[%add3A_18] : memref<320000xi32, #tpu.memory_space<hbm>> -> memref<20000xi32, #tpu.memory_space<hbm>>
    %dma_wait3A_35 = tpu.memref_slice %arg3[%add3A_18] : memref<320000xi32, #tpu.memory_space<hbm>> -> memref<20000xi32, #tpu.memory_space<hbm>>
    tpu.wait_dma2 semaphore(%arg10 : memref<!tpu.dma_semaphore, #tpu.memory_space<semaphore_mem>>) src(%dma_wait3A_35 : memref<20000xi32, #tpu.memory_space<hbm>>) dst(%arg8 : memref<20000xi32, #tpu.memory_space<vmem>>)
    %parallel_loop3A_36 = arith.constant 0 : i32
    %parallel_loop3A_37 = arith.constant 1250 : i32
    %parallel_loop3A_38 = arith.constant 1 : i32
    scf.for %parallel_loop3A_114 = %parallel_loop3A_36 to %parallel_loop3A_37 step %parallel_loop3A_38  : i32 {
      %parallel_loop3A_115 = arith.constant 16 : i32
      %parallel_loop3A_116 = arith.muli %parallel_loop3A_114, %parallel_loop3A_115 : i32
      %parallel_loop3A_117 = arith.index_cast %parallel_loop3A_116 : i32 to index
      %parallel_loop3A_118 = tpu.vector_load %arg8[%parallel_loop3A_117] {strides = array<i32>} : memref<20000xi32, #tpu.memory_space<vmem>>, vector<16xi32>,
      %parallel_loop3A_119 = arith.andi %parallel_loop3A_118, %broadcast_in_dim3A_11 : vector<16xi32>
      %parallel_loop3A_120 = arith.constant 16 : i32
      %parallel_loop3A_121 = vector.broadcast %parallel_loop3A_120 : i32 to vector<16xi32>
      %parallel_loop3A_122 = arith.shrui %parallel_loop3A_118, %parallel_loop3A_121 : vector<16xi32>
      %parallel_loop3A_123 = tpu.vector_load_idx %arg5[%parallel_loop3A_119] : memref<10000xf32, #tpu.memory_space<vmem>>[vector<16xi32>], vector<16xf32>,
      tpu.vector_store_idx %arg6[%parallel_loop3A_122], %parallel_loop3A_123 {add = true} : memref<10000xf32, #tpu.memory_space<vmem>>[vector<16xi32>], vector<16xf32>,
    } {sc.loop_unroll_factor = 12 : i64, sc.parallel_access}
    %add3A_39 = arith.constant 3 : i32
    %add3A_40 = arith.addi %add3A_39, %arg1 : i32
    %rem3A_41 = arith.constant 8 : i32
    %rem3A_42 = arith.remsi %add3A_40, %rem3A_41 : i32
    %mul3A_43 = arith.constant 20000 : i32
    %mul3A_44 = arith.muli %rem3A_42, %mul3A_43 : i32
    %add3A_45 = arith.addi %mul3A_0, %mul3A_44 : i32
    %dma_start3A_46 = tpu.memref_slice %arg3[%add3A_45] : memref<320000xi32, #tpu.memory_space<hbm>> -> memref<20000xi32, #tpu.memory_space<hbm>>
    %dma_start3A_47 = tpu.memref_slice %arg3[%add3A_45] : memref<320000xi32, #tpu.memory_space<hbm>> -> memref<20000xi32, #tpu.memory_space<hbm>>
    tpu.enqueue_dma source(%dma_start3A_47 : memref<20000xi32, #tpu.memory_space<hbm>>) target(%arg8 : memref<20000xi32, #tpu.memory_space<vmem>>) target_semaphore(%arg10 : memref<!tpu.dma_semaphore, #tpu.memory_space<semaphore_mem>>)
    %dma_wait3A_48 = tpu.memref_slice %arg3[%add3A_31] : memref<320000xi32, #tpu.memory_space<hbm>> -> memref<20000xi32, #tpu.memory_space<hbm>>
    %dma_wait3A_49 = tpu.memref_slice %arg3[%add3A_31] : memref<320000xi32, #tpu.memory_space<hbm>> -> memref<20000xi32, #tpu.memory_space<hbm>>
    tpu.wait_dma2 semaphore(%arg9 : memref<!tpu.dma_semaphore, #tpu.memory_space<semaphore_mem>>) src(%dma_wait3A_49 : memref<20000xi32, #tpu.memory_space<hbm>>) dst(%arg7 : memref<20000xi32, #tpu.memory_space<vmem>>)
    %parallel_loop3A_50 = arith.constant 0 : i32
    %parallel_loop3A_51 = arith.constant 1250 : i32
    %parallel_loop3A_52 = arith.constant 1 : i32
    scf.for %parallel_loop3A_114 = %parallel_loop3A_50 to %parallel_loop3A_51 step %parallel_loop3A_52  : i32 {
      %parallel_loop3A_115 = arith.constant 16 : i32
      %parallel_loop3A_116 = arith.muli %parallel_loop3A_114, %parallel_loop3A_115 : i32
      %parallel_loop3A_117 = arith.index_cast %parallel_loop3A_116 : i32 to index
      %parallel_loop3A_118 = tpu.vector_load %arg7[%parallel_loop3A_117] {strides = array<i32>} : memref<20000xi32, #tpu.memory_space<vmem>>, vector<16xi32>,
      %parallel_loop3A_119 = arith.andi %parallel_loop3A_118, %broadcast_in_dim3A_11 : vector<16xi32>
      %parallel_loop3A_120 = arith.constant 16 : i32
      %parallel_loop3A_121 = vector.broadcast %parallel_loop3A_120 : i32 to vector<16xi32>
      %parallel_loop3A_122 = arith.shrui %parallel_loop3A_118, %parallel_loop3A_121 : vector<16xi32>
      %parallel_loop3A_123 = tpu.vector_load_idx %arg5[%parallel_loop3A_119] : memref<10000xf32, #tpu.memory_space<vmem>>[vector<16xi32>], vector<16xf32>,
      tpu.vector_store_idx %arg6[%parallel_loop3A_122], %parallel_loop3A_123 {add = true} : memref<10000xf32, #tpu.memory_space<vmem>>[vector<16xi32>], vector<16xf32>,
    } {sc.loop_unroll_factor = 12 : i64, sc.parallel_access}
    %add3A_53 = arith.constant 4 : i32
    %add3A_54 = arith.addi %add3A_53, %arg1 : i32
    %rem3A_55 = arith.constant 8 : i32
    %rem3A_56 = arith.remsi %add3A_54, %rem3A_55 : i32
    %mul3A_57 = arith.constant 20000 : i32
    %mul3A_58 = arith.muli %rem3A_56, %mul3A_57 : i32
    %add3A_59 = arith.addi %mul3A_0, %mul3A_58 : i32
    %dma_start3A_60 = tpu.memref_slice %arg3[%add3A_59] : memref<320000xi32, #tpu.memory_space<hbm>> -> memref<20000xi32, #tpu.memory_space<hbm>>
    %dma_start3A_61 = tpu.memref_slice %arg3[%add3A_59] : memref<320000xi32, #tpu.memory_space<hbm>> -> memref<20000xi32, #tpu.memory_space<hbm>>
    tpu.enqueue_dma source(%dma_start3A_61 : memref<20000xi32, #tpu.memory_space<hbm>>) target(%arg7 : memref<20000xi32, #tpu.memory_space<vmem>>) target_semaphore(%arg9 : memref<!tpu.dma_semaphore, #tpu.memory_space<semaphore_mem>>)
    %dma_wait3A_62 = tpu.memref_slice %arg3[%add3A_45] : memref<320000xi32, #tpu.memory_space<hbm>> -> memref<20000xi32, #tpu.memory_space<hbm>>
    %dma_wait3A_63 = tpu.memref_slice %arg3[%add3A_45] : memref<320000xi32, #tpu.memory_space<hbm>> -> memref<20000xi32, #tpu.memory_space<hbm>>
    tpu.wait_dma2 semaphore(%arg10 : memref<!tpu.dma_semaphore, #tpu.memory_space<semaphore_mem>>) src(%dma_wait3A_63 : memref<20000xi32, #tpu.memory_space<hbm>>) dst(%arg8 : memref<20000xi32, #tpu.memory_space<vmem>>)
    %parallel_loop3A_64 = arith.constant 0 : i32
    %parallel_loop3A_65 = arith.constant 1250 : i32
    %parallel_loop3A_66 = arith.constant 1 : i32
    scf.for %parallel_loop3A_114 = %parallel_loop3A_64 to %parallel_loop3A_65 step %parallel_loop3A_66  : i32 {
      %parallel_loop3A_115 = arith.constant 16 : i32
      %parallel_loop3A_116 = arith.muli %parallel_loop3A_114, %parallel_loop3A_115 : i32
      %parallel_loop3A_117 = arith.index_cast %parallel_loop3A_116 : i32 to index
      %parallel_loop3A_118 = tpu.vector_load %arg8[%parallel_loop3A_117] {strides = array<i32>} : memref<20000xi32, #tpu.memory_space<vmem>>, vector<16xi32>,
      %parallel_loop3A_119 = arith.andi %parallel_loop3A_118, %broadcast_in_dim3A_11 : vector<16xi32>
      %parallel_loop3A_120 = arith.constant 16 : i32
      %parallel_loop3A_121 = vector.broadcast %parallel_loop3A_120 : i32 to vector<16xi32>
      %parallel_loop3A_122 = arith.shrui %parallel_loop3A_118, %parallel_loop3A_121 : vector<16xi32>
      %parallel_loop3A_123 = tpu.vector_load_idx %arg5[%parallel_loop3A_119] : memref<10000xf32, #tpu.memory_space<vmem>>[vector<16xi32>], vector<16xf32>,
      tpu.vector_store_idx %arg6[%parallel_loop3A_122], %parallel_loop3A_123 {add = true} : memref<10000xf32, #tpu.memory_space<vmem>>[vector<16xi32>], vector<16xf32>,
    } {sc.loop_unroll_factor = 12 : i64, sc.parallel_access}
    %add3A_67 = arith.constant 5 : i32
    %add3A_68 = arith.addi %add3A_67, %arg1 : i32
    %rem3A_69 = arith.constant 8 : i32
    %rem3A_70 = arith.remsi %add3A_68, %rem3A_69 : i32
    %mul3A_71 = arith.constant 20000 : i32
    %mul3A_72 = arith.muli %rem3A_70, %mul3A_71 : i32
    %add3A_73 = arith.addi %mul3A_0, %mul3A_72 : i32
    %dma_start3A_74 = tpu.memref_slice %arg3[%add3A_73] : memref<320000xi32, #tpu.memory_space<hbm>> -> memref<20000xi32, #tpu.memory_space<hbm>>
    %dma_start3A_75 = tpu.memref_slice %arg3[%add3A_73] : memref<320000xi32, #tpu.memory_space<hbm>> -> memref<20000xi32, #tpu.memory_space<hbm>>
    tpu.enqueue_dma source(%dma_start3A_75 : memref<20000xi32, #tpu.memory_space<hbm>>) target(%arg8 : memref<20000xi32, #tpu.memory_space<vmem>>) target_semaphore(%arg10 : memref<!tpu.dma_semaphore, #tpu.memory_space<semaphore_mem>>)
    %dma_wait3A_76 = tpu.memref_slice %arg3[%add3A_59] : memref<320000xi32, #tpu.memory_space<hbm>> -> memref<20000xi32, #tpu.memory_space<hbm>>
    %dma_wait3A_77 = tpu.memref_slice %arg3[%add3A_59] : memref<320000xi32, #tpu.memory_space<hbm>> -> memref<20000xi32, #tpu.memory_space<hbm>>
    tpu.wait_dma2 semaphore(%arg9 : memref<!tpu.dma_semaphore, #tpu.memory_space<semaphore_mem>>) src(%dma_wait3A_77 : memref<20000xi32, #tpu.memory_space<hbm>>) dst(%arg7 : memref<20000xi32, #tpu.memory_space<vmem>>)
    %parallel_loop3A_78 = arith.constant 0 : i32
    %parallel_loop3A_79 = arith.constant 1250 : i32
    %parallel_loop3A_80 = arith.constant 1 : i32
    scf.for %parallel_loop3A_114 = %parallel_loop3A_78 to %parallel_loop3A_79 step %parallel_loop3A_80  : i32 {
      %parallel_loop3A_115 = arith.constant 16 : i32
      %parallel_loop3A_116 = arith.muli %parallel_loop3A_114, %parallel_loop3A_115 : i32
      %parallel_loop3A_117 = arith.index_cast %parallel_loop3A_116 : i32 to index
      %parallel_loop3A_118 = tpu.vector_load %arg7[%parallel_loop3A_117] {strides = array<i32>} : memref<20000xi32, #tpu.memory_space<vmem>>, vector<16xi32>,
      %parallel_loop3A_119 = arith.andi %parallel_loop3A_118, %broadcast_in_dim3A_11 : vector<16xi32>
      %parallel_loop3A_120 = arith.constant 16 : i32
      %parallel_loop3A_121 = vector.broadcast %parallel_loop3A_120 : i32 to vector<16xi32>
      %parallel_loop3A_122 = arith.shrui %parallel_loop3A_118, %parallel_loop3A_121 : vector<16xi32>
      %parallel_loop3A_123 = tpu.vector_load_idx %arg5[%parallel_loop3A_119] : memref<10000xf32, #tpu.memory_space<vmem>>[vector<16xi32>], vector<16xf32>,
      tpu.vector_store_idx %arg6[%parallel_loop3A_122], %parallel_loop3A_123 {add = true} : memref<10000xf32, #tpu.memory_space<vmem>>[vector<16xi32>], vector<16xf32>,
    } {sc.loop_unroll_factor = 12 : i64, sc.parallel_access}
    %add3A_81 = arith.constant 6 : i32
    %add3A_82 = arith.addi %add3A_81, %arg1 : i32
    %rem3A_83 = arith.constant 8 : i32
    %rem3A_84 = arith.remsi %add3A_82, %rem3A_83 : i32
    %mul3A_85 = arith.constant 20000 : i32
    %mul3A_86 = arith.muli %rem3A_84, %mul3A_85 : i32
    %add3A_87 = arith.addi %mul3A_0, %mul3A_86 : i32
    %dma_start3A_88 = tpu.memref_slice %arg3[%add3A_87] : memref<320000xi32, #tpu.memory_space<hbm>> -> memref<20000xi32, #tpu.memory_space<hbm>>
    %dma_start3A_89 = tpu.memref_slice %arg3[%add3A_87] : memref<320000xi32, #tpu.memory_space<hbm>> -> memref<20000xi32, #tpu.memory_space<hbm>>
    tpu.enqueue_dma source(%dma_start3A_89 : memref<20000xi32, #tpu.memory_space<hbm>>) target(%arg7 : memref<20000xi32, #tpu.memory_space<vmem>>) target_semaphore(%arg9 : memref<!tpu.dma_semaphore, #tpu.memory_space<semaphore_mem>>)
    %dma_wait3A_90 = tpu.memref_slice %arg3[%add3A_73] : memref<320000xi32, #tpu.memory_space<hbm>> -> memref<20000xi32, #tpu.memory_space<hbm>>
    %dma_wait3A_91 = tpu.memref_slice %arg3[%add3A_73] : memref<320000xi32, #tpu.memory_space<hbm>> -> memref<20000xi32, #tpu.memory_space<hbm>>
    tpu.wait_dma2 semaphore(%arg10 : memref<!tpu.dma_semaphore, #tpu.memory_space<semaphore_mem>>) src(%dma_wait3A_91 : memref<20000xi32, #tpu.memory_space<hbm>>) dst(%arg8 : memref<20000xi32, #tpu.memory_space<vmem>>)
    %parallel_loop3A_92 = arith.constant 0 : i32
    %parallel_loop3A_93 = arith.constant 1250 : i32
    %parallel_loop3A_94 = arith.constant 1 : i32
    scf.for %parallel_loop3A_114 = %parallel_loop3A_92 to %parallel_loop3A_93 step %parallel_loop3A_94  : i32 {
      %parallel_loop3A_115 = arith.constant 16 : i32
      %parallel_loop3A_116 = arith.muli %parallel_loop3A_114, %parallel_loop3A_115 : i32
      %parallel_loop3A_117 = arith.index_cast %parallel_loop3A_116 : i32 to index
      %parallel_loop3A_118 = tpu.vector_load %arg8[%parallel_loop3A_117] {strides = array<i32>} : memref<20000xi32, #tpu.memory_space<vmem>>, vector<16xi32>,
      %parallel_loop3A_119 = arith.andi %parallel_loop3A_118, %broadcast_in_dim3A_11 : vector<16xi32>
      %parallel_loop3A_120 = arith.constant 16 : i32
      %parallel_loop3A_121 = vector.broadcast %parallel_loop3A_120 : i32 to vector<16xi32>
      %parallel_loop3A_122 = arith.shrui %parallel_loop3A_118, %parallel_loop3A_121 : vector<16xi32>
      %parallel_loop3A_123 = tpu.vector_load_idx %arg5[%parallel_loop3A_119] : memref<10000xf32, #tpu.memory_space<vmem>>[vector<16xi32>], vector<16xf32>,
      tpu.vector_store_idx %arg6[%parallel_loop3A_122], %parallel_loop3A_123 {add = true} : memref<10000xf32, #tpu.memory_space<vmem>>[vector<16xi32>], vector<16xf32>,
    } {sc.loop_unroll_factor = 12 : i64, sc.parallel_access}
    %add3A_95 = arith.constant 7 : i32
    %add3A_96 = arith.addi %add3A_95, %arg1 : i32
    %rem3A_97 = arith.constant 8 : i32
    %rem3A_98 = arith.remsi %add3A_96, %rem3A_97 : i32
    %mul3A_99 = arith.constant 20000 : i32
    %mul3A_100 = arith.muli %rem3A_98, %mul3A_99 : i32
    %add3A_101 = arith.addi %mul3A_0, %mul3A_100 : i32
    %dma_start3A_102 = tpu.memref_slice %arg3[%add3A_101] : memref<320000xi32, #tpu.memory_space<hbm>> -> memref<20000xi32, #tpu.memory_space<hbm>>
    %dma_start3A_103 = tpu.memref_slice %arg3[%add3A_101] : memref<320000xi32, #tpu.memory_space<hbm>> -> memref<20000xi32, #tpu.memory_space<hbm>>
    tpu.enqueue_dma source(%dma_start3A_103 : memref<20000xi32, #tpu.memory_space<hbm>>) target(%arg8 : memref<20000xi32, #tpu.memory_space<vmem>>) target_semaphore(%arg10 : memref<!tpu.dma_semaphore, #tpu.memory_space<semaphore_mem>>)
    %dma_wait3A_104 = tpu.memref_slice %arg3[%add3A_87] : memref<320000xi32, #tpu.memory_space<hbm>> -> memref<20000xi32, #tpu.memory_space<hbm>>
    %dma_wait3A_105 = tpu.memref_slice %arg3[%add3A_87] : memref<320000xi32, #tpu.memory_space<hbm>> -> memref<20000xi32, #tpu.memory_space<hbm>>
    tpu.wait_dma2 semaphore(%arg9 : memref<!tpu.dma_semaphore, #tpu.memory_space<semaphore_mem>>) src(%dma_wait3A_105 : memref<20000xi32, #tpu.memory_space<hbm>>) dst(%arg7 : memref<20000xi32, #tpu.memory_space<vmem>>)
    %parallel_loop3A_106 = arith.constant 0 : i32
    %parallel_loop3A_107 = arith.constant 1250 : i32
    %parallel_loop3A_108 = arith.constant 1 : i32
    scf.for %parallel_loop3A_114 = %parallel_loop3A_106 to %parallel_loop3A_107 step %parallel_loop3A_108  : i32 {
      %parallel_loop3A_115 = arith.constant 16 : i32
      %parallel_loop3A_116 = arith.muli %parallel_loop3A_114, %parallel_loop3A_115 : i32
      %parallel_loop3A_117 = arith.index_cast %parallel_loop3A_116 : i32 to index
      %parallel_loop3A_118 = tpu.vector_load %arg7[%parallel_loop3A_117] {strides = array<i32>} : memref<20000xi32, #tpu.memory_space<vmem>>, vector<16xi32>,
      %parallel_loop3A_119 = arith.andi %parallel_loop3A_118, %broadcast_in_dim3A_11 : vector<16xi32>
      %parallel_loop3A_120 = arith.constant 16 : i32
      %parallel_loop3A_121 = vector.broadcast %parallel_loop3A_120 : i32 to vector<16xi32>
      %parallel_loop3A_122 = arith.shrui %parallel_loop3A_118, %parallel_loop3A_121 : vector<16xi32>
      %parallel_loop3A_123 = tpu.vector_load_idx %arg5[%parallel_loop3A_119] : memref<10000xf32, #tpu.memory_space<vmem>>[vector<16xi32>], vector<16xf32>,
      tpu.vector_store_idx %arg6[%parallel_loop3A_122], %parallel_loop3A_123 {add = true} : memref<10000xf32, #tpu.memory_space<vmem>>[vector<16xi32>], vector<16xf32>,
    } {sc.loop_unroll_factor = 12 : i64, sc.parallel_access}
    %dma_wait3A_109 = tpu.memref_slice %arg3[%add3A_101] : memref<320000xi32, #tpu.memory_space<hbm>> -> memref<20000xi32, #tpu.memory_space<hbm>>
    %dma_wait3A_110 = tpu.memref_slice %arg3[%add3A_101] : memref<320000xi32, #tpu.memory_space<hbm>> -> memref<20000xi32, #tpu.memory_space<hbm>>
    tpu.wait_dma2 semaphore(%arg10 : memref<!tpu.dma_semaphore, #tpu.memory_space<semaphore_mem>>) src(%dma_wait3A_110 : memref<20000xi32, #tpu.memory_space<hbm>>) dst(%arg8 : memref<20000xi32, #tpu.memory_space<vmem>>)
    %parallel_loop3A_111 = arith.constant 0 : i32
    %parallel_loop3A_112 = arith.constant 1250 : i32
    %parallel_loop3A_113 = arith.constant 1 : i32
    scf.for %parallel_loop3A_114 = %parallel_loop3A_111 to %parallel_loop3A_112 step %parallel_loop3A_113  : i32 {
      %parallel_loop3A_115 = arith.constant 16 : i32
      %parallel_loop3A_116 = arith.muli %parallel_loop3A_114, %parallel_loop3A_115 : i32
      %parallel_loop3A_117 = arith.index_cast %parallel_loop3A_116 : i32 to index
      %parallel_loop3A_118 = tpu.vector_load %arg8[%parallel_loop3A_117] {strides = array<i32>} : memref<20000xi32, #tpu.memory_space<vmem>>, vector<16xi32>,
      %parallel_loop3A_119 = arith.andi %parallel_loop3A_118, %broadcast_in_dim3A_11 : vector<16xi32>
      %parallel_loop3A_120 = arith.constant 16 : i32
      %parallel_loop3A_121 = vector.broadcast %parallel_loop3A_120 : i32 to vector<16xi32>
      %parallel_loop3A_122 = arith.shrui %parallel_loop3A_118, %parallel_loop3A_121 : vector<16xi32>
      %parallel_loop3A_123 = tpu.vector_load_idx %arg5[%parallel_loop3A_119] : memref<10000xf32, #tpu.memory_space<vmem>>[vector<16xi32>], vector<16xf32>,
      tpu.vector_store_idx %arg6[%parallel_loop3A_122], %parallel_loop3A_123 {add = true} : memref<10000xf32, #tpu.memory_space<vmem>>[vector<16xi32>], vector<16xf32>,
    } {sc.loop_unroll_factor = 12 : i64, sc.parallel_access}
    "tpu.region"() ({
      %run_scoped3A = tpu.sem_alloc : memref<!tpu.dma_semaphore, #tpu.memory_space<semaphore_mem>>
      %dma_start3A_114 = arith.constant 0 : i32
      %dma_start3A_115 = tpu.memref_slice %arg4[%arg0, %arg1, %dma_start3A_114] : memref<2x16x10000xf32, #tpu.memory_space<hbm>> -> memref<1x1x10000xf32, #tpu.memory_space<hbm>>
      %dma_start3A_116 = tpu.memref_squeeze %dma_start3A_115 : memref<1x1x10000xf32, #tpu.memory_space<hbm>> -> memref<10000xf32, #tpu.memory_space<hbm>>
      %dma_start3A_117 = arith.constant 0 : i32
      %dma_start3A_118 = tpu.memref_slice %arg4[%arg0, %arg1, %dma_start3A_117] : memref<2x16x10000xf32, #tpu.memory_space<hbm>> -> memref<1x1x10000xf32, #tpu.memory_space<hbm>>
      %dma_start3A_119 = tpu.memref_squeeze %dma_start3A_118 : memref<1x1x10000xf32, #tpu.memory_space<hbm>> -> memref<10000xf32, #tpu.memory_space<hbm>>
      tpu.enqueue_dma source(%arg6 : memref<10000xf32, #tpu.memory_space<vmem>>) target(%dma_start3A_119 : memref<10000xf32, #tpu.memory_space<hbm>>) target_semaphore(%run_scoped3A : memref<!tpu.dma_semaphore, #tpu.memory_space<semaphore_mem>>)
      %dma_wait3A_120 = arith.constant 0 : i32
      %dma_wait3A_121 = tpu.memref_slice %arg4[%arg0, %arg1, %dma_wait3A_120] : memref<2x16x10000xf32, #tpu.memory_space<hbm>> -> memref<1x1x10000xf32, #tpu.memory_space<hbm>>
      %dma_wait3A_122 = tpu.memref_squeeze %dma_wait3A_121 : memref<1x1x10000xf32, #tpu.memory_space<hbm>> -> memref<10000xf32, #tpu.memory_space<hbm>>
      %dma_wait3A_123 = arith.constant 0 : i32
      %dma_wait3A_124 = tpu.memref_slice %arg4[%arg0, %arg1, %dma_wait3A_123] : memref<2x16x10000xf32, #tpu.memory_space<hbm>> -> memref<1x1x10000xf32, #tpu.memory_space<hbm>>
      %dma_wait3A_125 = tpu.memref_squeeze %dma_wait3A_124 : memref<1x1x10000xf32, #tpu.memory_space<hbm>> -> memref<10000xf32, #tpu.memory_space<hbm>>
      tpu.wait_dma2 semaphore(%run_scoped3A : memref<!tpu.dma_semaphore, #tpu.memory_space<semaphore_mem>>) src(%arg6 : memref<10000xf32, #tpu.memory_space<vmem>>) dst(%dma_wait3A_125 : memref<10000xf32, #tpu.memory_space<hbm>>)
      tpu.yield
    }) : () -> ()
    return
  }
}

module attributes {stable_mosaic.version = 14 : i64} {
  func.func @_fin_body(%arg0: memref<2x16x10000xf32, #tpu.memory_space<vmem>>, %arg1: memref<16x10000xf32, #tpu.memory_space<vmem>>, %arg2: memref<1x10240xf32, #tpu.memory_space<vmem>>, %arg3: memref<16x1xf32, #tpu.memory_space<vmem>>, %arg4: memref<16x1xf32, #tpu.memory_space<vmem>>, %arg5: memref<1x1xf32, #tpu.memory_space<vmem>>, %arg6: memref<1x10000xf32, #tpu.memory_space<vmem>>) attributes {dimension_semantics = [], scalar_prefetch = 0 : i64, scratch_operands = 0 : i64, tpu.core_type = #tpu.core_type<tc>} {
    %get3A = arith.constant 0 : index
    %get3A_0 = arith.constant 0 : index
    %get3A_1 = arith.constant 0 : index
    %get3A_2 = vector.load %arg0[%get3A, %get3A_0, %get3A_1] : memref<2x16x10000xf32, #tpu.memory_space<vmem>>, vector<1x16x10000xf32>
    %get3A_3 = vector.shape_cast %get3A_2 : vector<1x16x10000xf32> to vector<16x10000xf32>
    %get3A_4 = arith.constant 1 : index
    %get3A_5 = arith.constant 0 : index
    %get3A_6 = arith.constant 0 : index
    %get3A_7 = vector.load %arg0[%get3A_4, %get3A_5, %get3A_6] : memref<2x16x10000xf32, #tpu.memory_space<vmem>>, vector<1x16x10000xf32>
    %get3A_8 = vector.shape_cast %get3A_7 : vector<1x16x10000xf32> to vector<16x10000xf32>
    %add3A = arith.addf %get3A_3, %get3A_8 : vector<16x10000xf32>
    %get3A_9 = arith.constant 0 : index
    %get3A_10 = arith.constant 0 : index
    %get3A_11 = vector.load %arg1[%get3A_9, %get3A_10] : memref<16x10000xf32, #tpu.memory_space<vmem>>, vector<16x10000xf32>
    %add3A_12 = arith.addf %add3A, %get3A_11 : vector<16x10000xf32>
    %get3A_13 = arith.constant 0 : index
    %get3A_14 = arith.constant 0 : index
    %get3A_15 = vector.load %arg2[%get3A_13, %get3A_14] : memref<1x10240xf32, #tpu.memory_space<vmem>>, vector<1x10240xf32>
    %slice3A = vector.extract_strided_slice %get3A_15 {offsets = [0, 0], sizes = [1, 10000], strides = [1, 1]} : vector<1x10240xf32> to vector<1x10000xf32>
    %mul3A = vector.broadcast %slice3A : vector<1x10000xf32> to vector<16x10000xf32>
    %mul3A_16 = arith.mulf %add3A_12, %mul3A : vector<16x10000xf32>
    %get3A_17 = arith.constant 0 : index
    %get3A_18 = arith.constant 0 : index
    %get3A_19 = vector.load %arg4[%get3A_17, %get3A_18] : memref<16x1xf32, #tpu.memory_space<vmem>>, vector<16x1xf32>
    %add3A_20 = vector.broadcast %get3A_19 : vector<16x1xf32> to vector<16x10000xf32>
    %add3A_21 = arith.addf %mul3A_16, %add3A_20 : vector<16x10000xf32>
    %max3A = arith.constant 0.000000e+00 : f32
    %max3A_22 = vector.broadcast %max3A : f32 to vector<16x10000xf32>
    %max3A_23 = arith.maximumf %add3A_21, %max3A_22 : vector<16x10000xf32>
    %get3A_24 = arith.constant 0 : index
    %get3A_25 = arith.constant 0 : index
    %get3A_26 = vector.load %arg3[%get3A_24, %get3A_25] : memref<16x1xf32, #tpu.memory_space<vmem>>, vector<16x1xf32>
    %dot_general3A = arith.constant dense<0.000000e+00> : vector<1x10000xf32>
    %dot_general3A_27 = tpu.matmul %get3A_26, %max3A_23, %dot_general3A {dimension_numbers = #tpu.dot_dimension_numbers<[0], [0], [1], [1], [0, 1, 1, 1], [], []>, precision = #tpu.contract_precision<fp32>, transpose_lhs_hint = false} : vector<16x1xf32>, vector<16x10000xf32>, vector<1x10000xf32> -> vector<1x10000xf32>
    %get3A_28 = arith.constant 0 : index
    %get3A_29 = arith.constant 0 : index
    %get3A_30 = vector.load %arg5[%get3A_28, %get3A_29] : memref<1x1xf32, #tpu.memory_space<vmem>>, vector<1x1xf32>
    %add3A_31 = vector.broadcast %get3A_30 : vector<1x1xf32> to vector<1x10000xf32>
    %add3A_32 = arith.addf %dot_general3A_27, %add3A_31 : vector<1x10000xf32>
    %logistic3A = arith.negf %add3A_32 : vector<1x10000xf32>
    %logistic3A_33 = math.exp %logistic3A : vector<1x10000xf32>
    %logistic3A_34 = arith.constant 1.000000e+00 : f32
    %logistic3A_35 = vector.broadcast %logistic3A_34 : f32 to vector<1x10000xf32>
    %logistic3A_36 = arith.addf %logistic3A_35, %logistic3A_33 : vector<1x10000xf32>
    %logistic3A_37 = arith.divf %logistic3A_35, %logistic3A_36 : vector<1x10000xf32>
    %swap3A = arith.constant 0 : index
    %swap3A_38 = arith.constant 0 : index
    %swap3A_39 = vector.load %arg6[%swap3A, %swap3A_38] : memref<1x10000xf32, #tpu.memory_space<vmem>>, vector<1x10000xf32>
    tpu.vector_store %arg6[%swap3A, %swap3A_38], %logistic3A_37 {strides = array<i32>} : memref<1x10000xf32, #tpu.memory_space<vmem>>, vector<1x10000xf32>,
    return
  }
}

module attributes {stable_mosaic.version = 14 : i64} {
  func.func @_mid_body(%arg0: memref<2x16x10000xf32, #tpu.memory_space<vmem>>, %arg1: memref<16x10000xf32, #tpu.memory_space<vmem>>, %arg2: memref<1x10240xf32, #tpu.memory_space<vmem>>, %arg3: memref<16x16xf32, #tpu.memory_space<vmem>>, %arg4: memref<16x1xf32, #tpu.memory_space<vmem>>, %arg5: memref<16x10000xf32, #tpu.memory_space<vmem>>) attributes {dimension_semantics = [], scalar_prefetch = 0 : i64, scratch_operands = 0 : i64, tpu.core_type = #tpu.core_type<tc>} {
    %get3A = arith.constant 0 : index
    %get3A_0 = arith.constant 0 : index
    %get3A_1 = vector.load %arg2[%get3A, %get3A_0] : memref<1x10240xf32, #tpu.memory_space<vmem>>, vector<1x10240xf32>
    %slice3A = vector.extract_strided_slice %get3A_1 {offsets = [0, 0], sizes = [1, 10000], strides = [1, 1]} : vector<1x10240xf32> to vector<1x10000xf32>
    %get3A_2 = arith.constant 0 : index
    %get3A_3 = arith.constant 0 : index
    %get3A_4 = arith.constant 0 : index
    %get3A_5 = vector.load %arg0[%get3A_2, %get3A_3, %get3A_4] : memref<2x16x10000xf32, #tpu.memory_space<vmem>>, vector<1x16x10000xf32>
    %get3A_6 = vector.shape_cast %get3A_5 : vector<1x16x10000xf32> to vector<16x10000xf32>
    %get3A_7 = arith.constant 1 : index
    %get3A_8 = arith.constant 0 : index
    %get3A_9 = arith.constant 0 : index
    %get3A_10 = vector.load %arg0[%get3A_7, %get3A_8, %get3A_9] : memref<2x16x10000xf32, #tpu.memory_space<vmem>>, vector<1x16x10000xf32>
    %get3A_11 = vector.shape_cast %get3A_10 : vector<1x16x10000xf32> to vector<16x10000xf32>
    %add3A = arith.addf %get3A_6, %get3A_11 : vector<16x10000xf32>
    %get3A_12 = arith.constant 0 : index
    %get3A_13 = arith.constant 0 : index
    %get3A_14 = vector.load %arg1[%get3A_12, %get3A_13] : memref<16x10000xf32, #tpu.memory_space<vmem>>, vector<16x10000xf32>
    %mul3A = vector.broadcast %slice3A : vector<1x10000xf32> to vector<16x10000xf32>
    %mul3A_15 = arith.mulf %get3A_14, %mul3A : vector<16x10000xf32>
    %add3A_16 = arith.addf %add3A, %mul3A_15 : vector<16x10000xf32>
    %mul3A_17 = vector.broadcast %slice3A : vector<1x10000xf32> to vector<16x10000xf32>
    %mul3A_18 = arith.mulf %add3A_16, %mul3A_17 : vector<16x10000xf32>
    %get3A_19 = arith.constant 0 : index
    %get3A_20 = arith.constant 0 : index
    %get3A_21 = vector.load %arg4[%get3A_19, %get3A_20] : memref<16x1xf32, #tpu.memory_space<vmem>>, vector<16x1xf32>
    %add3A_22 = vector.broadcast %get3A_21 : vector<16x1xf32> to vector<16x10000xf32>
    %add3A_23 = arith.addf %mul3A_18, %add3A_22 : vector<16x10000xf32>
    %max3A = arith.constant 0.000000e+00 : f32
    %max3A_24 = vector.broadcast %max3A : f32 to vector<16x10000xf32>
    %max3A_25 = arith.maximumf %add3A_23, %max3A_24 : vector<16x10000xf32>
    %get3A_26 = arith.constant 0 : index
    %get3A_27 = arith.constant 0 : index
    %get3A_28 = vector.load %arg3[%get3A_26, %get3A_27] : memref<16x16xf32, #tpu.memory_space<vmem>>, vector<16x16xf32>
    %dot_general3A = arith.constant dense<0.000000e+00> : vector<16x10000xf32>
    %dot_general3A_29 = tpu.matmul %get3A_28, %max3A_25, %dot_general3A {dimension_numbers = #tpu.dot_dimension_numbers<[0], [0], [1], [1], [0, 1, 1, 1], [], []>, precision = #tpu.contract_precision<fp32>, transpose_lhs_hint = false} : vector<16x16xf32>, vector<16x10000xf32>, vector<16x10000xf32> -> vector<16x10000xf32>
    %mul3A_30 = vector.broadcast %slice3A : vector<1x10000xf32> to vector<16x10000xf32>
    %mul3A_31 = arith.mulf %dot_general3A_29, %mul3A_30 : vector<16x10000xf32>
    %swap3A = arith.constant 0 : index
    %swap3A_32 = arith.constant 0 : index
    %swap3A_33 = vector.load %arg5[%swap3A, %swap3A_32] : memref<16x10000xf32, #tpu.memory_space<vmem>>, vector<16x10000xf32>
    tpu.vector_store %arg5[%swap3A, %swap3A_32], %mul3A_31 {strides = array<i32>} : memref<16x10000xf32, #tpu.memory_space<vmem>>, vector<16x10000xf32>,
    return
  }
}

module attributes {stable_mosaic.version = 14 : i64} {
  func.func @_pack_mm_body(%arg0: memref<2x320000xi32, #tpu.memory_space<vmem>>, %arg1: memref<10000x128xf32, #tpu.memory_space<vmem>>, %arg2: memref<128x16xf32, #tpu.memory_space<vmem>>, %arg3: memref<320000xi32, #tpu.memory_space<vmem>>, %arg4: memref<16x10000xf32, #tpu.memory_space<vmem>>) attributes {dimension_semantics = [], scalar_prefetch = 0 : i64, scratch_operands = 0 : i64, tpu.core_type = #tpu.core_type<tc>} {
    %get3A = arith.constant 0 : index
    %get3A_0 = arith.constant 0 : index
    %get3A_1 = vector.load %arg0[%get3A, %get3A_0] : memref<2x320000xi32, #tpu.memory_space<vmem>>, vector<1x320000xi32>
    %get3A_2 = vector.shape_cast %get3A_1 : vector<1x320000xi32> to vector<320000xi32>
    %get3A_3 = arith.constant 1 : index
    %get3A_4 = arith.constant 0 : index
    %get3A_5 = vector.load %arg0[%get3A_3, %get3A_4] : memref<2x320000xi32, #tpu.memory_space<vmem>>, vector<1x320000xi32>
    %get3A_6 = vector.shape_cast %get3A_5 : vector<1x320000xi32> to vector<320000xi32>
    %shift_left3A = arith.constant 16 : i32
    %shift_left3A_7 = vector.broadcast %shift_left3A : i32 to vector<320000xi32>
    %shift_left3A_8 = arith.shli %get3A_6, %shift_left3A_7 : vector<320000xi32>
    %add3A = arith.addi %get3A_2, %shift_left3A_8 : vector<320000xi32>
    %swap3A = arith.constant 0 : index
    %swap3A_9 = vector.load %arg3[%swap3A] : memref<320000xi32, #tpu.memory_space<vmem>>, vector<320000xi32>
    tpu.vector_store %arg3[%swap3A], %add3A {strides = array<i32>} : memref<320000xi32, #tpu.memory_space<vmem>>, vector<320000xi32>,
    %get3A_10 = arith.constant 0 : index
    %get3A_11 = arith.constant 0 : index
    %get3A_12 = vector.load %arg2[%get3A_10, %get3A_11] : memref<128x16xf32, #tpu.memory_space<vmem>>, vector<128x16xf32>
    %get3A_13 = arith.constant 0 : index
    %get3A_14 = arith.constant 0 : index
    %get3A_15 = vector.load %arg1[%get3A_13, %get3A_14] : memref<10000x128xf32, #tpu.memory_space<vmem>>, vector<10000x128xf32>
    %dot_general3A = arith.constant dense<0.000000e+00> : vector<16x10000xf32>
    %dot_general3A_16 = tpu.matmul %get3A_12, %get3A_15, %dot_general3A {dimension_numbers = #tpu.dot_dimension_numbers<[0], [1], [1], [0], [0, 1, 1, 0], [], []>, precision = #tpu.contract_precision<fp32>, transpose_lhs_hint = false} : vector<128x16xf32>, vector<10000x128xf32>, vector<16x10000xf32> -> vector<16x10000xf32>
    %swap3A_17 = arith.constant 0 : index
    %swap3A_18 = arith.constant 0 : index
    %swap3A_19 = vector.load %arg4[%swap3A_17, %swap3A_18] : memref<16x10000xf32, #tpu.memory_space<vmem>>, vector<16x10000xf32>
    tpu.vector_store %arg4[%swap3A_17, %swap3A_18], %dot_general3A_16 {strides = array<i32>} : memref<16x10000xf32, #tpu.memory_space<vmem>>, vector<16x10000xf32>,
    return
  }
}

</mosaic_0001>

<sc_bundles>
// kernel: kernel.10.cloned.1.call-start
scs
__scs_entry_jumppad:
0x0: {  	(pc) =	sbr.rel $0x88, $3  }
0x1: {  	(tag) =	ssettag $0x0;
	lr =	simm.s32 $0x1  }
0x2: {  	[smem:$0x3F99] =	sst lr;
	_ =	strace $0xD0000000  }
0x3: {  	_ = 	snop  }
0x4: {  	_ = 	snop  }
0x5: {  	_ = 	snop  }
0x6: {  	_ = 	snop  }
0x7: {  	_ = 	snop  }
__scs_overlays_trampoline_lowered:
0x8: {  	[smem:$0x3FA8] =	sst s0  }
0x9: {  	[smem:$0x3FA9] =	sst s1  }
0xa: {  	[smem:$0x3FAA] =	sst s2  }
0xb: {  	[smem:$0x3FAB] =	sst s3  }
0xc: {  	[smem:$0x3FAC] =	sst s4  }
0xd: {  	[smem:$0x3FAD] =	sst s5  }
0xe: {  	[smem:$0x3FAE] =	sst s6  }
0xf: {  	[smem:$0x3FAF] =	sst s7  }
0x10: {  	[smem:$0x3FB0] =	sst s8  }
0x11: {  	[smem:$0x3FB1] =	sst s9;
	s0 =	simm.s32 @!p0 $0x0  }
0x12: {  	s1 =	sld [smem:$0x3F97];
	s0 =	simm.s32 @p0 $0x1  }
0x13: {  	[smem:$0x3FB2] =	sst s0;
	s0 =	simm.s32 @!p1 $0x0  }
0x14: {  	s2 =	sld [smem:$0x3F96];
	s0 =	simm.s32 @p1 $0x1  }
0x15: {  	[smem:$0x3FB3] =	sst s0;
	s0 =	simm.s32 @!p2 $0x0  }
0x16: {  	s3 =	sld [smem:$0x3FDB];
	s0 =	simm.s32 @p2 $0x1  }
0x17: {  	s4 =	simm.s32 $0x1BF5;
	[smem:$0x3FB5] =	sst s0  }
0x18: {  	s0 =	sld [smem:$0x3F98];
	_ =	swait.ge [sflag:s4], $0x0  }
0x19: {  	s7 =	sld [smem:$0x3F99]  }
0x1a: {  	s8 =	sadd.s32 $0xFFFFE003, lr  }
0x1b: {  	s9 =	sadd.s32 $0xFFFFFEF7, lr;
	s5 =	simm.s32 $0xFFFFFFFF;
	p2 =	slt.u32 s8, $0xFFFFF086  }
0x1c: {  	p1 =	slt.u32 s9, $0xF7A;
	s5 =	simm.s32 @!p2 $0x0  }
0x1d: {  	s5 =	simm.s32 @p1 $0x1;
	p0 =	seq.s32 s7, s2  }
0x1e: {  	s7 =	smul.u32 @!p0 $0xF7A, s2;
	p2 =	seq.s32 @!p0 s5, $0x0  }
0x1f: {  	s9 =	smul.u32 $0xF7A, s1;
	s8 =	simm.s32 @!p0 $0x1BF5;
	p2 =	por !p2, p0  }
0x20: {  	[sflag:s8] =	ssyncset.s32 @!p0 $0xFFFFF086;
	s6 =	sadd.s32 @!p0 s3, s7;
	s7 =	simm.s32 @!p0 $0x108  }
0x21: {  	s3 =	sadd.s32 s3, s9;
	s6 =	sadd.s32 @!p0 $0x88, s6;
	s7 =	simm.s32 @p2 $0x1082  }
0x22: {  	[simem:s7], [sflag:s8] =	dma.local @!p0 [hbm:s6], $0xF7A  }
0x23: {  	s9 =	sor.u32 $0xD0000000, s2;
	s6 =	simm.s32 $0x108;
	_ =	swait.ge @!p0 [sflag:s8], $0x0  }
0x24: {  	s3 =	sadd.s32 $0x88, s3;
	s6 =	simm.s32 @!p1 $0x1082;
	[sflag:s4] =	ssyncset.s32 $0xFFFFF086  }
0x25: {  	[simem:s6], [sflag:s4] =	dma.local [hbm:s3], $0xF7A  }
0x26: {  	[smem:$0x3F99] =	sst s1;
	(tag) =	ssettag s2;
	_ =	strace s9  }
0x27: {  	s1 =	sld [smem:$0x3FA9]  }
0x28: {  	s2 =	sld [smem:$0x3FAA]  }
0x29: {  	s4 =	sld [smem:$0x3FAC]  }
0x2a: {  	p0 =	seq.s32 s5, $0x0;
	s5 =	sld [smem:$0x3FAD]  }
0x2b: {  	s6 =	sld [smem:$0x3FAE]  }
0x2c: {  	s7 =	sld [smem:$0x3FAF]  }
0x2d: {  	s3 =	simm.s32 $0x108;
	s8 =	sld [smem:$0x3FB0]  }
0x2e: {  	s3 =	simm.s32 @!p0 $0x1082;
	s9 =	sld [smem:$0x3FB1]  }
0x2f: {  	lr =	sadd.s32 s0, s3;
	s0 =	sld [smem:$0x3FA8]  }
0x30: {  	s3 =	sld [smem:$0x3FAB]  }
0x31: {  	[smem:$0x3FB4] =	sst s10  }
0x32: {  	s10 =	sld [smem:$0x3FB2];
	_ =	sdelay $0x3  }
0x33: {  	p0 =	seq.s32 s10, $0x1;
	s10 =	sld [smem:$0x3FB4];
	_ =	sdelay $0x3  }
0x34: {  	[smem:$0x3FB4] =	sst s10  }
0x35: {  	s10 =	sld [smem:$0x3FB3];
	_ =	sdelay $0x3  }
0x36: {  	p1 =	seq.s32 s10, $0x1;
	s10 =	sld [smem:$0x3FB4];
	_ =	sdelay $0x3  }
0x37: {  	[smem:$0x3FB4] =	sst s10  }
0x38: {  	s10 =	sld [smem:$0x3FB5]  }
0x39: {  	_ = 	snop;
	(pc) =	sbr.ind lr, $3  }
0x3a: {  	_ = 	snop  }
0x3b: {  	_ = 	snop  }
0x3c: {  	p2 =	seq.s32 s10, $0x1;
	s10 =	sld [smem:$0x3FB4]  }
0x3d: {  	_ =	shalt  }
0x3e: {  	_ =	shalt  }
0x3f: {  	_ =	shalt  }
0x40: {  	_ =	shalt  }
0x41: {  	_ =	shalt  }
0x42: {  	_ =	shalt  }
0x43: {  	_ =	shalt  }
0x44: {  	_ =	shalt  }
0x45: {  	_ =	shalt  }
0x46: {  	_ =	shalt  }
0x47: {  	_ =	shalt  }
0x48: {  	_ =	shalt  }
0x49: {  	_ =	shalt  }
0x4a: {  	_ =	shalt  }
0x4b: {  	_ =	shalt  }
0x4c: {  	_ =	shalt  }
0x4d: {  	_ =	shalt  }
0x4e: {  	_ =	shalt  }
0x4f: {  	_ =	shalt  }
0x50: {  	_ =	shalt  }
0x51: {  	_ =	shalt  }
0x52: {  	_ =	shalt  }
0x53: {  	_ =	shalt  }
0x54: {  	_ =	shalt  }
0x55: {  	_ =	shalt  }
0x56: {  	_ =	shalt  }
0x57: {  	_ =	shalt  }
0x58: {  	_ =	shalt  }
0x59: {  	_ =	shalt  }
0x5a: {  	_ =	shalt  }
0x5b: {  	_ =	shalt  }
0x5c: {  	_ =	shalt  }
0x5d: {  	_ =	shalt  }
0x5e: {  	_ =	shalt  }
0x5f: {  	_ =	shalt  }
0x60: {  	_ =	shalt  }
0x61: {  	_ =	shalt  }
0x62: {  	_ =	shalt  }
0x63: {  	_ =	shalt  }
0x64: {  	_ =	shalt  }
0x65: {  	_ =	shalt  }
0x66: {  	_ =	shalt  }
0x67: {  	_ =	shalt  }
0x68: {  	_ =	shalt  }
0x69: {  	_ =	shalt  }
0x6a: {  	_ =	shalt  }
0x6b: {  	_ =	shalt  }
0x6c: {  	_ =	shalt  }
0x6d: {  	_ =	shalt  }
0x6e: {  	_ =	shalt  }
0x6f: {  	_ =	shalt  }
0x70: {  	_ =	shalt  }
0x71: {  	_ =	shalt  }
0x72: {  	_ =	shalt  }
0x73: {  	_ =	shalt  }
0x74: {  	_ =	shalt  }
0x75: {  	_ =	shalt  }
0x76: {  	_ =	shalt  }
0x77: {  	_ =	shalt  }
0x78: {  	_ =	shalt  }
0x79: {  	_ =	shalt  }
0x7a: {  	_ =	shalt  }
0x7b: {  	_ =	shalt  }
0x7c: {  	_ =	shalt  }
0x7d: {  	_ =	shalt  }
0x7e: {  	_ =	shalt  }
0x7f: {  	_ =	shalt  }
0x80: {  	_ =	shalt  }
0x81: {  	_ =	shalt  }
0x82: {  	_ =	shalt  }
0x83: {  	_ =	shalt  }
0x84: {  	_ =	shalt  }
0x85: {  	_ =	shalt  }
0x86: {  	_ =	shalt  }
0x87: {  	_ =	shalt  }
.Lfunc_end0:
.L_simem_size_0:
called_computation.1_lowered:
.L_overlay_start_0:
0x88: {  	s2 =	sld [smem:$0x3FD9]  }
0x89: {  	s3 =	sld [smem:$0x3FFE];
	_ =	sdelay $0x1  }
0x8a: {  	s1 =	srdreg.scid  }
0x8b: {  	s0 =	sand.u32 $0x1, s1  }
0x8c: {  	s16 =	sshll.u32 s0, $0xA;
	s2 =	sadd.s32 s3, s2  }
0x8d: {  	s2 =	sadd.s32 s2, s16  }
0x8e: {  	[smem:$0x3FC0] =	sst s2  }
0x8f: {  	_ = 	snop  }
0x90: {  	(tm) =	ssettm $0x1  }
0x91: {  	s17 =	sld [smem:$0x3FFB];
	_ =	sdelay $0x3  }
0x92: {  	_ =	strace s17  }
0x93: {  	s2 =	sld [smem:$0x3FFC];
	_ =	sdelay $0x3  }
0x94: {  	_ =	strace s2  }
0x95: {  	s2 =	sld [smem:$0x3FFD];
	_ =	sdelay $0x3  }
0x96: {  	_ =	strace s2  }
0x97: {  	_ =	strace $0x8FFFFFFF  }
0x98: {  	s18 =	sld [smem:$0x3FDB];
	_ =	sdelay $0x1  }
0x99: {  	s19 =	simm.s32 $_scs_section_size  }
0x9a: {  	s4 =	simm.s32 $_size__tile_overlayer_lowered;
	s5 =	simm.s32 $_tile_overlayer_lowered  }
0x9b: {  	s22 =	simm.s32 $0x1BFF;
	s21 =	sshll.u32 s5, $0x1;
	s2 =	sadd.s32 s19, s18  }
0x9c: {  	s6 =	simm.s32 $0x0;
	s20 =	sshll.u32 s4, $0x1;
	s4 =	sadd.s32 s21, s2  }
0x9d: {  	[timem:s6], [sflag:s22] =	dma.local [hbm:s4], s20  }
0x9e: {  	_ =	swait.ge [sflag:s22], s20  }
0x9f: {  	s3 =	ssub.s32 $0x0, s20;
	[sflag:s22] =	ssyncset.done $0x0  }
0xa0: {  	[sflag:s22] =	ssyncadd.s32 s3;
	_ =	sdelay $0x1  }
0xa1: {  	s23 =	simm.s32 $0x1B8B  }
0xa2: {  	_ =	swait.ge [sflag:s23], $0x1  }
0xa3: {  	[sflag:s23] =	ssyncset.done $0x0  }
0xa4: {  	s25 =	simm.s32 $0x1B8E;
	s24 =	sld [smem:$0x3FFE];
	[sflag:s23] =	ssyncadd.s32 $0xFFFFFFFF  }
0xa5: {  	s26 =	simm.s32 $execute0_lowered;
	[smem:$0x3FD2] =	sst s25  }
0xa6: {  	s4 =	sshll.u32 s26, $0x1;
	_ =	strace $0x80000049;
	[dreg:$0x1] =	wrdreg $0xFFFFFFFF  }
0xa7: {  	s28 =	simm.s32 $_size_execute0_lowered;
	s2 =	sadd.s32 s2, s4;
	[dreg:$0x0] =	wrdreg $0x0  }
0xa8: {  	s4 =	sshll.u32 s28, $0x1;
	[dreg:$0x2] =	wrdreg s2  }
0xa9: {  	[dreg:$0x3] =	wrdreg s4  }
0xaa: {  	[dreg:$0x4] =	wrdreg $0xC0  }
0xab: {  	_ =	task [dreg:s6], $0x5FFFF  }
0xac: {  	[dreg:$0x1] =	wrdreg $0xFFFFFFFF  }
0xad: {  	[dreg:$0x0] =	wrdreg $0x60  }
0xae: {  	[dreg:$0x2] =	wrdreg s24  }
0xaf: {  	[dreg:$0x3] =	wrdreg $0x9  }
0xb0: {  	_ =	task.clear_ibuf [dreg:s6], $0x4FFFF;
	_ =	strace $0x90000049  }
0xb1: {  	s29 =	simm.s32 $0x9;
	_ =	strace $0x8000004B  }
0xb2: {  	_ =	swait.ge [sflag:s29], $0x1  }
0xb3: {  	[sflag:s29] =	ssyncadd.s32 $0xFFFFFFFF  }
0xb4: {  	_ =	strace $0x9000004B  }
0xb5: {  	_ =	sfence  }
0xb6: {  	s30 =	sld [smem:$0x0];
	_ =	sdelay $0x2  }
0xb7: {  	s31 =	sshll.u32 s1, $0xD;
	s1 =	sshrl.u32 s1, $0x2  }
0xb8: {  	s3 =	sand.u32 $0x4000, s31;
	s1 =	sadd.s32 s1, s30  }
0xb9: {  	s0 =	sor.u32 s3, s0;
	s1 =	sshll.u32 s1, $0x11  }
0xba: {  	s0 =	sor.u32 s1, s0  }
0xbb: {  	s0 =	sadd.s32 $0x8F2B, s0  }
0xbc: {  	[sflag:s0] =	ssyncadd.remote.s32 $0x1  }
0xbd: {  	_ =	sfence.sel $0xFFFF  }
0xbe: {  	[dreg:$0x0] =	wrdreg $0xFFFFFFFF;
	(pc) =	sbr.abs _section_cstart, $3  }
0xbf: {  	[dreg:$0x1] =	wrdreg $0xFFFFFFFF  }
0xc0: {  	_ =	task.clear_ibuf [dreg:s6], $0x2FFFF;
	_ =	strace $0x9FFFFFFF  }
0xc1: {  	(tm) =	ssettm $0x7FFFFFFF  }
tec
execute0_lowered:
.L_overlay_start_1:
0x0: {  	(tag) =	ssettag $0x1  }
0x1: {  	s0 =	stileid.u32;
	s2 =	srdreg.scid  }
0x2: {  	s5 =	rddreg [dreg:$0x0];
	s1 =	sshrl.u32 s0, $0x3;
	s4 =	sand.u32 $0x1, s2  }
0x3: {  	s6 =	sshll.u32 s0, $0x7;
	s2 =	simm.s32 $0x0;
	s11 =	sadd.s32 $0x2C00, s5  }
0x4: {  	s17 =	sand.u32 $0x7, s0;
	s20 =	sadd.s32 $0x1, s0;
	s10 =	sadd.s32 $0x2, s0  }
0x5: {  	s13 =	sadd.s32 $0x3, s0;
	s28 =	sadd.s32 $0x5, s0;
	s3 =	smul.u32 $0x13C00, s1  }
0x6: {  	s29 =	sadd.s32 $0x6, s0;
	s7 =	smul.u32 $0x27800, s4;
	s1 =	rddreg [dreg:$0x1]  }
0x7: {  	s6 =	sand.u32 $0x380, s6;
	[smem:$0x7FF] =	sst s2;
	s9 =	smul.u32 $0x27100, s4  }
0x8: {  	s18 =	ssub.s32 $0x2, s4;
	s19 =	smul.u32 $0x4E20, s17;
	s10 =	sand.u32 $0x7, s10  }
0x9: {  	s22 =	sand.u32 $0x7, s13;
	s13 =	sand.u32 $0x7, s29;
	s10 =	smul.u32 $0x4E20, s10  }
0xa: {  	_ =	strace $0x8000004A;
	s21 =	sshrl.u32 s18, $0x1;
	s24 =	smul.u32 $0x4E20, s22  }
0xb: {  	s13 =	smul.u32 $0x4E20, s13;
	s22 =	simm.s32 $0x0;
	s8 =	sor.u32 s6, s3  }
0xc: {  	s3 =	sadd.s32 s7, s3;
	s4 =	sadd.s32 s9, s19;
	s14 =	ssub.s32 s18, s21  }
0xd: {  	s7 =	sxor.u32 $0x4, s17;
	s17 =	simm.s32 $0x3;
	s18 =	simm.s32 $0x9D80  }
0xe: {  	s19 =	simm.s32 $0x1;
	s21 =	simm.s32 $0x2;
	s15 =	sshrl.u32 s8, $0x3  }
0xf: {  	s3 =	sor.u32 s6, s3;
	s4 =	sshrl.u32 s4, $0x3;
	s23 =	sadd.s32 s9, s10  }
0x10: {  	s26 =	sadd.s32 s9, s24;
	s7 =	smul.u32 $0x4E20, s7;
	s10 =	sand.u32 $0x7, s28  }
0x11: {  	s13 =	sadd.s32 s9, s13;
	s16 =	sadd.s32 s15, s5;
	s3 =	sshrl.u32 s3, $0x3  }
0x12: {  	s25 =	sshrl.u32 s23, $0x3;
	s8 =	sshrl.u32 s26, $0x3;
	s10 =	smul.u32 $0x4E20, s10  }
0x13: {  	s15 =	sadd.s32 $0xFFFFFFFF, s0;
	s13 =	sshrl.u32 s13, $0x3;
	s12 =	sadd.s32 s3, s5  }
0x14: {  	s5 =	sand.u32 $0x7, s20;
	s3 =	sadd.s32 s11, s4;
	s4 =	sadd.s32 $0xCA00, s16  }
0x15: {  	s6 =	sadd.s32 s11, s25;
	s16 =	sadd.s32 s9, s7;
	s15 =	sand.u32 $0x7, s15  }
0x16: {  	s7 =	sadd.s32 s11, s8;
	s20 =	simm.s32 $0x2780;
	s5 =	smul.u32 $0x4E20, s5  }
0x17: {  	s30 =	sshrl.u32 s16, $0x3;
	s15 =	smul.u32 $0x4E20, s15;
	s10 =	sadd.s32 s9, s10  }
0x18: {  	s12 =	sadd.s32 $0x11A00, s12;
	s16 =	simm.s32 $0x400;
	s8 =	sadd.s32 s11, s30  }
0x19: {  	s10 =	sshrl.u32 s10, $0x3;
	s5 =	sadd.s32 s9, s5;
	s15 =	sadd.s32 s9, s15  }
0x1a: {  	s9 =	sadd.s32 s11, s10;
	s10 =	sadd.s32 s11, s13;
	s13 =	smax.u32 s14, $0x1  }
0x1b: {  	s14 =	simm.s32 $0x4F00;
	s5 =	sshrl.u32 s5, $0x3;
	s31 =	sshrl.u32 s15, $0x3  }
0x1c: {  	v0 =	vimm.f32 $0.0e+00;
	s15 =	simm.s32 $0x80;
	s5 =	sadd.s32 s11, s5;
	s11 =	sadd.s32 s11, s31  }
.LBB2_1:
0x1d: {  	[tilespmem:s14], [sflag:$0x1] =	stream.linear.gather [hbm4b:s3+s2], $0x4E20, $0x38;
	[tilespmem:$0xEC00] =	vst v63  }
0x1e: {  	_ = 	snop  }
0x1f: {  	[tilespmem:s2], [sflag:$0x3] =	stream.strided.gather [hbm4b:s4+s15], $0x2780, s16, s15, $0x38;
	[tilespmem:$0xEC00] =	vst v63  }
0x20: {  	_ =	swait.ge [sflag:s17], $0x2780  }
0x21: {  	[sflag:s17] =	ssyncset.done $0x0  }
0x22: {  	s23 =	simm.s32 $0x27C0;
	[sflag:s17] =	ssyncadd.s32 $0xFFFFD880  }
0x23: {  	[tilespmem:s23+$0xFFFFFFC0] =	vst v0  }
0x24: {  	[tilespmem:s23+$0x30] =	vst v0  }
0x25: {  	[tilespmem:s23+$0x20] =	vst v0  }
0x26: {  	[tilespmem:s23+$0x10] =	vst v0  }
0x27: {  	[tilespmem:s23+$0x0] =	vst v0  }
0x28: {  	[tilespmem:s23+$0xFFFFFFF0] =	vst v0  }
0x29: {  	s24 =	simm.s32 $0x0;
	[tilespmem:s23+$0xFFFFFFE0] =	vst v0  }
.LBB2_2:
0x2a: {  	s24 =	sadd.s32 $0x8, s24;
	[tilespmem:s23+$0xFFFFFFD0] =	vst v0;
	s23 =	sadd.s32 $0x80, s23  }
0x2b: {  	[tilespmem:s23+$0xFFFFFFC0] =	vst v0;
	p0 =	slt.u32 s24, $0x268  }
0x2c: {  	[tilespmem:s23+$0x30] =	vst v0  }
.Ltmp0:
0x2d: {  	[tilespmem:s23+$0x20] =	vst v0;
	(pc) =	sbr.rel @p0 .LBB2_2-.Ltmp0, $4  }
0x2e: {  	[tilespmem:s23+$0x10] =	vst v0  }
0x2f: {  	[tilespmem:s23+$0x0] =	vst v0  }
0x30: {  	[tilespmem:s23+$0xFFFFFFF0] =	vst v0  }
0x31: {  	[tilespmem:s23+$0xFFFFFFE0] =	vst v0  }
0x32: {  	[tilespmem:s23+$0xFFFFFFD0] =	vst v0  }
0x33: {  	s23 =	simm.s32 $0x0;
	[tilespmem:$0x4E80] =	vst v0  }
0x34: {  	[tilespmem:s18], [sflag:$0x2] =	stream.linear.gather [hbm4b:s5+s23], $0x4E20, $0x38;
	[tilespmem:$0xEC00] =	vst v63  }
0x35: {  	_ =	swait.ge [sflag:s19], $0x4E20  }
0x36: {  	[sflag:s19] =	ssyncset.done $0x0  }
0x37: {  	s24 =	sand.u32 $0x7FC0, s23;
	[sflag:s19] =	ssyncadd.s32 $0xFFFFB1E0  }
0x38: {  	v1 =	vld [tilespmem:s24+$0x4F80];
	s24 =	simm.s32 $0x4F60  }
0x39: {  	v7 =	vld [tilespmem:s24+$0xFFFFFFB0]  }
0x3a: {  	v9 =	vld [tilespmem:s24+$0xFFFFFFC0]  }
0x3b: {  	v2 =	vld [tilespmem:s24+$0xFFFFFFA0]  }
0x3c: {  	v5 =	vld [tilespmem:s24+$0x40]  }
0x3d: {  	v4 =	vld [tilespmem:s24+$0x50]  }
0x3e: {  	v10 =	vld [tilespmem:s24+$0x10];
	v3 =	vand.u32 $0xFFFF, v1  }
0x3f: {  	v6 =	vld [tilespmem:s24+$0x30]  }
0x40: {  	v11 =	vld [tilespmem:s24+$0x0];
	v8 =	vand.u32 $0xFFFF, v2  }
0x41: {  	v14 =	vld [tilespmem:s24+$0xFFFFFFE0];
	v13 =	vand.u32 $0xFFFF, v5  }
0x42: {  	v12 =	vld [tilespmem:s24+$0xFFFFFFF0];
	v15 =	vand.u32 $0xFFFF, v4  }
0x43: {  	v1 =	vshrl.u32 v1, $0x10;
	v3 =	vld.idx.msk [tilespmem:v3+s23+$0x0], $0xffff  }
0x44: {  	v16 =	vld [tilespmem:s24+$0xFFFFFFD0];
	v17 =	vand.u32 $0xFFFF, v6  }
0x45: {  	v19 =	vand.u32 $0xFFFF, v11;
	v8 =	vld.idx.msk [tilespmem:v8+s23+$0x0], $0xffff  }
0x46: {  	v21 =	vand.u32 $0xFFFF, v14;
	v13 =	vld.idx.msk [tilespmem:v13+s23+$0x0], $0xffff  }
0x47: {  	v18 =	vand.u32 $0xFFFF, v10;
	v15 =	vld.idx.msk [tilespmem:v15+s23+$0x0], $0xffff  }
0x48: {  	[tilespmem:v1+s20+$0x0] =	vst.idx.add.f32.msk $0xffff, v3;
	v3 =	vand.u32 $0xFFFF, v12  }
0x49: {  	v5 =	vshrl.u32 v5, $0x10;
	v17 =	vld.idx.msk [tilespmem:v17+s23+$0x0], $0xffff  }
0x4a: {  	v20 =	vshrl.u32 v2, $0x10;
	v60 =	vld.idx.msk [tilespmem:v19+s23+$0x0], $0xffff  }
0x4b: {  	v4 =	vshrl.u32 v4, $0x10;
	v63 =	vld.idx.msk [tilespmem:v21+s23+$0x0], $0xffff  }
0x4c: {  	v61 =	vand.u32 $0xFFFF, v16;
	v1 =	vld.idx.msk [tilespmem:v18+s23+$0x0], $0xffff  }
0x4d: {  	v2 =	vld.idx.msk [tilespmem:v3+s23+$0x0], $0xffff;
	v3 =	vand.u32 $0xFFFF, v9  }
0x4e: {  	v14 =	vshrl.u32 v14, $0x10;
	[tilespmem:v5+s20+$0x0] =	vst.idx.add.f32.msk $0xffff, v13  }
0x4f: {  	v11 =	vshrl.u32 v11, $0x10;
	[tilespmem:v20+s20+$0x0] =	vst.idx.add.f32.msk $0xffff, v8  }
0x50: {  	v5 =	vshrl.u32 v6, $0x10;
	[tilespmem:v4+s20+$0x0] =	vst.idx.add.f32.msk $0xffff, v15  }
0x51: {  	v62 =	vand.u32 $0xFFFF, v7;
	v6 =	vld.idx.msk [tilespmem:v61+s23+$0x0], $0xffff  }
0x52: {  	v8 =	vld.idx.msk [tilespmem:v3+s23+$0x0], $0xffff;
	v3 =	vshrl.u32 v16, $0x10  }
0x53: {  	[tilespmem:v14+s20+$0x0] =	vst.idx.add.f32.msk $0xffff, v63;
	v9 =	vshrl.u32 v9, $0x10  }
0x54: {  	v4 =	vshrl.u32 v10, $0x10;
	[tilespmem:v11+s20+$0x0] =	vst.idx.add.f32.msk $0xffff, v60  }
0x55: {  	[tilespmem:v5+s20+$0x0] =	vst.idx.add.f32.msk $0xffff, v17  }
0x56: {  	s25 =	simm.s32 $0x0;
	s26 =	simm.s32 $0xC0;
	v7 =	vshrl.u32 v7, $0x10;
	v10 =	vshrl.u32 v12, $0x10;
	v5 =	vld.idx.msk [tilespmem:v62+s23+$0x0], $0xffff  }
.LBB2_4:
0x57: {  	s28 =	sand.u32 $0x7FC0, s26;
	s25 =	sadd.s32 $0xC, s25;
	[tilespmem:v3+s20+$0x0] =	vst.idx.add.f32.msk $0xffff, v6;
	s24 =	sadd.s32 $0xC0, s24  }
0x58: {  	p0 =	slt.u32 s25, $0x4D4;
	[tilespmem:v9+s20+$0x0] =	vst.idx.add.f32.msk $0xffff, v8  }
0x59: {  	[tilespmem:v4+s20+$0x0] =	vst.idx.add.f32.msk $0xffff, v1  }
0x5a: {  	v1 =	vld [tilespmem:s28+$0x4F80]  }
0x5b: {  	[tilespmem:v7+s20+$0x0] =	vst.idx.add.f32.msk $0xffff, v5  }
0x5c: {  	[tilespmem:v10+s20+$0x0] =	vst.idx.add.f32.msk $0xffff, v2  }
0x5d: {  	v5 =	vld [tilespmem:s24+$0xFFFFFFB0]  }
0x5e: {  	v6 =	vld [tilespmem:s24+$0xFFFFFFC0]  }
0x5f: {  	v2 =	vld [tilespmem:s24+$0xFFFFFFA0];
	v3 =	vand.u32 $0xFFFF, v1  }
0x60: {  	v4 =	vld [tilespmem:s24+$0x50]  }
0x61: {  	v7 =	vld [tilespmem:s24+$0x40]  }
0x62: {  	v8 =	vld [tilespmem:s24+$0x10]  }
0x63: {  	v9 =	vld [tilespmem:s24+$0x30]  }
0x64: {  	v10 =	vand.u32 $0xFFFF, v2;
	v3 =	vld.idx.msk [tilespmem:v3+s23+$0x0], $0xffff  }
0x65: {  	v1 =	vshrl.u32 v1, $0x10;
	v11 =	vld [tilespmem:s24+$0x0]  }
0x66: {  	v12 =	vld [tilespmem:s24+$0xFFFFFFF0];
	v13 =	vand.u32 $0xFFFF, v7  }
0x67: {  	v15 =	vand.u32 $0xFFFF, v4;
	v14 =	vld [tilespmem:s24+$0xFFFFFFE0]  }
0x68: {  	v16 =	vld [tilespmem:s24+$0xFFFFFFD0];
	v17 =	vand.u32 $0xFFFF, v9  }
0x69: {  	v18 =	vand.u32 $0xFFFF, v8;
	v10 =	vld.idx.msk [tilespmem:v10+s23+$0x0], $0xffff  }
0x6a: {  	v19 =	vand.u32 $0xFFFF, v11;
	[tilespmem:v1+s20+$0x0] =	vst.idx.add.f32.msk $0xffff, v3  }
0x6b: {  	v20 =	vand.u32 $0xFFFF, v12;
	v13 =	vld.idx.msk [tilespmem:v13+s23+$0x0], $0xffff  }
0x6c: {  	v7 =	vshrl.u32 v7, $0x10;
	v15 =	vld.idx.msk [tilespmem:v15+s23+$0x0], $0xffff  }
0x6d: {  	v21 =	vshrl.u32 v2, $0x10;
	v22 =	vand.u32 $0xFFFF, v14;
	v17 =	vld.idx.msk [tilespmem:v17+s23+$0x0], $0xffff  }
0x6e: {  	v3 =	vshrl.u32 v16, $0x10;
	v16 =	vand.u32 $0xFFFF, v16;
	v1 =	vld.idx.msk [tilespmem:v18+s23+$0x0], $0xffff  }
0x6f: {  	v23 =	vshrl.u32 v4, $0x10;
	v18 =	vand.u32 $0xFFFF, v6;
	v19 =	vld.idx.msk [tilespmem:v19+s23+$0x0], $0xffff  }
0x70: {  	v24 =	vand.u32 $0xFFFF, v5;
	v2 =	vld.idx.msk [tilespmem:v20+s23+$0x0], $0xffff  }
0x71: {  	[tilespmem:v7+s20+$0x0] =	vst.idx.add.f32.msk $0xffff, v13  }
0x72: {  	v4 =	vshrl.u32 v8, $0x10;
	[tilespmem:v21+s20+$0x0] =	vst.idx.add.f32.msk $0xffff, v10;
	v10 =	vshrl.u32 v9, $0x10  }
0x73: {  	v13 =	vld.idx.msk [tilespmem:v22+s23+$0x0], $0xffff  }
0x74: {  	v14 =	vshrl.u32 v14, $0x10;
	[tilespmem:v23+s20+$0x0] =	vst.idx.add.f32.msk $0xffff, v15  }
0x75: {  	v11 =	vshrl.u32 v11, $0x10;
	v9 =	vshrl.u32 v6, $0x10;
	v6 =	vld.idx.msk [tilespmem:v16+s23+$0x0], $0xffff  }
.Ltmp1:
0x76: {  	v7 =	vshrl.u32 v5, $0x10;
	v8 =	vld.idx.msk [tilespmem:v18+s23+$0x0], $0xffff;
	(pc) =	sbr.rel @p0 .LBB2_4-.Ltmp1, $4  }
0x77: {  	[tilespmem:v10+s20+$0x0] =	vst.idx.add.f32.msk $0xffff, v17  }
0x78: {  	v5 =	vld.idx.msk [tilespmem:v24+s23+$0x0], $0xffff  }
0x79: {  	[tilespmem:v14+s20+$0x0] =	vst.idx.add.f32.msk $0xffff, v13  }
0x7a: {  	s26 =	sadd.s32 $0xC0, s26;
	v10 =	vshrl.u32 v12, $0x10;
	[tilespmem:v11+s20+$0x0] =	vst.idx.add.f32.msk $0xffff, v19  }
0x7b: {  	_ =	sdelay $0x3  }
0x7c: {  	[tilespmem:v3+s20+$0x0] =	vst.idx.add.f32.msk $0xffff, v6  }
0x7d: {  	[tilespmem:v9+s20+$0x0] =	vst.idx.add.f32.msk $0xffff, v8  }
0x7e: {  	[tilespmem:v4+s20+$0x0] =	vst.idx.add.f32.msk $0xffff, v1  }
0x7f: {  	[tilespmem:v10+s20+$0x0] =	vst.idx.add.f32.msk $0xffff, v2  }
0x80: {  	[tilespmem:v7+s20+$0x0] =	vst.idx.add.f32.msk $0xffff, v5  }
.LBB2_6:
0x81: {  	s24 =	sshra.s32 s23, $0x2  }
0x82: {  	v1 =	vld [tilespmem:s24+$0x9D00];
	_ =	sdelay $0x4  }
0x83: {  	v2 =	vand.u32 $0xFFFF, v1;
	_ =	sdelay $0x4  }
0x84: {  	p0 =	sne.s32 s23, $0x40;
	v1 =	vshrl.u32 v1, $0x10;
	v2 =	vld.idx.msk [tilespmem:v2+s2+$0x0], $0xffff  }
.Ltmp2:
0x85: {  	_ = 	snop;
	(pc) =	sbr.rel @p0 .LBB2_6-.Ltmp2, $2  }
0x86: {  	_ =	sdelay $0x2  }
0x87: {  	s23 =	sadd.s32 $0x40, s23;
	[tilespmem:v1+s20+$0x0] =	vst.idx.add.f32.msk $0xffff, v2  }
0x88: {  	s23 =	simm.s32 $0x0  }
0x89: {  	[tilespmem:s14], [sflag:$0x1] =	stream.linear.gather [hbm4b:s6+s23], $0x4E20, $0x38;
	[tilespmem:$0xEC00] =	vst v63  }
0x8a: {  	_ =	swait.ge [sflag:s21], $0x4E20  }
0x8b: {  	[sflag:s21] =	ssyncset.done $0x0  }
0x8c: {  	s24 =	sand.u32 $0x7FC0, s23;
	[sflag:s21] =	ssyncadd.s32 $0xFFFFB1E0  }
0x8d: {  	v1 =	vld [tilespmem:s24+$0x9E00];
	s24 =	simm.s32 $0x9DE0  }
0x8e: {  	v7 =	vld [tilespmem:s24+$0xFFFFFFB0]  }
0x8f: {  	v9 =	vld [tilespmem:s24+$0xFFFFFFC0]  }
0x90: {  	v2 =	vld [tilespmem:s24+$0xFFFFFFA0]  }
0x91: {  	v5 =	vld [tilespmem:s24+$0x40]  }
0x92: {  	v4 =	vld [tilespmem:s24+$0x50]  }
0x93: {  	v10 =	vld [tilespmem:s24+$0x10];
	v3 =	vand.u32 $0xFFFF, v1  }
0x94: {  	v6 =	vld [tilespmem:s24+$0x30]  }
0x95: {  	v11 =	vld [tilespmem:s24+$0x0];
	v8 =	vand.u32 $0xFFFF, v2  }
0x96: {  	v14 =	vld [tilespmem:s24+$0xFFFFFFE0];
	v13 =	vand.u32 $0xFFFF, v5  }
0x97: {  	v12 =	vld [tilespmem:s24+$0xFFFFFFF0];
	v15 =	vand.u32 $0xFFFF, v4  }
0x98: {  	v1 =	vshrl.u32 v1, $0x10;
	v3 =	vld.idx.msk [tilespmem:v3+s23+$0x0], $0xffff  }
0x99: {  	v16 =	vld [tilespmem:s24+$0xFFFFFFD0];
	v17 =	vand.u32 $0xFFFF, v6  }
0x9a: {  	v19 =	vand.u32 $0xFFFF, v11;
	v8 =	vld.idx.msk [tilespmem:v8+s23+$0x0], $0xffff  }
0x9b: {  	v21 =	vand.u32 $0xFFFF, v14;
	v13 =	vld.idx.msk [tilespmem:v13+s23+$0x0], $0xffff  }
0x9c: {  	v18 =	vand.u32 $0xFFFF, v10;
	v15 =	vld.idx.msk [tilespmem:v15+s23+$0x0], $0xffff  }
0x9d: {  	[tilespmem:v1+s20+$0x0] =	vst.idx.add.f32.msk $0xffff, v3;
	v3 =	vand.u32 $0xFFFF, v12  }
0x9e: {  	v5 =	vshrl.u32 v5, $0x10;
	v17 =	vld.idx.msk [tilespmem:v17+s23+$0x0], $0xffff  }
0x9f: {  	v20 =	vshrl.u32 v2, $0x10;
	v60 =	vld.idx.msk [tilespmem:v19+s23+$0x0], $0xffff  }
0xa0: {  	v4 =	vshrl.u32 v4, $0x10;
	v63 =	vld.idx.msk [tilespmem:v21+s23+$0x0], $0xffff  }
0xa1: {  	v61 =	vand.u32 $0xFFFF, v16;
	v1 =	vld.idx.msk [tilespmem:v18+s23+$0x0], $0xffff  }
0xa2: {  	v2 =	vld.idx.msk [tilespmem:v3+s23+$0x0], $0xffff;
	v3 =	vand.u32 $0xFFFF, v9  }
0xa3: {  	v14 =	vshrl.u32 v14, $0x10;
	[tilespmem:v5+s20+$0x0] =	vst.idx.add.f32.msk $0xffff, v13  }
0xa4: {  	v11 =	vshrl.u32 v11, $0x10;
	[tilespmem:v20+s20+$0x0] =	vst.idx.add.f32.msk $0xffff, v8  }
0xa5: {  	v5 =	vshrl.u32 v6, $0x10;
	[tilespmem:v4+s20+$0x0] =	vst.idx.add.f32.msk $0xffff, v15  }
0xa6: {  	v62 =	vand.u32 $0xFFFF, v7;
	v6 =	vld.idx.msk [tilespmem:v61+s23+$0x0], $0xffff  }
0xa7: {  	v8 =	vld.idx.msk [tilespmem:v3+s23+$0x0], $0xffff;
	v3 =	vshrl.u32 v16, $0x10  }
0xa8: {  	[tilespmem:v14+s20+$0x0] =	vst.idx.add.f32.msk $0xffff, v63;
	v9 =	vshrl.u32 v9, $0x10  }
0xa9: {  	v4 =	vshrl.u32 v10, $0x10;
	[tilespmem:v11+s20+$0x0] =	vst.idx.add.f32.msk $0xffff, v60  }
0xaa: {  	[tilespmem:v5+s20+$0x0] =	vst.idx.add.f32.msk $0xffff, v17  }
0xab: {  	s25 =	simm.s32 $0x0;
	s26 =	simm.s32 $0xC0;
	v7 =	vshrl.u32 v7, $0x10;
	v10 =	vshrl.u32 v12, $0x10;
	v5 =	vld.idx.msk [tilespmem:v62+s23+$0x0], $0xffff  }
.LBB2_8:
0xac: {  	s28 =	sand.u32 $0x7FC0, s26;
	s25 =	sadd.s32 $0xC, s25;
	[tilespmem:v3+s20+$0x0] =	vst.idx.add.f32.msk $0xffff, v6;
	s24 =	sadd.s32 $0xC0, s24  }
0xad: {  	p0 =	slt.u32 s25, $0x4D4;
	[tilespmem:v9+s20+$0x0] =	vst.idx.add.f32.msk $0xffff, v8  }
0xae: {  	[tilespmem:v4+s20+$0x0] =	vst.idx.add.f32.msk $0xffff, v1  }
0xaf: {  	v1 =	vld [tilespmem:s28+$0x9E00]  }
0xb0: {  	[tilespmem:v7+s20+$0x0] =	vst.idx.add.f32.msk $0xffff, v5  }
0xb1: {  	[tilespmem:v10+s20+$0x0] =	vst.idx.add.f32.msk $0xffff, v2  }
0xb2: {  	v5 =	vld [tilespmem:s24+$0xFFFFFFB0]  }
0xb3: {  	v6 =	vld [tilespmem:s24+$0xFFFFFFC0]  }
0xb4: {  	v2 =	vld [tilespmem:s24+$0xFFFFFFA0];
	v3 =	vand.u32 $0xFFFF, v1  }
0xb5: {  	v4 =	vld [tilespmem:s24+$0x50]  }
0xb6: {  	v7 =	vld [tilespmem:s24+$0x40]  }
0xb7: {  	v8 =	vld [tilespmem:s24+$0x10]  }
0xb8: {  	v9 =	vld [tilespmem:s24+$0x30]  }
0xb9: {  	v10 =	vand.u32 $0xFFFF, v2;
	v3 =	vld.idx.msk [tilespmem:v3+s23+$0x0], $0xffff  }
0xba: {  	v1 =	vshrl.u32 v1, $0x10;
	v11 =	vld [tilespmem:s24+$0x0]  }
0xbb: {  	v12 =	vld [tilespmem:s24+$0xFFFFFFF0];
	v13 =	vand.u32 $0xFFFF, v7  }
0xbc: {  	v15 =	vand.u32 $0xFFFF, v4;
	v14 =	vld [tilespmem:s24+$0xFFFFFFE0]  }
0xbd: {  	v16 =	vld [tilespmem:s24+$0xFFFFFFD0];
	v17 =	vand.u32 $0xFFFF, v9  }
0xbe: {  	v18 =	vand.u32 $0xFFFF, v8;
	v10 =	vld.idx.msk [tilespmem:v10+s23+$0x0], $0xffff  }
0xbf: {  	v19 =	vand.u32 $0xFFFF, v11;
	[tilespmem:v1+s20+$0x0] =	vst.idx.add.f32.msk $0xffff, v3  }
0xc0: {  	v20 =	vand.u32 $0xFFFF, v12;
	v13 =	vld.idx.msk [tilespmem:v13+s23+$0x0], $0xffff  }
0xc1: {  	v7 =	vshrl.u32 v7, $0x10;
	v15 =	vld.idx.msk [tilespmem:v15+s23+$0x0], $0xffff  }
0xc2: {  	v21 =	vshrl.u32 v2, $0x10;
	v22 =	vand.u32 $0xFFFF, v14;
	v17 =	vld.idx.msk [tilespmem:v17+s23+$0x0], $0xffff  }
0xc3: {  	v3 =	vshrl.u32 v16, $0x10;
	v16 =	vand.u32 $0xFFFF, v16;
	v1 =	vld.idx.msk [tilespmem:v18+s23+$0x0], $0xffff  }
0xc4: {  	v23 =	vshrl.u32 v4, $0x10;
	v18 =	vand.u32 $0xFFFF, v6;
	v19 =	vld.idx.msk [tilespmem:v19+s23+$0x0], $0xffff  }
0xc5: {  	v24 =	vand.u32 $0xFFFF, v5;
	v2 =	vld.idx.msk [tilespmem:v20+s23+$0x0], $0xffff  }
0xc6: {  	[tilespmem:v7+s20+$0x0] =	vst.idx.add.f32.msk $0xffff, v13  }
0xc7: {  	v4 =	vshrl.u32 v8, $0x10;
	[tilespmem:v21+s20+$0x0] =	vst.idx.add.f32.msk $0xffff, v10;
	v10 =	vshrl.u32 v9, $0x10  }
0xc8: {  	v13 =	vld.idx.msk [tilespmem:v22+s23+$0x0], $0xffff  }
0xc9: {  	v14 =	vshrl.u32 v14, $0x10;
	[tilespmem:v23+s20+$0x0] =	vst.idx.add.f32.msk $0xffff, v15  }
0xca: {  	v11 =	vshrl.u32 v11, $0x10;
	v9 =	vshrl.u32 v6, $0x10;
	v6 =	vld.idx.msk [tilespmem:v16+s23+$0x0], $0xffff  }
.Ltmp3:
0xcb: {  	v7 =	vshrl.u32 v5, $0x10;
	v8 =	vld.idx.msk [tilespmem:v18+s23+$0x0], $0xffff;
	(pc) =	sbr.rel @p0 .LBB2_8-.Ltmp3, $4  }
0xcc: {  	[tilespmem:v10+s20+$0x0] =	vst.idx.add.f32.msk $0xffff, v17  }
0xcd: {  	v5 =	vld.idx.msk [tilespmem:v24+s23+$0x0], $0xffff  }
0xce: {  	[tilespmem:v14+s20+$0x0] =	vst.idx.add.f32.msk $0xffff, v13  }
0xcf: {  	s26 =	sadd.s32 $0xC0, s26;
	v10 =	vshrl.u32 v12, $0x10;
	[tilespmem:v11+s20+$0x0] =	vst.idx.add.f32.msk $0xffff, v19  }
0xd0: {  	_ =	sdelay $0x3  }
0xd1: {  	[tilespmem:v3+s20+$0x0] =	vst.idx.add.f32.msk $0xffff, v6  }
0xd2: {  	[tilespmem:v9+s20+$0x0] =	vst.idx.add.f32.msk $0xffff, v8  }
0xd3: {  	[tilespmem:v4+s20+$0x0] =	vst.idx.add.f32.msk $0xffff, v1  }
0xd4: {  	[tilespmem:v10+s20+$0x0] =	vst.idx.add.f32.msk $0xffff, v2  }
0xd5: {  	[tilespmem:v7+s20+$0x0] =	vst.idx.add.f32.msk $0xffff, v5  }
.LBB2_10:
0xd6: {  	s24 =	sshra.s32 s23, $0x2  }
0xd7: {  	v1 =	vld [tilespmem:s24+$0xEB80];
	_ =	sdelay $0x4  }
0xd8: {  	v2 =	vand.u32 $0xFFFF, v1;
	_ =	sdelay $0x4  }
0xd9: {  	p0 =	sne.s32 s23, $0x40;
	v1 =	vshrl.u32 v1, $0x10;
	v2 =	vld.idx.msk [tilespmem:v2+s2+$0x0], $0xffff  }
.Ltmp4:
0xda: {  	_ = 	snop;
	(pc) =	sbr.rel @p0 .LBB2_10-.Ltmp4, $2  }
0xdb: {  	_ =	sdelay $0x2  }
0xdc: {  	s23 =	sadd.s32 $0x40, s23;
	[tilespmem:v1+s20+$0x0] =	vst.idx.add.f32.msk $0xffff, v2  }
0xdd: {  	s23 =	simm.s32 $0x0  }
0xde: {  	[tilespmem:s18], [sflag:$0x2] =	stream.linear.gather [hbm4b:s7+s23], $0x4E20, $0x38;
	[tilespmem:$0xEC00] =	vst v63  }
0xdf: {  	_ =	swait.ge [sflag:s19], $0x4E20  }
0xe0: {  	[sflag:s19] =	ssyncset.done $0x0  }
0xe1: {  	s24 =	sand.u32 $0x7FC0, s23;
	[sflag:s19] =	ssyncadd.s32 $0xFFFFB1E0  }
0xe2: {  	v1 =	vld [tilespmem:s24+$0x4F80];
	s24 =	simm.s32 $0x4F60  }
0xe3: {  	v7 =	vld [tilespmem:s24+$0xFFFFFFB0]  }
0xe4: {  	v9 =	vld [tilespmem:s24+$0xFFFFFFC0]  }
0xe5: {  	v2 =	vld [tilespmem:s24+$0xFFFFFFA0]  }
0xe6: {  	v5 =	vld [tilespmem:s24+$0x40]  }
0xe7: {  	v4 =	vld [tilespmem:s24+$0x50]  }
0xe8: {  	v10 =	vld [tilespmem:s24+$0x10];
	v3 =	vand.u32 $0xFFFF, v1  }
0xe9: {  	v6 =	vld [tilespmem:s24+$0x30]  }
0xea: {  	v11 =	vld [tilespmem:s24+$0x0];
	v8 =	vand.u32 $0xFFFF, v2  }
0xeb: {  	v14 =	vld [tilespmem:s24+$0xFFFFFFE0];
	v13 =	vand.u32 $0xFFFF, v5  }
0xec: {  	v12 =	vld [tilespmem:s24+$0xFFFFFFF0];
	v15 =	vand.u32 $0xFFFF, v4  }
0xed: {  	v1 =	vshrl.u32 v1, $0x10;
	v3 =	vld.idx.msk [tilespmem:v3+s23+$0x0], $0xffff  }
0xee: {  	v16 =	vld [tilespmem:s24+$0xFFFFFFD0];
	v17 =	vand.u32 $0xFFFF, v6  }
0xef: {  	v19 =	vand.u32 $0xFFFF, v11;
	v8 =	vld.idx.msk [tilespmem:v8+s23+$0x0], $0xffff  }
0xf0: {  	v21 =	vand.u32 $0xFFFF, v14;
	v13 =	vld.idx.msk [tilespmem:v13+s23+$0x0], $0xffff  }
0xf1: {  	v18 =	vand.u32 $0xFFFF, v10;
	v15 =	vld.idx.msk [tilespmem:v15+s23+$0x0], $0xffff  }
0xf2: {  	[tilespmem:v1+s20+$0x0] =	vst.idx.add.f32.msk $0xffff, v3;
	v3 =	vand.u32 $0xFFFF, v12  }
0xf3: {  	v5 =	vshrl.u32 v5, $0x10;
	v17 =	vld.idx.msk [tilespmem:v17+s23+$0x0], $0xffff  }
0xf4: {  	v20 =	vshrl.u32 v2, $0x10;
	v60 =	vld.idx.msk [tilespmem:v19+s23+$0x0], $0xffff  }
0xf5: {  	v4 =	vshrl.u32 v4, $0x10;
	v63 =	vld.idx.msk [tilespmem:v21+s23+$0x0], $0xffff  }
0xf6: {  	v61 =	vand.u32 $0xFFFF, v16;
	v1 =	vld.idx.msk [tilespmem:v18+s23+$0x0], $0xffff  }
0xf7: {  	v2 =	vld.idx.msk [tilespmem:v3+s23+$0x0], $0xffff;
	v3 =	vand.u32 $0xFFFF, v9  }
0xf8: {  	v14 =	vshrl.u32 v14, $0x10;
	[tilespmem:v5+s20+$0x0] =	vst.idx.add.f32.msk $0xffff, v13  }
0xf9: {  	v11 =	vshrl.u32 v11, $0x10;
	[tilespmem:v20+s20+$0x0] =	vst.idx.add.f32.msk $0xffff, v8  }
0xfa: {  	v5 =	vshrl.u32 v6, $0x10;
	[tilespmem:v4+s20+$0x0] =	vst.idx.add.f32.msk $0xffff, v15  }
0xfb: {  	v62 =	vand.u32 $0xFFFF, v7;
	v6 =	vld.idx.msk [tilespmem:v61+s23+$0x0], $0xffff  }
0xfc: {  	v8 =	vld.idx.msk [tilespmem:v3+s23+$0x0], $0xffff;
	v3 =	vshrl.u32 v16, $0x10  }
0xfd: {  	[tilespmem:v14+s20+$0x0] =	vst.idx.add.f32.msk $0xffff, v63;
	v9 =	vshrl.u32 v9, $0x10  }
0xfe: {  	v4 =	vshrl.u32 v10, $0x10;
	[tilespmem:v11+s20+$0x0] =	vst.idx.add.f32.msk $0xffff, v60  }
0xff: {  	[tilespmem:v5+s20+$0x0] =	vst.idx.add.f32.msk $0xffff, v17  }
0x100: {  	s25 =	simm.s32 $0x0;
	s26 =	simm.s32 $0xC0;
	v7 =	vshrl.u32 v7, $0x10;
	v10 =	vshrl.u32 v12, $0x10;
	v5 =	vld.idx.msk [tilespmem:v62+s23+$0x0], $0xffff  }
.LBB2_12:
0x101: {  	s28 =	sand.u32 $0x7FC0, s26;
	s25 =	sadd.s32 $0xC, s25;
	[tilespmem:v3+s20+$0x0] =	vst.idx.add.f32.msk $0xffff, v6;
	s24 =	sadd.s32 $0xC0, s24  }
0x102: {  	p0 =	slt.u32 s25, $0x4D4;
	[tilespmem:v9+s20+$0x0] =	vst.idx.add.f32.msk $0xffff, v8  }
0x103: {  	[tilespmem:v4+s20+$0x0] =	vst.idx.add.f32.msk $0xffff, v1  }
0x104: {  	v1 =	vld [tilespmem:s28+$0x4F80]  }
0x105: {  	[tilespmem:v7+s20+$0x0] =	vst.idx.add.f32.msk $0xffff, v5  }
0x106: {  	[tilespmem:v10+s20+$0x0] =	vst.idx.add.f32.msk $0xffff, v2  }
0x107: {  	v5 =	vld [tilespmem:s24+$0xFFFFFFB0]  }
0x108: {  	v6 =	vld [tilespmem:s24+$0xFFFFFFC0]  }
0x109: {  	v2 =	vld [tilespmem:s24+$0xFFFFFFA0];
	v3 =	vand.u32 $0xFFFF, v1  }
0x10a: {  	v4 =	vld [tilespmem:s24+$0x50]  }
0x10b: {  	v7 =	vld [tilespmem:s24+$0x40]  }
0x10c: {  	v8 =	vld [tilespmem:s24+$0x10]  }
0x10d: {  	v9 =	vld [tilespmem:s24+$0x30]  }
0x10e: {  	v10 =	vand.u32 $0xFFFF, v2;
	v3 =	vld.idx.msk [tilespmem:v3+s23+$0x0], $0xffff  }
0x10f: {  	v1 =	vshrl.u32 v1, $0x10;
	v11 =	vld [tilespmem:s24+$0x0]  }
0x110: {  	v12 =	vld [tilespmem:s24+$0xFFFFFFF0];
	v13 =	vand.u32 $0xFFFF, v7  }
0x111: {  	v15 =	vand.u32 $0xFFFF, v4;
	v14 =	vld [tilespmem:s24+$0xFFFFFFE0]  }
0x112: {  	v16 =	vld [tilespmem:s24+$0xFFFFFFD0];
	v17 =	vand.u32 $0xFFFF, v9  }
0x113: {  	v18 =	vand.u32 $0xFFFF, v8;
	v10 =	vld.idx.msk [tilespmem:v10+s23+$0x0], $0xffff  }
0x114: {  	v19 =	vand.u32 $0xFFFF, v11;
	[tilespmem:v1+s20+$0x0] =	vst.idx.add.f32.msk $0xffff, v3  }
0x115: {  	v20 =	vand.u32 $0xFFFF, v12;
	v13 =	vld.idx.msk [tilespmem:v13+s23+$0x0], $0xffff  }
0x116: {  	v7 =	vshrl.u32 v7, $0x10;
	v15 =	vld.idx.msk [tilespmem:v15+s23+$0x0], $0xffff  }
0x117: {  	v21 =	vshrl.u32 v2, $0x10;
	v22 =	vand.u32 $0xFFFF, v14;
	v17 =	vld.idx.msk [tilespmem:v17+s23+$0x0], $0xffff  }
0x118: {  	v3 =	vshrl.u32 v16, $0x10;
	v16 =	vand.u32 $0xFFFF, v16;
	v1 =	vld.idx.msk [tilespmem:v18+s23+$0x0], $0xffff  }
0x119: {  	v23 =	vshrl.u32 v4, $0x10;
	v18 =	vand.u32 $0xFFFF, v6;
	v19 =	vld.idx.msk [tilespmem:v19+s23+$0x0], $0xffff  }
0x11a: {  	v24 =	vand.u32 $0xFFFF, v5;
	v2 =	vld.idx.msk [tilespmem:v20+s23+$0x0], $0xffff  }
0x11b: {  	[tilespmem:v7+s20+$0x0] =	vst.idx.add.f32.msk $0xffff, v13  }
0x11c: {  	v4 =	vshrl.u32 v8, $0x10;
	[tilespmem:v21+s20+$0x0] =	vst.idx.add.f32.msk $0xffff, v10;
	v10 =	vshrl.u32 v9, $0x10  }
0x11d: {  	v13 =	vld.idx.msk [tilespmem:v22+s23+$0x0], $0xffff  }
0x11e: {  	v14 =	vshrl.u32 v14, $0x10;
	[tilespmem:v23+s20+$0x0] =	vst.idx.add.f32.msk $0xffff, v15  }
0x11f: {  	v11 =	vshrl.u32 v11, $0x10;
	v9 =	vshrl.u32 v6, $0x10;
	v6 =	vld.idx.msk [tilespmem:v16+s23+$0x0], $0xffff  }
.Ltmp5:
0x120: {  	v7 =	vshrl.u32 v5, $0x10;
	v8 =	vld.idx.msk [tilespmem:v18+s23+$0x0], $0xffff;
	(pc) =	sbr.rel @p0 .LBB2_12-.Ltmp5, $4  }
0x121: {  	[tilespmem:v10+s20+$0x0] =	vst.idx.add.f32.msk $0xffff, v17  }
0x122: {  	v5 =	vld.idx.msk [tilespmem:v24+s23+$0x0], $0xffff  }
0x123: {  	[tilespmem:v14+s20+$0x0] =	vst.idx.add.f32.msk $0xffff, v13  }
0x124: {  	s26 =	sadd.s32 $0xC0, s26;
	v10 =	vshrl.u32 v12, $0x10;
	[tilespmem:v11+s20+$0x0] =	vst.idx.add.f32.msk $0xffff, v19  }
0x125: {  	_ =	sdelay $0x3  }
0x126: {  	[tilespmem:v3+s20+$0x0] =	vst.idx.add.f32.msk $0xffff, v6  }
0x127: {  	[tilespmem:v9+s20+$0x0] =	vst.idx.add.f32.msk $0xffff, v8  }
0x128: {  	[tilespmem:v4+s20+$0x0] =	vst.idx.add.f32.msk $0xffff, v1  }
0x129: {  	[tilespmem:v10+s20+$0x0] =	vst.idx.add.f32.msk $0xffff, v2  }
0x12a: {  	[tilespmem:v7+s20+$0x0] =	vst.idx.add.f32.msk $0xffff, v5  }
.LBB2_14:
0x12b: {  	s24 =	sshra.s32 s23, $0x2  }
0x12c: {  	v1 =	vld [tilespmem:s24+$0x9D00];
	_ =	sdelay $0x4  }
0x12d: {  	v2 =	vand.u32 $0xFFFF, v1;
	_ =	sdelay $0x4  }
0x12e: {  	p0 =	sne.s32 s23, $0x40;
	v1 =	vshrl.u32 v1, $0x10;
	v2 =	vld.idx.msk [tilespmem:v2+s2+$0x0], $0xffff  }
.Ltmp6:
0x12f: {  	_ = 	snop;
	(pc) =	sbr.rel @p0 .LBB2_14-.Ltmp6, $2  }
0x130: {  	_ =	sdelay $0x2  }
0x131: {  	s23 =	sadd.s32 $0x40, s23;
	[tilespmem:v1+s20+$0x0] =	vst.idx.add.f32.msk $0xffff, v2  }
0x132: {  	s23 =	simm.s32 $0x0  }
0x133: {  	[tilespmem:s14], [sflag:$0x1] =	stream.linear.gather [hbm4b:s8+s23], $0x4E20, $0x38;
	[tilespmem:$0xEC00] =	vst v63  }
0x134: {  	_ =	swait.ge [sflag:s21], $0x4E20  }
0x135: {  	[sflag:s21] =	ssyncset.done $0x0  }
0x136: {  	s24 =	sand.u32 $0x7FC0, s23;
	[sflag:s21] =	ssyncadd.s32 $0xFFFFB1E0  }
0x137: {  	v1 =	vld [tilespmem:s24+$0x9E00];
	s24 =	simm.s32 $0x9DE0  }
0x138: {  	v7 =	vld [tilespmem:s24+$0xFFFFFFB0]  }
0x139: {  	v9 =	vld [tilespmem:s24+$0xFFFFFFC0]  }
0x13a: {  	v2 =	vld [tilespmem:s24+$0xFFFFFFA0]  }
0x13b: {  	v5 =	vld [tilespmem:s24+$0x40]  }
0x13c: {  	v4 =	vld [tilespmem:s24+$0x50]  }
0x13d: {  	v10 =	vld [tilespmem:s24+$0x10];
	v3 =	vand.u32 $0xFFFF, v1  }
0x13e: {  	v6 =	vld [tilespmem:s24+$0x30]  }
0x13f: {  	v11 =	vld [tilespmem:s24+$0x0];
	v8 =	vand.u32 $0xFFFF, v2  }
0x140: {  	v14 =	vld [tilespmem:s24+$0xFFFFFFE0];
	v13 =	vand.u32 $0xFFFF, v5  }
0x141: {  	v12 =	vld [tilespmem:s24+$0xFFFFFFF0];
	v15 =	vand.u32 $0xFFFF, v4  }
0x142: {  	v1 =	vshrl.u32 v1, $0x10;
	v3 =	vld.idx.msk [tilespmem:v3+s23+$0x0], $0xffff  }
0x143: {  	v16 =	vld [tilespmem:s24+$0xFFFFFFD0];
	v17 =	vand.u32 $0xFFFF, v6  }
0x144: {  	v19 =	vand.u32 $0xFFFF, v11;
	v8 =	vld.idx.msk [tilespmem:v8+s23+$0x0], $0xffff  }
0x145: {  	v21 =	vand.u32 $0xFFFF, v14;
	v13 =	vld.idx.msk [tilespmem:v13+s23+$0x0], $0xffff  }
0x146: {  	v18 =	vand.u32 $0xFFFF, v10;
	v15 =	vld.idx.msk [tilespmem:v15+s23+$0x0], $0xffff  }
0x147: {  	[tilespmem:v1+s20+$0x0] =	vst.idx.add.f32.msk $0xffff, v3;
	v3 =	vand.u32 $0xFFFF, v12  }
0x148: {  	v5 =	vshrl.u32 v5, $0x10;
	v17 =	vld.idx.msk [tilespmem:v17+s23+$0x0], $0xffff  }
0x149: {  	v20 =	vshrl.u32 v2, $0x10;
	v60 =	vld.idx.msk [tilespmem:v19+s23+$0x0], $0xffff  }
0x14a: {  	v4 =	vshrl.u32 v4, $0x10;
	v63 =	vld.idx.msk [tilespmem:v21+s23+$0x0], $0xffff  }
0x14b: {  	v61 =	vand.u32 $0xFFFF, v16;
	v1 =	vld.idx.msk [tilespmem:v18+s23+$0x0], $0xffff  }
0x14c: {  	v2 =	vld.idx.msk [tilespmem:v3+s23+$0x0], $0xffff;
	v3 =	vand.u32 $0xFFFF, v9  }
0x14d: {  	v14 =	vshrl.u32 v14, $0x10;
	[tilespmem:v5+s20+$0x0] =	vst.idx.add.f32.msk $0xffff, v13  }
0x14e: {  	v11 =	vshrl.u32 v11, $0x10;
	[tilespmem:v20+s20+$0x0] =	vst.idx.add.f32.msk $0xffff, v8  }
0x14f: {  	v5 =	vshrl.u32 v6, $0x10;
	[tilespmem:v4+s20+$0x0] =	vst.idx.add.f32.msk $0xffff, v15  }
0x150: {  	v62 =	vand.u32 $0xFFFF, v7;
	v6 =	vld.idx.msk [tilespmem:v61+s23+$0x0], $0xffff  }
0x151: {  	v8 =	vld.idx.msk [tilespmem:v3+s23+$0x0], $0xffff;
	v3 =	vshrl.u32 v16, $0x10  }
0x152: {  	[tilespmem:v14+s20+$0x0] =	vst.idx.add.f32.msk $0xffff, v63;
	v9 =	vshrl.u32 v9, $0x10  }
0x153: {  	v4 =	vshrl.u32 v10, $0x10;
	[tilespmem:v11+s20+$0x0] =	vst.idx.add.f32.msk $0xffff, v60  }
0x154: {  	[tilespmem:v5+s20+$0x0] =	vst.idx.add.f32.msk $0xffff, v17  }
0x155: {  	s25 =	simm.s32 $0x0;
	s26 =	simm.s32 $0xC0;
	v7 =	vshrl.u32 v7, $0x10;
	v10 =	vshrl.u32 v12, $0x10;
	v5 =	vld.idx.msk [tilespmem:v62+s23+$0x0], $0xffff  }
.LBB2_16:
0x156: {  	s28 =	sand.u32 $0x7FC0, s26;
	s25 =	sadd.s32 $0xC, s25;
	[tilespmem:v3+s20+$0x0] =	vst.idx.add.f32.msk $0xffff, v6;
	s24 =	sadd.s32 $0xC0, s24  }
0x157: {  	p0 =	slt.u32 s25, $0x4D4;
	[tilespmem:v9+s20+$0x0] =	vst.idx.add.f32.msk $0xffff, v8  }
0x158: {  	[tilespmem:v4+s20+$0x0] =	vst.idx.add.f32.msk $0xffff, v1  }
0x159: {  	v1 =	vld [tilespmem:s28+$0x9E00]  }
0x15a: {  	[tilespmem:v7+s20+$0x0] =	vst.idx.add.f32.msk $0xffff, v5  }
0x15b: {  	[tilespmem:v10+s20+$0x0] =	vst.idx.add.f32.msk $0xffff, v2  }
0x15c: {  	v5 =	vld [tilespmem:s24+$0xFFFFFFB0]  }
0x15d: {  	v6 =	vld [tilespmem:s24+$0xFFFFFFC0]  }
0x15e: {  	v2 =	vld [tilespmem:s24+$0xFFFFFFA0];
	v3 =	vand.u32 $0xFFFF, v1  }
0x15f: {  	v4 =	vld [tilespmem:s24+$0x50]  }
0x160: {  	v7 =	vld [tilespmem:s24+$0x40]  }
0x161: {  	v8 =	vld [tilespmem:s24+$0x10]  }
0x162: {  	v9 =	vld [tilespmem:s24+$0x30]  }
0x163: {  	v10 =	vand.u32 $0xFFFF, v2;
	v3 =	vld.idx.msk [tilespmem:v3+s23+$0x0], $0xffff  }
0x164: {  	v1 =	vshrl.u32 v1, $0x10;
	v11 =	vld [tilespmem:s24+$0x0]  }
0x165: {  	v12 =	vld [tilespmem:s24+$0xFFFFFFF0];
	v13 =	vand.u32 $0xFFFF, v7  }
0x166: {  	v15 =	vand.u32 $0xFFFF, v4;
	v14 =	vld [tilespmem:s24+$0xFFFFFFE0]  }
0x167: {  	v16 =	vld [tilespmem:s24+$0xFFFFFFD0];
	v17 =	vand.u32 $0xFFFF, v9  }
0x168: {  	v18 =	vand.u32 $0xFFFF, v8;
	v10 =	vld.idx.msk [tilespmem:v10+s23+$0x0], $0xffff  }
0x169: {  	v19 =	vand.u32 $0xFFFF, v11;
	[tilespmem:v1+s20+$0x0] =	vst.idx.add.f32.msk $0xffff, v3  }
0x16a: {  	v20 =	vand.u32 $0xFFFF, v12;
	v13 =	vld.idx.msk [tilespmem:v13+s23+$0x0], $0xffff  }
0x16b: {  	v7 =	vshrl.u32 v7, $0x10;
	v15 =	vld.idx.msk [tilespmem:v15+s23+$0x0], $0xffff  }
0x16c: {  	v21 =	vshrl.u32 v2, $0x10;
	v22 =	vand.u32 $0xFFFF, v14;
	v17 =	vld.idx.msk [tilespmem:v17+s23+$0x0], $0xffff  }
0x16d: {  	v3 =	vshrl.u32 v16, $0x10;
	v16 =	vand.u32 $0xFFFF, v16;
	v1 =	vld.idx.msk [tilespmem:v18+s23+$0x0], $0xffff  }
0x16e: {  	v23 =	vshrl.u32 v4, $0x10;
	v18 =	vand.u32 $0xFFFF, v6;
	v19 =	vld.idx.msk [tilespmem:v19+s23+$0x0], $0xffff  }
0x16f: {  	v24 =	vand.u32 $0xFFFF, v5;
	v2 =	vld.idx.msk [tilespmem:v20+s23+$0x0], $0xffff  }
0x170: {  	[tilespmem:v7+s20+$0x0] =	vst.idx.add.f32.msk $0xffff, v13  }
0x171: {  	v4 =	vshrl.u32 v8, $0x10;
	[tilespmem:v21+s20+$0x0] =	vst.idx.add.f32.msk $0xffff, v10;
	v10 =	vshrl.u32 v9, $0x10  }
0x172: {  	v13 =	vld.idx.msk [tilespmem:v22+s23+$0x0], $0xffff  }
0x173: {  	v14 =	vshrl.u32 v14, $0x10;
	[tilespmem:v23+s20+$0x0] =	vst.idx.add.f32.msk $0xffff, v15  }
0x174: {  	v11 =	vshrl.u32 v11, $0x10;
	v9 =	vshrl.u32 v6, $0x10;
	v6 =	vld.idx.msk [tilespmem:v16+s23+$0x0], $0xffff  }
.Ltmp7:
0x175: {  	v7 =	vshrl.u32 v5, $0x10;
	v8 =	vld.idx.msk [tilespmem:v18+s23+$0x0], $0xffff;
	(pc) =	sbr.rel @p0 .LBB2_16-.Ltmp7, $4  }
0x176: {  	[tilespmem:v10+s20+$0x0] =	vst.idx.add.f32.msk $0xffff, v17  }
0x177: {  	v5 =	vld.idx.msk [tilespmem:v24+s23+$0x0], $0xffff  }
0x178: {  	[tilespmem:v14+s20+$0x0] =	vst.idx.add.f32.msk $0xffff, v13  }
0x179: {  	s26 =	sadd.s32 $0xC0, s26;
	v10 =	vshrl.u32 v12, $0x10;
	[tilespmem:v11+s20+$0x0] =	vst.idx.add.f32.msk $0xffff, v19  }
0x17a: {  	_ =	sdelay $0x3  }
0x17b: {  	[tilespmem:v3+s20+$0x0] =	vst.idx.add.f32.msk $0xffff, v6  }
0x17c: {  	[tilespmem:v9+s20+$0x0] =	vst.idx.add.f32.msk $0xffff, v8  }
0x17d: {  	[tilespmem:v4+s20+$0x0] =	vst.idx.add.f32.msk $0xffff, v1  }
0x17e: {  	[tilespmem:v10+s20+$0x0] =	vst.idx.add.f32.msk $0xffff, v2  }
0x17f: {  	[tilespmem:v7+s20+$0x0] =	vst.idx.add.f32.msk $0xffff, v5  }
.LBB2_18:
0x180: {  	s24 =	sshra.s32 s23, $0x2  }
0x181: {  	v1 =	vld [tilespmem:s24+$0xEB80];
	_ =	sdelay $0x4  }
0x182: {  	v2 =	vand.u32 $0xFFFF, v1;
	_ =	sdelay $0x4  }
0x183: {  	p0 =	sne.s32 s23, $0x40;
	v1 =	vshrl.u32 v1, $0x10;
	v2 =	vld.idx.msk [tilespmem:v2+s2+$0x0], $0xffff  }
.Ltmp8:
0x184: {  	_ = 	snop;
	(pc) =	sbr.rel @p0 .LBB2_18-.Ltmp8, $2  }
0x185: {  	_ =	sdelay $0x2  }
0x186: {  	s23 =	sadd.s32 $0x40, s23;
	[tilespmem:v1+s20+$0x0] =	vst.idx.add.f32.msk $0xffff, v2  }
0x187: {  	s23 =	simm.s32 $0x0  }
0x188: {  	[tilespmem:s18], [sflag:$0x2] =	stream.linear.gather [hbm4b:s9+s23], $0x4E20, $0x38;
	[tilespmem:$0xEC00] =	vst v63  }
0x189: {  	_ =	swait.ge [sflag:s19], $0x4E20  }
0x18a: {  	[sflag:s19] =	ssyncset.done $0x0  }
0x18b: {  	s24 =	sand.u32 $0x7FC0, s23;
	[sflag:s19] =	ssyncadd.s32 $0xFFFFB1E0  }
0x18c: {  	v1 =	vld [tilespmem:s24+$0x4F80];
	s24 =	simm.s32 $0x4F60  }
0x18d: {  	v7 =	vld [tilespmem:s24+$0xFFFFFFB0]  }
0x18e: {  	v9 =	vld [tilespmem:s24+$0xFFFFFFC0]  }
0x18f: {  	v2 =	vld [tilespmem:s24+$0xFFFFFFA0]  }
0x190: {  	v5 =	vld [tilespmem:s24+$0x40]  }
0x191: {  	v4 =	vld [tilespmem:s24+$0x50]  }
0x192: {  	v10 =	vld [tilespmem:s24+$0x10];
	v3 =	vand.u32 $0xFFFF, v1  }
0x193: {  	v6 =	vld [tilespmem:s24+$0x30]  }
0x194: {  	v11 =	vld [tilespmem:s24+$0x0];
	v8 =	vand.u32 $0xFFFF, v2  }
0x195: {  	v14 =	vld [tilespmem:s24+$0xFFFFFFE0];
	v13 =	vand.u32 $0xFFFF, v5  }
0x196: {  	v12 =	vld [tilespmem:s24+$0xFFFFFFF0];
	v15 =	vand.u32 $0xFFFF, v4  }
0x197: {  	v1 =	vshrl.u32 v1, $0x10;
	v3 =	vld.idx.msk [tilespmem:v3+s23+$0x0], $0xffff  }
0x198: {  	v16 =	vld [tilespmem:s24+$0xFFFFFFD0];
	v17 =	vand.u32 $0xFFFF, v6  }
0x199: {  	v19 =	vand.u32 $0xFFFF, v11;
	v8 =	vld.idx.msk [tilespmem:v8+s23+$0x0], $0xffff  }
0x19a: {  	v21 =	vand.u32 $0xFFFF, v14;
	v13 =	vld.idx.msk [tilespmem:v13+s23+$0x0], $0xffff  }
0x19b: {  	v18 =	vand.u32 $0xFFFF, v10;
	v15 =	vld.idx.msk [tilespmem:v15+s23+$0x0], $0xffff  }
0x19c: {  	[tilespmem:v1+s20+$0x0] =	vst.idx.add.f32.msk $0xffff, v3;
	v3 =	vand.u32 $0xFFFF, v12  }
0x19d: {  	v5 =	vshrl.u32 v5, $0x10;
	v17 =	vld.idx.msk [tilespmem:v17+s23+$0x0], $0xffff  }
0x19e: {  	v20 =	vshrl.u32 v2, $0x10;
	v60 =	vld.idx.msk [tilespmem:v19+s23+$0x0], $0xffff  }
0x19f: {  	v4 =	vshrl.u32 v4, $0x10;
	v63 =	vld.idx.msk [tilespmem:v21+s23+$0x0], $0xffff  }
0x1a0: {  	v61 =	vand.u32 $0xFFFF, v16;
	v1 =	vld.idx.msk [tilespmem:v18+s23+$0x0], $0xffff  }
0x1a1: {  	v2 =	vld.idx.msk [tilespmem:v3+s23+$0x0], $0xffff;
	v3 =	vand.u32 $0xFFFF, v9  }
0x1a2: {  	v14 =	vshrl.u32 v14, $0x10;
	[tilespmem:v5+s20+$0x0] =	vst.idx.add.f32.msk $0xffff, v13  }
0x1a3: {  	v11 =	vshrl.u32 v11, $0x10;
	[tilespmem:v20+s20+$0x0] =	vst.idx.add.f32.msk $0xffff, v8  }
0x1a4: {  	v5 =	vshrl.u32 v6, $0x10;
	[tilespmem:v4+s20+$0x0] =	vst.idx.add.f32.msk $0xffff, v15  }
0x1a5: {  	v62 =	vand.u32 $0xFFFF, v7;
	v6 =	vld.idx.msk [tilespmem:v61+s23+$0x0], $0xffff  }
0x1a6: {  	v8 =	vld.idx.msk [tilespmem:v3+s23+$0x0], $0xffff;
	v3 =	vshrl.u32 v16, $0x10  }
0x1a7: {  	[tilespmem:v14+s20+$0x0] =	vst.idx.add.f32.msk $0xffff, v63;
	v9 =	vshrl.u32 v9, $0x10  }
0x1a8: {  	v4 =	vshrl.u32 v10, $0x10;
	[tilespmem:v11+s20+$0x0] =	vst.idx.add.f32.msk $0xffff, v60  }
0x1a9: {  	[tilespmem:v5+s20+$0x0] =	vst.idx.add.f32.msk $0xffff, v17  }
0x1aa: {  	s25 =	simm.s32 $0x0;
	s26 =	simm.s32 $0xC0;
	v7 =	vshrl.u32 v7, $0x10;
	v10 =	vshrl.u32 v12, $0x10;
	v5 =	vld.idx.msk [tilespmem:v62+s23+$0x0], $0xffff  }
.LBB2_20:
0x1ab: {  	s28 =	sand.u32 $0x7FC0, s26;
	s25 =	sadd.s32 $0xC, s25;
	[tilespmem:v3+s20+$0x0] =	vst.idx.add.f32.msk $0xffff, v6;
	s24 =	sadd.s32 $0xC0, s24  }
0x1ac: {  	p0 =	slt.u32 s25, $0x4D4;
	[tilespmem:v9+s20+$0x0] =	vst.idx.add.f32.msk $0xffff, v8  }
0x1ad: {  	[tilespmem:v4+s20+$0x0] =	vst.idx.add.f32.msk $0xffff, v1  }
0x1ae: {  	v1 =	vld [tilespmem:s28+$0x4F80]  }
0x1af: {  	[tilespmem:v7+s20+$0x0] =	vst.idx.add.f32.msk $0xffff, v5  }
0x1b0: {  	[tilespmem:v10+s20+$0x0] =	vst.idx.add.f32.msk $0xffff, v2  }
0x1b1: {  	v5 =	vld [tilespmem:s24+$0xFFFFFFB0]  }
0x1b2: {  	v6 =	vld [tilespmem:s24+$0xFFFFFFC0]  }
0x1b3: {  	v2 =	vld [tilespmem:s24+$0xFFFFFFA0];
	v3 =	vand.u32 $0xFFFF, v1  }
0x1b4: {  	v4 =	vld [tilespmem:s24+$0x50]  }
0x1b5: {  	v7 =	vld [tilespmem:s24+$0x40]  }
0x1b6: {  	v8 =	vld [tilespmem:s24+$0x10]  }
0x1b7: {  	v9 =	vld [tilespmem:s24+$0x30]  }
0x1b8: {  	v10 =	vand.u32 $0xFFFF, v2;
	v3 =	vld.idx.msk [tilespmem:v3+s23+$0x0], $0xffff  }
0x1b9: {  	v1 =	vshrl.u32 v1, $0x10;
	v11 =	vld [tilespmem:s24+$0x0]  }
0x1ba: {  	v12 =	vld [tilespmem:s24+$0xFFFFFFF0];
	v13 =	vand.u32 $0xFFFF, v7  }
0x1bb: {  	v15 =	vand.u32 $0xFFFF, v4;
	v14 =	vld [tilespmem:s24+$0xFFFFFFE0]  }
0x1bc: {  	v16 =	vld [tilespmem:s24+$0xFFFFFFD0];
	v17 =	vand.u32 $0xFFFF, v9  }
0x1bd: {  	v18 =	vand.u32 $0xFFFF, v8;
	v10 =	vld.idx.msk [tilespmem:v10+s23+$0x0], $0xffff  }
0x1be: {  	v19 =	vand.u32 $0xFFFF, v11;
	[tilespmem:v1+s20+$0x0] =	vst.idx.add.f32.msk $0xffff, v3  }
0x1bf: {  	v20 =	vand.u32 $0xFFFF, v12;
	v13 =	vld.idx.msk [tilespmem:v13+s23+$0x0], $0xffff  }
0x1c0: {  	v7 =	vshrl.u32 v7, $0x10;
	v15 =	vld.idx.msk [tilespmem:v15+s23+$0x0], $0xffff  }
0x1c1: {  	v21 =	vshrl.u32 v2, $0x10;
	v22 =	vand.u32 $0xFFFF, v14;
	v17 =	vld.idx.msk [tilespmem:v17+s23+$0x0], $0xffff  }
0x1c2: {  	v3 =	vshrl.u32 v16, $0x10;
	v16 =	vand.u32 $0xFFFF, v16;
	v1 =	vld.idx.msk [tilespmem:v18+s23+$0x0], $0xffff  }
0x1c3: {  	v23 =	vshrl.u32 v4, $0x10;
	v18 =	vand.u32 $0xFFFF, v6;
	v19 =	vld.idx.msk [tilespmem:v19+s23+$0x0], $0xffff  }
0x1c4: {  	v24 =	vand.u32 $0xFFFF, v5;
	v2 =	vld.idx.msk [tilespmem:v20+s23+$0x0], $0xffff  }
0x1c5: {  	[tilespmem:v7+s20+$0x0] =	vst.idx.add.f32.msk $0xffff, v13  }
0x1c6: {  	v4 =	vshrl.u32 v8, $0x10;
	[tilespmem:v21+s20+$0x0] =	vst.idx.add.f32.msk $0xffff, v10;
	v10 =	vshrl.u32 v9, $0x10  }
0x1c7: {  	v13 =	vld.idx.msk [tilespmem:v22+s23+$0x0], $0xffff  }
0x1c8: {  	v14 =	vshrl.u32 v14, $0x10;
	[tilespmem:v23+s20+$0x0] =	vst.idx.add.f32.msk $0xffff, v15  }
0x1c9: {  	v11 =	vshrl.u32 v11, $0x10;
	v9 =	vshrl.u32 v6, $0x10;
	v6 =	vld.idx.msk [tilespmem:v16+s23+$0x0], $0xffff  }
.Ltmp9:
0x1ca: {  	v7 =	vshrl.u32 v5, $0x10;
	v8 =	vld.idx.msk [tilespmem:v18+s23+$0x0], $0xffff;
	(pc) =	sbr.rel @p0 .LBB2_20-.Ltmp9, $4  }
0x1cb: {  	[tilespmem:v10+s20+$0x0] =	vst.idx.add.f32.msk $0xffff, v17  }
0x1cc: {  	v5 =	vld.idx.msk [tilespmem:v24+s23+$0x0], $0xffff  }
0x1cd: {  	[tilespmem:v14+s20+$0x0] =	vst.idx.add.f32.msk $0xffff, v13  }
0x1ce: {  	s26 =	sadd.s32 $0xC0, s26;
	v10 =	vshrl.u32 v12, $0x10;
	[tilespmem:v11+s20+$0x0] =	vst.idx.add.f32.msk $0xffff, v19  }
0x1cf: {  	_ =	sdelay $0x3  }
0x1d0: {  	[tilespmem:v3+s20+$0x0] =	vst.idx.add.f32.msk $0xffff, v6  }
0x1d1: {  	[tilespmem:v9+s20+$0x0] =	vst.idx.add.f32.msk $0xffff, v8  }
0x1d2: {  	[tilespmem:v4+s20+$0x0] =	vst.idx.add.f32.msk $0xffff, v1  }
0x1d3: {  	[tilespmem:v10+s20+$0x0] =	vst.idx.add.f32.msk $0xffff, v2  }
0x1d4: {  	[tilespmem:v7+s20+$0x0] =	vst.idx.add.f32.msk $0xffff, v5  }
.LBB2_22:
0x1d5: {  	s24 =	sshra.s32 s23, $0x2  }
0x1d6: {  	v1 =	vld [tilespmem:s24+$0x9D00];
	_ =	sdelay $0x4  }
0x1d7: {  	v2 =	vand.u32 $0xFFFF, v1;
	_ =	sdelay $0x4  }
0x1d8: {  	p0 =	sne.s32 s23, $0x40;
	v1 =	vshrl.u32 v1, $0x10;
	v2 =	vld.idx.msk [tilespmem:v2+s2+$0x0], $0xffff  }
.Ltmp10:
0x1d9: {  	_ = 	snop;
	(pc) =	sbr.rel @p0 .LBB2_22-.Ltmp10, $2  }
0x1da: {  	_ =	sdelay $0x2  }
0x1db: {  	s23 =	sadd.s32 $0x40, s23;
	[tilespmem:v1+s20+$0x0] =	vst.idx.add.f32.msk $0xffff, v2  }
0x1dc: {  	s23 =	simm.s32 $0x0  }
0x1dd: {  	[tilespmem:s14], [sflag:$0x1] =	stream.linear.gather [hbm4b:s10+s23], $0x4E20, $0x38;
	[tilespmem:$0xEC00] =	vst v63  }
0x1de: {  	_ =	swait.ge [sflag:s21], $0x4E20  }
0x1df: {  	[sflag:s21] =	ssyncset.done $0x0  }
0x1e0: {  	s24 =	sand.u32 $0x7FC0, s23;
	[sflag:s21] =	ssyncadd.s32 $0xFFFFB1E0  }
0x1e1: {  	v1 =	vld [tilespmem:s24+$0x9E00];
	s24 =	simm.s32 $0x9DE0  }
0x1e2: {  	v7 =	vld [tilespmem:s24+$0xFFFFFFB0]  }
0x1e3: {  	v9 =	vld [tilespmem:s24+$0xFFFFFFC0]  }
0x1e4: {  	v2 =	vld [tilespmem:s24+$0xFFFFFFA0]  }
0x1e5: {  	v5 =	vld [tilespmem:s24+$0x40]  }
0x1e6: {  	v4 =	vld [tilespmem:s24+$0x50]  }
0x1e7: {  	v10 =	vld [tilespmem:s24+$0x10];
	v3 =	vand.u32 $0xFFFF, v1  }
0x1e8: {  	v6 =	vld [tilespmem:s24+$0x30]  }
0x1e9: {  	v11 =	vld [tilespmem:s24+$0x0];
	v8 =	vand.u32 $0xFFFF, v2  }
0x1ea: {  	v14 =	vld [tilespmem:s24+$0xFFFFFFE0];
	v13 =	vand.u32 $0xFFFF, v5  }
0x1eb: {  	v12 =	vld [tilespmem:s24+$0xFFFFFFF0];
	v15 =	vand.u32 $0xFFFF, v4  }
0x1ec: {  	v1 =	vshrl.u32 v1, $0x10;
	v3 =	vld.idx.msk [tilespmem:v3+s23+$0x0], $0xffff  }
0x1ed: {  	v16 =	vld [tilespmem:s24+$0xFFFFFFD0];
	v17 =	vand.u32 $0xFFFF, v6  }
0x1ee: {  	v19 =	vand.u32 $0xFFFF, v11;
	v8 =	vld.idx.msk [tilespmem:v8+s23+$0x0], $0xffff  }
0x1ef: {  	v21 =	vand.u32 $0xFFFF, v14;
	v13 =	vld.idx.msk [tilespmem:v13+s23+$0x0], $0xffff  }
0x1f0: {  	v18 =	vand.u32 $0xFFFF, v10;
	v15 =	vld.idx.msk [tilespmem:v15+s23+$0x0], $0xffff  }
0x1f1: {  	[tilespmem:v1+s20+$0x0] =	vst.idx.add.f32.msk $0xffff, v3;
	v3 =	vand.u32 $0xFFFF, v12  }
0x1f2: {  	v5 =	vshrl.u32 v5, $0x10;
	v17 =	vld.idx.msk [tilespmem:v17+s23+$0x0], $0xffff  }
0x1f3: {  	v20 =	vshrl.u32 v2, $0x10;
	v60 =	vld.idx.msk [tilespmem:v19+s23+$0x0], $0xffff  }
0x1f4: {  	v4 =	vshrl.u32 v4, $0x10;
	v63 =	vld.idx.msk [tilespmem:v21+s23+$0x0], $0xffff  }
0x1f5: {  	v61 =	vand.u32 $0xFFFF, v16;
	v1 =	vld.idx.msk [tilespmem:v18+s23+$0x0], $0xffff  }
0x1f6: {  	v2 =	vld.idx.msk [tilespmem:v3+s23+$0x0], $0xffff;
	v3 =	vand.u32 $0xFFFF, v9  }
0x1f7: {  	v14 =	vshrl.u32 v14, $0x10;
	[tilespmem:v5+s20+$0x0] =	vst.idx.add.f32.msk $0xffff, v13  }
0x1f8: {  	v11 =	vshrl.u32 v11, $0x10;
	[tilespmem:v20+s20+$0x0] =	vst.idx.add.f32.msk $0xffff, v8  }
0x1f9: {  	v5 =	vshrl.u32 v6, $0x10;
	[tilespmem:v4+s20+$0x0] =	vst.idx.add.f32.msk $0xffff, v15  }
0x1fa: {  	v62 =	vand.u32 $0xFFFF, v7;
	v6 =	vld.idx.msk [tilespmem:v61+s23+$0x0], $0xffff  }
0x1fb: {  	v8 =	vld.idx.msk [tilespmem:v3+s23+$0x0], $0xffff;
	v3 =	vshrl.u32 v16, $0x10  }
0x1fc: {  	[tilespmem:v14+s20+$0x0] =	vst.idx.add.f32.msk $0xffff, v63;
	v9 =	vshrl.u32 v9, $0x10  }
0x1fd: {  	v4 =	vshrl.u32 v10, $0x10;
	[tilespmem:v11+s20+$0x0] =	vst.idx.add.f32.msk $0xffff, v60  }
0x1fe: {  	[tilespmem:v5+s20+$0x0] =	vst.idx.add.f32.msk $0xffff, v17  }
0x1ff: {  	s25 =	simm.s32 $0x0;
	s26 =	simm.s32 $0xC0;
	v7 =	vshrl.u32 v7, $0x10;
	v10 =	vshrl.u32 v12, $0x10;
	v5 =	vld.idx.msk [tilespmem:v62+s23+$0x0], $0xffff  }
.LBB2_24:
0x200: {  	s28 =	sand.u32 $0x7FC0, s26;
	s25 =	sadd.s32 $0xC, s25;
	[tilespmem:v3+s20+$0x0] =	vst.idx.add.f32.msk $0xffff, v6;
	s24 =	sadd.s32 $0xC0, s24  }
0x201: {  	p0 =	slt.u32 s25, $0x4D4;
	[tilespmem:v9+s20+$0x0] =	vst.idx.add.f32.msk $0xffff, v8  }
0x202: {  	[tilespmem:v4+s20+$0x0] =	vst.idx.add.f32.msk $0xffff, v1  }
0x203: {  	v1 =	vld [tilespmem:s28+$0x9E00]  }
0x204: {  	[tilespmem:v7+s20+$0x0] =	vst.idx.add.f32.msk $0xffff, v5  }
0x205: {  	[tilespmem:v10+s20+$0x0] =	vst.idx.add.f32.msk $0xffff, v2  }
0x206: {  	v5 =	vld [tilespmem:s24+$0xFFFFFFB0]  }
0x207: {  	v6 =	vld [tilespmem:s24+$0xFFFFFFC0]  }
0x208: {  	v2 =	vld [tilespmem:s24+$0xFFFFFFA0];
	v3 =	vand.u32 $0xFFFF, v1  }
0x209: {  	v4 =	vld [tilespmem:s24+$0x50]  }
0x20a: {  	v7 =	vld [tilespmem:s24+$0x40]  }
0x20b: {  	v8 =	vld [tilespmem:s24+$0x10]  }
0x20c: {  	v9 =	vld [tilespmem:s24+$0x30]  }
0x20d: {  	v10 =	vand.u32 $0xFFFF, v2;
	v3 =	vld.idx.msk [tilespmem:v3+s23+$0x0], $0xffff  }
0x20e: {  	v1 =	vshrl.u32 v1, $0x10;
	v11 =	vld [tilespmem:s24+$0x0]  }
0x20f: {  	v12 =	vld [tilespmem:s24+$0xFFFFFFF0];
	v13 =	vand.u32 $0xFFFF, v7  }
0x210: {  	v15 =	vand.u32 $0xFFFF, v4;
	v14 =	vld [tilespmem:s24+$0xFFFFFFE0]  }
0x211: {  	v16 =	vld [tilespmem:s24+$0xFFFFFFD0];
	v17 =	vand.u32 $0xFFFF, v9  }
0x212: {  	v18 =	vand.u32 $0xFFFF, v8;
	v10 =	vld.idx.msk [tilespmem:v10+s23+$0x0], $0xffff  }
0x213: {  	v19 =	vand.u32 $0xFFFF, v11;
	[tilespmem:v1+s20+$0x0] =	vst.idx.add.f32.msk $0xffff, v3  }
0x214: {  	v20 =	vand.u32 $0xFFFF, v12;
	v13 =	vld.idx.msk [tilespmem:v13+s23+$0x0], $0xffff  }
0x215: {  	v7 =	vshrl.u32 v7, $0x10;
	v15 =	vld.idx.msk [tilespmem:v15+s23+$0x0], $0xffff  }
0x216: {  	v21 =	vshrl.u32 v2, $0x10;
	v22 =	vand.u32 $0xFFFF, v14;
	v17 =	vld.idx.msk [tilespmem:v17+s23+$0x0], $0xffff  }
0x217: {  	v3 =	vshrl.u32 v16, $0x10;
	v16 =	vand.u32 $0xFFFF, v16;
	v1 =	vld.idx.msk [tilespmem:v18+s23+$0x0], $0xffff  }
0x218: {  	v23 =	vshrl.u32 v4, $0x10;
	v18 =	vand.u32 $0xFFFF, v6;
	v19 =	vld.idx.msk [tilespmem:v19+s23+$0x0], $0xffff  }
0x219: {  	v24 =	vand.u32 $0xFFFF, v5;
	v2 =	vld.idx.msk [tilespmem:v20+s23+$0x0], $0xffff  }
0x21a: {  	[tilespmem:v7+s20+$0x0] =	vst.idx.add.f32.msk $0xffff, v13  }
0x21b: {  	v4 =	vshrl.u32 v8, $0x10;
	[tilespmem:v21+s20+$0x0] =	vst.idx.add.f32.msk $0xffff, v10;
	v10 =	vshrl.u32 v9, $0x10  }
0x21c: {  	v13 =	vld.idx.msk [tilespmem:v22+s23+$0x0], $0xffff  }
0x21d: {  	v14 =	vshrl.u32 v14, $0x10;
	[tilespmem:v23+s20+$0x0] =	vst.idx.add.f32.msk $0xffff, v15  }
0x21e: {  	v11 =	vshrl.u32 v11, $0x10;
	v9 =	vshrl.u32 v6, $0x10;
	v6 =	vld.idx.msk [tilespmem:v16+s23+$0x0], $0xffff  }
.Ltmp11:
0x21f: {  	v7 =	vshrl.u32 v5, $0x10;
	v8 =	vld.idx.msk [tilespmem:v18+s23+$0x0], $0xffff;
	(pc) =	sbr.rel @p0 .LBB2_24-.Ltmp11, $4  }
0x220: {  	[tilespmem:v10+s20+$0x0] =	vst.idx.add.f32.msk $0xffff, v17  }
0x221: {  	v5 =	vld.idx.msk [tilespmem:v24+s23+$0x0], $0xffff  }
0x222: {  	[tilespmem:v14+s20+$0x0] =	vst.idx.add.f32.msk $0xffff, v13  }
0x223: {  	s26 =	sadd.s32 $0xC0, s26;
	v10 =	vshrl.u32 v12, $0x10;
	[tilespmem:v11+s20+$0x0] =	vst.idx.add.f32.msk $0xffff, v19  }
0x224: {  	_ =	sdelay $0x3  }
0x225: {  	[tilespmem:v3+s20+$0x0] =	vst.idx.add.f32.msk $0xffff, v6  }
0x226: {  	[tilespmem:v9+s20+$0x0] =	vst.idx.add.f32.msk $0xffff, v8  }
0x227: {  	[tilespmem:v4+s20+$0x0] =	vst.idx.add.f32.msk $0xffff, v1  }
0x228: {  	[tilespmem:v10+s20+$0x0] =	vst.idx.add.f32.msk $0xffff, v2  }
0x229: {  	[tilespmem:v7+s20+$0x0] =	vst.idx.add.f32.msk $0xffff, v5  }
.LBB2_26:
0x22a: {  	s24 =	sshra.s32 s23, $0x2  }
0x22b: {  	v1 =	vld [tilespmem:s24+$0xEB80];
	_ =	sdelay $0x4  }
0x22c: {  	v2 =	vand.u32 $0xFFFF, v1;
	_ =	sdelay $0x4  }
0x22d: {  	p0 =	sne.s32 s23, $0x40;
	v1 =	vshrl.u32 v1, $0x10;
	v2 =	vld.idx.msk [tilespmem:v2+s2+$0x0], $0xffff  }
.Ltmp12:
0x22e: {  	_ = 	snop;
	(pc) =	sbr.rel @p0 .LBB2_26-.Ltmp12, $2  }
0x22f: {  	_ =	sdelay $0x2  }
0x230: {  	s23 =	sadd.s32 $0x40, s23;
	[tilespmem:v1+s20+$0x0] =	vst.idx.add.f32.msk $0xffff, v2  }
0x231: {  	s23 =	simm.s32 $0x0  }
0x232: {  	[tilespmem:s18], [sflag:$0x2] =	stream.linear.gather [hbm4b:s11+s23], $0x4E20, $0x38;
	[tilespmem:$0xEC00] =	vst v63  }
0x233: {  	_ =	swait.ge [sflag:s19], $0x4E20  }
0x234: {  	[sflag:s19] =	ssyncset.done $0x0  }
0x235: {  	s24 =	sand.u32 $0x7FC0, s23;
	[sflag:s19] =	ssyncadd.s32 $0xFFFFB1E0  }
0x236: {  	v1 =	vld [tilespmem:s24+$0x4F80];
	s24 =	simm.s32 $0x4F60  }
0x237: {  	v7 =	vld [tilespmem:s24+$0xFFFFFFB0]  }
0x238: {  	v9 =	vld [tilespmem:s24+$0xFFFFFFC0]  }
0x239: {  	v2 =	vld [tilespmem:s24+$0xFFFFFFA0]  }
0x23a: {  	v5 =	vld [tilespmem:s24+$0x40]  }
0x23b: {  	v4 =	vld [tilespmem:s24+$0x50]  }
0x23c: {  	v10 =	vld [tilespmem:s24+$0x10];
	v3 =	vand.u32 $0xFFFF, v1  }
0x23d: {  	v6 =	vld [tilespmem:s24+$0x30]  }
0x23e: {  	v11 =	vld [tilespmem:s24+$0x0];
	v8 =	vand.u32 $0xFFFF, v2  }
0x23f: {  	v14 =	vld [tilespmem:s24+$0xFFFFFFE0];
	v13 =	vand.u32 $0xFFFF, v5  }
0x240: {  	v12 =	vld [tilespmem:s24+$0xFFFFFFF0];
	v15 =	vand.u32 $0xFFFF, v4  }
0x241: {  	v1 =	vshrl.u32 v1, $0x10;
	v3 =	vld.idx.msk [tilespmem:v3+s23+$0x0], $0xffff  }
0x242: {  	v16 =	vld [tilespmem:s24+$0xFFFFFFD0];
	v17 =	vand.u32 $0xFFFF, v6  }
0x243: {  	v19 =	vand.u32 $0xFFFF, v11;
	v8 =	vld.idx.msk [tilespmem:v8+s23+$0x0], $0xffff  }
0x244: {  	v21 =	vand.u32 $0xFFFF, v14;
	v13 =	vld.idx.msk [tilespmem:v13+s23+$0x0], $0xffff  }
0x245: {  	v18 =	vand.u32 $0xFFFF, v10;
	v15 =	vld.idx.msk [tilespmem:v15+s23+$0x0], $0xffff  }
0x246: {  	[tilespmem:v1+s20+$0x0] =	vst.idx.add.f32.msk $0xffff, v3;
	v3 =	vand.u32 $0xFFFF, v12  }
0x247: {  	v5 =	vshrl.u32 v5, $0x10;
	v17 =	vld.idx.msk [tilespmem:v17+s23+$0x0], $0xffff  }
0x248: {  	v20 =	vshrl.u32 v2, $0x10;
	v60 =	vld.idx.msk [tilespmem:v19+s23+$0x0], $0xffff  }
0x249: {  	v4 =	vshrl.u32 v4, $0x10;
	v63 =	vld.idx.msk [tilespmem:v21+s23+$0x0], $0xffff  }
0x24a: {  	v61 =	vand.u32 $0xFFFF, v16;
	v1 =	vld.idx.msk [tilespmem:v18+s23+$0x0], $0xffff  }
0x24b: {  	v2 =	vld.idx.msk [tilespmem:v3+s23+$0x0], $0xffff;
	v3 =	vand.u32 $0xFFFF, v9  }
0x24c: {  	v14 =	vshrl.u32 v14, $0x10;
	[tilespmem:v5+s20+$0x0] =	vst.idx.add.f32.msk $0xffff, v13  }
0x24d: {  	v11 =	vshrl.u32 v11, $0x10;
	[tilespmem:v20+s20+$0x0] =	vst.idx.add.f32.msk $0xffff, v8  }
0x24e: {  	v5 =	vshrl.u32 v6, $0x10;
	[tilespmem:v4+s20+$0x0] =	vst.idx.add.f32.msk $0xffff, v15  }
0x24f: {  	v62 =	vand.u32 $0xFFFF, v7;
	v6 =	vld.idx.msk [tilespmem:v61+s23+$0x0], $0xffff  }
0x250: {  	v8 =	vld.idx.msk [tilespmem:v3+s23+$0x0], $0xffff;
	v3 =	vshrl.u32 v16, $0x10  }
0x251: {  	[tilespmem:v14+s20+$0x0] =	vst.idx.add.f32.msk $0xffff, v63;
	v9 =	vshrl.u32 v9, $0x10  }
0x252: {  	v4 =	vshrl.u32 v10, $0x10;
	[tilespmem:v11+s20+$0x0] =	vst.idx.add.f32.msk $0xffff, v60  }
0x253: {  	[tilespmem:v5+s20+$0x0] =	vst.idx.add.f32.msk $0xffff, v17  }
0x254: {  	s25 =	simm.s32 $0x0;
	s26 =	simm.s32 $0xC0;
	v7 =	vshrl.u32 v7, $0x10;
	v10 =	vshrl.u32 v12, $0x10;
	v5 =	vld.idx.msk [tilespmem:v62+s23+$0x0], $0xffff  }
.LBB2_28:
0x255: {  	s28 =	sand.u32 $0x7FC0, s26;
	s25 =	sadd.s32 $0xC, s25;
	[tilespmem:v3+s20+$0x0] =	vst.idx.add.f32.msk $0xffff, v6;
	s24 =	sadd.s32 $0xC0, s24  }
0x256: {  	p0 =	slt.u32 s25, $0x4D4;
	[tilespmem:v9+s20+$0x0] =	vst.idx.add.f32.msk $0xffff, v8  }
0x257: {  	[tilespmem:v4+s20+$0x0] =	vst.idx.add.f32.msk $0xffff, v1  }
0x258: {  	v1 =	vld [tilespmem:s28+$0x4F80]  }
0x259: {  	[tilespmem:v7+s20+$0x0] =	vst.idx.add.f32.msk $0xffff, v5  }
0x25a: {  	[tilespmem:v10+s20+$0x0] =	vst.idx.add.f32.msk $0xffff, v2  }
0x25b: {  	v5 =	vld [tilespmem:s24+$0xFFFFFFB0]  }
0x25c: {  	v6 =	vld [tilespmem:s24+$0xFFFFFFC0]  }
0x25d: {  	v2 =	vld [tilespmem:s24+$0xFFFFFFA0];
	v3 =	vand.u32 $0xFFFF, v1  }
0x25e: {  	v4 =	vld [tilespmem:s24+$0x50]  }
0x25f: {  	v7 =	vld [tilespmem:s24+$0x40]  }
0x260: {  	v8 =	vld [tilespmem:s24+$0x10]  }
0x261: {  	v9 =	vld [tilespmem:s24+$0x30]  }
0x262: {  	v10 =	vand.u32 $0xFFFF, v2;
	v3 =	vld.idx.msk [tilespmem:v3+s23+$0x0], $0xffff  }
0x263: {  	v1 =	vshrl.u32 v1, $0x10;
	v11 =	vld [tilespmem:s24+$0x0]  }
0x264: {  	v12 =	vld [tilespmem:s24+$0xFFFFFFF0];
	v13 =	vand.u32 $0xFFFF, v7  }
0x265: {  	v15 =	vand.u32 $0xFFFF, v4;
	v14 =	vld [tilespmem:s24+$0xFFFFFFE0]  }
0x266: {  	v16 =	vld [tilespmem:s24+$0xFFFFFFD0];
	v17 =	vand.u32 $0xFFFF, v9  }
0x267: {  	v18 =	vand.u32 $0xFFFF, v8;
	v10 =	vld.idx.msk [tilespmem:v10+s23+$0x0], $0xffff  }
0x268: {  	v19 =	vand.u32 $0xFFFF, v11;
	[tilespmem:v1+s20+$0x0] =	vst.idx.add.f32.msk $0xffff, v3  }
0x269: {  	v20 =	vand.u32 $0xFFFF, v12;
	v13 =	vld.idx.msk [tilespmem:v13+s23+$0x0], $0xffff  }
0x26a: {  	v7 =	vshrl.u32 v7, $0x10;
	v15 =	vld.idx.msk [tilespmem:v15+s23+$0x0], $0xffff  }
0x26b: {  	v21 =	vshrl.u32 v2, $0x10;
	v22 =	vand.u32 $0xFFFF, v14;
	v17 =	vld.idx.msk [tilespmem:v17+s23+$0x0], $0xffff  }
0x26c: {  	v3 =	vshrl.u32 v16, $0x10;
	v16 =	vand.u32 $0xFFFF, v16;
	v1 =	vld.idx.msk [tilespmem:v18+s23+$0x0], $0xffff  }
0x26d: {  	v23 =	vshrl.u32 v4, $0x10;
	v18 =	vand.u32 $0xFFFF, v6;
	v19 =	vld.idx.msk [tilespmem:v19+s23+$0x0], $0xffff  }
0x26e: {  	v24 =	vand.u32 $0xFFFF, v5;
	v2 =	vld.idx.msk [tilespmem:v20+s23+$0x0], $0xffff  }
0x26f: {  	[tilespmem:v7+s20+$0x0] =	vst.idx.add.f32.msk $0xffff, v13  }
0x270: {  	v4 =	vshrl.u32 v8, $0x10;
	[tilespmem:v21+s20+$0x0] =	vst.idx.add.f32.msk $0xffff, v10;
	v10 =	vshrl.u32 v9, $0x10  }
0x271: {  	v13 =	vld.idx.msk [tilespmem:v22+s23+$0x0], $0xffff  }
0x272: {  	v14 =	vshrl.u32 v14, $0x10;
	[tilespmem:v23+s20+$0x0] =	vst.idx.add.f32.msk $0xffff, v15  }
0x273: {  	v11 =	vshrl.u32 v11, $0x10;
	v9 =	vshrl.u32 v6, $0x10;
	v6 =	vld.idx.msk [tilespmem:v16+s23+$0x0], $0xffff  }
.Ltmp13:
0x274: {  	v7 =	vshrl.u32 v5, $0x10;
	v8 =	vld.idx.msk [tilespmem:v18+s23+$0x0], $0xffff;
	(pc) =	sbr.rel @p0 .LBB2_28-.Ltmp13, $4  }
0x275: {  	[tilespmem:v10+s20+$0x0] =	vst.idx.add.f32.msk $0xffff, v17  }
0x276: {  	v5 =	vld.idx.msk [tilespmem:v24+s23+$0x0], $0xffff  }
0x277: {  	[tilespmem:v14+s20+$0x0] =	vst.idx.add.f32.msk $0xffff, v13  }
0x278: {  	s26 =	sadd.s32 $0xC0, s26;
	v10 =	vshrl.u32 v12, $0x10;
	[tilespmem:v11+s20+$0x0] =	vst.idx.add.f32.msk $0xffff, v19  }
0x279: {  	_ =	sdelay $0x3  }
0x27a: {  	[tilespmem:v3+s20+$0x0] =	vst.idx.add.f32.msk $0xffff, v6  }
0x27b: {  	[tilespmem:v9+s20+$0x0] =	vst.idx.add.f32.msk $0xffff, v8  }
0x27c: {  	[tilespmem:v4+s20+$0x0] =	vst.idx.add.f32.msk $0xffff, v1  }
0x27d: {  	[tilespmem:v10+s20+$0x0] =	vst.idx.add.f32.msk $0xffff, v2  }
0x27e: {  	[tilespmem:v7+s20+$0x0] =	vst.idx.add.f32.msk $0xffff, v5  }
.LBB2_30:
0x27f: {  	s24 =	sshra.s32 s23, $0x2  }
0x280: {  	v1 =	vld [tilespmem:s24+$0x9D00];
	_ =	sdelay $0x4  }
0x281: {  	v2 =	vand.u32 $0xFFFF, v1;
	_ =	sdelay $0x4  }
0x282: {  	p0 =	sne.s32 s23, $0x40;
	v1 =	vshrl.u32 v1, $0x10;
	v2 =	vld.idx.msk [tilespmem:v2+s2+$0x0], $0xffff  }
.Ltmp14:
0x283: {  	_ = 	snop;
	(pc) =	sbr.rel @p0 .LBB2_30-.Ltmp14, $2  }
0x284: {  	_ =	sdelay $0x2  }
0x285: {  	s23 =	sadd.s32 $0x40, s23;
	[tilespmem:v1+s20+$0x0] =	vst.idx.add.f32.msk $0xffff, v2  }
0x286: {  	_ =	swait.ge [sflag:s21], $0x4E20  }
0x287: {  	s23 =	simm.s32 $0x0;
	[sflag:s21] =	ssyncset.done $0x0  }
0x288: {  	s24 =	sand.u32 $0x7FC0, s23;
	[sflag:s21] =	ssyncadd.s32 $0xFFFFB1E0  }
0x289: {  	v1 =	vld [tilespmem:s24+$0x9E00];
	s24 =	simm.s32 $0x9DE0  }
0x28a: {  	v7 =	vld [tilespmem:s24+$0xFFFFFFB0]  }
0x28b: {  	v9 =	vld [tilespmem:s24+$0xFFFFFFC0]  }
0x28c: {  	v2 =	vld [tilespmem:s24+$0xFFFFFFA0]  }
0x28d: {  	v5 =	vld [tilespmem:s24+$0x40]  }
0x28e: {  	v4 =	vld [tilespmem:s24+$0x50]  }
0x28f: {  	v10 =	vld [tilespmem:s24+$0x10];
	v3 =	vand.u32 $0xFFFF, v1  }
0x290: {  	v6 =	vld [tilespmem:s24+$0x30]  }
0x291: {  	v11 =	vld [tilespmem:s24+$0x0];
	v8 =	vand.u32 $0xFFFF, v2  }
0x292: {  	v14 =	vld [tilespmem:s24+$0xFFFFFFE0];
	v13 =	vand.u32 $0xFFFF, v5  }
0x293: {  	v12 =	vld [tilespmem:s24+$0xFFFFFFF0];
	v15 =	vand.u32 $0xFFFF, v4  }
0x294: {  	v1 =	vshrl.u32 v1, $0x10;
	v3 =	vld.idx.msk [tilespmem:v3+s23+$0x0], $0xffff  }
0x295: {  	v16 =	vld [tilespmem:s24+$0xFFFFFFD0];
	v17 =	vand.u32 $0xFFFF, v6  }
0x296: {  	v19 =	vand.u32 $0xFFFF, v11;
	v8 =	vld.idx.msk [tilespmem:v8+s23+$0x0], $0xffff  }
0x297: {  	v21 =	vand.u32 $0xFFFF, v14;
	v13 =	vld.idx.msk [tilespmem:v13+s23+$0x0], $0xffff  }
0x298: {  	v18 =	vand.u32 $0xFFFF, v10;
	v15 =	vld.idx.msk [tilespmem:v15+s23+$0x0], $0xffff  }
0x299: {  	[tilespmem:v1+s20+$0x0] =	vst.idx.add.f32.msk $0xffff, v3;
	v3 =	vand.u32 $0xFFFF, v12  }
0x29a: {  	v5 =	vshrl.u32 v5, $0x10;
	v17 =	vld.idx.msk [tilespmem:v17+s23+$0x0], $0xffff  }
0x29b: {  	v20 =	vshrl.u32 v2, $0x10;
	v60 =	vld.idx.msk [tilespmem:v19+s23+$0x0], $0xffff  }
0x29c: {  	v4 =	vshrl.u32 v4, $0x10;
	v63 =	vld.idx.msk [tilespmem:v21+s23+$0x0], $0xffff  }
0x29d: {  	v61 =	vand.u32 $0xFFFF, v16;
	v1 =	vld.idx.msk [tilespmem:v18+s23+$0x0], $0xffff  }
0x29e: {  	v2 =	vld.idx.msk [tilespmem:v3+s23+$0x0], $0xffff;
	v3 =	vand.u32 $0xFFFF, v9  }
0x29f: {  	v14 =	vshrl.u32 v14, $0x10;
	[tilespmem:v5+s20+$0x0] =	vst.idx.add.f32.msk $0xffff, v13  }
0x2a0: {  	v11 =	vshrl.u32 v11, $0x10;
	[tilespmem:v20+s20+$0x0] =	vst.idx.add.f32.msk $0xffff, v8  }
0x2a1: {  	v5 =	vshrl.u32 v6, $0x10;
	[tilespmem:v4+s20+$0x0] =	vst.idx.add.f32.msk $0xffff, v15  }
0x2a2: {  	v62 =	vand.u32 $0xFFFF, v7;
	v6 =	vld.idx.msk [tilespmem:v61+s23+$0x0], $0xffff  }
0x2a3: {  	v8 =	vld.idx.msk [tilespmem:v3+s23+$0x0], $0xffff;
	v3 =	vshrl.u32 v16, $0x10  }
0x2a4: {  	[tilespmem:v14+s20+$0x0] =	vst.idx.add.f32.msk $0xffff, v63;
	v9 =	vshrl.u32 v9, $0x10  }
0x2a5: {  	v4 =	vshrl.u32 v10, $0x10;
	[tilespmem:v11+s20+$0x0] =	vst.idx.add.f32.msk $0xffff, v60  }
0x2a6: {  	[tilespmem:v5+s20+$0x0] =	vst.idx.add.f32.msk $0xffff, v17  }
0x2a7: {  	s25 =	simm.s32 $0x0;
	s26 =	simm.s32 $0xC0;
	v7 =	vshrl.u32 v7, $0x10;
	v10 =	vshrl.u32 v12, $0x10;
	v5 =	vld.idx.msk [tilespmem:v62+s23+$0x0], $0xffff  }
.LBB2_32:
0x2a8: {  	s28 =	sand.u32 $0x7FC0, s26;
	s25 =	sadd.s32 $0xC, s25;
	[tilespmem:v3+s20+$0x0] =	vst.idx.add.f32.msk $0xffff, v6;
	s24 =	sadd.s32 $0xC0, s24  }
0x2a9: {  	p0 =	slt.u32 s25, $0x4D4;
	[tilespmem:v9+s20+$0x0] =	vst.idx.add.f32.msk $0xffff, v8  }
0x2aa: {  	[tilespmem:v4+s20+$0x0] =	vst.idx.add.f32.msk $0xffff, v1  }
0x2ab: {  	v1 =	vld [tilespmem:s28+$0x9E00]  }
0x2ac: {  	[tilespmem:v7+s20+$0x0] =	vst.idx.add.f32.msk $0xffff, v5  }
0x2ad: {  	[tilespmem:v10+s20+$0x0] =	vst.idx.add.f32.msk $0xffff, v2  }
0x2ae: {  	v5 =	vld [tilespmem:s24+$0xFFFFFFB0]  }
0x2af: {  	v6 =	vld [tilespmem:s24+$0xFFFFFFC0]  }
0x2b0: {  	v2 =	vld [tilespmem:s24+$0xFFFFFFA0];
	v3 =	vand.u32 $0xFFFF, v1  }
0x2b1: {  	v4 =	vld [tilespmem:s24+$0x50]  }
0x2b2: {  	v7 =	vld [tilespmem:s24+$0x40]  }
0x2b3: {  	v8 =	vld [tilespmem:s24+$0x10]  }
0x2b4: {  	v9 =	vld [tilespmem:s24+$0x30]  }
0x2b5: {  	v10 =	vand.u32 $0xFFFF, v2;
	v3 =	vld.idx.msk [tilespmem:v3+s23+$0x0], $0xffff  }
0x2b6: {  	v1 =	vshrl.u32 v1, $0x10;
	v11 =	vld [tilespmem:s24+$0x0]  }
0x2b7: {  	v12 =	vld [tilespmem:s24+$0xFFFFFFF0];
	v13 =	vand.u32 $0xFFFF, v7  }
0x2b8: {  	v15 =	vand.u32 $0xFFFF, v4;
	v14 =	vld [tilespmem:s24+$0xFFFFFFE0]  }
0x2b9: {  	v16 =	vld [tilespmem:s24+$0xFFFFFFD0];
	v17 =	vand.u32 $0xFFFF, v9  }
0x2ba: {  	v18 =	vand.u32 $0xFFFF, v8;
	v10 =	vld.idx.msk [tilespmem:v10+s23+$0x0], $0xffff  }
0x2bb: {  	v19 =	vand.u32 $0xFFFF, v11;
	[tilespmem:v1+s20+$0x0] =	vst.idx.add.f32.msk $0xffff, v3  }
0x2bc: {  	v20 =	vand.u32 $0xFFFF, v12;
	v13 =	vld.idx.msk [tilespmem:v13+s23+$0x0], $0xffff  }
0x2bd: {  	v7 =	vshrl.u32 v7, $0x10;
	v15 =	vld.idx.msk [tilespmem:v15+s23+$0x0], $0xffff  }
0x2be: {  	v21 =	vshrl.u32 v2, $0x10;
	v22 =	vand.u32 $0xFFFF, v14;
	v17 =	vld.idx.msk [tilespmem:v17+s23+$0x0], $0xffff  }
0x2bf: {  	v3 =	vshrl.u32 v16, $0x10;
	v16 =	vand.u32 $0xFFFF, v16;
	v1 =	vld.idx.msk [tilespmem:v18+s23+$0x0], $0xffff  }
0x2c0: {  	v23 =	vshrl.u32 v4, $0x10;
	v18 =	vand.u32 $0xFFFF, v6;
	v19 =	vld.idx.msk [tilespmem:v19+s23+$0x0], $0xffff  }
0x2c1: {  	v24 =	vand.u32 $0xFFFF, v5;
	v2 =	vld.idx.msk [tilespmem:v20+s23+$0x0], $0xffff  }
0x2c2: {  	[tilespmem:v7+s20+$0x0] =	vst.idx.add.f32.msk $0xffff, v13  }
0x2c3: {  	v4 =	vshrl.u32 v8, $0x10;
	[tilespmem:v21+s20+$0x0] =	vst.idx.add.f32.msk $0xffff, v10;
	v10 =	vshrl.u32 v9, $0x10  }
0x2c4: {  	v13 =	vld.idx.msk [tilespmem:v22+s23+$0x0], $0xffff  }
0x2c5: {  	v14 =	vshrl.u32 v14, $0x10;
	[tilespmem:v23+s20+$0x0] =	vst.idx.add.f32.msk $0xffff, v15  }
0x2c6: {  	v11 =	vshrl.u32 v11, $0x10;
	v9 =	vshrl.u32 v6, $0x10;
	v6 =	vld.idx.msk [tilespmem:v16+s23+$0x0], $0xffff  }
.Ltmp15:
0x2c7: {  	v7 =	vshrl.u32 v5, $0x10;
	v8 =	vld.idx.msk [tilespmem:v18+s23+$0x0], $0xffff;
	(pc) =	sbr.rel @p0 .LBB2_32-.Ltmp15, $4  }
0x2c8: {  	[tilespmem:v10+s20+$0x0] =	vst.idx.add.f32.msk $0xffff, v17  }
0x2c9: {  	v5 =	vld.idx.msk [tilespmem:v24+s23+$0x0], $0xffff  }
0x2ca: {  	[tilespmem:v14+s20+$0x0] =	vst.idx.add.f32.msk $0xffff, v13  }
0x2cb: {  	s26 =	sadd.s32 $0xC0, s26;
	v10 =	vshrl.u32 v12, $0x10;
	[tilespmem:v11+s20+$0x0] =	vst.idx.add.f32.msk $0xffff, v19  }
0x2cc: {  	_ =	sdelay $0x3  }
0x2cd: {  	[tilespmem:v3+s20+$0x0] =	vst.idx.add.f32.msk $0xffff, v6  }
0x2ce: {  	[tilespmem:v9+s20+$0x0] =	vst.idx.add.f32.msk $0xffff, v8  }
0x2cf: {  	[tilespmem:v4+s20+$0x0] =	vst.idx.add.f32.msk $0xffff, v1  }
0x2d0: {  	[tilespmem:v10+s20+$0x0] =	vst.idx.add.f32.msk $0xffff, v2  }
0x2d1: {  	[tilespmem:v7+s20+$0x0] =	vst.idx.add.f32.msk $0xffff, v5  }
.LBB2_34:
0x2d2: {  	s24 =	sshra.s32 s23, $0x2  }
0x2d3: {  	v1 =	vld [tilespmem:s24+$0xEB80];
	_ =	sdelay $0x4  }
0x2d4: {  	v2 =	vand.u32 $0xFFFF, v1;
	_ =	sdelay $0x4  }
0x2d5: {  	p0 =	sne.s32 s23, $0x40;
	v1 =	vshrl.u32 v1, $0x10;
	v2 =	vld.idx.msk [tilespmem:v2+s2+$0x0], $0xffff  }
.Ltmp16:
0x2d6: {  	_ = 	snop;
	(pc) =	sbr.rel @p0 .LBB2_34-.Ltmp16, $2  }
0x2d7: {  	_ =	sdelay $0x2  }
0x2d8: {  	s23 =	sadd.s32 $0x40, s23;
	[tilespmem:v1+s20+$0x0] =	vst.idx.add.f32.msk $0xffff, v2  }
0x2d9: {  	s22 =	sadd.s32 $0x1, s22  }
0x2da: {  	p0 =	sne.s32 s22, s13  }
.Ltmp17:
0x2db: {  	_ = 	snop;
	(pc) =	sbr.rel @p0 .LBB2_1-.Ltmp17, $4  }
0x2dc: {  	[hbm4b:s12+s15] =	stream.strided.scatter [tilespmem:s20], [sflag:$0x3], $0x2780, s16, s15, $0x38;
	[tilespmem:$0xEC00] =	vst v63  }
0x2dd: {  	_ =	swait.ge [sflag:s17], $0x2780  }
0x2de: {  	[sflag:s17] =	ssyncset.done $0x0  }
0x2df: {  	[sflag:s17] =	ssyncadd.s32 $0xFFFFD880  }
0x2e0: {  	_ =	sfence.sel $0x180000  }
0x2e1: {  	[bflag:$0x0] =	sbarrier.arrive $0xFFFF  }
0x2e2: {  	p0 =	sne.s32 s0, $0x0;
	_ =	strace $0x9000004A  }
0x2e3: {  	s0 =	sadd.s32 @!p0 $0x100000, s1;
	[bflag:$0x2] =	sbarrier.arrive $0xFFFF  }
0x2e4: {  	[sflag:s0] =	ssyncadd.tile.s32 @!p0 $0x1;
	_ =	shalt  }
.Lfunc_end2:
_tile_overlayer_lowered:
.L_overlay_start_2:
0x2e5: {  	(tag) =	ssettag $0x2  }
0x2e6: {  	s0 =	rddreg [dreg:$0x0];
	s2 =	stileid.u32  }
0x2e7: {  	s1 =	rddreg [dreg:$0x1];
	p0 =	sne.s32 s2, $0x0  }
0x2e8: {  	s3 =	rddreg [dreg:$0x2];
	[bflag:$0x3] =	sbarrier.arrive $0xFFFF;
	s2 =	simm.s32 @!p0 $0x1C03  }
0x2e9: {  	[timem:s3], [sflag:s2] =	dma.local @!p0 [hbm:s0], s1  }
0x2ea: {  	s0 =	simm.s32 @!p0 $0x3  }
0x2eb: {  	_ =	swait.ge @!p0 [sflag:s0], s1  }
0x2ec: {  	s1 =	ssub.s32 @!p0 $0x0, s1;
	[sflag:s0] =	ssyncset.done @!p0 $0x0  }
0x2ed: {  	[sflag:s0] =	ssyncadd.s32 @!p0 s1  }
0x2ee: {  	[bflag:$0x3] =	sbarrier.arrive $0xFFFF  }
0x2ef: {  	_ =	shalt  }

// kernel: kernel.7.cloned.1.call-start
scs
__scs_entry_jumppad:
0x0: {  	(pc) =	sbr.rel $0x88, $3  }
0x1: {  	(tag) =	ssettag $0x0;
	lr =	simm.s32 $0x1  }
0x2: {  	[smem:$0x3F99] =	sst lr;
	_ =	strace $0xD0000000  }
0x3: {  	_ = 	snop  }
0x4: {  	_ = 	snop  }
0x5: {  	_ = 	snop  }
0x6: {  	_ = 	snop  }
0x7: {  	_ = 	snop  }
__scs_overlays_trampoline_lowered:
0x8: {  	[smem:$0x3FA8] =	sst s0  }
0x9: {  	[smem:$0x3FA9] =	sst s1  }
0xa: {  	[smem:$0x3FAA] =	sst s2  }
0xb: {  	[smem:$0x3FAB] =	sst s3  }
0xc: {  	[smem:$0x3FAC] =	sst s4  }
0xd: {  	[smem:$0x3FAD] =	sst s5  }
0xe: {  	[smem:$0x3FAE] =	sst s6  }
0xf: {  	[smem:$0x3FAF] =	sst s7  }
0x10: {  	[smem:$0x3FB0] =	sst s8  }
0x11: {  	[smem:$0x3FB1] =	sst s9;
	s0 =	simm.s32 @!p0 $0x0  }
0x12: {  	s1 =	sld [smem:$0x3F97];
	s0 =	simm.s32 @p0 $0x1  }
0x13: {  	[smem:$0x3FB2] =	sst s0;
	s0 =	simm.s32 @!p1 $0x0  }
0x14: {  	s2 =	sld [smem:$0x3F96];
	s0 =	simm.s32 @p1 $0x1  }
0x15: {  	[smem:$0x3FB3] =	sst s0;
	s0 =	simm.s32 @!p2 $0x0  }
0x16: {  	s3 =	sld [smem:$0x3FDB];
	s0 =	simm.s32 @p2 $0x1  }
0x17: {  	s4 =	simm.s32 $0x1BF5;
	[smem:$0x3FB5] =	sst s0  }
0x18: {  	s0 =	sld [smem:$0x3F98];
	_ =	swait.ge [sflag:s4], $0x0  }
0x19: {  	s7 =	sld [smem:$0x3F99]  }
0x1a: {  	s8 =	sadd.s32 $0xFFFFE003, lr  }
0x1b: {  	s9 =	sadd.s32 $0xFFFFFEF7, lr;
	s5 =	simm.s32 $0xFFFFFFFF;
	p2 =	slt.u32 s8, $0xFFFFF086  }
0x1c: {  	p1 =	slt.u32 s9, $0xF7A;
	s5 =	simm.s32 @!p2 $0x0  }
0x1d: {  	s5 =	simm.s32 @p1 $0x1;
	p0 =	seq.s32 s7, s2  }
0x1e: {  	s7 =	smul.u32 @!p0 $0xF7A, s2;
	p2 =	seq.s32 @!p0 s5, $0x0  }
0x1f: {  	s9 =	smul.u32 $0xF7A, s1;
	s8 =	simm.s32 @!p0 $0x1BF5;
	p2 =	por !p2, p0  }
0x20: {  	[sflag:s8] =	ssyncset.s32 @!p0 $0xFFFFF086;
	s6 =	sadd.s32 @!p0 s3, s7;
	s7 =	simm.s32 @!p0 $0x108  }
0x21: {  	s3 =	sadd.s32 s3, s9;
	s6 =	sadd.s32 @!p0 $0x88, s6;
	s7 =	simm.s32 @p2 $0x1082  }
0x22: {  	[simem:s7], [sflag:s8] =	dma.local @!p0 [hbm:s6], $0xF7A  }
0x23: {  	s9 =	sor.u32 $0xD0000000, s2;
	s6 =	simm.s32 $0x108;
	_ =	swait.ge @!p0 [sflag:s8], $0x0  }
0x24: {  	s3 =	sadd.s32 $0x88, s3;
	s6 =	simm.s32 @!p1 $0x1082;
	[sflag:s4] =	ssyncset.s32 $0xFFFFF086  }
0x25: {  	[simem:s6], [sflag:s4] =	dma.local [hbm:s3], $0xF7A  }
0x26: {  	[smem:$0x3F99] =	sst s1;
	(tag) =	ssettag s2;
	_ =	strace s9  }
0x27: {  	s1 =	sld [smem:$0x3FA9]  }
0x28: {  	s2 =	sld [smem:$0x3FAA]  }
0x29: {  	s4 =	sld [smem:$0x3FAC]  }
0x2a: {  	p0 =	seq.s32 s5, $0x0;
	s5 =	sld [smem:$0x3FAD]  }
0x2b: {  	s6 =	sld [smem:$0x3FAE]  }
0x2c: {  	s7 =	sld [smem:$0x3FAF]  }
0x2d: {  	s3 =	simm.s32 $0x108;
	s8 =	sld [smem:$0x3FB0]  }
0x2e: {  	s3 =	simm.s32 @!p0 $0x1082;
	s9 =	sld [smem:$0x3FB1]  }
0x2f: {  	lr =	sadd.s32 s0, s3;
	s0 =	sld [smem:$0x3FA8]  }
0x30: {  	s3 =	sld [smem:$0x3FAB]  }
0x31: {  	[smem:$0x3FB4] =	sst s10  }
0x32: {  	s10 =	sld [smem:$0x3FB2];
	_ =	sdelay $0x3  }
0x33: {  	p0 =	seq.s32 s10, $0x1;
	s10 =	sld [smem:$0x3FB4];
	_ =	sdelay $0x3  }
0x34: {  	[smem:$0x3FB4] =	sst s10  }
0x35: {  	s10 =	sld [smem:$0x3FB3];
	_ =	sdelay $0x3  }
0x36: {  	p1 =	seq.s32 s10, $0x1;
	s10 =	sld [smem:$0x3FB4];
	_ =	sdelay $0x3  }
0x37: {  	[smem:$0x3FB4] =	sst s10  }
0x38: {  	s10 =	sld [smem:$0x3FB5]  }
0x39: {  	_ = 	snop;
	(pc) =	sbr.ind lr, $3  }
0x3a: {  	_ = 	snop  }
0x3b: {  	_ = 	snop  }
0x3c: {  	p2 =	seq.s32 s10, $0x1;
	s10 =	sld [smem:$0x3FB4]  }
0x3d: {  	_ =	shalt  }
0x3e: {  	_ =	shalt  }
0x3f: {  	_ =	shalt  }
0x40: {  	_ =	shalt  }
0x41: {  	_ =	shalt  }
0x42: {  	_ =	shalt  }
0x43: {  	_ =	shalt  }
0x44: {  	_ =	shalt  }
0x45: {  	_ =	shalt  }
0x46: {  	_ =	shalt  }
0x47: {  	_ =	shalt  }
0x48: {  	_ =	shalt  }
0x49: {  	_ =	shalt  }
0x4a: {  	_ =	shalt  }
0x4b: {  	_ =	shalt  }
0x4c: {  	_ =	shalt  }
0x4d: {  	_ =	shalt  }
0x4e: {  	_ =	shalt  }
0x4f: {  	_ =	shalt  }
0x50: {  	_ =	shalt  }
0x51: {  	_ =	shalt  }
0x52: {  	_ =	shalt  }
0x53: {  	_ =	shalt  }
0x54: {  	_ =	shalt  }
0x55: {  	_ =	shalt  }
0x56: {  	_ =	shalt  }
0x57: {  	_ =	shalt  }
0x58: {  	_ =	shalt  }
0x59: {  	_ =	shalt  }
0x5a: {  	_ =	shalt  }
0x5b: {  	_ =	shalt  }
0x5c: {  	_ =	shalt  }
0x5d: {  	_ =	shalt  }
0x5e: {  	_ =	shalt  }
0x5f: {  	_ =	shalt  }
0x60: {  	_ =	shalt  }
0x61: {  	_ =	shalt  }
0x62: {  	_ =	shalt  }
0x63: {  	_ =	shalt  }
0x64: {  	_ =	shalt  }
0x65: {  	_ =	shalt  }
0x66: {  	_ =	shalt  }
0x67: {  	_ =	shalt  }
0x68: {  	_ =	shalt  }
0x69: {  	_ =	shalt  }
0x6a: {  	_ =	shalt  }
0x6b: {  	_ =	shalt  }
0x6c: {  	_ =	shalt  }
0x6d: {  	_ =	shalt  }
0x6e: {  	_ =	shalt  }
0x6f: {  	_ =	shalt  }
0x70: {  	_ =	shalt  }
0x71: {  	_ =	shalt  }
0x72: {  	_ =	shalt  }
0x73: {  	_ =	shalt  }
0x74: {  	_ =	shalt  }
0x75: {  	_ =	shalt  }
0x76: {  	_ =	shalt  }
0x77: {  	_ =	shalt  }
0x78: {  	_ =	shalt  }
0x79: {  	_ =	shalt  }
0x7a: {  	_ =	shalt  }
0x7b: {  	_ =	shalt  }
0x7c: {  	_ =	shalt  }
0x7d: {  	_ =	shalt  }
0x7e: {  	_ =	shalt  }
0x7f: {  	_ =	shalt  }
0x80: {  	_ =	shalt  }
0x81: {  	_ =	shalt  }
0x82: {  	_ =	shalt  }
0x83: {  	_ =	shalt  }
0x84: {  	_ =	shalt  }
0x85: {  	_ =	shalt  }
0x86: {  	_ =	shalt  }
0x87: {  	_ =	shalt  }
.Lfunc_end0:
.L_simem_size_0:
called_computation_lowered:
.L_overlay_start_0:
0x88: {  	s2 =	sld [smem:$0x3FD9]  }
0x89: {  	s3 =	sld [smem:$0x3FFE];
	_ =	sdelay $0x1  }
0x8a: {  	s1 =	srdreg.scid  }
0x8b: {  	s0 =	sand.u32 $0x1, s1  }
0x8c: {  	s16 =	sshll.u32 s0, $0xA;
	s2 =	sadd.s32 s3, s2  }
0x8d: {  	s2 =	sadd.s32 s2, s16  }
0x8e: {  	[smem:$0x3FC0] =	sst s2  }
0x8f: {  	_ = 	snop  }
0x90: {  	(tm) =	ssettm $0x1  }
0x91: {  	s17 =	sld [smem:$0x3FFB];
	_ =	sdelay $0x3  }
0x92: {  	_ =	strace s17  }
0x93: {  	s2 =	sld [smem:$0x3FFC];
	_ =	sdelay $0x3  }
0x94: {  	_ =	strace s2  }
0x95: {  	s2 =	sld [smem:$0x3FFD];
	_ =	sdelay $0x3  }
0x96: {  	_ =	strace s2  }
0x97: {  	_ =	strace $0x8FFFFFFF  }
0x98: {  	s18 =	sld [smem:$0x3FDB];
	_ =	sdelay $0x1  }
0x99: {  	s19 =	simm.s32 $_scs_section_size  }
0x9a: {  	s4 =	simm.s32 $_size__tile_overlayer_lowered;
	s5 =	simm.s32 $_tile_overlayer_lowered  }
0x9b: {  	s22 =	simm.s32 $0x1BFF;
	s21 =	sshll.u32 s5, $0x1;
	s2 =	sadd.s32 s19, s18  }
0x9c: {  	s6 =	simm.s32 $0x0;
	s20 =	sshll.u32 s4, $0x1;
	s4 =	sadd.s32 s21, s2  }
0x9d: {  	[timem:s6], [sflag:s22] =	dma.local [hbm:s4], s20  }
0x9e: {  	_ =	swait.ge [sflag:s22], s20  }
0x9f: {  	s3 =	ssub.s32 $0x0, s20;
	[sflag:s22] =	ssyncset.done $0x0  }
0xa0: {  	[sflag:s22] =	ssyncadd.s32 s3;
	_ =	sdelay $0x1  }
0xa1: {  	s23 =	simm.s32 $0x1B8B  }
0xa2: {  	_ =	swait.ge [sflag:s23], $0x1  }
0xa3: {  	[sflag:s23] =	ssyncset.done $0x0  }
0xa4: {  	s25 =	simm.s32 $0x1B8E;
	s24 =	sld [smem:$0x3FFE];
	[sflag:s23] =	ssyncadd.s32 $0xFFFFFFFF  }
0xa5: {  	s26 =	simm.s32 $execute0_lowered;
	[smem:$0x3FD2] =	sst s25  }
0xa6: {  	s4 =	sshll.u32 s26, $0x1;
	_ =	strace $0x80000046;
	[dreg:$0x1] =	wrdreg $0xFFFFFFFF  }
0xa7: {  	s28 =	simm.s32 $_size_execute0_lowered;
	s2 =	sadd.s32 s2, s4;
	[dreg:$0x0] =	wrdreg $0x0  }
0xa8: {  	s4 =	sshll.u32 s28, $0x1;
	[dreg:$0x2] =	wrdreg s2  }
0xa9: {  	[dreg:$0x3] =	wrdreg s4  }
0xaa: {  	[dreg:$0x4] =	wrdreg $0xC0  }
0xab: {  	_ =	task [dreg:s6], $0x5FFFF  }
0xac: {  	[dreg:$0x1] =	wrdreg $0xFFFFFFFF  }
0xad: {  	[dreg:$0x0] =	wrdreg $0x60  }
0xae: {  	[dreg:$0x2] =	wrdreg s24  }
0xaf: {  	[dreg:$0x3] =	wrdreg $0x166800  }
0xb0: {  	[dreg:$0x4] =	wrdreg $0x18E800  }
0xb1: {  	[dreg:$0x5] =	wrdreg $0x9  }
0xb2: {  	_ =	task.clear_ibuf [dreg:s6], $0x6FFFF;
	_ =	strace $0x90000046  }
0xb3: {  	s29 =	simm.s32 $0x9;
	_ =	strace $0x80000048  }
0xb4: {  	_ =	swait.ge [sflag:s29], $0x1  }
0xb5: {  	[sflag:s29] =	ssyncadd.s32 $0xFFFFFFFF  }
0xb6: {  	_ =	strace $0x90000048  }
0xb7: {  	_ =	sfence  }
0xb8: {  	s30 =	sld [smem:$0x0];
	_ =	sdelay $0x2  }
0xb9: {  	s31 =	sshll.u32 s1, $0xD;
	s1 =	sshrl.u32 s1, $0x2  }
0xba: {  	s3 =	sand.u32 $0x4000, s31;
	s1 =	sadd.s32 s1, s30  }
0xbb: {  	s0 =	sor.u32 s3, s0;
	s1 =	sshll.u32 s1, $0x11  }
0xbc: {  	s0 =	sor.u32 s1, s0  }
0xbd: {  	s0 =	sadd.s32 $0x8F2B, s0  }
0xbe: {  	[sflag:s0] =	ssyncadd.remote.s32 $0x1  }
0xbf: {  	_ =	sfence.sel $0xFFFF  }
0xc0: {  	[dreg:$0x0] =	wrdreg $0xFFFFFFFF;
	(pc) =	sbr.abs _section_cstart, $3  }
0xc1: {  	[dreg:$0x1] =	wrdreg $0xFFFFFFFF  }
0xc2: {  	_ =	task.clear_ibuf [dreg:s6], $0x2FFFF;
	_ =	strace $0x9FFFFFFF  }
0xc3: {  	(tm) =	ssettm $0x7FFFFFFF  }
tec
execute0_lowered:
.L_overlay_start_1:
0x0: {  	(tag) =	ssettag $0x1  }
0x1: {  	s3 =	rddreg [dreg:$0x0]  }
0x2: {  	s4 =	rddreg [dreg:$0x1]  }
0x3: {  	s13 =	stileid.u32;
	s14 =	rddreg [dreg:$0x2]  }
0x4: {  	s0 =	srdreg.scid;
	s8 =	smul.u32 $0x280, s13  }
0x5: {  	s15 =	simm.s32 $0x0;
	s5 =	sshrl.u32 s13, $0x3;
	s12 =	smul.u32 $0x9C4, s13  }
0x6: {  	s0 =	sand.u32 $0x1, s0;
	s2 =	sshll.u32 s13, $0x7;
	s24 =	smul.u32 $0x5000, s13  }
0x7: {  	[smem:$0x7FF] =	sst s15;
	s26 =	sand.u32 $0x7, s13;
	s1 =	smul.u32 $0x13C00, s5  }
0x8: {  	s28 =	sadd.s32 $0x1, s13;
	s30 =	sadd.s32 $0x2, s13;
	s6 =	smul.u32 $0x27800, s0  }
0x9: {  	s20 =	sadd.s32 $0x5, s13;
	s7 =	sand.u32 $0x380, s2;
	s5 =	smul.u32 $0x50000, s5  }
0xa: {  	_ =	strace $0x80000047;
	s23 =	ssub.s32 $0x2, s0;
	s10 =	smul.u32 $0x27100, s0  }
0xb: {  	s29 =	smul.u32 $0x4E20, s26;
	s19 =	sxor.u32 $0x4, s26;
	p0 =	sne.s32 s0, $0x0  }
0xc: {  	s22 =	sshrl.u32 s8, $0x3;
	s11 =	sshrl.u32 s23, $0x1;
	s25 =	sshrl.u32 s24, $0x2  }
0xd: {  	s8 =	sadd.s32 s8, s14;
	s14 =	sadd.s32 $0x3, s13;
	s2 =	sor.u32 s7, s1  }
0xe: {  	s1 =	sadd.s32 s6, s1;
	s5 =	sshrl.u32 s5, $0x2;
	[dreg:$0x10] =	wrdreg s8  }
0xf: {  	s8 =	sand.u32 $0x7, s14;
	s2 =	sshrl.u32 s2, $0x3;
	s6 =	sor.u32 s7, s1  }
0x10: {  	s1 =	sadd.s32 $0x2C00, s3;
	s5 =	sadd.s32 s5, s4;
	s4 =	sadd.s32 s25, s4  }
0x11: {  	s8 =	smul.u32 $0x4E20, s8;
	s9 =	sadd.s32 s2, s3;
	s21 =	sshrl.u32 s6, $0x3  }
0x12: {  	s6 =	ssub.s32 s23, s11;
	s12 =	sadd.s32 s1, s12;
	s5 =	sadd.s32 s7, s5  }
0x13: {  	[dreg:$0xf] =	wrdreg s4;
	s11 =	sadd.s32 s10, s29;
	s2 =	sadd.s32 s21, s3  }
0x14: {  	s3 =	sadd.s32 s22, s3;
	[dreg:$0xc] =	wrdreg s12;
	s9 =	sadd.s32 $0xCA00, s9  }
0x15: {  	[dreg:$0xe] =	wrdreg s5;
	s12 =	sshrl.u32 s11, $0x3;
	s18 =	sadd.s32 s10, s8  }
0x16: {  	s21 =	sadd.s32 $0x6, s13;
	s22 =	sadd.s32 $0xFFFFFFFF, s13;
	[dreg:$0xd] =	wrdreg s9  }
0x17: {  	s9 =	sand.u32 $0x7, s28;
	s3 =	sadd.s32 $0x1B800, s3;
	s7 =	sand.u32 $0x7, s21  }
0x18: {  	s8 =	sand.u32 $0x7, s22;
	s31 =	smul.u32 $0x4E20, s9;
	s9 =	sand.u32 $0x7, s30  }
0x19: {  	[dreg:$0x11] =	wrdreg s3;
	s3 =	sadd.s32 s1, s12;
	s7 =	smul.u32 $0x4E20, s7  }
0x1a: {  	s8 =	smul.u32 $0x4E20, s8;
	s30 =	sadd.s32 $0x11A00, s2;
	s2 =	simm.s32 $0x2780  }
0x1b: {  	s5 =	smul.u32 $0x4E20, s9;
	[dreg:$0x12] =	wrdreg s3;
	s3 =	sshrl.u32 s18, $0x3  }
0x1c: {  	[dreg:$0x1a] =	wrdreg s30;
	s9 =	simm.s32 $0x4;
	s4 =	sadd.s32 s10, s31  }
0x1d: {  	s3 =	sadd.s32 s1, s3;
	s25 =	sadd.s32 s10, s7;
	s26 =	sadd.s32 s10, s8  }
0x1e: {  	s31 =	smax.u32 s6, $0x1;
	s5 =	sadd.s32 s10, s5;
	s4 =	sshrl.u32 s4, $0x3  }
0x1f: {  	s6 =	simm.s32 $0x4F00;
	s5 =	sshrl.u32 s5, $0x3;
	s16 =	sadd.s32 s1, s4  }
0x20: {  	s4 =	smul.u32 $0x4E20, s19;
	s17 =	sadd.s32 s1, s5;
	s5 =	sand.u32 $0x7, s20  }
0x21: {  	s7 =	simm.s32 $0x1;
	[dreg:$0x15] =	wrdreg s3;
	s5 =	smul.u32 $0x4E20, s5  }
0x22: {  	s8 =	simm.s32 $0xEC00;
	[dreg:$0x1b] =	wrdreg s31;
	s4 =	sadd.s32 s10, s4  }
0x23: {  	[dreg:$0x13] =	wrdreg s16;
	s4 =	sshrl.u32 s4, $0x3;
	s24 =	sadd.s32 s10, s5  }
0x24: {  	[dreg:$0x14] =	wrdreg s17;
	s23 =	sadd.s32 s1, s4;
	s3 =	sshrl.u32 s24, $0x3  }
0x25: {  	s28 =	sshrl.u32 s25, $0x3;
	[dreg:$0x16] =	wrdreg s23;
	s3 =	sadd.s32 s1, s3  }
0x26: {  	s29 =	sshrl.u32 s26, $0x3;
	[dreg:$0x17] =	wrdreg s3;
	s3 =	sadd.s32 s1, s28  }
0x27: {  	s4 =	simm.s32 $0x80;
	s1 =	sadd.s32 s1, s29;
	[dreg:$0x18] =	wrdreg s3  }
0x28: {  	v0 =	vimm.f32 $0.0e+00;
	v1 =	vimm.f32 $1.000000000e+00;
	s5 =	simm.s32 $0x400;
	[dreg:$0x19] =	wrdreg s1;
	s1 =	simm.s32 $0x0  }
.LBB2_1:
0x29: {  	[dreg:$0x1c] =	wrdreg s1  }
0x2a: {  	s0 =	rddreg [dreg:$0xc]  }
0x2b: {  	[tilespmem:s6], [sflag:$0x1] =	stream.linear.gather [hbm4b:s0+s15], $0x4E20, $0x38;
	[tilespmem:$0x19100] =	vst v63  }
0x2c: {  	s31 =	rddreg [dreg:$0xd];
	s1 =	simm.s32 $0xEC40  }
0x2d: {  	[tilespmem:s15], [sflag:$0x3] =	stream.strided.gather [hbm4b:s31+s4], $0x2780, s5, s4, $0x38;
	[tilespmem:$0x19100] =	vst v63  }
0x2e: {  	[tilespmem:s1+$0xFFFFFFC0] =	vst v0  }
0x2f: {  	[tilespmem:s1+$0x30] =	vst v0  }
0x30: {  	[tilespmem:s1+$0x20] =	vst v0  }
0x31: {  	[tilespmem:s1+$0x10] =	vst v0  }
0x32: {  	[tilespmem:s1+$0x0] =	vst v0  }
0x33: {  	[tilespmem:s1+$0xFFFFFFF0] =	vst v0  }
0x34: {  	s3 =	simm.s32 $0x0;
	[tilespmem:s1+$0xFFFFFFE0] =	vst v0  }
.LBB2_2:
0x35: {  	s3 =	sadd.s32 $0x8, s3;
	[tilespmem:s1+$0xFFFFFFD0] =	vst v0;
	s1 =	sadd.s32 $0x80, s1;
	s0 =	simm.s32 $0x27C0  }
0x36: {  	[tilespmem:s1+$0xFFFFFFC0] =	vst v0;
	p1 =	slt.u32 s3, $0x278  }
0x37: {  	[tilespmem:s1+$0x30] =	vst v0  }
.Ltmp0:
0x38: {  	[tilespmem:s1+$0x20] =	vst v0;
	(pc) =	sbr.rel @p1 .LBB2_2-.Ltmp0, $4  }
0x39: {  	[tilespmem:s1+$0x10] =	vst v0  }
0x3a: {  	[tilespmem:s1+$0x0] =	vst v0  }
0x3b: {  	[tilespmem:s1+$0xFFFFFFF0] =	vst v0  }
0x3c: {  	[tilespmem:s1+$0xFFFFFFE0] =	vst v0  }
0x3d: {  	[tilespmem:s1+$0xFFFFFFD0] =	vst v0  }
0x3e: {  	[tilespmem:s0+$0xFFFFFFC0] =	vst v0  }
0x3f: {  	[tilespmem:s0+$0x30] =	vst v0  }
0x40: {  	[tilespmem:s0+$0x20] =	vst v0  }
0x41: {  	[tilespmem:s0+$0x10] =	vst v0  }
0x42: {  	[tilespmem:s0+$0x0] =	vst v0  }
0x43: {  	[tilespmem:s0+$0xFFFFFFF0] =	vst v0  }
0x44: {  	s1 =	simm.s32 $0x0;
	[tilespmem:s0+$0xFFFFFFE0] =	vst v0  }
.LBB2_4:
0x45: {  	s1 =	sadd.s32 $0x8, s1;
	[tilespmem:s0+$0xFFFFFFD0] =	vst v0;
	s0 =	sadd.s32 $0x80, s0  }
0x46: {  	[tilespmem:s0+$0xFFFFFFC0] =	vst v0;
	p1 =	slt.u32 s1, $0x268  }
0x47: {  	[tilespmem:s0+$0x30] =	vst v0  }
.Ltmp1:
0x48: {  	[tilespmem:s0+$0x20] =	vst v0;
	(pc) =	sbr.rel @p1 .LBB2_4-.Ltmp1, $4  }
0x49: {  	[tilespmem:s0+$0x10] =	vst v0  }
0x4a: {  	[tilespmem:s0+$0x0] =	vst v0  }
0x4b: {  	[tilespmem:s0+$0xFFFFFFF0] =	vst v0  }
0x4c: {  	[tilespmem:s0+$0xFFFFFFE0] =	vst v0  }
0x4d: {  	[tilespmem:s0+$0xFFFFFFD0] =	vst v0  }
0x4e: {  	[tilespmem:$0x4E80] =	vst v0  }
0x4f: {  	_ =	swait.ge [sflag:s7], $0x4E20  }
0x50: {  	[sflag:s7] =	ssyncset.done $0x0  }
0x51: {  	s31 =	simm.s32 $0x4F40;
	[sflag:s7] =	ssyncadd.s32 $0xFFFFB1E0  }
0x52: {  	v2 =	vld [tilespmem:s31+$0x30]  }
0x53: {  	v3 =	vld [tilespmem:s31+$0xFFFFFFD0]  }
0x54: {  	v4 =	vld [tilespmem:s31+$0xFFFFFFE0]  }
0x55: {  	v5 =	vld [tilespmem:s31+$0xFFFFFFF0]  }
0x56: {  	v6 =	vld [tilespmem:s31+$0x0]  }
0x57: {  	v7 =	vld [tilespmem:s31+$0x10];
	v2 =	vshrl.u32 v2, $0x10  }
0x58: {  	v3 =	vshrl.u32 v3, $0x10  }
0x59: {  	v4 =	vshrl.u32 v4, $0x10  }
0x5a: {  	v8 =	vld [tilespmem:s31+$0x20];
	v5 =	vshrl.u32 v5, $0x10  }
0x5b: {  	v9 =	vld [tilespmem:s31+$0xFFFFFFC0];
	v6 =	vshrl.u32 v6, $0x10  }
0x5c: {  	v7 =	vshrl.u32 v7, $0x10;
	[tilespmem:v2+s8+$0x0] =	vst.idx.add.f32.msk $0xffff, v1  }
0x5d: {  	[tilespmem:v3+s8+$0x0] =	vst.idx.add.f32.msk $0xffff, v1  }
0x5e: {  	[tilespmem:v4+s8+$0x0] =	vst.idx.add.f32.msk $0xffff, v1  }
0x5f: {  	[tilespmem:v5+s8+$0x0] =	vst.idx.add.f32.msk $0xffff, v1  }
0x60: {  	[tilespmem:v6+s8+$0x0] =	vst.idx.add.f32.msk $0xffff, v1  }
0x61: {  	s0 =	simm.s32 $0x0;
	s1 =	simm.s32 $0x4FC0;
	v2 =	vshrl.u32 v8, $0x10;
	v3 =	vshrl.u32 v9, $0x10;
	[tilespmem:v7+s8+$0x0] =	vst.idx.add.f32.msk $0xffff, v1  }
.LBB2_6:
0x62: {  	v4 =	vld [tilespmem:s1+$0x30];
	s0 =	sadd.s32 $0x8, s0  }
0x63: {  	v5 =	vld [tilespmem:s1+$0xFFFFFFD0];
	p1 =	slt.u32 s0, $0x4D8  }
0x64: {  	v6 =	vld [tilespmem:s1+$0xFFFFFFE0]  }
0x65: {  	v7 =	vld [tilespmem:s1+$0xFFFFFFF0]  }
0x66: {  	v8 =	vld [tilespmem:s1+$0x0]  }
0x67: {  	v9 =	vld [tilespmem:s1+$0x10];
	v4 =	vshrl.u32 v4, $0x10  }
0x68: {  	v5 =	vshrl.u32 v5, $0x10;
	v10 =	vld [tilespmem:s1+$0x20]  }
0x69: {  	v11 =	vld [tilespmem:s1+$0xFFFFFFC0];
	v6 =	vshrl.u32 v6, $0x10  }
0x6a: {  	v7 =	vshrl.u32 v7, $0x10;
	[tilespmem:v3+s8+$0x0] =	vst.idx.add.f32.msk $0xffff, v1  }
0x6b: {  	v8 =	vshrl.u32 v8, $0x10;
	[tilespmem:v2+s8+$0x0] =	vst.idx.add.f32.msk $0xffff, v1  }
0x6c: {  	s3 =	simm.s32 $0x0;
	v9 =	vshrl.u32 v9, $0x10;
	[tilespmem:v4+s8+$0x0] =	vst.idx.add.f32.msk $0xffff, v1  }
.Ltmp2:
0x6d: {  	[tilespmem:v5+s8+$0x0] =	vst.idx.add.f32.msk $0xffff, v1;
	v2 =	vshrl.u32 v10, $0x10;
	(pc) =	sbr.rel @p1 .LBB2_6-.Ltmp2, $4  }
0x6e: {  	v3 =	vshrl.u32 v11, $0x10;
	[tilespmem:v6+s8+$0x0] =	vst.idx.add.f32.msk $0xffff, v1  }
0x6f: {  	[tilespmem:v7+s8+$0x0] =	vst.idx.add.f32.msk $0xffff, v1  }
0x70: {  	[tilespmem:v8+s8+$0x0] =	vst.idx.add.f32.msk $0xffff, v1  }
0x71: {  	s1 =	sadd.s32 $0x80, s1;
	[tilespmem:v9+s8+$0x0] =	vst.idx.add.f32.msk $0xffff, v1  }
0x72: {  	_ =	sdelay $0x3  }
0x73: {  	[tilespmem:v3+s8+$0x0] =	vst.idx.add.f32.msk $0xffff, v1  }
0x74: {  	[tilespmem:v2+s8+$0x0] =	vst.idx.add.f32.msk $0xffff, v1  }
.LBB2_8:
0x75: {  	s0 =	sshra.s32 s3, $0x2  }
0x76: {  	v2 =	vld [tilespmem:s0+$0x9D00];
	_ =	sdelay $0x4  }
0x77: {  	p1 =	sne.s32 s3, $0x40;
	v2 =	vshrl.u32 v2, $0x10  }
.Ltmp3:
0x78: {  	_ = 	snop;
	(pc) =	sbr.rel @p1 .LBB2_8-.Ltmp3, $2  }
0x79: {  	_ =	sdelay $0x2  }
0x7a: {  	s3 =	sadd.s32 $0x40, s3;
	[tilespmem:v2+s8+$0x0] =	vst.idx.add.f32.msk $0xffff, v1  }
0x7b: {  	s0 =	rddreg [dreg:$0xe]  }
0x7c: {  	[spmem:s0] =	stream.strided.scatter [tilespmem:s8], [sflag:$0x4], $0x2800, s5, s4, $0x38;
	[tilespmem:$0x19100] =	vst v63  }
0x7d: {  	_ =	swait.ge [sflag:s9], $0x2800  }
0x7e: {  	[sflag:s9] =	ssyncset.done $0x0  }
0x7f: {  	[sflag:s9] =	ssyncadd.s32 $0xFFFFD800  }
0x80: {  	s1 =	simm.s32 $0x1400;
	s3 =	simm.s32 $0x14000;
	[bflag:$0x0] =	sbarrier.arrive $0xFFFF  }
0x81: {  	s18 =	simm.s32 $0x11400;
	s5 =	simm.s32 $0x0;
	s17 =	rddreg [dreg:$0xf]  }
0x82: {  	[tilespmem:s18], [sflag:$0x4] =	stream.strided.gather [spmem:s17], $0x2800, s3, s1, $0x38;
	[tilespmem:$0x19100] =	vst v63  }
0x83: {  	s0 =	sand.u32 $0x40, s5;
	s19 =	sand.u32 $0x1C00, s5;
	_ =	swait.ge [sflag:s9], $0x2800  }
0x84: {  	s20 =	sadd.s32 $0x11400, s19;
	s4 =	sor.u32 $0x30, s0;
	[sflag:s9] =	ssyncset.done $0x0  }
0x85: {  	s21 =	sor.u32 s4, s20;
	[sflag:s9] =	ssyncadd.s32 $0xFFFFD800  }
0x86: {  	v2 =	vld [tilespmem:s21+$0x0]  }
0x87: {  	s10 =	sor.u32 s0, s20;
	v3 =	vld [tilespmem:s21+$0x80]  }
0x88: {  	v4 =	vld [tilespmem:s10+$0x0]  }
0x89: {  	v5 =	vld [tilespmem:s21+$0x100]  }
0x8a: {  	s6 =	sor.u32 $0x10, s0;
	v6 =	vld [tilespmem:s10+$0x80]  }
0x8b: {  	s11 =	sor.u32 s6, s20;
	v7 =	vld [tilespmem:s21+$0x180]  }
0x8c: {  	v8 =	vld [tilespmem:s11+$0x0]  }
0x8d: {  	v9 =	vld [tilespmem:s21+$0x200]  }
0x8e: {  	s7 =	sor.u32 $0x20, s0;
	v10 =	vld [tilespmem:s11+$0x80]  }
0x8f: {  	s12 =	sor.u32 s7, s20;
	v11 =	vld [tilespmem:s21+$0x280]  }
0x90: {  	v12 =	vld [tilespmem:s12+$0x0]  }
0x91: {  	v13 =	vld [tilespmem:s21+$0x300]  }
0x92: {  	v14 =	vld [tilespmem:s12+$0x80]  }
0x93: {  	s13 =	sadd.s32 $0x12800, s19;
	v15 =	vld [tilespmem:s21+$0x380]  }
0x94: {  	s22 =	sor.u32 s4, s13;
	v16 =	vld [tilespmem:s10+$0x100]  }
0x95: {  	s14 =	sadd.s32 $0x12880, s19;
	v17 =	vld [tilespmem:s22+$0x0]  }
0x96: {  	s23 =	sor.u32 s4, s14;
	v18 =	vld [tilespmem:s11+$0x100]  }
0x97: {  	s15 =	sadd.s32 $0x12900, s19;
	v19 =	vld [tilespmem:s23+$0x0]  }
0x98: {  	s24 =	sor.u32 s4, s15;
	v20 =	vld [tilespmem:s12+$0x100]  }
0x99: {  	s16 =	sadd.s32 $0x12980, s19;
	v21 =	vld [tilespmem:s24+$0x0]  }
0x9a: {  	s25 =	sor.u32 s4, s16;
	v22 =	vld [tilespmem:s10+$0x180]  }
0x9b: {  	v23 =	vld [tilespmem:s25+$0x0]  }
0x9c: {  	s8 =	sadd.s32 $0x12A80, s19;
	v24 =	vld [tilespmem:s11+$0x180]  }
0x9d: {  	s17 =	sor.u32 s4, s8;
	v26 =	vld [tilespmem:s12+$0x180]  }
0x9e: {  	s1 =	sadd.s32 $0x12B00, s19;
	v27 =	vld [tilespmem:s17+$0x0]  }
0x9f: {  	s28 =	sor.u32 s4, s1;
	v28 =	vld [tilespmem:s10+$0x200]  }
0xa0: {  	s3 =	sadd.s32 $0x12B80, s19;
	v29 =	vld [tilespmem:s28+$0x0]  }
0xa1: {  	s31 =	sor.u32 s4, s3;
	v30 =	vld [tilespmem:s11+$0x200]  }
0xa2: {  	v31 =	vld [tilespmem:s31+$0x0]  }
0xa3: {  	v32 =	vld [tilespmem:s12+$0x200]  }
0xa4: {  	v33 =	vld [tilespmem:s10+$0x280]  }
0xa5: {  	v34 =	vld [tilespmem:s12+$0x280]  }
0xa6: {  	v35 =	vld [tilespmem:s11+$0x300]  }
0xa7: {  	v36 =	vld [tilespmem:s10+$0x380]  }
0xa8: {  	s18 =	sor.u32 s6, s13;
	v37 =	vld [tilespmem:s12+$0x380]  }
0xa9: {  	s20 =	sor.u32 s0, s14;
	s9 =	sadd.s32 $0x12A00, s19;
	v38 =	vld [tilespmem:s18+$0x0];
	v2 =	vadd.f32 v3, v2  }
0xaa: {  	s26 =	sor.u32 s4, s9;
	v39 =	vld [tilespmem:s20+$0x0]  }
0xab: {  	s22 =	sor.u32 s7, s14;
	v25 =	vld [tilespmem:s26+$0x0];
	v2 =	vadd.f32 v5, v2  }
0xac: {  	s23 =	sor.u32 s0, s15;
	v40 =	vld [tilespmem:s22+$0x0]  }
0xad: {  	s24 =	sor.u32 s6, s15;
	v48 =	vld [tilespmem:s23+$0x0];
	v2 =	vadd.f32 v7, v2  }
0xae: {  	s25 =	sor.u32 s7, s15;
	v41 =	vld [tilespmem:s24+$0x0]  }
0xaf: {  	s28 =	sor.u32 s6, s16;
	v49 =	vld [tilespmem:s25+$0x0];
	v2 =	vadd.f32 v9, v2  }
0xb0: {  	s31 =	sor.u32 s7, s16;
	v50 =	vld [tilespmem:s28+$0x0]  }
0xb1: {  	s19 =	sor.u32 s7, s13;
	s17 =	sor.u32 s0, s13;
	s13 =	sor.u32 s6, s9;
	v43 =	vld [tilespmem:s31+$0x0];
	v2 =	vadd.f32 v11, v2  }
0xb2: {  	s21 =	sor.u32 s6, s14;
	s14 =	sor.u32 s0, s8;
	v44 =	vld [tilespmem:s13+$0x0]  }
0xb3: {  	s15 =	sor.u32 s6, s8;
	s8 =	sor.u32 s7, s8;
	v45 =	vld [tilespmem:s14+$0x0];
	v2 =	vadd.f32 v13, v2  }
0xb4: {  	s20 =	sor.u32 s7, s3;
	v53 =	vld [tilespmem:s8+$0x0]  }
0xb5: {  	s26 =	sor.u32 s0, s16;
	v59 =	vld [tilespmem:s20+$0x0];
	v2 =	vadd.f32 v15, v2  }
0xb6: {  	s16 =	sor.u32 s0, s1;
	v42 =	vld [tilespmem:s26+$0x0]  }
0xb7: {  	v54 =	vld [tilespmem:s16+$0x0];
	v2 =	vadd.f32 v17, v2  }
0xb8: {  	v3 =	vld [tilespmem:s11+$0x280]  }
0xb9: {  	v4 =	vadd.f32 v6, v4;
	v6 =	vld [tilespmem:s15+$0x0];
	v2 =	vadd.f32 v19, v2  }
0xba: {  	v5 =	vld [tilespmem:s10+$0x300]  }
0xbb: {  	v7 =	vld [tilespmem:s12+$0x300];
	s12 =	sor.u32 s0, s9;
	v2 =	vadd.f32 v21, v2  }
0xbc: {  	v8 =	vadd.f32 v10, v8;
	v10 =	vadd.f32 v14, v12;
	s9 =	sor.u32 s7, s9;
	v51 =	vld [tilespmem:s12+$0x0]  }
0xbd: {  	s0 =	sor.u32 s0, s3;
	v52 =	vld [tilespmem:s9+$0x0];
	v2 =	vadd.f32 v23, v2  }
0xbe: {  	v8 =	vadd.f32 v18, v8;
	v10 =	vadd.f32 v20, v10;
	v57 =	vld [tilespmem:s0+$0x0]  }
0xbf: {  	v4 =	vadd.f32 v16, v4;
	v9 =	vld [tilespmem:s11+$0x380];
	v2 =	vadd.f32 v25, v2  }
0xc0: {  	v8 =	vadd.f32 v24, v8;
	v10 =	vadd.f32 v26, v10;
	v11 =	vld [tilespmem:s17+$0x0];
	s17 =	sor.u32 s6, s1  }
0xc1: {  	v4 =	vadd.f32 v22, v4;
	s1 =	sor.u32 s7, s1;
	v55 =	vld [tilespmem:s17+$0x0];
	v2 =	vadd.f32 v27, v2  }
0xc2: {  	s18 =	simm.s32 $0x200;
	s8 =	simm.s32 $0x40;
	v8 =	vadd.f32 v30, v8;
	v10 =	vadd.f32 v32, v10;
	v56 =	vld [tilespmem:s1+$0x0]  }
0xc3: {  	s9 =	sand.u32 $0x40, s8;
	v4 =	vadd.f32 v28, v4;
	s1 =	sand.u32 $0x1C00, s18;
	v13 =	vld [tilespmem:s19+$0x0];
	v2 =	vadd.f32 v29, v2  }
0xc4: {  	s29 =	sor.u32 $0x30, s9;
	v3 =	vadd.f32 v3, v8;
	v8 =	vadd.f32 v34, v10;
	s19 =	sor.u32 s6, s3;
	v15 =	vld [tilespmem:s21+$0x0];
	s21 =	sadd.s32 $0x11400, s1  }
0xc5: {  	v4 =	vadd.f32 v33, v4;
	v58 =	vld [tilespmem:s19+$0x0];
	s22 =	sor.u32 s29, s21;
	v2 =	vadd.f32 v31, v2  }
0xc6: {  	v7 =	vadd.f32 v7, v8;
	s24 =	sadd.s32 $0x12800, s1;
	v61 =	vld [tilespmem:s22+$0x0]  }
0xc7: {  	v4 =	vadd.f32 v5, v4;
	s25 =	sor.u32 s29, s24;
	v62 =	vld [tilespmem:s22+$0x80];
	v2 =	vadd.f32 $1.000000000e+00, v2  }
0xc8: {  	v3 =	vadd.f32 v35, v3;
	v7 =	vadd.f32 v37, v7;
	v37 =	vld [tilespmem:s25+$0x0]  }
0xc9: {  	v4 =	vadd.f32 v36, v4;
	s23 =	sor.u32 s9, s21;
	v8 =	vld [tilespmem:s22+$0x100];
	v60 =	vshrl.u32 v2, $0x1;
	v2 =	vmul.f32 $5.000000000e-01, v2  }
0xca: {  	v3 =	vadd.f32 v9, v3;
	v63 =	vld [tilespmem:s23+$0x0];
	v10 =	vsub.s32 $0x5F3759DF, v60  }
0xcb: {  	v9 =	vld [tilespmem:s22+$0x180];
	v4 =	vadd.f32 v11, v4;
	v5 =	vmul.f32 v10, v2  }
0xcc: {  	v33 =	vld [tilespmem:s23+$0x80];
	v3 =	vadd.f32 v38, v3;
	v26 =	vadd.f32 v62, v61  }
0xcd: {  	v34 =	vld [tilespmem:s22+$0x200];
	v7 =	vadd.f32 v13, v7;
	v4 =	vadd.f32 v39, v4;
	v5 =	vmul.f32 v10, v5  }
0xce: {  	s31 =	sadd.s32 $0x12900, s1;
	v11 =	vld [tilespmem:s22+$0x280];
	v3 =	vadd.f32 v15, v3;
	v8 =	vadd.f32 v8, v26  }
0xcf: {  	s11 =	sor.u32 s29, s31;
	v35 =	vld [tilespmem:s22+$0x380];
	v7 =	vadd.f32 v40, v7;
	v5 =	vsub.f32 $1.500000000e+00, v5  }
0xd0: {  	s26 =	sadd.s32 $0x12880, s1;
	s14 =	sadd.s32 $0x12980, s1;
	v39 =	vld [tilespmem:s11+$0x0];
	v4 =	vadd.f32 v48, v4;
	v8 =	vadd.f32 v9, v8  }
0xd1: {  	s13 =	sadd.s32 $0x12A00, s1;
	s10 =	sadd.s32 $0x12B80, s1;
	s12 =	sor.u32 s29, s14;
	v3 =	vadd.f32 v41, v3;
	v7 =	vadd.f32 v49, v7;
	v5 =	vmul.f32 v10, v5;
	v10 =	vld [tilespmem:s22+$0x300]  }
0xd2: {  	s11 =	sadd.s32 $0x12B00, s1;
	v40 =	vld [tilespmem:s12+$0x0];
	s12 =	sadd.s32 $0x12A80, s1;
	s1 =	sor.u32 s29, s10;
	v4 =	vadd.f32 v42, v4;
	v8 =	vadd.f32 v34, v8  }
0xd3: {  	s28 =	sor.u32 s29, s26;
	v3 =	vadd.f32 v50, v3;
	v7 =	vadd.f32 v43, v7;
	v43 =	vld [tilespmem:s1+$0x0];
	s1 =	sor.u32 $0x20, s9  }
0xd4: {  	v38 =	vld [tilespmem:s28+$0x0];
	v4 =	vadd.f32 v51, v4;
	s16 =	sor.u32 s1, s21;
	v8 =	vadd.f32 v11, v8  }
0xd5: {  	v28 =	vadd.f32 v33, v63;
	v3 =	vadd.f32 v44, v3;
	v49 =	vld [tilespmem:s16+$0x0]  }
0xd6: {  	s30 =	sor.u32 $0x10, s9;
	v51 =	vld [tilespmem:s16+$0x80];
	v4 =	vadd.f32 v45, v4;
	v8 =	vadd.f32 v10, v8  }
0xd7: {  	s20 =	sor.u32 s30, s21;
	v16 =	vld [tilespmem:s23+$0x380];
	v7 =	vadd.f32 v52, v7;
	v3 =	vadd.f32 v6, v3  }
0xd8: {  	v47 =	vld [tilespmem:s20+$0x80];
	v4 =	vadd.f32 v54, v4;
	v6 =	vadd.f32 v35, v8  }
0xd9: {  	v32 =	vld [tilespmem:s20+$0x380];
	s19 =	sor.u32 s29, s12;
	v7 =	vadd.f32 v53, v7;
	v3 =	vadd.f32 v55, v3  }
0xda: {  	v41 =	vld [tilespmem:s19+$0x0];
	v4 =	vadd.f32 v57, v4;
	v6 =	vadd.f32 v37, v6  }
0xdb: {  	v9 =	vld [tilespmem:s23+$0x100];
	v7 =	vadd.f32 v56, v7;
	v21 =	vadd.f32 v51, v49;
	v36 =	vmul.f32 v5, v2  }
0xdc: {  	s18 =	sor.u32 s29, s13;
	v61 =	vld [tilespmem:s20+$0x280];
	v4 =	vadd.f32 $1.000000000e+00, v4;
	v6 =	vadd.f32 v38, v6  }
0xdd: {  	v3 =	vadd.f32 v58, v3;
	v7 =	vadd.f32 v59, v7;
	v15 =	vmul.f32 v36, v5;
	v10 =	vld [tilespmem:s18+$0x0]  }
0xde: {  	v55 =	vld [tilespmem:s16+$0x100];
	v46 =	vshrl.u32 v4, $0x1;
	v4 =	vmul.f32 $5.000000000e-01, v4;
	v6 =	vadd.f32 v39, v6  }
0xdf: {  	v63 =	vld [tilespmem:s20+$0x300];
	v3 =	vadd.f32 $1.000000000e+00, v3;
	v18 =	vsub.s32 $0x5F3759DF, v46;
	v15 =	vsub.f32 $1.500000000e+00, v15  }
0xe0: {  	v11 =	vld [tilespmem:s23+$0x180];
	v9 =	vadd.f32 v9, v28;
	v52 =	vmul.f32 v18, v4;
	s18 =	sor.u32 s29, s11;
	v6 =	vadd.f32 v40, v6  }
0xe1: {  	v7 =	vadd.f32 $1.000000000e+00, v7;
	v48 =	vshrl.u32 v3, $0x1;
	v42 =	vld [tilespmem:s18+$0x0];
	v5 =	vmul.f32 v15, v5  }
0xe2: {  	v58 =	vld [tilespmem:s16+$0x180];
	v3 =	vmul.f32 $5.000000000e-01, v3;
	v24 =	vmul.f32 v18, v52;
	v6 =	vadd.f32 v10, v6  }
0xe3: {  	v44 =	vld [tilespmem:s23+$0x280];
	v21 =	vadd.f32 v55, v21;
	v20 =	vsub.s32 $0x5F3759DF, v48;
	v2 =	vmul.f32 v5, v2  }
0xe4: {  	v45 =	vld [tilespmem:s20+$0x0];
	v54 =	vmul.f32 v20, v3;
	v24 =	vsub.f32 $1.500000000e+00, v24;
	v6 =	vadd.f32 v41, v6  }
0xe5: {  	v33 =	vld [tilespmem:s16+$0x200];
	v9 =	vadd.f32 v11, v9;
	v50 =	vshrl.u32 v7, $0x1;
	v2 =	vmul.f32 v2, v5  }
0xe6: {  	v53 =	vld [tilespmem:s20+$0x100];
	v22 =	vmul.f32 v20, v54;
	v18 =	vmul.f32 v18, v24;
	v6 =	vadd.f32 v42, v6  }
0xe7: {  	v57 =	vld [tilespmem:s20+$0x180];
	v7 =	vmul.f32 $5.000000000e-01, v7;
	v21 =	vadd.f32 v58, v21;
	v2 =	vsub.f32 $1.500000000e+00, v2  }
0xe8: {  	v60 =	vsub.f32 $1.500000000e+00, v22;
	v34 =	vmul.f32 v18, v4;
	v8 =	vld [tilespmem:s23+$0x200];
	v6 =	vadd.f32 v43, v6  }
0xe9: {  	v59 =	vld [tilespmem:s20+$0x200];
	v5 =	vmul.f32 v2, v5;
	v2 =	vadd.f32 v47, v45;
	v10 =	vsub.s32 $0x5F3759DF, v50  }
0xea: {  	s15 =	sor.u32 s1, s14;
	v11 =	vld [tilespmem:s16+$0x280];
	v17 =	vmul.f32 v20, v60;
	v56 =	vmul.f32 v10, v7;
	v6 =	vadd.f32 $1.000000000e+00, v6  }
0xeb: {  	v55 =	vld [tilespmem:s15+$0x0];
	v20 =	vadd.f32 v33, v21;
	v22 =	vmul.f32 v34, v18;
	v2 =	vadd.f32 v53, v2  }
0xec: {  	s25 =	sor.u32 s9, s31;
	v35 =	vld [tilespmem:s16+$0x300];
	v30 =	vmul.f32 v10, v56;
	v36 =	vshrl.u32 v6, $0x1;
	v6 =	vmul.f32 $5.000000000e-01, v6  }
0xed: {  	v48 =	vld [tilespmem:s25+$0x0];
	v22 =	vsub.f32 $1.500000000e+00, v22;
	v8 =	vadd.f32 v8, v9;
	v25 =	vsub.s32 $0x5F3759DF, v36  }
0xee: {  	v15 =	vld [tilespmem:s23+$0x300];
	v2 =	vadd.f32 v57, v2;
	v62 =	vsub.f32 $1.500000000e+00, v30;
	v9 =	vmul.f32 v25, v6  }
0xef: {  	s21 =	sor.u32 s9, s24;
	v11 =	vadd.f32 v11, v20;
	v18 =	vmul.f32 v22, v18;
	v37 =	vld [tilespmem:s16+$0x380];
	v40 =	vmul.f32 v17, v3  }
0xf0: {  	s22 =	sor.u32 s30, s24;
	v38 =	vld [tilespmem:s21+$0x0];
	v2 =	vadd.f32 v59, v2;
	v10 =	vmul.f32 v10, v62;
	v9 =	vmul.f32 v25, v9  }
0xf1: {  	s3 =	sor.u32 s1, s24;
	v11 =	vadd.f32 v35, v11;
	v39 =	vld [tilespmem:s22+$0x0];
	v8 =	vadd.f32 v44, v8;
	v28 =	vmul.f32 v40, v17  }
0xf2: {  	s0 =	sor.u32 s1, s26;
	v41 =	vld [tilespmem:s3+$0x0];
	v2 =	vadd.f32 v61, v2;
	v43 =	vmul.f32 v10, v7;
	v9 =	vsub.f32 $1.500000000e+00, v9  }
0xf3: {  	s23 =	sor.u32 s9, s26;
	v4 =	vmul.f32 v18, v4;
	v8 =	vadd.f32 v15, v8;
	v45 =	vld [tilespmem:s0+$0x0];
	v47 =	vsub.f32 $1.500000000e+00, v28  }
0xf4: {  	s24 =	sor.u32 s30, s26;
	v42 =	vld [tilespmem:s23+$0x0];
	v2 =	vadd.f32 v63, v2;
	v46 =	vmul.f32 v43, v10;
	v9 =	vmul.f32 v25, v9  }
0xf5: {  	s17 =	sor.u32 s30, s13;
	v44 =	vld [tilespmem:s24+$0x0];
	v11 =	vadd.f32 v37, v11;
	v8 =	vadd.f32 v16, v8;
	v17 =	vmul.f32 v47, v17  }
0xf6: {  	v58 =	vld [tilespmem:s17+$0x0];
	s26 =	sor.u32 s30, s31;
	v2 =	vadd.f32 v32, v2;
	v15 =	vsub.f32 $1.500000000e+00, v46;
	v51 =	vmul.f32 v9, v6  }
0xf7: {  	s28 =	sor.u32 s1, s31;
	v49 =	vld [tilespmem:s26+$0x0];
	v8 =	vadd.f32 v38, v8;
	v3 =	vmul.f32 v17, v3;
	v11 =	vadd.f32 v41, v11  }
0xf8: {  	s31 =	sor.u32 s9, s14;
	v50 =	vld [tilespmem:s28+$0x0];
	v2 =	vadd.f32 v39, v2;
	v10 =	vmul.f32 v15, v10;
	v54 =	vmul.f32 v51, v9  }
0xf9: {  	v52 =	vld [tilespmem:s31+$0x0];
	s3 =	sor.u32 s30, s14;
	v3 =	vmul.f32 v3, v17;
	v8 =	vadd.f32 v42, v8;
	v11 =	vadd.f32 v45, v11  }
0xfa: {  	s16 =	sor.u32 s9, s13;
	v53 =	vld [tilespmem:s3+$0x0];
	v2 =	vadd.f32 v44, v2;
	v7 =	vmul.f32 v10, v7;
	v57 =	vsub.f32 $1.500000000e+00, v54  }
0xfb: {  	s19 =	sand.u32 $0x380, s5;
	s18 =	sor.u32 s1, s13;
	v4 =	vmul.f32 v4, v18;
	v56 =	vld [tilespmem:s16+$0x0];
	v3 =	vsub.f32 $1.500000000e+00, v3;
	v8 =	vadd.f32 v48, v8  }
0xfc: {  	s20 =	sor.u32 s9, s12;
	s3 =	sor.u32 $0x13C00, s19;
	v59 =	vadd.f32 v49, v2;
	v7 =	vmul.f32 v7, v10;
	v2 =	vmul.f32 v57, v9;
	v9 =	vld [tilespmem:s18+$0x0]  }
0xfd: {  	v60 =	vld [tilespmem:s20+$0x0];
	s24 =	sor.u32 s1, s12;
	s22 =	sor.u32 s4, s3;
	v61 =	vsub.f32 $1.500000000e+00, v4;
	v11 =	vadd.f32 v50, v11;
	v3 =	vmul.f32 v3, v17  }
0xfe: {  	s5 =	simm.s32 $0x4;
	s21 =	sor.u32 s30, s12;
	[tilespmem:s22+$0x0] =	vst v5;
	v5 =	vld [tilespmem:s24+$0x0];
	v8 =	vadd.f32 v52, v8;
	v7 =	vsub.f32 $1.500000000e+00, v7;
	v62 =	vmul.f32 v2, v6  }
0xff: {  	s15 =	sor.u32 s1, s10;
	s26 =	sor.u32 s9, s11;
	s23 =	sor.u32 s6, s3;
	v4 =	vld [tilespmem:s21+$0x0];
	v17 =	vmul.f32 v61, v18;
	v63 =	vadd.f32 v55, v11;
	v12 =	vadd.f32 v53, v59  }
0x100: {  	s31 =	sor.u32 s1, s11;
	s28 =	sor.u32 s30, s11;
	s4 =	simm.s32 $0x13C00;
	[tilespmem:s23+$0x0] =	vst v3;
	v8 =	vadd.f32 v56, v8;
	v3 =	vmul.f32 v7, v10;
	v6 =	vld [tilespmem:s26+$0x0];
	v15 =	vmul.f32 v62, v2  }
0x101: {  	s0 =	sand.u32 $0x380, s8;
	s16 =	sor.u32 s30, s10;
	s25 =	sor.u32 s7, s3;
	[tilespmem:s4+$0x0] =	vst v17;
	v11 =	vadd.f32 v58, v12;
	v7 =	vld [tilespmem:s28+$0x0];
	v10 =	vadd.f32 v9, v63  }
0x102: {  	s6 =	simm.s32 $0x400;
	s7 =	simm.s32 $0x80;
	[tilespmem:s25+$0x0] =	vst v3;
	s18 =	sor.u32 s9, s10;
	v9 =	vadd.f32 v60, v8;
	v8 =	vld [tilespmem:s31+$0x0];
	v3 =	vsub.f32 $1.500000000e+00, v15  }
.LBB2_10:
0x103: {  	s13 =	sand.u32 $0x40, s7;
	s14 =	sand.u32 $0x1C00, s6;
	v12 =	vld [tilespmem:s18+$0x0]  }
0x104: {  	s3 =	sor.u32 $0x13C00, s0;
	s8 =	sadd.s32 $0x11400, s14;
	s11 =	sor.u32 $0x30, s13;
	v2 =	vmul.f32 v3, v2;
	v4 =	vadd.f32 v4, v11;
	v11 =	vld [tilespmem:s16+$0x0]  }
0x105: {  	s10 =	sor.u32 s29, s3;
	s21 =	sor.u32 s11, s8;
	v3 =	vadd.f32 v6, v9;
	v6 =	vld [tilespmem:s15+$0x0]  }
0x106: {  	v9 =	vld [tilespmem:s21+$0x0];
	[tilespmem:s10+$0x0] =	vst v2  }
0x107: {  	s9 =	sor.u32 s13, s8;
	v5 =	vadd.f32 v5, v10;
	v2 =	vld [tilespmem:s21+$0x80]  }
0x108: {  	v10 =	vld [tilespmem:s9+$0x80];
	v3 =	vadd.f32 v12, v3  }
0x109: {  	v4 =	vadd.f32 v7, v4;
	v5 =	vadd.f32 v8, v5;
	v8 =	vld [tilespmem:s21+$0x100]  }
0x10a: {  	v7 =	vld [tilespmem:s9+$0x0];
	v3 =	vadd.f32 $1.000000000e+00, v3  }
0x10b: {  	v4 =	vadd.f32 v11, v4;
	v5 =	vadd.f32 v6, v5;
	v6 =	vld [tilespmem:s21+$0x180]  }
0x10c: {  	s12 =	sor.u32 $0x10, s13;
	v39 =	vld [tilespmem:s9+$0x100];
	v2 =	vadd.f32 v2, v9  }
0x10d: {  	s10 =	sor.u32 s12, s8;
	v35 =	vld [tilespmem:s21+$0x200];
	v9 =	vshrl.u32 v3, $0x1;
	v4 =	vadd.f32 $1.000000000e+00, v4  }
0x10e: {  	v14 =	vld [tilespmem:s10+$0x80];
	v3 =	vmul.f32 $5.000000000e-01, v3;
	v5 =	vadd.f32 $1.000000000e+00, v5;
	v2 =	vadd.f32 v8, v2  }
0x10f: {  	v7 =	vadd.f32 v10, v7;
	v10 =	vld [tilespmem:s21+$0x280];
	v9 =	vsub.s32 $0x5F3759DF, v9;
	v13 =	vshrl.u32 v4, $0x1  }
0x110: {  	v11 =	vld [tilespmem:s10+$0x0];
	v4 =	vmul.f32 $5.000000000e-01, v4;
	v8 =	vshrl.u32 v5, $0x1;
	v2 =	vadd.f32 v6, v2  }
0x111: {  	v16 =	vld [tilespmem:s21+$0x300];
	v5 =	vmul.f32 $5.000000000e-01, v5;
	v13 =	vsub.s32 $0x5F3759DF, v13;
	v6 =	vmul.f32 v9, v3  }
0x112: {  	v46 =	vld [tilespmem:s9+$0x180];
	v8 =	vsub.s32 $0x5F3759DF, v8;
	v17 =	vmul.f32 v13, v4;
	v2 =	vadd.f32 v35, v2  }
0x113: {  	s24 =	sadd.s32 $0x12800, s14;
	s29 =	smov.u32 s11;
	v36 =	vld [tilespmem:s21+$0x380];
	v18 =	vmul.f32 v8, v5;
	v6 =	vmul.f32 v9, v6  }
0x114: {  	s22 =	sor.u32 $0x20, s13;
	s28 =	sor.u32 s29, s24;
	v53 =	vld [tilespmem:s9+$0x200];
	v37 =	vmul.f32 v13, v17;
	v2 =	vadd.f32 v10, v2  }
0x115: {  	s31 =	sadd.s32 $0x12880, s14;
	s8 =	sor.u32 s22, s8;
	v11 =	vadd.f32 v14, v11;
	v38 =	vmul.f32 v8, v18;
	v6 =	vsub.f32 $1.500000000e+00, v6;
	v10 =	vld [tilespmem:s28+$0x0]  }
0x116: {  	s23 =	sor.u32 s30, s3;
	s16 =	sor.u32 s29, s31;
	v15 =	vld [tilespmem:s8+$0x0];
	v14 =	vsub.f32 $1.500000000e+00, v37;
	v2 =	vadd.f32 v16, v2  }
0x117: {  	s1 =	sor.u32 s1, s3;
	s17 =	sadd.s32 $0x12900, s14;
	s19 =	sadd.s32 $0x12980, s14;
	v40 =	vld [tilespmem:s16+$0x0];
	v17 =	vsub.f32 $1.500000000e+00, v38;
	v6 =	vmul.f32 v9, v6  }
0x118: {  	s0 =	sadd.s32 $0x12B80, s14;
	[dreg:$0x5] =	wrdreg s1;
	s18 =	sor.u32 s29, s17;
	v19 =	vld [tilespmem:s8+$0x80];
	v13 =	vmul.f32 v13, v14;
	v2 =	vadd.f32 v36, v2  }
0x119: {  	s30 =	smov.u32 s12;
	s1 =	smov.u32 s22;
	s25 =	sor.u32 s13, s24;
	v43 =	vld [tilespmem:s18+$0x0];
	v8 =	vmul.f32 v8, v17;
	v42 =	vmul.f32 v6, v3  }
0x11a: {  	[dreg:$0x8] =	wrdreg s25;
	s26 =	sor.u32 s30, s24;
	s20 =	sor.u32 s29, s19;
	v20 =	vld [tilespmem:s10+$0x100];
	v44 =	vmul.f32 v13, v4;
	v2 =	vadd.f32 v10, v2  }
0x11b: {  	s11 =	sor.u32 s1, s31;
	[dreg:$0x6] =	wrdreg s26;
	v47 =	vld [tilespmem:s20+$0x0];
	s21 =	sadd.s32 $0x12A00, s14;
	v45 =	vmul.f32 v8, v5;
	v10 =	vmul.f32 v42, v6  }
0x11c: {  	s12 =	sor.u32 s13, s31;
	[dreg:$0xb] =	wrdreg s11;
	v48 =	vld [tilespmem:s10+$0x180];
	s11 =	sor.u32 s29, s21;
	v17 =	vmul.f32 v44, v13;
	v2 =	vadd.f32 v40, v2  }
0x11d: {  	s15 =	sor.u32 s30, s31;
	[dreg:$0xa] =	wrdreg s12;
	s12 =	sadd.s32 $0x12A80, s14;
	v49 =	vld [tilespmem:s11+$0x0];
	v18 =	vmul.f32 v45, v8;
	v10 =	vsub.f32 $1.500000000e+00, v10  }
0x11e: {  	s3 =	sor.u32 s1, s24;
	[dreg:$0x9] =	wrdreg s15;
	v41 =	vld [tilespmem:s8+$0x100];
	s15 =	sor.u32 s29, s12;
	v50 =	vsub.f32 $1.500000000e+00, v17;
	v2 =	vadd.f32 v43, v2  }
0x11f: {  	s25 =	sor.u32 s13, s19;
	[dreg:$0x7] =	wrdreg s3;
	s16 =	sadd.s32 $0x12B00, s14;
	v52 =	vld [tilespmem:s15+$0x0];
	v11 =	vadd.f32 v20, v11;
	v6 =	vmul.f32 v10, v6;
	v10 =	vsub.f32 $1.500000000e+00, v18  }
0x120: {  	s26 =	sor.u32 s13, s17;
	s31 =	sor.u32 s30, s17;
	v51 =	vld [tilespmem:s8+$0x180];
	s18 =	sor.u32 s29, s16;
	v9 =	vadd.f32 v19, v15;
	v13 =	vmul.f32 v50, v13;
	v2 =	vadd.f32 v47, v2  }
0x121: {  	s3 =	sor.u32 s13, s16;
	s20 =	sor.u32 s13, s21;
	s28 =	sor.u32 s1, s17;
	v3 =	vmul.f32 v6, v3;
	v8 =	vmul.f32 v10, v8;
	v10 =	vadd.f32 v48, v11;
	v11 =	vld [tilespmem:s18+$0x0]  }
0x122: {  	v54 =	vld [tilespmem:s10+$0x200];
	v7 =	vadd.f32 v39, v7;
	s17 =	sor.u32 s13, s12;
	s18 =	sor.u32 s13, s0;
	s13 =	sor.u32 s29, s0;
	v4 =	vmul.f32 v13, v4;
	v2 =	vadd.f32 v49, v2  }
0x123: {  	v9 =	vadd.f32 v41, v9;
	v55 =	vld [tilespmem:s13+$0x0];
	v3 =	vmul.f32 v3, v6;
	v5 =	vmul.f32 v8, v5  }
0x124: {  	v56 =	vld [tilespmem:s8+$0x200];
	v7 =	vadd.f32 v46, v7;
	v4 =	vmul.f32 v4, v13;
	v2 =	vadd.f32 v52, v2  }
0x125: {  	v57 =	vld [tilespmem:s9+$0x280];
	v9 =	vadd.f32 v51, v9;
	v3 =	vsub.f32 $1.500000000e+00, v3;
	v5 =	vmul.f32 v5, v8  }
0x126: {  	v58 =	vld [tilespmem:s10+$0x280];
	v4 =	vsub.f32 $1.500000000e+00, v4;
	v2 =	vadd.f32 v11, v2  }
0x127: {  	v3 =	vmul.f32 v3, v6;
	v5 =	vsub.f32 $1.500000000e+00, v5;
	v6 =	vadd.f32 v54, v10;
	v10 =	vld [tilespmem:s8+$0x280]  }
0x128: {  	s4 =	sadd.s32 $0x40, s4;
	[dreg:$0x4] =	wrdreg s23;
	v7 =	vadd.f32 v53, v7;
	v11 =	vld [tilespmem:s9+$0x300];
	v4 =	vmul.f32 v4, v13;
	v2 =	vadd.f32 v55, v2  }
0x129: {  	s13 =	rddreg [dreg:$0x4];
	[tilespmem:s4+$0x0] =	vst v3;
	v3 =	vmul.f32 v5, v8;
	v5 =	vld [tilespmem:s10+$0x300];
	v8 =	vadd.f32 v56, v9  }
0x12a: {  	[tilespmem:s13+$0x0] =	vst v4;
	v4 =	vadd.f32 v57, v7;
	v7 =	vld [tilespmem:s8+$0x300];
	s13 =	rddreg [dreg:$0x5];
	v2 =	vadd.f32 $1.000000000e+00, v2  }
0x12b: {  	v6 =	vadd.f32 v58, v6;
	[tilespmem:s13+$0x0] =	vst v3;
	v3 =	vld [tilespmem:s9+$0x380]  }
0x12c: {  	v9 =	vld [tilespmem:s10+$0x380];
	s13 =	rddreg [dreg:$0x6];
	v8 =	vadd.f32 v10, v8;
	v10 =	vshrl.u32 v2, $0x1;
	v59 =	vmul.f32 $5.000000000e-01, v2  }
0x12d: {  	v60 =	vld [tilespmem:s13+$0x0];
	v10 =	vsub.s32 $0x5F3759DF, v10  }
0x12e: {  	s10 =	rddreg [dreg:$0x8];
	v2 =	vadd.f32 v11, v4;
	v4 =	vld [tilespmem:s8+$0x380];
	v5 =	vadd.f32 v5, v6;
	v6 =	vmul.f32 v10, v59  }
0x12f: {  	s9 =	rddreg [dreg:$0xa];
	v11 =	vld [tilespmem:s10+$0x0]  }
0x130: {  	s8 =	rddreg [dreg:$0x7];
	v7 =	vadd.f32 v7, v8;
	v8 =	vld [tilespmem:s9+$0x0];
	v6 =	vmul.f32 v10, v6  }
0x131: {  	s10 =	rddreg [dreg:$0x9];
	v2 =	vadd.f32 v3, v2;
	v3 =	vld [tilespmem:s8+$0x0]  }
0x132: {  	s13 =	rddreg [dreg:$0xb];
	v5 =	vadd.f32 v9, v5;
	v9 =	vld [tilespmem:s10+$0x0];
	v6 =	vsub.f32 $1.500000000e+00, v6  }
0x133: {  	v4 =	vadd.f32 v4, v7;
	v7 =	vld [tilespmem:s13+$0x0]  }
0x134: {  	v2 =	vadd.f32 v11, v2;
	v11 =	vld [tilespmem:s26+$0x0];
	v6 =	vmul.f32 v10, v6  }
0x135: {  	v61 =	vld [tilespmem:s25+$0x0];
	v5 =	vadd.f32 v60, v5  }
0x136: {  	v2 =	vadd.f32 v8, v2;
	v10 =	vld [tilespmem:s31+$0x0];
	v3 =	vadd.f32 v3, v4;
	v8 =	vmul.f32 v6, v59  }
0x137: {  	s23 =	sor.u32 s30, s19;
	v4 =	vld [tilespmem:s28+$0x0]  }
0x138: {  	s22 =	sor.u32 s1, s19;
	v5 =	vadd.f32 v9, v5;
	v9 =	vld [tilespmem:s23+$0x0];
	v3 =	vadd.f32 v7, v3;
	v7 =	vmul.f32 v8, v6  }
0x139: {  	v2 =	vadd.f32 v11, v2;
	v8 =	vld [tilespmem:s22+$0x0]  }
0x13a: {  	v11 =	vld [tilespmem:s20+$0x0];
	v7 =	vsub.f32 $1.500000000e+00, v7  }
0x13b: {  	s24 =	sor.u32 s30, s21;
	v63 =	vld [tilespmem:s17+$0x0];
	v13 =	vadd.f32 v61, v2  }
0x13c: {  	s5 =	sadd.s32 $0x4, s5;
	s19 =	sor.u32 s1, s21;
	v5 =	vadd.f32 v10, v5;
	v10 =	vld [tilespmem:s24+$0x0];
	v3 =	vadd.f32 v4, v3;
	v2 =	vmul.f32 v7, v6  }
0x13d: {  	p1 =	slt.u32 s5, $0x24;
	s21 =	sor.u32 s30, s12;
	v62 =	vld [tilespmem:s19+$0x0]  }
.Ltmp4:
0x13e: {  	s12 =	sor.u32 s1, s12;
	v4 =	vld [tilespmem:s21+$0x0];
	v3 =	vadd.f32 v8, v3;
	v8 =	vmul.f32 v2, v59;
	(pc) =	sbr.rel @p1 .LBB2_10-.Ltmp4, $4  }
0x13f: {  	v7 =	vadd.f32 v9, v5;
	v9 =	vadd.f32 v11, v13;
	v5 =	vld [tilespmem:s12+$0x0]  }
0x140: {  	s11 =	sor.u32 s30, s16;
	v6 =	vld [tilespmem:s3+$0x0];
	v12 =	vmul.f32 v8, v2  }
0x141: {  	s6 =	sadd.s32 $0x200, s6;
	s15 =	sor.u32 s1, s0;
	s14 =	sor.u32 s1, s16;
	v11 =	vadd.f32 v10, v7;
	v7 =	vld [tilespmem:s11+$0x0];
	v9 =	vadd.f32 v63, v9  }
0x142: {  	s16 =	sor.u32 s30, s0;
	s0 =	sand.u32 $0x380, s7;
	s7 =	sadd.s32 $0x40, s7;
	v10 =	vadd.f32 v62, v3;
	v8 =	vld [tilespmem:s14+$0x0];
	v3 =	vsub.f32 $1.500000000e+00, v12  }
0x143: {  	v12 =	vld [tilespmem:s18+$0x0]  }
0x144: {  	v13 =	vld [tilespmem:s16+$0x0]  }
0x145: {  	v4 =	vadd.f32 v4, v11;
	v11 =	vld [tilespmem:s15+$0x0]  }
0x146: {  	v5 =	vadd.f32 v5, v10  }
0x147: {  	v6 =	vadd.f32 v6, v9;
	v4 =	vadd.f32 v7, v4  }
0x148: {  	v5 =	vadd.f32 v8, v5  }
0x149: {  	v6 =	vadd.f32 v12, v6;
	v4 =	vadd.f32 v13, v4  }
0x14a: {  	v5 =	vadd.f32 v11, v5  }
0x14b: {  	v6 =	vadd.f32 $1.000000000e+00, v6;
	v4 =	vadd.f32 $1.000000000e+00, v4  }
0x14c: {  	v5 =	vadd.f32 $1.000000000e+00, v5  }
0x14d: {  	v7 =	vshrl.u32 v6, $0x1;
	v6 =	vmul.f32 $5.000000000e-01, v6;
	v8 =	vshrl.u32 v4, $0x1  }
0x14e: {  	v4 =	vmul.f32 $5.000000000e-01, v4;
	v9 =	vshrl.u32 v5, $0x1;
	v7 =	vsub.s32 $0x5F3759DF, v7  }
0x14f: {  	v5 =	vmul.f32 $5.000000000e-01, v5;
	v8 =	vsub.s32 $0x5F3759DF, v8;
	v10 =	vmul.f32 v7, v6  }
0x150: {  	v9 =	vsub.s32 $0x5F3759DF, v9;
	v11 =	vmul.f32 v8, v4  }
0x151: {  	v62 =	vmul.f32 v9, v5;
	v10 =	vmul.f32 v7, v10  }
0x152: {  	v11 =	vmul.f32 v8, v11  }
0x153: {  	v12 =	vmul.f32 v9, v62;
	v10 =	vsub.f32 $1.500000000e+00, v10  }
0x154: {  	v11 =	vsub.f32 $1.500000000e+00, v11  }
0x155: {  	v12 =	vsub.f32 $1.500000000e+00, v12;
	v7 =	vmul.f32 v7, v10  }
0x156: {  	v8 =	vmul.f32 v8, v11  }
0x157: {  	v9 =	vmul.f32 v9, v12;
	v10 =	vmul.f32 v7, v6  }
0x158: {  	v11 =	vmul.f32 v8, v4  }
0x159: {  	v12 =	vmul.f32 v9, v5;
	v10 =	vmul.f32 v10, v7  }
0x15a: {  	v11 =	vmul.f32 v11, v8  }
0x15b: {  	v12 =	vmul.f32 v12, v9;
	v10 =	vsub.f32 $1.500000000e+00, v10  }
0x15c: {  	v11 =	vsub.f32 $1.500000000e+00, v11  }
0x15d: {  	v7 =	vmul.f32 v10, v7;
	v10 =	vsub.f32 $1.500000000e+00, v12  }
0x15e: {  	v8 =	vmul.f32 v11, v8  }
0x15f: {  	v6 =	vmul.f32 v7, v6;
	v9 =	vmul.f32 v10, v9  }
0x160: {  	v4 =	vmul.f32 v8, v4  }
0x161: {  	v6 =	vmul.f32 v6, v7;
	v5 =	vmul.f32 v9, v5  }
0x162: {  	v4 =	vmul.f32 v4, v8  }
0x163: {  	v6 =	vsub.f32 $1.500000000e+00, v6;
	v5 =	vmul.f32 v5, v9  }
0x164: {  	s0 =	sor.u32 $0x13C00, s0;
	v2 =	vmul.f32 v3, v2;
	v3 =	vsub.f32 $1.500000000e+00, v4  }
0x165: {  	s3 =	sor.u32 s29, s0;
	v4 =	vmul.f32 v6, v7;
	v5 =	vsub.f32 $1.500000000e+00, v5  }
0x166: {  	s25 =	sadd.s32 $0x40, s4;
	[tilespmem:s3+$0x0] =	vst v2;
	v2 =	vmul.f32 v3, v8  }
0x167: {  	s26 =	sor.u32 s30, s0;
	[tilespmem:s25+$0x0] =	vst v4;
	v3 =	vmul.f32 v5, v9  }
0x168: {  	s0 =	sor.u32 s1, s0;
	[tilespmem:s26+$0x0] =	vst v2  }
0x169: {  	[tilespmem:s0+$0x0] =	vst v3  }
0x16a: {  	s28 =	simm.s32 $0x13C00;
	s9 =	simm.s32 $0x4;
	s0 =	rddreg [dreg:$0x10]  }
0x16b: {  	[spmem:s0] =	stream.linear.scatter [tilespmem:s28], [sflag:$0x4], $0x280, $0x38;
	[tilespmem:$0x19100] =	vst v63  }
0x16c: {  	_ =	swait.ge [sflag:s9], $0x280  }
0x16d: {  	s1 =	simm.s32 @!p0 $0x13C00;
	[sflag:s9] =	ssyncset.done $0x0  }
0x16e: {  	s0 =	simm.s32 @!p0 $0x0;
	s3 =	rddreg [dreg:$0x11];
	[sflag:s9] =	ssyncadd.s32 $0xFFFFFD80  }
0x16f: {  	[hbm4b:s3+s0] =	stream.linear.scatter @!p0 [tilespmem:s1], [sflag:$0x4], $0x280, $0x38;
	[tilespmem:$0x19100] =	vst v63  }
0x170: {  	s0 =	simm.s32 @!p0 $0x4  }
0x171: {  	_ =	swait.ge @!p0 [sflag:s0], $0x280  }
0x172: {  	[sflag:s0] =	ssyncset.done @!p0 $0x0  }
0x173: {  	[sflag:s0] =	ssyncadd.s32 @!p0 $0xFFFFFD80  }
0x174: {  	s29 =	simm.s32 $0x3;
	[bflag:$0x0] =	sbarrier.arrive $0xFFFF  }
0x175: {  	_ =	swait.ge [sflag:s29], $0x2780  }
0x176: {  	[sflag:s29] =	ssyncset.done $0x0  }
0x177: {  	[sflag:s29] =	ssyncadd.s32 $0xFFFFD880  }
0x178: {  	s30 =	simm.s32 $0x13E80;
	s0 =	rddreg [dreg:$0x2]  }
0x179: {  	[tilespmem:s30], [sflag:$0x4] =	stream.linear.gather [spmem:s0], $0x2800, $0x38;
	[tilespmem:$0x19100] =	vst v63  }
0x17a: {  	_ =	swait.ge [sflag:s9], $0x2800  }
0x17b: {  	s15 =	simm.s32 $0x0;
	s6 =	simm.s32 $0x4F00;
	[sflag:s9] =	ssyncset.done $0x0  }
0x17c: {  	s0 =	simm.s32 $0x40;
	s31 =	rddreg [dreg:$0x12];
	[sflag:s9] =	ssyncadd.s32 $0xFFFFD800  }
0x17d: {  	[tilespmem:s6], [sflag:$0x1] =	stream.linear.gather [hbm4b:s31+s15], $0x4E20, $0x38;
	[tilespmem:$0x19100] =	vst v63  }
0x17e: {  	s1 =	simm.s32 $0x13EC0;
	v3 =	vld [tilespmem:s0+$0x30]  }
0x17f: {  	v4 =	vld [tilespmem:s1+$0x30]  }
0x180: {  	v2 =	vld [tilespmem:s1+$0xFFFFFFC0]  }
0x181: {  	v5 =	vld [tilespmem:s0+$0xFFFFFFD0]  }
0x182: {  	v6 =	vld [tilespmem:s1+$0xFFFFFFD0]  }
0x183: {  	v7 =	vld [tilespmem:s0+$0xFFFFFFE0]  }
0x184: {  	v8 =	vld [tilespmem:s1+$0xFFFFFFE0]  }
0x185: {  	v9 =	vld [tilespmem:s0+$0xFFFFFFF0]  }
0x186: {  	v10 =	vld [tilespmem:s1+$0xFFFFFFF0]  }
0x187: {  	v11 =	vld [tilespmem:s0+$0x0]  }
0x188: {  	v63 =	vld [tilespmem:s1+$0x0];
	v4 =	vmul.f32 v4, v3  }
0x189: {  	v6 =	vmul.f32 v6, v5;
	v3 =	vld [tilespmem:s0+$0x10]  }
0x18a: {  	v7 =	vmul.f32 v8, v7;
	v5 =	vld [tilespmem:s1+$0x10];
	[tilespmem:s0+$0x30] =	vst v4  }
0x18b: {  	v8 =	vmul.f32 v10, v9;
	[tilespmem:s0+$0xFFFFFFD0] =	vst v6;
	v4 =	vld [tilespmem:s0+$0x20]  }
0x18c: {  	[tilespmem:s0+$0xFFFFFFE0] =	vst v7;
	v7 =	vld [tilespmem:s1+$0x20]  }
0x18d: {  	s4 =	simm.s32 $0xC0;
	s3 =	simm.s32 $0x0;
	v6 =	vld [tilespmem:s0+$0xFFFFFFC0];
	[tilespmem:s0+$0xFFFFFFF0] =	vst v8;
	v8 =	vmul.f32 v63, v11  }
.LBB2_12:
0x18e: {  	v9 =	vld [tilespmem:s4+$0x30];
	s1 =	sadd.s32 $0x80, s1  }
0x18f: {  	s3 =	sadd.s32 $0x8, s3;
	v10 =	vld [tilespmem:s1+$0x30];
	[tilespmem:s0+$0x0] =	vst v8;
	v3 =	vmul.f32 v5, v3  }
0x190: {  	p1 =	slt.u32 s3, $0x268;
	v5 =	vld [tilespmem:s1+$0xFFFFFFC0]  }
0x191: {  	v8 =	vld [tilespmem:s4+$0xFFFFFFD0];
	[tilespmem:s0+$0x10] =	vst v3;
	v3 =	vmul.f32 v7, v4  }
0x192: {  	v4 =	vld [tilespmem:s1+$0xFFFFFFD0];
	v11 =	vmul.f32 v2, v6  }
0x193: {  	v6 =	vld [tilespmem:s4+$0xFFFFFFE0];
	[tilespmem:s0+$0x20] =	vst v3  }
0x194: {  	v3 =	vld [tilespmem:s1+$0xFFFFFFE0];
	v7 =	vmul.f32 v10, v9;
	[tilespmem:s0+$0xFFFFFFC0] =	vst v11;
	s0 =	smov.u32 s4  }
0x195: {  	v9 =	vld [tilespmem:s4+$0xFFFFFFF0];
	v2 =	vmov v5  }
0x196: {  	v10 =	vld [tilespmem:s1+$0xFFFFFFF0];
	[tilespmem:s4+$0x30] =	vst v7  }
0x197: {  	v4 =	vmul.f32 v4, v8;
	v8 =	vld [tilespmem:s4+$0x0]  }
0x198: {  	v11 =	vld [tilespmem:s1+$0x0]  }
.Ltmp5:
0x199: {  	[tilespmem:s4+$0xFFFFFFD0] =	vst v4;
	v4 =	vmul.f32 v3, v6;
	v3 =	vld [tilespmem:s4+$0x10];
	(pc) =	sbr.rel @p1 .LBB2_12-.Ltmp5, $4  }
0x19a: {  	v5 =	vld [tilespmem:s1+$0x10]  }
0x19b: {  	[tilespmem:s4+$0xFFFFFFE0] =	vst v4;
	v9 =	vmul.f32 v10, v9;
	v4 =	vld [tilespmem:s4+$0x20]  }
0x19c: {  	v7 =	vld [tilespmem:s1+$0x20]  }
0x19d: {  	s4 =	sadd.s32 $0x80, s4;
	v6 =	vld [tilespmem:s0+$0xFFFFFFC0];
	[tilespmem:s0+$0xFFFFFFF0] =	vst v9;
	v8 =	vmul.f32 v11, v8  }
0x19e: {  	_ =	sdelay $0x1  }
0x19f: {  	v3 =	vmul.f32 v5, v3  }
0x1a0: {  	[tilespmem:s0+$0x0] =	vst v8;
	v4 =	vmul.f32 v7, v4  }
0x1a1: {  	[tilespmem:s0+$0x10] =	vst v3;
	v2 =	vmul.f32 v2, v6  }
0x1a2: {  	[tilespmem:s0+$0x20] =	vst v4  }
0x1a3: {  	[tilespmem:s0+$0xFFFFFFC0] =	vst v2  }
0x1a4: {  	v2 =	vld [tilespmem:$0x2700]  }
0x1a5: {  	v3 =	vld [tilespmem:$0x16580];
	_ =	sdelay $0x4  }
0x1a6: {  	v2 =	vmul.f32 v3, v2  }
0x1a7: {  	s1 =	simm.s32 $0x0  }
0x1a8: {  	s10 =	simm.s32 $0x9D80;
	s7 =	simm.s32 $0x1;
	s0 =	rddreg [dreg:$0x13];
	[tilespmem:$0x2700] =	vst v2  }
0x1a9: {  	[tilespmem:s10], [sflag:$0x2] =	stream.linear.gather [hbm4b:s0+s1], $0x4E20, $0x38;
	[tilespmem:$0x19100] =	vst v63  }
0x1aa: {  	_ =	swait.ge [sflag:s7], $0x4E20  }
0x1ab: {  	[sflag:s7] =	ssyncset.done $0x0  }
0x1ac: {  	s31 =	sand.u32 $0x7FC0, s1;
	[sflag:s7] =	ssyncadd.s32 $0xFFFFB1E0  }
0x1ad: {  	s4 =	simm.s32 $0x4F60;
	v2 =	vld [tilespmem:s31+$0x4F80]  }
0x1ae: {  	v8 =	vld [tilespmem:s4+$0xFFFFFFB0]  }
0x1af: {  	v10 =	vld [tilespmem:s4+$0xFFFFFFC0]  }
0x1b0: {  	v3 =	vld [tilespmem:s4+$0xFFFFFFA0]  }
0x1b1: {  	v6 =	vld [tilespmem:s4+$0x40]  }
0x1b2: {  	v5 =	vld [tilespmem:s4+$0x50]  }
0x1b3: {  	v11 =	vld [tilespmem:s4+$0x10];
	v4 =	vand.u32 $0xFFFF, v2  }
0x1b4: {  	v7 =	vld [tilespmem:s4+$0x30]  }
0x1b5: {  	v12 =	vld [tilespmem:s4+$0x0];
	v9 =	vand.u32 $0xFFFF, v3  }
0x1b6: {  	v15 =	vld [tilespmem:s4+$0xFFFFFFE0];
	v14 =	vand.u32 $0xFFFF, v6  }
0x1b7: {  	v13 =	vld [tilespmem:s4+$0xFFFFFFF0];
	v16 =	vand.u32 $0xFFFF, v5  }
0x1b8: {  	v2 =	vshrl.u32 v2, $0x10;
	v4 =	vld.idx.msk [tilespmem:v4+s1+$0x0], $0xffff  }
0x1b9: {  	v17 =	vld [tilespmem:s4+$0xFFFFFFD0];
	v18 =	vand.u32 $0xFFFF, v7  }
0x1ba: {  	v20 =	vand.u32 $0xFFFF, v12;
	v9 =	vld.idx.msk [tilespmem:v9+s1+$0x0], $0xffff  }
0x1bb: {  	v22 =	vand.u32 $0xFFFF, v15;
	v14 =	vld.idx.msk [tilespmem:v14+s1+$0x0], $0xffff  }
0x1bc: {  	v19 =	vand.u32 $0xFFFF, v11;
	v16 =	vld.idx.msk [tilespmem:v16+s1+$0x0], $0xffff  }
0x1bd: {  	[tilespmem:v2+s2+$0x0] =	vst.idx.add.f32.msk $0xffff, v4;
	v4 =	vand.u32 $0xFFFF, v13  }
0x1be: {  	v6 =	vshrl.u32 v6, $0x10;
	v18 =	vld.idx.msk [tilespmem:v18+s1+$0x0], $0xffff  }
0x1bf: {  	v21 =	vshrl.u32 v3, $0x10;
	v60 =	vld.idx.msk [tilespmem:v20+s1+$0x0], $0xffff  }
0x1c0: {  	v5 =	vshrl.u32 v5, $0x10;
	v63 =	vld.idx.msk [tilespmem:v22+s1+$0x0], $0xffff  }
0x1c1: {  	v61 =	vand.u32 $0xFFFF, v17;
	v2 =	vld.idx.msk [tilespmem:v19+s1+$0x0], $0xffff  }
0x1c2: {  	v3 =	vld.idx.msk [tilespmem:v4+s1+$0x0], $0xffff;
	v4 =	vand.u32 $0xFFFF, v10  }
0x1c3: {  	v15 =	vshrl.u32 v15, $0x10;
	[tilespmem:v6+s2+$0x0] =	vst.idx.add.f32.msk $0xffff, v14  }
0x1c4: {  	v12 =	vshrl.u32 v12, $0x10;
	[tilespmem:v21+s2+$0x0] =	vst.idx.add.f32.msk $0xffff, v9  }
0x1c5: {  	v6 =	vshrl.u32 v7, $0x10;
	[tilespmem:v5+s2+$0x0] =	vst.idx.add.f32.msk $0xffff, v16  }
0x1c6: {  	v62 =	vand.u32 $0xFFFF, v8;
	v7 =	vld.idx.msk [tilespmem:v61+s1+$0x0], $0xffff  }
0x1c7: {  	v9 =	vld.idx.msk [tilespmem:v4+s1+$0x0], $0xffff;
	v4 =	vshrl.u32 v17, $0x10  }
0x1c8: {  	[tilespmem:v15+s2+$0x0] =	vst.idx.add.f32.msk $0xffff, v63;
	v10 =	vshrl.u32 v10, $0x10  }
0x1c9: {  	v5 =	vshrl.u32 v11, $0x10;
	[tilespmem:v12+s2+$0x0] =	vst.idx.add.f32.msk $0xffff, v60  }
0x1ca: {  	s3 =	simm.s32 $0xC0;
	[tilespmem:v6+s2+$0x0] =	vst.idx.add.f32.msk $0xffff, v18  }
0x1cb: {  	s8 =	simm.s32 $0xEC00;
	s11 =	simm.s32 $0x2;
	s0 =	simm.s32 $0x0;
	v8 =	vshrl.u32 v8, $0x10;
	v11 =	vshrl.u32 v13, $0x10;
	v6 =	vld.idx.msk [tilespmem:v62+s1+$0x0], $0xffff  }
.LBB2_14:
0x1cc: {  	s5 =	sand.u32 $0x7FC0, s3;
	s0 =	sadd.s32 $0xC, s0;
	[tilespmem:v4+s2+$0x0] =	vst.idx.add.f32.msk $0xffff, v7;
	s4 =	sadd.s32 $0xC0, s4  }
0x1cd: {  	p1 =	slt.u32 s0, $0x4D4;
	[tilespmem:v10+s2+$0x0] =	vst.idx.add.f32.msk $0xffff, v9  }
0x1ce: {  	[tilespmem:v5+s2+$0x0] =	vst.idx.add.f32.msk $0xffff, v2  }
0x1cf: {  	v2 =	vld [tilespmem:s5+$0x4F80]  }
0x1d0: {  	[tilespmem:v8+s2+$0x0] =	vst.idx.add.f32.msk $0xffff, v6  }
0x1d1: {  	[tilespmem:v11+s2+$0x0] =	vst.idx.add.f32.msk $0xffff, v3  }
0x1d2: {  	v6 =	vld [tilespmem:s4+$0xFFFFFFB0]  }
0x1d3: {  	v7 =	vld [tilespmem:s4+$0xFFFFFFC0]  }
0x1d4: {  	v3 =	vld [tilespmem:s4+$0xFFFFFFA0];
	v4 =	vand.u32 $0xFFFF, v2  }
0x1d5: {  	v5 =	vld [tilespmem:s4+$0x50]  }
0x1d6: {  	v8 =	vld [tilespmem:s4+$0x40]  }
0x1d7: {  	v9 =	vld [tilespmem:s4+$0x10]  }
0x1d8: {  	v10 =	vld [tilespmem:s4+$0x30]  }
0x1d9: {  	v11 =	vand.u32 $0xFFFF, v3;
	v4 =	vld.idx.msk [tilespmem:v4+s1+$0x0], $0xffff  }
0x1da: {  	v2 =	vshrl.u32 v2, $0x10;
	v12 =	vld [tilespmem:s4+$0x0]  }
0x1db: {  	v13 =	vld [tilespmem:s4+$0xFFFFFFF0];
	v14 =	vand.u32 $0xFFFF, v8  }
0x1dc: {  	v16 =	vand.u32 $0xFFFF, v5;
	v15 =	vld [tilespmem:s4+$0xFFFFFFE0]  }
0x1dd: {  	v17 =	vld [tilespmem:s4+$0xFFFFFFD0];
	v18 =	vand.u32 $0xFFFF, v10  }
0x1de: {  	v19 =	vand.u32 $0xFFFF, v9;
	v11 =	vld.idx.msk [tilespmem:v11+s1+$0x0], $0xffff  }
0x1df: {  	v20 =	vand.u32 $0xFFFF, v12;
	[tilespmem:v2+s2+$0x0] =	vst.idx.add.f32.msk $0xffff, v4  }
0x1e0: {  	v21 =	vand.u32 $0xFFFF, v13;
	v14 =	vld.idx.msk [tilespmem:v14+s1+$0x0], $0xffff  }
0x1e1: {  	v8 =	vshrl.u32 v8, $0x10;
	v16 =	vld.idx.msk [tilespmem:v16+s1+$0x0], $0xffff  }
0x1e2: {  	v22 =	vshrl.u32 v3, $0x10;
	v23 =	vand.u32 $0xFFFF, v15;
	v18 =	vld.idx.msk [tilespmem:v18+s1+$0x0], $0xffff  }
0x1e3: {  	v4 =	vshrl.u32 v17, $0x10;
	v17 =	vand.u32 $0xFFFF, v17;
	v2 =	vld.idx.msk [tilespmem:v19+s1+$0x0], $0xffff  }
0x1e4: {  	v24 =	vshrl.u32 v5, $0x10;
	v19 =	vand.u32 $0xFFFF, v7;
	v20 =	vld.idx.msk [tilespmem:v20+s1+$0x0], $0xffff  }
0x1e5: {  	v25 =	vand.u32 $0xFFFF, v6;
	v3 =	vld.idx.msk [tilespmem:v21+s1+$0x0], $0xffff  }
0x1e6: {  	[tilespmem:v8+s2+$0x0] =	vst.idx.add.f32.msk $0xffff, v14  }
0x1e7: {  	v5 =	vshrl.u32 v9, $0x10;
	[tilespmem:v22+s2+$0x0] =	vst.idx.add.f32.msk $0xffff, v11;
	v11 =	vshrl.u32 v10, $0x10  }
0x1e8: {  	v14 =	vld.idx.msk [tilespmem:v23+s1+$0x0], $0xffff  }
0x1e9: {  	v15 =	vshrl.u32 v15, $0x10;
	[tilespmem:v24+s2+$0x0] =	vst.idx.add.f32.msk $0xffff, v16  }
0x1ea: {  	v12 =	vshrl.u32 v12, $0x10;
	v10 =	vshrl.u32 v7, $0x10;
	v7 =	vld.idx.msk [tilespmem:v17+s1+$0x0], $0xffff  }
.Ltmp6:
0x1eb: {  	v8 =	vshrl.u32 v6, $0x10;
	v9 =	vld.idx.msk [tilespmem:v19+s1+$0x0], $0xffff;
	(pc) =	sbr.rel @p1 .LBB2_14-.Ltmp6, $4  }
0x1ec: {  	[tilespmem:v11+s2+$0x0] =	vst.idx.add.f32.msk $0xffff, v18  }
0x1ed: {  	v6 =	vld.idx.msk [tilespmem:v25+s1+$0x0], $0xffff  }
0x1ee: {  	[tilespmem:v15+s2+$0x0] =	vst.idx.add.f32.msk $0xffff, v14  }
0x1ef: {  	s3 =	sadd.s32 $0xC0, s3;
	v11 =	vshrl.u32 v13, $0x10;
	[tilespmem:v12+s2+$0x0] =	vst.idx.add.f32.msk $0xffff, v20  }
0x1f0: {  	_ =	sdelay $0x3  }
0x1f1: {  	[tilespmem:v4+s2+$0x0] =	vst.idx.add.f32.msk $0xffff, v7  }
0x1f2: {  	[tilespmem:v10+s2+$0x0] =	vst.idx.add.f32.msk $0xffff, v9  }
0x1f3: {  	[tilespmem:v5+s2+$0x0] =	vst.idx.add.f32.msk $0xffff, v2  }
0x1f4: {  	[tilespmem:v11+s2+$0x0] =	vst.idx.add.f32.msk $0xffff, v3  }
0x1f5: {  	[tilespmem:v8+s2+$0x0] =	vst.idx.add.f32.msk $0xffff, v6  }
.LBB2_16:
0x1f6: {  	s0 =	sshra.s32 s1, $0x2  }
0x1f7: {  	v2 =	vld [tilespmem:s0+$0x9D00];
	_ =	sdelay $0x4  }
0x1f8: {  	v3 =	vand.u32 $0xFFFF, v2;
	_ =	sdelay $0x4  }
0x1f9: {  	p1 =	sne.s32 s1, $0x40;
	v2 =	vshrl.u32 v2, $0x10;
	v3 =	vld.idx.msk [tilespmem:v3+s15+$0x0], $0xffff  }
.Ltmp7:
0x1fa: {  	_ = 	snop;
	(pc) =	sbr.rel @p1 .LBB2_16-.Ltmp7, $2  }
0x1fb: {  	_ =	sdelay $0x2  }
0x1fc: {  	s1 =	sadd.s32 $0x40, s1;
	[tilespmem:v2+s2+$0x0] =	vst.idx.add.f32.msk $0xffff, v3  }
0x1fd: {  	s1 =	simm.s32 $0x0;
	s0 =	rddreg [dreg:$0x14]  }
0x1fe: {  	[tilespmem:s6], [sflag:$0x1] =	stream.linear.gather [hbm4b:s0+s1], $0x4E20, $0x38;
	[tilespmem:$0x19100] =	vst v63  }
0x1ff: {  	_ =	swait.ge [sflag:s11], $0x4E20  }
0x200: {  	[sflag:s11] =	ssyncset.done $0x0  }
0x201: {  	s31 =	sand.u32 $0x7FC0, s1;
	[sflag:s11] =	ssyncadd.s32 $0xFFFFB1E0  }
0x202: {  	s4 =	simm.s32 $0x9DE0;
	v2 =	vld [tilespmem:s31+$0x9E00]  }
0x203: {  	v8 =	vld [tilespmem:s4+$0xFFFFFFB0]  }
0x204: {  	v10 =	vld [tilespmem:s4+$0xFFFFFFC0]  }
0x205: {  	v3 =	vld [tilespmem:s4+$0xFFFFFFA0]  }
0x206: {  	v6 =	vld [tilespmem:s4+$0x40]  }
0x207: {  	v5 =	vld [tilespmem:s4+$0x50]  }
0x208: {  	v11 =	vld [tilespmem:s4+$0x10];
	v4 =	vand.u32 $0xFFFF, v2  }
0x209: {  	v7 =	vld [tilespmem:s4+$0x30]  }
0x20a: {  	v12 =	vld [tilespmem:s4+$0x0];
	v9 =	vand.u32 $0xFFFF, v3  }
0x20b: {  	v15 =	vld [tilespmem:s4+$0xFFFFFFE0];
	v14 =	vand.u32 $0xFFFF, v6  }
0x20c: {  	v13 =	vld [tilespmem:s4+$0xFFFFFFF0];
	v16 =	vand.u32 $0xFFFF, v5  }
0x20d: {  	v2 =	vshrl.u32 v2, $0x10;
	v4 =	vld.idx.msk [tilespmem:v4+s1+$0x0], $0xffff  }
0x20e: {  	v17 =	vld [tilespmem:s4+$0xFFFFFFD0];
	v18 =	vand.u32 $0xFFFF, v7  }
0x20f: {  	v20 =	vand.u32 $0xFFFF, v12;
	v9 =	vld.idx.msk [tilespmem:v9+s1+$0x0], $0xffff  }
0x210: {  	v22 =	vand.u32 $0xFFFF, v15;
	v14 =	vld.idx.msk [tilespmem:v14+s1+$0x0], $0xffff  }
0x211: {  	v19 =	vand.u32 $0xFFFF, v11;
	v16 =	vld.idx.msk [tilespmem:v16+s1+$0x0], $0xffff  }
0x212: {  	[tilespmem:v2+s2+$0x0] =	vst.idx.add.f32.msk $0xffff, v4;
	v4 =	vand.u32 $0xFFFF, v13  }
0x213: {  	v6 =	vshrl.u32 v6, $0x10;
	v18 =	vld.idx.msk [tilespmem:v18+s1+$0x0], $0xffff  }
0x214: {  	v21 =	vshrl.u32 v3, $0x10;
	v60 =	vld.idx.msk [tilespmem:v20+s1+$0x0], $0xffff  }
0x215: {  	v5 =	vshrl.u32 v5, $0x10;
	v63 =	vld.idx.msk [tilespmem:v22+s1+$0x0], $0xffff  }
0x216: {  	v61 =	vand.u32 $0xFFFF, v17;
	v2 =	vld.idx.msk [tilespmem:v19+s1+$0x0], $0xffff  }
0x217: {  	v3 =	vld.idx.msk [tilespmem:v4+s1+$0x0], $0xffff;
	v4 =	vand.u32 $0xFFFF, v10  }
0x218: {  	v15 =	vshrl.u32 v15, $0x10;
	[tilespmem:v6+s2+$0x0] =	vst.idx.add.f32.msk $0xffff, v14  }
0x219: {  	v12 =	vshrl.u32 v12, $0x10;
	[tilespmem:v21+s2+$0x0] =	vst.idx.add.f32.msk $0xffff, v9  }
0x21a: {  	v6 =	vshrl.u32 v7, $0x10;
	[tilespmem:v5+s2+$0x0] =	vst.idx.add.f32.msk $0xffff, v16  }
0x21b: {  	v62 =	vand.u32 $0xFFFF, v8;
	v7 =	vld.idx.msk [tilespmem:v61+s1+$0x0], $0xffff  }
0x21c: {  	v9 =	vld.idx.msk [tilespmem:v4+s1+$0x0], $0xffff;
	v4 =	vshrl.u32 v17, $0x10  }
0x21d: {  	[tilespmem:v15+s2+$0x0] =	vst.idx.add.f32.msk $0xffff, v63;
	v10 =	vshrl.u32 v10, $0x10  }
0x21e: {  	v5 =	vshrl.u32 v11, $0x10;
	[tilespmem:v12+s2+$0x0] =	vst.idx.add.f32.msk $0xffff, v60  }
0x21f: {  	[tilespmem:v6+s2+$0x0] =	vst.idx.add.f32.msk $0xffff, v18  }
0x220: {  	s3 =	simm.s32 $0xC0;
	s0 =	simm.s32 $0x0;
	v8 =	vshrl.u32 v8, $0x10;
	v11 =	vshrl.u32 v13, $0x10;
	v6 =	vld.idx.msk [tilespmem:v62+s1+$0x0], $0xffff  }
.LBB2_18:
0x221: {  	s5 =	sand.u32 $0x7FC0, s3;
	s0 =	sadd.s32 $0xC, s0;
	[tilespmem:v4+s2+$0x0] =	vst.idx.add.f32.msk $0xffff, v7;
	s4 =	sadd.s32 $0xC0, s4  }
0x222: {  	p1 =	slt.u32 s0, $0x4D4;
	[tilespmem:v10+s2+$0x0] =	vst.idx.add.f32.msk $0xffff, v9  }
0x223: {  	[tilespmem:v5+s2+$0x0] =	vst.idx.add.f32.msk $0xffff, v2  }
0x224: {  	v2 =	vld [tilespmem:s5+$0x9E00]  }
0x225: {  	[tilespmem:v8+s2+$0x0] =	vst.idx.add.f32.msk $0xffff, v6  }
0x226: {  	[tilespmem:v11+s2+$0x0] =	vst.idx.add.f32.msk $0xffff, v3  }
0x227: {  	v6 =	vld [tilespmem:s4+$0xFFFFFFB0]  }
0x228: {  	v7 =	vld [tilespmem:s4+$0xFFFFFFC0]  }
0x229: {  	v3 =	vld [tilespmem:s4+$0xFFFFFFA0];
	v4 =	vand.u32 $0xFFFF, v2  }
0x22a: {  	v5 =	vld [tilespmem:s4+$0x50]  }
0x22b: {  	v8 =	vld [tilespmem:s4+$0x40]  }
0x22c: {  	v9 =	vld [tilespmem:s4+$0x10]  }
0x22d: {  	v10 =	vld [tilespmem:s4+$0x30]  }
0x22e: {  	v11 =	vand.u32 $0xFFFF, v3;
	v4 =	vld.idx.msk [tilespmem:v4+s1+$0x0], $0xffff  }
0x22f: {  	v2 =	vshrl.u32 v2, $0x10;
	v12 =	vld [tilespmem:s4+$0x0]  }
0x230: {  	v13 =	vld [tilespmem:s4+$0xFFFFFFF0];
	v14 =	vand.u32 $0xFFFF, v8  }
0x231: {  	v16 =	vand.u32 $0xFFFF, v5;
	v15 =	vld [tilespmem:s4+$0xFFFFFFE0]  }
0x232: {  	v17 =	vld [tilespmem:s4+$0xFFFFFFD0];
	v18 =	vand.u32 $0xFFFF, v10  }
0x233: {  	v19 =	vand.u32 $0xFFFF, v9;
	v11 =	vld.idx.msk [tilespmem:v11+s1+$0x0], $0xffff  }
0x234: {  	v20 =	vand.u32 $0xFFFF, v12;
	[tilespmem:v2+s2+$0x0] =	vst.idx.add.f32.msk $0xffff, v4  }
0x235: {  	v21 =	vand.u32 $0xFFFF, v13;
	v14 =	vld.idx.msk [tilespmem:v14+s1+$0x0], $0xffff  }
0x236: {  	v8 =	vshrl.u32 v8, $0x10;
	v16 =	vld.idx.msk [tilespmem:v16+s1+$0x0], $0xffff  }
0x237: {  	v22 =	vshrl.u32 v3, $0x10;
	v23 =	vand.u32 $0xFFFF, v15;
	v18 =	vld.idx.msk [tilespmem:v18+s1+$0x0], $0xffff  }
0x238: {  	v4 =	vshrl.u32 v17, $0x10;
	v17 =	vand.u32 $0xFFFF, v17;
	v2 =	vld.idx.msk [tilespmem:v19+s1+$0x0], $0xffff  }
0x239: {  	v24 =	vshrl.u32 v5, $0x10;
	v19 =	vand.u32 $0xFFFF, v7;
	v20 =	vld.idx.msk [tilespmem:v20+s1+$0x0], $0xffff  }
0x23a: {  	v25 =	vand.u32 $0xFFFF, v6;
	v3 =	vld.idx.msk [tilespmem:v21+s1+$0x0], $0xffff  }
0x23b: {  	[tilespmem:v8+s2+$0x0] =	vst.idx.add.f32.msk $0xffff, v14  }
0x23c: {  	v5 =	vshrl.u32 v9, $0x10;
	[tilespmem:v22+s2+$0x0] =	vst.idx.add.f32.msk $0xffff, v11;
	v11 =	vshrl.u32 v10, $0x10  }
0x23d: {  	v14 =	vld.idx.msk [tilespmem:v23+s1+$0x0], $0xffff  }
0x23e: {  	v15 =	vshrl.u32 v15, $0x10;
	[tilespmem:v24+s2+$0x0] =	vst.idx.add.f32.msk $0xffff, v16  }
0x23f: {  	v12 =	vshrl.u32 v12, $0x10;
	v10 =	vshrl.u32 v7, $0x10;
	v7 =	vld.idx.msk [tilespmem:v17+s1+$0x0], $0xffff  }
.Ltmp8:
0x240: {  	v8 =	vshrl.u32 v6, $0x10;
	v9 =	vld.idx.msk [tilespmem:v19+s1+$0x0], $0xffff;
	(pc) =	sbr.rel @p1 .LBB2_18-.Ltmp8, $4  }
0x241: {  	[tilespmem:v11+s2+$0x0] =	vst.idx.add.f32.msk $0xffff, v18  }
0x242: {  	v6 =	vld.idx.msk [tilespmem:v25+s1+$0x0], $0xffff  }
0x243: {  	[tilespmem:v15+s2+$0x0] =	vst.idx.add.f32.msk $0xffff, v14  }
0x244: {  	s3 =	sadd.s32 $0xC0, s3;
	v11 =	vshrl.u32 v13, $0x10;
	[tilespmem:v12+s2+$0x0] =	vst.idx.add.f32.msk $0xffff, v20  }
0x245: {  	_ =	sdelay $0x3  }
0x246: {  	[tilespmem:v4+s2+$0x0] =	vst.idx.add.f32.msk $0xffff, v7  }
0x247: {  	[tilespmem:v10+s2+$0x0] =	vst.idx.add.f32.msk $0xffff, v9  }
0x248: {  	[tilespmem:v5+s2+$0x0] =	vst.idx.add.f32.msk $0xffff, v2  }
0x249: {  	[tilespmem:v11+s2+$0x0] =	vst.idx.add.f32.msk $0xffff, v3  }
0x24a: {  	[tilespmem:v8+s2+$0x0] =	vst.idx.add.f32.msk $0xffff, v6  }
.LBB2_20:
0x24b: {  	s0 =	sshra.s32 s1, $0x2  }
0x24c: {  	v2 =	vld [tilespmem:s0+$0xEB80];
	_ =	sdelay $0x4  }
0x24d: {  	v3 =	vand.u32 $0xFFFF, v2;
	_ =	sdelay $0x4  }
0x24e: {  	p1 =	sne.s32 s1, $0x40;
	v2 =	vshrl.u32 v2, $0x10;
	v3 =	vld.idx.msk [tilespmem:v3+s15+$0x0], $0xffff  }
.Ltmp9:
0x24f: {  	_ = 	snop;
	(pc) =	sbr.rel @p1 .LBB2_20-.Ltmp9, $2  }
0x250: {  	_ =	sdelay $0x2  }
0x251: {  	s1 =	sadd.s32 $0x40, s1;
	[tilespmem:v2+s2+$0x0] =	vst.idx.add.f32.msk $0xffff, v3  }
0x252: {  	s1 =	simm.s32 $0x0;
	s0 =	rddreg [dreg:$0x15]  }
0x253: {  	[tilespmem:s10], [sflag:$0x2] =	stream.linear.gather [hbm4b:s0+s1], $0x4E20, $0x38;
	[tilespmem:$0x19100] =	vst v63  }
0x254: {  	_ =	swait.ge [sflag:s7], $0x4E20  }
0x255: {  	[sflag:s7] =	ssyncset.done $0x0  }
0x256: {  	s31 =	sand.u32 $0x7FC0, s1;
	[sflag:s7] =	ssyncadd.s32 $0xFFFFB1E0  }
0x257: {  	s4 =	simm.s32 $0x4F60;
	v2 =	vld [tilespmem:s31+$0x4F80]  }
0x258: {  	v8 =	vld [tilespmem:s4+$0xFFFFFFB0]  }
0x259: {  	v10 =	vld [tilespmem:s4+$0xFFFFFFC0]  }
0x25a: {  	v3 =	vld [tilespmem:s4+$0xFFFFFFA0]  }
0x25b: {  	v6 =	vld [tilespmem:s4+$0x40]  }
0x25c: {  	v5 =	vld [tilespmem:s4+$0x50]  }
0x25d: {  	v11 =	vld [tilespmem:s4+$0x10];
	v4 =	vand.u32 $0xFFFF, v2  }
0x25e: {  	v7 =	vld [tilespmem:s4+$0x30]  }
0x25f: {  	v12 =	vld [tilespmem:s4+$0x0];
	v9 =	vand.u32 $0xFFFF, v3  }
0x260: {  	v15 =	vld [tilespmem:s4+$0xFFFFFFE0];
	v14 =	vand.u32 $0xFFFF, v6  }
0x261: {  	v13 =	vld [tilespmem:s4+$0xFFFFFFF0];
	v16 =	vand.u32 $0xFFFF, v5  }
0x262: {  	v2 =	vshrl.u32 v2, $0x10;
	v4 =	vld.idx.msk [tilespmem:v4+s1+$0x0], $0xffff  }
0x263: {  	v17 =	vld [tilespmem:s4+$0xFFFFFFD0];
	v18 =	vand.u32 $0xFFFF, v7  }
0x264: {  	v20 =	vand.u32 $0xFFFF, v12;
	v9 =	vld.idx.msk [tilespmem:v9+s1+$0x0], $0xffff  }
0x265: {  	v22 =	vand.u32 $0xFFFF, v15;
	v14 =	vld.idx.msk [tilespmem:v14+s1+$0x0], $0xffff  }
0x266: {  	v19 =	vand.u32 $0xFFFF, v11;
	v16 =	vld.idx.msk [tilespmem:v16+s1+$0x0], $0xffff  }
0x267: {  	[tilespmem:v2+s2+$0x0] =	vst.idx.add.f32.msk $0xffff, v4;
	v4 =	vand.u32 $0xFFFF, v13  }
0x268: {  	v6 =	vshrl.u32 v6, $0x10;
	v18 =	vld.idx.msk [tilespmem:v18+s1+$0x0], $0xffff  }
0x269: {  	v21 =	vshrl.u32 v3, $0x10;
	v60 =	vld.idx.msk [tilespmem:v20+s1+$0x0], $0xffff  }
0x26a: {  	v5 =	vshrl.u32 v5, $0x10;
	v63 =	vld.idx.msk [tilespmem:v22+s1+$0x0], $0xffff  }
0x26b: {  	v61 =	vand.u32 $0xFFFF, v17;
	v2 =	vld.idx.msk [tilespmem:v19+s1+$0x0], $0xffff  }
0x26c: {  	v3 =	vld.idx.msk [tilespmem:v4+s1+$0x0], $0xffff;
	v4 =	vand.u32 $0xFFFF, v10  }
0x26d: {  	v15 =	vshrl.u32 v15, $0x10;
	[tilespmem:v6+s2+$0x0] =	vst.idx.add.f32.msk $0xffff, v14  }
0x26e: {  	v12 =	vshrl.u32 v12, $0x10;
	[tilespmem:v21+s2+$0x0] =	vst.idx.add.f32.msk $0xffff, v9  }
0x26f: {  	v6 =	vshrl.u32 v7, $0x10;
	[tilespmem:v5+s2+$0x0] =	vst.idx.add.f32.msk $0xffff, v16  }
0x270: {  	v62 =	vand.u32 $0xFFFF, v8;
	v7 =	vld.idx.msk [tilespmem:v61+s1+$0x0], $0xffff  }
0x271: {  	v9 =	vld.idx.msk [tilespmem:v4+s1+$0x0], $0xffff;
	v4 =	vshrl.u32 v17, $0x10  }
0x272: {  	[tilespmem:v15+s2+$0x0] =	vst.idx.add.f32.msk $0xffff, v63;
	v10 =	vshrl.u32 v10, $0x10  }
0x273: {  	v5 =	vshrl.u32 v11, $0x10;
	[tilespmem:v12+s2+$0x0] =	vst.idx.add.f32.msk $0xffff, v60  }
0x274: {  	[tilespmem:v6+s2+$0x0] =	vst.idx.add.f32.msk $0xffff, v18  }
0x275: {  	s3 =	simm.s32 $0xC0;
	s0 =	simm.s32 $0x0;
	v8 =	vshrl.u32 v8, $0x10;
	v11 =	vshrl.u32 v13, $0x10;
	v6 =	vld.idx.msk [tilespmem:v62+s1+$0x0], $0xffff  }
.LBB2_22:
0x276: {  	s5 =	sand.u32 $0x7FC0, s3;
	s0 =	sadd.s32 $0xC, s0;
	[tilespmem:v4+s2+$0x0] =	vst.idx.add.f32.msk $0xffff, v7;
	s4 =	sadd.s32 $0xC0, s4  }
0x277: {  	p1 =	slt.u32 s0, $0x4D4;
	[tilespmem:v10+s2+$0x0] =	vst.idx.add.f32.msk $0xffff, v9  }
0x278: {  	[tilespmem:v5+s2+$0x0] =	vst.idx.add.f32.msk $0xffff, v2  }
0x279: {  	v2 =	vld [tilespmem:s5+$0x4F80]  }
0x27a: {  	[tilespmem:v8+s2+$0x0] =	vst.idx.add.f32.msk $0xffff, v6  }
0x27b: {  	[tilespmem:v11+s2+$0x0] =	vst.idx.add.f32.msk $0xffff, v3  }
0x27c: {  	v6 =	vld [tilespmem:s4+$0xFFFFFFB0]  }
0x27d: {  	v7 =	vld [tilespmem:s4+$0xFFFFFFC0]  }
0x27e: {  	v3 =	vld [tilespmem:s4+$0xFFFFFFA0];
	v4 =	vand.u32 $0xFFFF, v2  }
0x27f: {  	v5 =	vld [tilespmem:s4+$0x50]  }
0x280: {  	v8 =	vld [tilespmem:s4+$0x40]  }
0x281: {  	v9 =	vld [tilespmem:s4+$0x10]  }
0x282: {  	v10 =	vld [tilespmem:s4+$0x30]  }
0x283: {  	v11 =	vand.u32 $0xFFFF, v3;
	v4 =	vld.idx.msk [tilespmem:v4+s1+$0x0], $0xffff  }
0x284: {  	v2 =	vshrl.u32 v2, $0x10;
	v12 =	vld [tilespmem:s4+$0x0]  }
0x285: {  	v13 =	vld [tilespmem:s4+$0xFFFFFFF0];
	v14 =	vand.u32 $0xFFFF, v8  }
0x286: {  	v16 =	vand.u32 $0xFFFF, v5;
	v15 =	vld [tilespmem:s4+$0xFFFFFFE0]  }
0x287: {  	v17 =	vld [tilespmem:s4+$0xFFFFFFD0];
	v18 =	vand.u32 $0xFFFF, v10  }
0x288: {  	v19 =	vand.u32 $0xFFFF, v9;
	v11 =	vld.idx.msk [tilespmem:v11+s1+$0x0], $0xffff  }
0x289: {  	v20 =	vand.u32 $0xFFFF, v12;
	[tilespmem:v2+s2+$0x0] =	vst.idx.add.f32.msk $0xffff, v4  }
0x28a: {  	v21 =	vand.u32 $0xFFFF, v13;
	v14 =	vld.idx.msk [tilespmem:v14+s1+$0x0], $0xffff  }
0x28b: {  	v8 =	vshrl.u32 v8, $0x10;
	v16 =	vld.idx.msk [tilespmem:v16+s1+$0x0], $0xffff  }
0x28c: {  	v22 =	vshrl.u32 v3, $0x10;
	v23 =	vand.u32 $0xFFFF, v15;
	v18 =	vld.idx.msk [tilespmem:v18+s1+$0x0], $0xffff  }
0x28d: {  	v4 =	vshrl.u32 v17, $0x10;
	v17 =	vand.u32 $0xFFFF, v17;
	v2 =	vld.idx.msk [tilespmem:v19+s1+$0x0], $0xffff  }
0x28e: {  	v24 =	vshrl.u32 v5, $0x10;
	v19 =	vand.u32 $0xFFFF, v7;
	v20 =	vld.idx.msk [tilespmem:v20+s1+$0x0], $0xffff  }
0x28f: {  	v25 =	vand.u32 $0xFFFF, v6;
	v3 =	vld.idx.msk [tilespmem:v21+s1+$0x0], $0xffff  }
0x290: {  	[tilespmem:v8+s2+$0x0] =	vst.idx.add.f32.msk $0xffff, v14  }
0x291: {  	v5 =	vshrl.u32 v9, $0x10;
	[tilespmem:v22+s2+$0x0] =	vst.idx.add.f32.msk $0xffff, v11;
	v11 =	vshrl.u32 v10, $0x10  }
0x292: {  	v14 =	vld.idx.msk [tilespmem:v23+s1+$0x0], $0xffff  }
0x293: {  	v15 =	vshrl.u32 v15, $0x10;
	[tilespmem:v24+s2+$0x0] =	vst.idx.add.f32.msk $0xffff, v16  }
0x294: {  	v12 =	vshrl.u32 v12, $0x10;
	v10 =	vshrl.u32 v7, $0x10;
	v7 =	vld.idx.msk [tilespmem:v17+s1+$0x0], $0xffff  }
.Ltmp10:
0x295: {  	v8 =	vshrl.u32 v6, $0x10;
	v9 =	vld.idx.msk [tilespmem:v19+s1+$0x0], $0xffff;
	(pc) =	sbr.rel @p1 .LBB2_22-.Ltmp10, $4  }
0x296: {  	[tilespmem:v11+s2+$0x0] =	vst.idx.add.f32.msk $0xffff, v18  }
0x297: {  	v6 =	vld.idx.msk [tilespmem:v25+s1+$0x0], $0xffff  }
0x298: {  	[tilespmem:v15+s2+$0x0] =	vst.idx.add.f32.msk $0xffff, v14  }
0x299: {  	s3 =	sadd.s32 $0xC0, s3;
	v11 =	vshrl.u32 v13, $0x10;
	[tilespmem:v12+s2+$0x0] =	vst.idx.add.f32.msk $0xffff, v20  }
0x29a: {  	_ =	sdelay $0x3  }
0x29b: {  	[tilespmem:v4+s2+$0x0] =	vst.idx.add.f32.msk $0xffff, v7  }
0x29c: {  	[tilespmem:v10+s2+$0x0] =	vst.idx.add.f32.msk $0xffff, v9  }
0x29d: {  	[tilespmem:v5+s2+$0x0] =	vst.idx.add.f32.msk $0xffff, v2  }
0x29e: {  	[tilespmem:v11+s2+$0x0] =	vst.idx.add.f32.msk $0xffff, v3  }
0x29f: {  	[tilespmem:v8+s2+$0x0] =	vst.idx.add.f32.msk $0xffff, v6  }
.LBB2_24:
0x2a0: {  	s0 =	sshra.s32 s1, $0x2  }
0x2a1: {  	v2 =	vld [tilespmem:s0+$0x9D00];
	_ =	sdelay $0x4  }
0x2a2: {  	v3 =	vand.u32 $0xFFFF, v2;
	_ =	sdelay $0x4  }
0x2a3: {  	p1 =	sne.s32 s1, $0x40;
	v2 =	vshrl.u32 v2, $0x10;
	v3 =	vld.idx.msk [tilespmem:v3+s15+$0x0], $0xffff  }
.Ltmp11:
0x2a4: {  	_ = 	snop;
	(pc) =	sbr.rel @p1 .LBB2_24-.Ltmp11, $2  }
0x2a5: {  	_ =	sdelay $0x2  }
0x2a6: {  	s1 =	sadd.s32 $0x40, s1;
	[tilespmem:v2+s2+$0x0] =	vst.idx.add.f32.msk $0xffff, v3  }
0x2a7: {  	s1 =	simm.s32 $0x0;
	s0 =	rddreg [dreg:$0x16]  }
0x2a8: {  	[tilespmem:s6], [sflag:$0x1] =	stream.linear.gather [hbm4b:s0+s1], $0x4E20, $0x38;
	[tilespmem:$0x19100] =	vst v63  }
0x2a9: {  	_ =	swait.ge [sflag:s11], $0x4E20  }
0x2aa: {  	[sflag:s11] =	ssyncset.done $0x0  }
0x2ab: {  	s31 =	sand.u32 $0x7FC0, s1;
	[sflag:s11] =	ssyncadd.s32 $0xFFFFB1E0  }
0x2ac: {  	s4 =	simm.s32 $0x9DE0;
	v2 =	vld [tilespmem:s31+$0x9E00]  }
0x2ad: {  	v8 =	vld [tilespmem:s4+$0xFFFFFFB0]  }
0x2ae: {  	v10 =	vld [tilespmem:s4+$0xFFFFFFC0]  }
0x2af: {  	v3 =	vld [tilespmem:s4+$0xFFFFFFA0]  }
0x2b0: {  	v6 =	vld [tilespmem:s4+$0x40]  }
0x2b1: {  	v5 =	vld [tilespmem:s4+$0x50]  }
0x2b2: {  	v11 =	vld [tilespmem:s4+$0x10];
	v4 =	vand.u32 $0xFFFF, v2  }
0x2b3: {  	v7 =	vld [tilespmem:s4+$0x30]  }
0x2b4: {  	v12 =	vld [tilespmem:s4+$0x0];
	v9 =	vand.u32 $0xFFFF, v3  }
0x2b5: {  	v15 =	vld [tilespmem:s4+$0xFFFFFFE0];
	v14 =	vand.u32 $0xFFFF, v6  }
0x2b6: {  	v13 =	vld [tilespmem:s4+$0xFFFFFFF0];
	v16 =	vand.u32 $0xFFFF, v5  }
0x2b7: {  	v2 =	vshrl.u32 v2, $0x10;
	v4 =	vld.idx.msk [tilespmem:v4+s1+$0x0], $0xffff  }
0x2b8: {  	v17 =	vld [tilespmem:s4+$0xFFFFFFD0];
	v18 =	vand.u32 $0xFFFF, v7  }
0x2b9: {  	v20 =	vand.u32 $0xFFFF, v12;
	v9 =	vld.idx.msk [tilespmem:v9+s1+$0x0], $0xffff  }
0x2ba: {  	v22 =	vand.u32 $0xFFFF, v15;
	v14 =	vld.idx.msk [tilespmem:v14+s1+$0x0], $0xffff  }
0x2bb: {  	v19 =	vand.u32 $0xFFFF, v11;
	v16 =	vld.idx.msk [tilespmem:v16+s1+$0x0], $0xffff  }
0x2bc: {  	[tilespmem:v2+s2+$0x0] =	vst.idx.add.f32.msk $0xffff, v4;
	v4 =	vand.u32 $0xFFFF, v13  }
0x2bd: {  	v6 =	vshrl.u32 v6, $0x10;
	v18 =	vld.idx.msk [tilespmem:v18+s1+$0x0], $0xffff  }
0x2be: {  	v21 =	vshrl.u32 v3, $0x10;
	v60 =	vld.idx.msk [tilespmem:v20+s1+$0x0], $0xffff  }
0x2bf: {  	v5 =	vshrl.u32 v5, $0x10;
	v63 =	vld.idx.msk [tilespmem:v22+s1+$0x0], $0xffff  }
0x2c0: {  	v61 =	vand.u32 $0xFFFF, v17;
	v2 =	vld.idx.msk [tilespmem:v19+s1+$0x0], $0xffff  }
0x2c1: {  	v3 =	vld.idx.msk [tilespmem:v4+s1+$0x0], $0xffff;
	v4 =	vand.u32 $0xFFFF, v10  }
0x2c2: {  	v15 =	vshrl.u32 v15, $0x10;
	[tilespmem:v6+s2+$0x0] =	vst.idx.add.f32.msk $0xffff, v14  }
0x2c3: {  	v12 =	vshrl.u32 v12, $0x10;
	[tilespmem:v21+s2+$0x0] =	vst.idx.add.f32.msk $0xffff, v9  }
0x2c4: {  	v6 =	vshrl.u32 v7, $0x10;
	[tilespmem:v5+s2+$0x0] =	vst.idx.add.f32.msk $0xffff, v16  }
0x2c5: {  	v62 =	vand.u32 $0xFFFF, v8;
	v7 =	vld.idx.msk [tilespmem:v61+s1+$0x0], $0xffff  }
0x2c6: {  	v9 =	vld.idx.msk [tilespmem:v4+s1+$0x0], $0xffff;
	v4 =	vshrl.u32 v17, $0x10  }
0x2c7: {  	[tilespmem:v15+s2+$0x0] =	vst.idx.add.f32.msk $0xffff, v63;
	v10 =	vshrl.u32 v10, $0x10  }
0x2c8: {  	v5 =	vshrl.u32 v11, $0x10;
	[tilespmem:v12+s2+$0x0] =	vst.idx.add.f32.msk $0xffff, v60  }
0x2c9: {  	[tilespmem:v6+s2+$0x0] =	vst.idx.add.f32.msk $0xffff, v18  }
0x2ca: {  	s3 =	simm.s32 $0xC0;
	s0 =	simm.s32 $0x0;
	v8 =	vshrl.u32 v8, $0x10;
	v11 =	vshrl.u32 v13, $0x10;
	v6 =	vld.idx.msk [tilespmem:v62+s1+$0x0], $0xffff  }
.LBB2_26:
0x2cb: {  	s5 =	sand.u32 $0x7FC0, s3;
	s0 =	sadd.s32 $0xC, s0;
	[tilespmem:v4+s2+$0x0] =	vst.idx.add.f32.msk $0xffff, v7;
	s4 =	sadd.s32 $0xC0, s4  }
0x2cc: {  	p1 =	slt.u32 s0, $0x4D4;
	[tilespmem:v10+s2+$0x0] =	vst.idx.add.f32.msk $0xffff, v9  }
0x2cd: {  	[tilespmem:v5+s2+$0x0] =	vst.idx.add.f32.msk $0xffff, v2  }
0x2ce: {  	v2 =	vld [tilespmem:s5+$0x9E00]  }
0x2cf: {  	[tilespmem:v8+s2+$0x0] =	vst.idx.add.f32.msk $0xffff, v6  }
0x2d0: {  	[tilespmem:v11+s2+$0x0] =	vst.idx.add.f32.msk $0xffff, v3  }
0x2d1: {  	v6 =	vld [tilespmem:s4+$0xFFFFFFB0]  }
0x2d2: {  	v7 =	vld [tilespmem:s4+$0xFFFFFFC0]  }
0x2d3: {  	v3 =	vld [tilespmem:s4+$0xFFFFFFA0];
	v4 =	vand.u32 $0xFFFF, v2  }
0x2d4: {  	v5 =	vld [tilespmem:s4+$0x50]  }
0x2d5: {  	v8 =	vld [tilespmem:s4+$0x40]  }
0x2d6: {  	v9 =	vld [tilespmem:s4+$0x10]  }
0x2d7: {  	v10 =	vld [tilespmem:s4+$0x30]  }
0x2d8: {  	v11 =	vand.u32 $0xFFFF, v3;
	v4 =	vld.idx.msk [tilespmem:v4+s1+$0x0], $0xffff  }
0x2d9: {  	v2 =	vshrl.u32 v2, $0x10;
	v12 =	vld [tilespmem:s4+$0x0]  }
0x2da: {  	v13 =	vld [tilespmem:s4+$0xFFFFFFF0];
	v14 =	vand.u32 $0xFFFF, v8  }
0x2db: {  	v16 =	vand.u32 $0xFFFF, v5;
	v15 =	vld [tilespmem:s4+$0xFFFFFFE0]  }
0x2dc: {  	v17 =	vld [tilespmem:s4+$0xFFFFFFD0];
	v18 =	vand.u32 $0xFFFF, v10  }
0x2dd: {  	v19 =	vand.u32 $0xFFFF, v9;
	v11 =	vld.idx.msk [tilespmem:v11+s1+$0x0], $0xffff  }
0x2de: {  	v20 =	vand.u32 $0xFFFF, v12;
	[tilespmem:v2+s2+$0x0] =	vst.idx.add.f32.msk $0xffff, v4  }
0x2df: {  	v21 =	vand.u32 $0xFFFF, v13;
	v14 =	vld.idx.msk [tilespmem:v14+s1+$0x0], $0xffff  }
0x2e0: {  	v8 =	vshrl.u32 v8, $0x10;
	v16 =	vld.idx.msk [tilespmem:v16+s1+$0x0], $0xffff  }
0x2e1: {  	v22 =	vshrl.u32 v3, $0x10;
	v23 =	vand.u32 $0xFFFF, v15;
	v18 =	vld.idx.msk [tilespmem:v18+s1+$0x0], $0xffff  }
0x2e2: {  	v4 =	vshrl.u32 v17, $0x10;
	v17 =	vand.u32 $0xFFFF, v17;
	v2 =	vld.idx.msk [tilespmem:v19+s1+$0x0], $0xffff  }
0x2e3: {  	v24 =	vshrl.u32 v5, $0x10;
	v19 =	vand.u32 $0xFFFF, v7;
	v20 =	vld.idx.msk [tilespmem:v20+s1+$0x0], $0xffff  }
0x2e4: {  	v25 =	vand.u32 $0xFFFF, v6;
	v3 =	vld.idx.msk [tilespmem:v21+s1+$0x0], $0xffff  }
0x2e5: {  	[tilespmem:v8+s2+$0x0] =	vst.idx.add.f32.msk $0xffff, v14  }
0x2e6: {  	v5 =	vshrl.u32 v9, $0x10;
	[tilespmem:v22+s2+$0x0] =	vst.idx.add.f32.msk $0xffff, v11;
	v11 =	vshrl.u32 v10, $0x10  }
0x2e7: {  	v14 =	vld.idx.msk [tilespmem:v23+s1+$0x0], $0xffff  }
0x2e8: {  	v15 =	vshrl.u32 v15, $0x10;
	[tilespmem:v24+s2+$0x0] =	vst.idx.add.f32.msk $0xffff, v16  }
0x2e9: {  	v12 =	vshrl.u32 v12, $0x10;
	v10 =	vshrl.u32 v7, $0x10;
	v7 =	vld.idx.msk [tilespmem:v17+s1+$0x0], $0xffff  }
.Ltmp12:
0x2ea: {  	v8 =	vshrl.u32 v6, $0x10;
	v9 =	vld.idx.msk [tilespmem:v19+s1+$0x0], $0xffff;
	(pc) =	sbr.rel @p1 .LBB2_26-.Ltmp12, $4  }
0x2eb: {  	[tilespmem:v11+s2+$0x0] =	vst.idx.add.f32.msk $0xffff, v18  }
0x2ec: {  	v6 =	vld.idx.msk [tilespmem:v25+s1+$0x0], $0xffff  }
0x2ed: {  	[tilespmem:v15+s2+$0x0] =	vst.idx.add.f32.msk $0xffff, v14  }
0x2ee: {  	s3 =	sadd.s32 $0xC0, s3;
	v11 =	vshrl.u32 v13, $0x10;
	[tilespmem:v12+s2+$0x0] =	vst.idx.add.f32.msk $0xffff, v20  }
0x2ef: {  	_ =	sdelay $0x3  }
0x2f0: {  	[tilespmem:v4+s2+$0x0] =	vst.idx.add.f32.msk $0xffff, v7  }
0x2f1: {  	[tilespmem:v10+s2+$0x0] =	vst.idx.add.f32.msk $0xffff, v9  }
0x2f2: {  	[tilespmem:v5+s2+$0x0] =	vst.idx.add.f32.msk $0xffff, v2  }
0x2f3: {  	[tilespmem:v11+s2+$0x0] =	vst.idx.add.f32.msk $0xffff, v3  }
0x2f4: {  	[tilespmem:v8+s2+$0x0] =	vst.idx.add.f32.msk $0xffff, v6  }
.LBB2_28:
0x2f5: {  	s0 =	sshra.s32 s1, $0x2  }
0x2f6: {  	v2 =	vld [tilespmem:s0+$0xEB80];
	_ =	sdelay $0x4  }
0x2f7: {  	v3 =	vand.u32 $0xFFFF, v2;
	_ =	sdelay $0x4  }
0x2f8: {  	p1 =	sne.s32 s1, $0x40;
	v2 =	vshrl.u32 v2, $0x10;
	v3 =	vld.idx.msk [tilespmem:v3+s15+$0x0], $0xffff  }
.Ltmp13:
0x2f9: {  	_ = 	snop;
	(pc) =	sbr.rel @p1 .LBB2_28-.Ltmp13, $2  }
0x2fa: {  	_ =	sdelay $0x2  }
0x2fb: {  	s1 =	sadd.s32 $0x40, s1;
	[tilespmem:v2+s2+$0x0] =	vst.idx.add.f32.msk $0xffff, v3  }
0x2fc: {  	s1 =	simm.s32 $0x0;
	s0 =	rddreg [dreg:$0x17]  }
0x2fd: {  	[tilespmem:s10], [sflag:$0x2] =	stream.linear.gather [hbm4b:s0+s1], $0x4E20, $0x38;
	[tilespmem:$0x19100] =	vst v63  }
0x2fe: {  	_ =	swait.ge [sflag:s7], $0x4E20  }
0x2ff: {  	[sflag:s7] =	ssyncset.done $0x0  }
0x300: {  	s31 =	sand.u32 $0x7FC0, s1;
	[sflag:s7] =	ssyncadd.s32 $0xFFFFB1E0  }
0x301: {  	s4 =	simm.s32 $0x4F60;
	v2 =	vld [tilespmem:s31+$0x4F80]  }
0x302: {  	v8 =	vld [tilespmem:s4+$0xFFFFFFB0]  }
0x303: {  	v10 =	vld [tilespmem:s4+$0xFFFFFFC0]  }
0x304: {  	v3 =	vld [tilespmem:s4+$0xFFFFFFA0]  }
0x305: {  	v6 =	vld [tilespmem:s4+$0x40]  }
0x306: {  	v5 =	vld [tilespmem:s4+$0x50]  }
0x307: {  	v11 =	vld [tilespmem:s4+$0x10];
	v4 =	vand.u32 $0xFFFF, v2  }
0x308: {  	v7 =	vld [tilespmem:s4+$0x30]  }
0x309: {  	v12 =	vld [tilespmem:s4+$0x0];
	v9 =	vand.u32 $0xFFFF, v3  }
0x30a: {  	v15 =	vld [tilespmem:s4+$0xFFFFFFE0];
	v14 =	vand.u32 $0xFFFF, v6  }
0x30b: {  	v13 =	vld [tilespmem:s4+$0xFFFFFFF0];
	v16 =	vand.u32 $0xFFFF, v5  }
0x30c: {  	v2 =	vshrl.u32 v2, $0x10;
	v4 =	vld.idx.msk [tilespmem:v4+s1+$0x0], $0xffff  }
0x30d: {  	v17 =	vld [tilespmem:s4+$0xFFFFFFD0];
	v18 =	vand.u32 $0xFFFF, v7  }
0x30e: {  	v20 =	vand.u32 $0xFFFF, v12;
	v9 =	vld.idx.msk [tilespmem:v9+s1+$0x0], $0xffff  }
0x30f: {  	v22 =	vand.u32 $0xFFFF, v15;
	v14 =	vld.idx.msk [tilespmem:v14+s1+$0x0], $0xffff  }
0x310: {  	v19 =	vand.u32 $0xFFFF, v11;
	v16 =	vld.idx.msk [tilespmem:v16+s1+$0x0], $0xffff  }
0x311: {  	[tilespmem:v2+s2+$0x0] =	vst.idx.add.f32.msk $0xffff, v4;
	v4 =	vand.u32 $0xFFFF, v13  }
0x312: {  	v6 =	vshrl.u32 v6, $0x10;
	v18 =	vld.idx.msk [tilespmem:v18+s1+$0x0], $0xffff  }
0x313: {  	v21 =	vshrl.u32 v3, $0x10;
	v60 =	vld.idx.msk [tilespmem:v20+s1+$0x0], $0xffff  }
0x314: {  	v5 =	vshrl.u32 v5, $0x10;
	v63 =	vld.idx.msk [tilespmem:v22+s1+$0x0], $0xffff  }
0x315: {  	v61 =	vand.u32 $0xFFFF, v17;
	v2 =	vld.idx.msk [tilespmem:v19+s1+$0x0], $0xffff  }
0x316: {  	v3 =	vld.idx.msk [tilespmem:v4+s1+$0x0], $0xffff;
	v4 =	vand.u32 $0xFFFF, v10  }
0x317: {  	v15 =	vshrl.u32 v15, $0x10;
	[tilespmem:v6+s2+$0x0] =	vst.idx.add.f32.msk $0xffff, v14  }
0x318: {  	v12 =	vshrl.u32 v12, $0x10;
	[tilespmem:v21+s2+$0x0] =	vst.idx.add.f32.msk $0xffff, v9  }
0x319: {  	v6 =	vshrl.u32 v7, $0x10;
	[tilespmem:v5+s2+$0x0] =	vst.idx.add.f32.msk $0xffff, v16  }
0x31a: {  	v62 =	vand.u32 $0xFFFF, v8;
	v7 =	vld.idx.msk [tilespmem:v61+s1+$0x0], $0xffff  }
0x31b: {  	v9 =	vld.idx.msk [tilespmem:v4+s1+$0x0], $0xffff;
	v4 =	vshrl.u32 v17, $0x10  }
0x31c: {  	[tilespmem:v15+s2+$0x0] =	vst.idx.add.f32.msk $0xffff, v63;
	v10 =	vshrl.u32 v10, $0x10  }
0x31d: {  	v5 =	vshrl.u32 v11, $0x10;
	[tilespmem:v12+s2+$0x0] =	vst.idx.add.f32.msk $0xffff, v60  }
0x31e: {  	[tilespmem:v6+s2+$0x0] =	vst.idx.add.f32.msk $0xffff, v18  }
0x31f: {  	s3 =	simm.s32 $0xC0;
	s0 =	simm.s32 $0x0;
	v8 =	vshrl.u32 v8, $0x10;
	v11 =	vshrl.u32 v13, $0x10;
	v6 =	vld.idx.msk [tilespmem:v62+s1+$0x0], $0xffff  }
.LBB2_30:
0x320: {  	s5 =	sand.u32 $0x7FC0, s3;
	s0 =	sadd.s32 $0xC, s0;
	[tilespmem:v4+s2+$0x0] =	vst.idx.add.f32.msk $0xffff, v7;
	s4 =	sadd.s32 $0xC0, s4  }
0x321: {  	p1 =	slt.u32 s0, $0x4D4;
	[tilespmem:v10+s2+$0x0] =	vst.idx.add.f32.msk $0xffff, v9  }
0x322: {  	[tilespmem:v5+s2+$0x0] =	vst.idx.add.f32.msk $0xffff, v2  }
0x323: {  	v2 =	vld [tilespmem:s5+$0x4F80]  }
0x324: {  	[tilespmem:v8+s2+$0x0] =	vst.idx.add.f32.msk $0xffff, v6  }
0x325: {  	[tilespmem:v11+s2+$0x0] =	vst.idx.add.f32.msk $0xffff, v3  }
0x326: {  	v6 =	vld [tilespmem:s4+$0xFFFFFFB0]  }
0x327: {  	v7 =	vld [tilespmem:s4+$0xFFFFFFC0]  }
0x328: {  	v3 =	vld [tilespmem:s4+$0xFFFFFFA0];
	v4 =	vand.u32 $0xFFFF, v2  }
0x329: {  	v5 =	vld [tilespmem:s4+$0x50]  }
0x32a: {  	v8 =	vld [tilespmem:s4+$0x40]  }
0x32b: {  	v9 =	vld [tilespmem:s4+$0x10]  }
0x32c: {  	v10 =	vld [tilespmem:s4+$0x30]  }
0x32d: {  	v11 =	vand.u32 $0xFFFF, v3;
	v4 =	vld.idx.msk [tilespmem:v4+s1+$0x0], $0xffff  }
0x32e: {  	v2 =	vshrl.u32 v2, $0x10;
	v12 =	vld [tilespmem:s4+$0x0]  }
0x32f: {  	v13 =	vld [tilespmem:s4+$0xFFFFFFF0];
	v14 =	vand.u32 $0xFFFF, v8  }
0x330: {  	v16 =	vand.u32 $0xFFFF, v5;
	v15 =	vld [tilespmem:s4+$0xFFFFFFE0]  }
0x331: {  	v17 =	vld [tilespmem:s4+$0xFFFFFFD0];
	v18 =	vand.u32 $0xFFFF, v10  }
0x332: {  	v19 =	vand.u32 $0xFFFF, v9;
	v11 =	vld.idx.msk [tilespmem:v11+s1+$0x0], $0xffff  }
0x333: {  	v20 =	vand.u32 $0xFFFF, v12;
	[tilespmem:v2+s2+$0x0] =	vst.idx.add.f32.msk $0xffff, v4  }
0x334: {  	v21 =	vand.u32 $0xFFFF, v13;
	v14 =	vld.idx.msk [tilespmem:v14+s1+$0x0], $0xffff  }
0x335: {  	v8 =	vshrl.u32 v8, $0x10;
	v16 =	vld.idx.msk [tilespmem:v16+s1+$0x0], $0xffff  }
0x336: {  	v22 =	vshrl.u32 v3, $0x10;
	v23 =	vand.u32 $0xFFFF, v15;
	v18 =	vld.idx.msk [tilespmem:v18+s1+$0x0], $0xffff  }
0x337: {  	v4 =	vshrl.u32 v17, $0x10;
	v17 =	vand.u32 $0xFFFF, v17;
	v2 =	vld.idx.msk [tilespmem:v19+s1+$0x0], $0xffff  }
0x338: {  	v24 =	vshrl.u32 v5, $0x10;
	v19 =	vand.u32 $0xFFFF, v7;
	v20 =	vld.idx.msk [tilespmem:v20+s1+$0x0], $0xffff  }
0x339: {  	v25 =	vand.u32 $0xFFFF, v6;
	v3 =	vld.idx.msk [tilespmem:v21+s1+$0x0], $0xffff  }
0x33a: {  	[tilespmem:v8+s2+$0x0] =	vst.idx.add.f32.msk $0xffff, v14  }
0x33b: {  	v5 =	vshrl.u32 v9, $0x10;
	[tilespmem:v22+s2+$0x0] =	vst.idx.add.f32.msk $0xffff, v11;
	v11 =	vshrl.u32 v10, $0x10  }
0x33c: {  	v14 =	vld.idx.msk [tilespmem:v23+s1+$0x0], $0xffff  }
0x33d: {  	v15 =	vshrl.u32 v15, $0x10;
	[tilespmem:v24+s2+$0x0] =	vst.idx.add.f32.msk $0xffff, v16  }
0x33e: {  	v12 =	vshrl.u32 v12, $0x10;
	v10 =	vshrl.u32 v7, $0x10;
	v7 =	vld.idx.msk [tilespmem:v17+s1+$0x0], $0xffff  }
.Ltmp14:
0x33f: {  	v8 =	vshrl.u32 v6, $0x10;
	v9 =	vld.idx.msk [tilespmem:v19+s1+$0x0], $0xffff;
	(pc) =	sbr.rel @p1 .LBB2_30-.Ltmp14, $4  }
0x340: {  	[tilespmem:v11+s2+$0x0] =	vst.idx.add.f32.msk $0xffff, v18  }
0x341: {  	v6 =	vld.idx.msk [tilespmem:v25+s1+$0x0], $0xffff  }
0x342: {  	[tilespmem:v15+s2+$0x0] =	vst.idx.add.f32.msk $0xffff, v14  }
0x343: {  	s3 =	sadd.s32 $0xC0, s3;
	v11 =	vshrl.u32 v13, $0x10;
	[tilespmem:v12+s2+$0x0] =	vst.idx.add.f32.msk $0xffff, v20  }
0x344: {  	_ =	sdelay $0x3  }
0x345: {  	[tilespmem:v4+s2+$0x0] =	vst.idx.add.f32.msk $0xffff, v7  }
0x346: {  	[tilespmem:v10+s2+$0x0] =	vst.idx.add.f32.msk $0xffff, v9  }
0x347: {  	[tilespmem:v5+s2+$0x0] =	vst.idx.add.f32.msk $0xffff, v2  }
0x348: {  	[tilespmem:v11+s2+$0x0] =	vst.idx.add.f32.msk $0xffff, v3  }
0x349: {  	[tilespmem:v8+s2+$0x0] =	vst.idx.add.f32.msk $0xffff, v6  }
.LBB2_32:
0x34a: {  	s0 =	sshra.s32 s1, $0x2  }
0x34b: {  	v2 =	vld [tilespmem:s0+$0x9D00];
	_ =	sdelay $0x4  }
0x34c: {  	v3 =	vand.u32 $0xFFFF, v2;
	_ =	sdelay $0x4  }
0x34d: {  	p1 =	sne.s32 s1, $0x40;
	v2 =	vshrl.u32 v2, $0x10;
	v3 =	vld.idx.msk [tilespmem:v3+s15+$0x0], $0xffff  }
.Ltmp15:
0x34e: {  	_ = 	snop;
	(pc) =	sbr.rel @p1 .LBB2_32-.Ltmp15, $2  }
0x34f: {  	_ =	sdelay $0x2  }
0x350: {  	s1 =	sadd.s32 $0x40, s1;
	[tilespmem:v2+s2+$0x0] =	vst.idx.add.f32.msk $0xffff, v3  }
0x351: {  	s1 =	simm.s32 $0x0;
	s0 =	rddreg [dreg:$0x18]  }
0x352: {  	[tilespmem:s6], [sflag:$0x1] =	stream.linear.gather [hbm4b:s0+s1], $0x4E20, $0x38;
	[tilespmem:$0x19100] =	vst v63  }
0x353: {  	_ =	swait.ge [sflag:s11], $0x4E20  }
0x354: {  	[sflag:s11] =	ssyncset.done $0x0  }
0x355: {  	s31 =	sand.u32 $0x7FC0, s1;
	[sflag:s11] =	ssyncadd.s32 $0xFFFFB1E0  }
0x356: {  	s4 =	simm.s32 $0x9DE0;
	v2 =	vld [tilespmem:s31+$0x9E00]  }
0x357: {  	v8 =	vld [tilespmem:s4+$0xFFFFFFB0]  }
0x358: {  	v10 =	vld [tilespmem:s4+$0xFFFFFFC0]  }
0x359: {  	v3 =	vld [tilespmem:s4+$0xFFFFFFA0]  }
0x35a: {  	v6 =	vld [tilespmem:s4+$0x40]  }
0x35b: {  	v5 =	vld [tilespmem:s4+$0x50]  }
0x35c: {  	v11 =	vld [tilespmem:s4+$0x10];
	v4 =	vand.u32 $0xFFFF, v2  }
0x35d: {  	v7 =	vld [tilespmem:s4+$0x30]  }
0x35e: {  	v12 =	vld [tilespmem:s4+$0x0];
	v9 =	vand.u32 $0xFFFF, v3  }
0x35f: {  	v15 =	vld [tilespmem:s4+$0xFFFFFFE0];
	v14 =	vand.u32 $0xFFFF, v6  }
0x360: {  	v13 =	vld [tilespmem:s4+$0xFFFFFFF0];
	v16 =	vand.u32 $0xFFFF, v5  }
0x361: {  	v2 =	vshrl.u32 v2, $0x10;
	v4 =	vld.idx.msk [tilespmem:v4+s1+$0x0], $0xffff  }
0x362: {  	v17 =	vld [tilespmem:s4+$0xFFFFFFD0];
	v18 =	vand.u32 $0xFFFF, v7  }
0x363: {  	v20 =	vand.u32 $0xFFFF, v12;
	v9 =	vld.idx.msk [tilespmem:v9+s1+$0x0], $0xffff  }
0x364: {  	v22 =	vand.u32 $0xFFFF, v15;
	v14 =	vld.idx.msk [tilespmem:v14+s1+$0x0], $0xffff  }
0x365: {  	v19 =	vand.u32 $0xFFFF, v11;
	v16 =	vld.idx.msk [tilespmem:v16+s1+$0x0], $0xffff  }
0x366: {  	[tilespmem:v2+s2+$0x0] =	vst.idx.add.f32.msk $0xffff, v4;
	v4 =	vand.u32 $0xFFFF, v13  }
0x367: {  	v6 =	vshrl.u32 v6, $0x10;
	v18 =	vld.idx.msk [tilespmem:v18+s1+$0x0], $0xffff  }
0x368: {  	v21 =	vshrl.u32 v3, $0x10;
	v60 =	vld.idx.msk [tilespmem:v20+s1+$0x0], $0xffff  }
0x369: {  	v5 =	vshrl.u32 v5, $0x10;
	v63 =	vld.idx.msk [tilespmem:v22+s1+$0x0], $0xffff  }
0x36a: {  	v61 =	vand.u32 $0xFFFF, v17;
	v2 =	vld.idx.msk [tilespmem:v19+s1+$0x0], $0xffff  }
0x36b: {  	v3 =	vld.idx.msk [tilespmem:v4+s1+$0x0], $0xffff;
	v4 =	vand.u32 $0xFFFF, v10  }
0x36c: {  	v15 =	vshrl.u32 v15, $0x10;
	[tilespmem:v6+s2+$0x0] =	vst.idx.add.f32.msk $0xffff, v14  }
0x36d: {  	v12 =	vshrl.u32 v12, $0x10;
	[tilespmem:v21+s2+$0x0] =	vst.idx.add.f32.msk $0xffff, v9  }
0x36e: {  	v6 =	vshrl.u32 v7, $0x10;
	[tilespmem:v5+s2+$0x0] =	vst.idx.add.f32.msk $0xffff, v16  }
0x36f: {  	v62 =	vand.u32 $0xFFFF, v8;
	v7 =	vld.idx.msk [tilespmem:v61+s1+$0x0], $0xffff  }
0x370: {  	v9 =	vld.idx.msk [tilespmem:v4+s1+$0x0], $0xffff;
	v4 =	vshrl.u32 v17, $0x10  }
0x371: {  	[tilespmem:v15+s2+$0x0] =	vst.idx.add.f32.msk $0xffff, v63;
	v10 =	vshrl.u32 v10, $0x10  }
0x372: {  	v5 =	vshrl.u32 v11, $0x10;
	[tilespmem:v12+s2+$0x0] =	vst.idx.add.f32.msk $0xffff, v60  }
0x373: {  	[tilespmem:v6+s2+$0x0] =	vst.idx.add.f32.msk $0xffff, v18  }
0x374: {  	s3 =	simm.s32 $0xC0;
	s0 =	simm.s32 $0x0;
	v8 =	vshrl.u32 v8, $0x10;
	v11 =	vshrl.u32 v13, $0x10;
	v6 =	vld.idx.msk [tilespmem:v62+s1+$0x0], $0xffff  }
.LBB2_34:
0x375: {  	s5 =	sand.u32 $0x7FC0, s3;
	s0 =	sadd.s32 $0xC, s0;
	[tilespmem:v4+s2+$0x0] =	vst.idx.add.f32.msk $0xffff, v7;
	s4 =	sadd.s32 $0xC0, s4  }
0x376: {  	p1 =	slt.u32 s0, $0x4D4;
	[tilespmem:v10+s2+$0x0] =	vst.idx.add.f32.msk $0xffff, v9  }
0x377: {  	[tilespmem:v5+s2+$0x0] =	vst.idx.add.f32.msk $0xffff, v2  }
0x378: {  	v2 =	vld [tilespmem:s5+$0x9E00]  }
0x379: {  	[tilespmem:v8+s2+$0x0] =	vst.idx.add.f32.msk $0xffff, v6  }
0x37a: {  	[tilespmem:v11+s2+$0x0] =	vst.idx.add.f32.msk $0xffff, v3  }
0x37b: {  	v6 =	vld [tilespmem:s4+$0xFFFFFFB0]  }
0x37c: {  	v7 =	vld [tilespmem:s4+$0xFFFFFFC0]  }
0x37d: {  	v3 =	vld [tilespmem:s4+$0xFFFFFFA0];
	v4 =	vand.u32 $0xFFFF, v2  }
0x37e: {  	v5 =	vld [tilespmem:s4+$0x50]  }
0x37f: {  	v8 =	vld [tilespmem:s4+$0x40]  }
0x380: {  	v9 =	vld [tilespmem:s4+$0x10]  }
0x381: {  	v10 =	vld [tilespmem:s4+$0x30]  }
0x382: {  	v11 =	vand.u32 $0xFFFF, v3;
	v4 =	vld.idx.msk [tilespmem:v4+s1+$0x0], $0xffff  }
0x383: {  	v2 =	vshrl.u32 v2, $0x10;
	v12 =	vld [tilespmem:s4+$0x0]  }
0x384: {  	v13 =	vld [tilespmem:s4+$0xFFFFFFF0];
	v14 =	vand.u32 $0xFFFF, v8  }
0x385: {  	v16 =	vand.u32 $0xFFFF, v5;
	v15 =	vld [tilespmem:s4+$0xFFFFFFE0]  }
0x386: {  	v17 =	vld [tilespmem:s4+$0xFFFFFFD0];
	v18 =	vand.u32 $0xFFFF, v10  }
0x387: {  	v19 =	vand.u32 $0xFFFF, v9;
	v11 =	vld.idx.msk [tilespmem:v11+s1+$0x0], $0xffff  }
0x388: {  	v20 =	vand.u32 $0xFFFF, v12;
	[tilespmem:v2+s2+$0x0] =	vst.idx.add.f32.msk $0xffff, v4  }
0x389: {  	v21 =	vand.u32 $0xFFFF, v13;
	v14 =	vld.idx.msk [tilespmem:v14+s1+$0x0], $0xffff  }
0x38a: {  	v8 =	vshrl.u32 v8, $0x10;
	v16 =	vld.idx.msk [tilespmem:v16+s1+$0x0], $0xffff  }
0x38b: {  	v22 =	vshrl.u32 v3, $0x10;
	v23 =	vand.u32 $0xFFFF, v15;
	v18 =	vld.idx.msk [tilespmem:v18+s1+$0x0], $0xffff  }
0x38c: {  	v4 =	vshrl.u32 v17, $0x10;
	v17 =	vand.u32 $0xFFFF, v17;
	v2 =	vld.idx.msk [tilespmem:v19+s1+$0x0], $0xffff  }
0x38d: {  	v24 =	vshrl.u32 v5, $0x10;
	v19 =	vand.u32 $0xFFFF, v7;
	v20 =	vld.idx.msk [tilespmem:v20+s1+$0x0], $0xffff  }
0x38e: {  	v25 =	vand.u32 $0xFFFF, v6;
	v3 =	vld.idx.msk [tilespmem:v21+s1+$0x0], $0xffff  }
0x38f: {  	[tilespmem:v8+s2+$0x0] =	vst.idx.add.f32.msk $0xffff, v14  }
0x390: {  	v5 =	vshrl.u32 v9, $0x10;
	[tilespmem:v22+s2+$0x0] =	vst.idx.add.f32.msk $0xffff, v11;
	v11 =	vshrl.u32 v10, $0x10  }
0x391: {  	v14 =	vld.idx.msk [tilespmem:v23+s1+$0x0], $0xffff  }
0x392: {  	v15 =	vshrl.u32 v15, $0x10;
	[tilespmem:v24+s2+$0x0] =	vst.idx.add.f32.msk $0xffff, v16  }
0x393: {  	v12 =	vshrl.u32 v12, $0x10;
	v10 =	vshrl.u32 v7, $0x10;
	v7 =	vld.idx.msk [tilespmem:v17+s1+$0x0], $0xffff  }
.Ltmp16:
0x394: {  	v8 =	vshrl.u32 v6, $0x10;
	v9 =	vld.idx.msk [tilespmem:v19+s1+$0x0], $0xffff;
	(pc) =	sbr.rel @p1 .LBB2_34-.Ltmp16, $4  }
0x395: {  	[tilespmem:v11+s2+$0x0] =	vst.idx.add.f32.msk $0xffff, v18  }
0x396: {  	v6 =	vld.idx.msk [tilespmem:v25+s1+$0x0], $0xffff  }
0x397: {  	[tilespmem:v15+s2+$0x0] =	vst.idx.add.f32.msk $0xffff, v14  }
0x398: {  	s3 =	sadd.s32 $0xC0, s3;
	v11 =	vshrl.u32 v13, $0x10;
	[tilespmem:v12+s2+$0x0] =	vst.idx.add.f32.msk $0xffff, v20  }
0x399: {  	_ =	sdelay $0x3  }
0x39a: {  	[tilespmem:v4+s2+$0x0] =	vst.idx.add.f32.msk $0xffff, v7  }
0x39b: {  	[tilespmem:v10+s2+$0x0] =	vst.idx.add.f32.msk $0xffff, v9  }
0x39c: {  	[tilespmem:v5+s2+$0x0] =	vst.idx.add.f32.msk $0xffff, v2  }
0x39d: {  	[tilespmem:v11+s2+$0x0] =	vst.idx.add.f32.msk $0xffff, v3  }
0x39e: {  	[tilespmem:v8+s2+$0x0] =	vst.idx.add.f32.msk $0xffff, v6  }
.LBB2_36:
0x39f: {  	s0 =	sshra.s32 s1, $0x2  }
0x3a0: {  	v2 =	vld [tilespmem:s0+$0xEB80];
	_ =	sdelay $0x4  }
0x3a1: {  	v3 =	vand.u32 $0xFFFF, v2;
	_ =	sdelay $0x4  }
0x3a2: {  	p1 =	sne.s32 s1, $0x40;
	v2 =	vshrl.u32 v2, $0x10;
	v3 =	vld.idx.msk [tilespmem:v3+s15+$0x0], $0xffff  }
.Ltmp17:
0x3a3: {  	_ = 	snop;
	(pc) =	sbr.rel @p1 .LBB2_36-.Ltmp17, $2  }
0x3a4: {  	_ =	sdelay $0x2  }
0x3a5: {  	s1 =	sadd.s32 $0x40, s1;
	[tilespmem:v2+s2+$0x0] =	vst.idx.add.f32.msk $0xffff, v3  }
0x3a6: {  	s1 =	simm.s32 $0x0;
	s0 =	rddreg [dreg:$0x19]  }
0x3a7: {  	[tilespmem:s10], [sflag:$0x2] =	stream.linear.gather [hbm4b:s0+s1], $0x4E20, $0x38;
	[tilespmem:$0x19100] =	vst v63  }
0x3a8: {  	_ =	swait.ge [sflag:s7], $0x4E20  }
0x3a9: {  	[sflag:s7] =	ssyncset.done $0x0  }
0x3aa: {  	s31 =	sand.u32 $0x7FC0, s1;
	[sflag:s7] =	ssyncadd.s32 $0xFFFFB1E0  }
0x3ab: {  	s4 =	simm.s32 $0x4F60;
	v2 =	vld [tilespmem:s31+$0x4F80]  }
0x3ac: {  	v8 =	vld [tilespmem:s4+$0xFFFFFFB0]  }
0x3ad: {  	v10 =	vld [tilespmem:s4+$0xFFFFFFC0]  }
0x3ae: {  	v3 =	vld [tilespmem:s4+$0xFFFFFFA0]  }
0x3af: {  	v6 =	vld [tilespmem:s4+$0x40]  }
0x3b0: {  	v5 =	vld [tilespmem:s4+$0x50]  }
0x3b1: {  	v11 =	vld [tilespmem:s4+$0x10];
	v4 =	vand.u32 $0xFFFF, v2  }
0x3b2: {  	v7 =	vld [tilespmem:s4+$0x30]  }
0x3b3: {  	v12 =	vld [tilespmem:s4+$0x0];
	v9 =	vand.u32 $0xFFFF, v3  }
0x3b4: {  	v15 =	vld [tilespmem:s4+$0xFFFFFFE0];
	v14 =	vand.u32 $0xFFFF, v6  }
0x3b5: {  	v13 =	vld [tilespmem:s4+$0xFFFFFFF0];
	v16 =	vand.u32 $0xFFFF, v5  }
0x3b6: {  	v2 =	vshrl.u32 v2, $0x10;
	v4 =	vld.idx.msk [tilespmem:v4+s1+$0x0], $0xffff  }
0x3b7: {  	v17 =	vld [tilespmem:s4+$0xFFFFFFD0];
	v18 =	vand.u32 $0xFFFF, v7  }
0x3b8: {  	v20 =	vand.u32 $0xFFFF, v12;
	v9 =	vld.idx.msk [tilespmem:v9+s1+$0x0], $0xffff  }
0x3b9: {  	v22 =	vand.u32 $0xFFFF, v15;
	v14 =	vld.idx.msk [tilespmem:v14+s1+$0x0], $0xffff  }
0x3ba: {  	v19 =	vand.u32 $0xFFFF, v11;
	v16 =	vld.idx.msk [tilespmem:v16+s1+$0x0], $0xffff  }
0x3bb: {  	[tilespmem:v2+s2+$0x0] =	vst.idx.add.f32.msk $0xffff, v4;
	v4 =	vand.u32 $0xFFFF, v13  }
0x3bc: {  	v6 =	vshrl.u32 v6, $0x10;
	v18 =	vld.idx.msk [tilespmem:v18+s1+$0x0], $0xffff  }
0x3bd: {  	v21 =	vshrl.u32 v3, $0x10;
	v60 =	vld.idx.msk [tilespmem:v20+s1+$0x0], $0xffff  }
0x3be: {  	v5 =	vshrl.u32 v5, $0x10;
	v63 =	vld.idx.msk [tilespmem:v22+s1+$0x0], $0xffff  }
0x3bf: {  	v61 =	vand.u32 $0xFFFF, v17;
	v2 =	vld.idx.msk [tilespmem:v19+s1+$0x0], $0xffff  }
0x3c0: {  	v3 =	vld.idx.msk [tilespmem:v4+s1+$0x0], $0xffff;
	v4 =	vand.u32 $0xFFFF, v10  }
0x3c1: {  	v15 =	vshrl.u32 v15, $0x10;
	[tilespmem:v6+s2+$0x0] =	vst.idx.add.f32.msk $0xffff, v14  }
0x3c2: {  	v12 =	vshrl.u32 v12, $0x10;
	[tilespmem:v21+s2+$0x0] =	vst.idx.add.f32.msk $0xffff, v9  }
0x3c3: {  	v6 =	vshrl.u32 v7, $0x10;
	[tilespmem:v5+s2+$0x0] =	vst.idx.add.f32.msk $0xffff, v16  }
0x3c4: {  	v62 =	vand.u32 $0xFFFF, v8;
	v7 =	vld.idx.msk [tilespmem:v61+s1+$0x0], $0xffff  }
0x3c5: {  	v9 =	vld.idx.msk [tilespmem:v4+s1+$0x0], $0xffff;
	v4 =	vshrl.u32 v17, $0x10  }
0x3c6: {  	[tilespmem:v15+s2+$0x0] =	vst.idx.add.f32.msk $0xffff, v63;
	v10 =	vshrl.u32 v10, $0x10  }
0x3c7: {  	v5 =	vshrl.u32 v11, $0x10;
	[tilespmem:v12+s2+$0x0] =	vst.idx.add.f32.msk $0xffff, v60  }
0x3c8: {  	[tilespmem:v6+s2+$0x0] =	vst.idx.add.f32.msk $0xffff, v18  }
0x3c9: {  	s3 =	simm.s32 $0xC0;
	s0 =	simm.s32 $0x0;
	v8 =	vshrl.u32 v8, $0x10;
	v11 =	vshrl.u32 v13, $0x10;
	v6 =	vld.idx.msk [tilespmem:v62+s1+$0x0], $0xffff  }
.LBB2_38:
0x3ca: {  	s5 =	sand.u32 $0x7FC0, s3;
	s0 =	sadd.s32 $0xC, s0;
	[tilespmem:v4+s2+$0x0] =	vst.idx.add.f32.msk $0xffff, v7;
	s4 =	sadd.s32 $0xC0, s4  }
0x3cb: {  	p1 =	slt.u32 s0, $0x4D4;
	[tilespmem:v10+s2+$0x0] =	vst.idx.add.f32.msk $0xffff, v9  }
0x3cc: {  	[tilespmem:v5+s2+$0x0] =	vst.idx.add.f32.msk $0xffff, v2  }
0x3cd: {  	v2 =	vld [tilespmem:s5+$0x4F80]  }
0x3ce: {  	[tilespmem:v8+s2+$0x0] =	vst.idx.add.f32.msk $0xffff, v6  }
0x3cf: {  	[tilespmem:v11+s2+$0x0] =	vst.idx.add.f32.msk $0xffff, v3  }
0x3d0: {  	v6 =	vld [tilespmem:s4+$0xFFFFFFB0]  }
0x3d1: {  	v7 =	vld [tilespmem:s4+$0xFFFFFFC0]  }
0x3d2: {  	v3 =	vld [tilespmem:s4+$0xFFFFFFA0];
	v4 =	vand.u32 $0xFFFF, v2  }
0x3d3: {  	v5 =	vld [tilespmem:s4+$0x50]  }
0x3d4: {  	v8 =	vld [tilespmem:s4+$0x40]  }
0x3d5: {  	v9 =	vld [tilespmem:s4+$0x10]  }
0x3d6: {  	v10 =	vld [tilespmem:s4+$0x30]  }
0x3d7: {  	v11 =	vand.u32 $0xFFFF, v3;
	v4 =	vld.idx.msk [tilespmem:v4+s1+$0x0], $0xffff  }
0x3d8: {  	v2 =	vshrl.u32 v2, $0x10;
	v12 =	vld [tilespmem:s4+$0x0]  }
0x3d9: {  	v13 =	vld [tilespmem:s4+$0xFFFFFFF0];
	v14 =	vand.u32 $0xFFFF, v8  }
0x3da: {  	v16 =	vand.u32 $0xFFFF, v5;
	v15 =	vld [tilespmem:s4+$0xFFFFFFE0]  }
0x3db: {  	v17 =	vld [tilespmem:s4+$0xFFFFFFD0];
	v18 =	vand.u32 $0xFFFF, v10  }
0x3dc: {  	v19 =	vand.u32 $0xFFFF, v9;
	v11 =	vld.idx.msk [tilespmem:v11+s1+$0x0], $0xffff  }
0x3dd: {  	v20 =	vand.u32 $0xFFFF, v12;
	[tilespmem:v2+s2+$0x0] =	vst.idx.add.f32.msk $0xffff, v4  }
0x3de: {  	v21 =	vand.u32 $0xFFFF, v13;
	v14 =	vld.idx.msk [tilespmem:v14+s1+$0x0], $0xffff  }
0x3df: {  	v8 =	vshrl.u32 v8, $0x10;
	v16 =	vld.idx.msk [tilespmem:v16+s1+$0x0], $0xffff  }
0x3e0: {  	v22 =	vshrl.u32 v3, $0x10;
	v23 =	vand.u32 $0xFFFF, v15;
	v18 =	vld.idx.msk [tilespmem:v18+s1+$0x0], $0xffff  }
0x3e1: {  	v4 =	vshrl.u32 v17, $0x10;
	v17 =	vand.u32 $0xFFFF, v17;
	v2 =	vld.idx.msk [tilespmem:v19+s1+$0x0], $0xffff  }
0x3e2: {  	v24 =	vshrl.u32 v5, $0x10;
	v19 =	vand.u32 $0xFFFF, v7;
	v20 =	vld.idx.msk [tilespmem:v20+s1+$0x0], $0xffff  }
0x3e3: {  	v25 =	vand.u32 $0xFFFF, v6;
	v3 =	vld.idx.msk [tilespmem:v21+s1+$0x0], $0xffff  }
0x3e4: {  	[tilespmem:v8+s2+$0x0] =	vst.idx.add.f32.msk $0xffff, v14  }
0x3e5: {  	v5 =	vshrl.u32 v9, $0x10;
	[tilespmem:v22+s2+$0x0] =	vst.idx.add.f32.msk $0xffff, v11;
	v11 =	vshrl.u32 v10, $0x10  }
0x3e6: {  	v14 =	vld.idx.msk [tilespmem:v23+s1+$0x0], $0xffff  }
0x3e7: {  	v15 =	vshrl.u32 v15, $0x10;
	[tilespmem:v24+s2+$0x0] =	vst.idx.add.f32.msk $0xffff, v16  }
0x3e8: {  	v12 =	vshrl.u32 v12, $0x10;
	v10 =	vshrl.u32 v7, $0x10;
	v7 =	vld.idx.msk [tilespmem:v17+s1+$0x0], $0xffff  }
.Ltmp18:
0x3e9: {  	v8 =	vshrl.u32 v6, $0x10;
	v9 =	vld.idx.msk [tilespmem:v19+s1+$0x0], $0xffff;
	(pc) =	sbr.rel @p1 .LBB2_38-.Ltmp18, $4  }
0x3ea: {  	[tilespmem:v11+s2+$0x0] =	vst.idx.add.f32.msk $0xffff, v18  }
0x3eb: {  	v6 =	vld.idx.msk [tilespmem:v25+s1+$0x0], $0xffff  }
0x3ec: {  	[tilespmem:v15+s2+$0x0] =	vst.idx.add.f32.msk $0xffff, v14  }
0x3ed: {  	s3 =	sadd.s32 $0xC0, s3;
	v11 =	vshrl.u32 v13, $0x10;
	[tilespmem:v12+s2+$0x0] =	vst.idx.add.f32.msk $0xffff, v20  }
0x3ee: {  	_ =	sdelay $0x3  }
0x3ef: {  	[tilespmem:v4+s2+$0x0] =	vst.idx.add.f32.msk $0xffff, v7  }
0x3f0: {  	[tilespmem:v10+s2+$0x0] =	vst.idx.add.f32.msk $0xffff, v9  }
0x3f1: {  	[tilespmem:v5+s2+$0x0] =	vst.idx.add.f32.msk $0xffff, v2  }
0x3f2: {  	[tilespmem:v11+s2+$0x0] =	vst.idx.add.f32.msk $0xffff, v3  }
0x3f3: {  	[tilespmem:v8+s2+$0x0] =	vst.idx.add.f32.msk $0xffff, v6  }
.LBB2_40:
0x3f4: {  	s0 =	sshra.s32 s1, $0x2  }
0x3f5: {  	v2 =	vld [tilespmem:s0+$0x9D00];
	_ =	sdelay $0x4  }
0x3f6: {  	v3 =	vand.u32 $0xFFFF, v2;
	_ =	sdelay $0x4  }
0x3f7: {  	p1 =	sne.s32 s1, $0x40;
	v2 =	vshrl.u32 v2, $0x10;
	v3 =	vld.idx.msk [tilespmem:v3+s15+$0x0], $0xffff  }
.Ltmp19:
0x3f8: {  	_ = 	snop;
	(pc) =	sbr.rel @p1 .LBB2_40-.Ltmp19, $2  }
0x3f9: {  	_ =	sdelay $0x2  }
0x3fa: {  	s1 =	sadd.s32 $0x40, s1;
	[tilespmem:v2+s2+$0x0] =	vst.idx.add.f32.msk $0xffff, v3  }
0x3fb: {  	_ =	swait.ge [sflag:s11], $0x4E20  }
0x3fc: {  	s1 =	simm.s32 $0x0;
	[sflag:s11] =	ssyncset.done $0x0  }
0x3fd: {  	s0 =	sand.u32 $0x7FC0, s1;
	[sflag:s11] =	ssyncadd.s32 $0xFFFFB1E0  }
0x3fe: {  	s4 =	simm.s32 $0x9DE0;
	v2 =	vld [tilespmem:s0+$0x9E00]  }
0x3ff: {  	v8 =	vld [tilespmem:s4+$0xFFFFFFB0]  }
0x400: {  	v10 =	vld [tilespmem:s4+$0xFFFFFFC0]  }
0x401: {  	v3 =	vld [tilespmem:s4+$0xFFFFFFA0]  }
0x402: {  	v6 =	vld [tilespmem:s4+$0x40]  }
0x403: {  	v5 =	vld [tilespmem:s4+$0x50]  }
0x404: {  	v11 =	vld [tilespmem:s4+$0x10];
	v4 =	vand.u32 $0xFFFF, v2  }
0x405: {  	v7 =	vld [tilespmem:s4+$0x30]  }
0x406: {  	v12 =	vld [tilespmem:s4+$0x0];
	v9 =	vand.u32 $0xFFFF, v3  }
0x407: {  	v15 =	vld [tilespmem:s4+$0xFFFFFFE0];
	v14 =	vand.u32 $0xFFFF, v6  }
0x408: {  	v13 =	vld [tilespmem:s4+$0xFFFFFFF0];
	v16 =	vand.u32 $0xFFFF, v5  }
0x409: {  	v2 =	vshrl.u32 v2, $0x10;
	v4 =	vld.idx.msk [tilespmem:v4+s1+$0x0], $0xffff  }
0x40a: {  	v17 =	vld [tilespmem:s4+$0xFFFFFFD0];
	v18 =	vand.u32 $0xFFFF, v7  }
0x40b: {  	v20 =	vand.u32 $0xFFFF, v12;
	v9 =	vld.idx.msk [tilespmem:v9+s1+$0x0], $0xffff  }
0x40c: {  	v22 =	vand.u32 $0xFFFF, v15;
	v14 =	vld.idx.msk [tilespmem:v14+s1+$0x0], $0xffff  }
0x40d: {  	v19 =	vand.u32 $0xFFFF, v11;
	v16 =	vld.idx.msk [tilespmem:v16+s1+$0x0], $0xffff  }
0x40e: {  	[tilespmem:v2+s2+$0x0] =	vst.idx.add.f32.msk $0xffff, v4;
	v4 =	vand.u32 $0xFFFF, v13  }
0x40f: {  	v6 =	vshrl.u32 v6, $0x10;
	v18 =	vld.idx.msk [tilespmem:v18+s1+$0x0], $0xffff  }
0x410: {  	v21 =	vshrl.u32 v3, $0x10;
	v60 =	vld.idx.msk [tilespmem:v20+s1+$0x0], $0xffff  }
0x411: {  	v5 =	vshrl.u32 v5, $0x10;
	v63 =	vld.idx.msk [tilespmem:v22+s1+$0x0], $0xffff  }
0x412: {  	v61 =	vand.u32 $0xFFFF, v17;
	v2 =	vld.idx.msk [tilespmem:v19+s1+$0x0], $0xffff  }
0x413: {  	v3 =	vld.idx.msk [tilespmem:v4+s1+$0x0], $0xffff;
	v4 =	vand.u32 $0xFFFF, v10  }
0x414: {  	v15 =	vshrl.u32 v15, $0x10;
	[tilespmem:v6+s2+$0x0] =	vst.idx.add.f32.msk $0xffff, v14  }
0x415: {  	v12 =	vshrl.u32 v12, $0x10;
	[tilespmem:v21+s2+$0x0] =	vst.idx.add.f32.msk $0xffff, v9  }
0x416: {  	v6 =	vshrl.u32 v7, $0x10;
	[tilespmem:v5+s2+$0x0] =	vst.idx.add.f32.msk $0xffff, v16  }
0x417: {  	v62 =	vand.u32 $0xFFFF, v8;
	v7 =	vld.idx.msk [tilespmem:v61+s1+$0x0], $0xffff  }
0x418: {  	v9 =	vld.idx.msk [tilespmem:v4+s1+$0x0], $0xffff;
	v4 =	vshrl.u32 v17, $0x10  }
0x419: {  	[tilespmem:v15+s2+$0x0] =	vst.idx.add.f32.msk $0xffff, v63;
	v10 =	vshrl.u32 v10, $0x10  }
0x41a: {  	v5 =	vshrl.u32 v11, $0x10;
	[tilespmem:v12+s2+$0x0] =	vst.idx.add.f32.msk $0xffff, v60  }
0x41b: {  	[tilespmem:v6+s2+$0x0] =	vst.idx.add.f32.msk $0xffff, v18  }
0x41c: {  	s3 =	simm.s32 $0xC0;
	s0 =	simm.s32 $0x0;
	v8 =	vshrl.u32 v8, $0x10;
	v11 =	vshrl.u32 v13, $0x10;
	v6 =	vld.idx.msk [tilespmem:v62+s1+$0x0], $0xffff  }
.LBB2_42:
0x41d: {  	s5 =	sand.u32 $0x7FC0, s3;
	s0 =	sadd.s32 $0xC, s0;
	[tilespmem:v4+s2+$0x0] =	vst.idx.add.f32.msk $0xffff, v7;
	s4 =	sadd.s32 $0xC0, s4  }
0x41e: {  	p1 =	slt.u32 s0, $0x4D4;
	[tilespmem:v10+s2+$0x0] =	vst.idx.add.f32.msk $0xffff, v9  }
0x41f: {  	[tilespmem:v5+s2+$0x0] =	vst.idx.add.f32.msk $0xffff, v2  }
0x420: {  	v2 =	vld [tilespmem:s5+$0x9E00]  }
0x421: {  	[tilespmem:v8+s2+$0x0] =	vst.idx.add.f32.msk $0xffff, v6  }
0x422: {  	[tilespmem:v11+s2+$0x0] =	vst.idx.add.f32.msk $0xffff, v3  }
0x423: {  	v6 =	vld [tilespmem:s4+$0xFFFFFFB0]  }
0x424: {  	v7 =	vld [tilespmem:s4+$0xFFFFFFC0]  }
0x425: {  	v3 =	vld [tilespmem:s4+$0xFFFFFFA0];
	v4 =	vand.u32 $0xFFFF, v2  }
0x426: {  	v5 =	vld [tilespmem:s4+$0x50]  }
0x427: {  	v8 =	vld [tilespmem:s4+$0x40]  }
0x428: {  	v9 =	vld [tilespmem:s4+$0x10]  }
0x429: {  	v10 =	vld [tilespmem:s4+$0x30]  }
0x42a: {  	v11 =	vand.u32 $0xFFFF, v3;
	v4 =	vld.idx.msk [tilespmem:v4+s1+$0x0], $0xffff  }
0x42b: {  	v2 =	vshrl.u32 v2, $0x10;
	v12 =	vld [tilespmem:s4+$0x0]  }
0x42c: {  	v13 =	vld [tilespmem:s4+$0xFFFFFFF0];
	v14 =	vand.u32 $0xFFFF, v8  }
0x42d: {  	v16 =	vand.u32 $0xFFFF, v5;
	v15 =	vld [tilespmem:s4+$0xFFFFFFE0]  }
0x42e: {  	v17 =	vld [tilespmem:s4+$0xFFFFFFD0];
	v18 =	vand.u32 $0xFFFF, v10  }
0x42f: {  	v19 =	vand.u32 $0xFFFF, v9;
	v11 =	vld.idx.msk [tilespmem:v11+s1+$0x0], $0xffff  }
0x430: {  	v20 =	vand.u32 $0xFFFF, v12;
	[tilespmem:v2+s2+$0x0] =	vst.idx.add.f32.msk $0xffff, v4  }
0x431: {  	v21 =	vand.u32 $0xFFFF, v13;
	v14 =	vld.idx.msk [tilespmem:v14+s1+$0x0], $0xffff  }
0x432: {  	v8 =	vshrl.u32 v8, $0x10;
	v16 =	vld.idx.msk [tilespmem:v16+s1+$0x0], $0xffff  }
0x433: {  	v22 =	vshrl.u32 v3, $0x10;
	v23 =	vand.u32 $0xFFFF, v15;
	v18 =	vld.idx.msk [tilespmem:v18+s1+$0x0], $0xffff  }
0x434: {  	v4 =	vshrl.u32 v17, $0x10;
	v17 =	vand.u32 $0xFFFF, v17;
	v2 =	vld.idx.msk [tilespmem:v19+s1+$0x0], $0xffff  }
0x435: {  	v24 =	vshrl.u32 v5, $0x10;
	v19 =	vand.u32 $0xFFFF, v7;
	v20 =	vld.idx.msk [tilespmem:v20+s1+$0x0], $0xffff  }
0x436: {  	v25 =	vand.u32 $0xFFFF, v6;
	v3 =	vld.idx.msk [tilespmem:v21+s1+$0x0], $0xffff  }
0x437: {  	[tilespmem:v8+s2+$0x0] =	vst.idx.add.f32.msk $0xffff, v14  }
0x438: {  	v5 =	vshrl.u32 v9, $0x10;
	[tilespmem:v22+s2+$0x0] =	vst.idx.add.f32.msk $0xffff, v11;
	v11 =	vshrl.u32 v10, $0x10  }
0x439: {  	v14 =	vld.idx.msk [tilespmem:v23+s1+$0x0], $0xffff  }
0x43a: {  	v15 =	vshrl.u32 v15, $0x10;
	[tilespmem:v24+s2+$0x0] =	vst.idx.add.f32.msk $0xffff, v16  }
0x43b: {  	v12 =	vshrl.u32 v12, $0x10;
	v10 =	vshrl.u32 v7, $0x10;
	v7 =	vld.idx.msk [tilespmem:v17+s1+$0x0], $0xffff  }
.Ltmp20:
0x43c: {  	v8 =	vshrl.u32 v6, $0x10;
	v9 =	vld.idx.msk [tilespmem:v19+s1+$0x0], $0xffff;
	(pc) =	sbr.rel @p1 .LBB2_42-.Ltmp20, $4  }
0x43d: {  	[tilespmem:v11+s2+$0x0] =	vst.idx.add.f32.msk $0xffff, v18  }
0x43e: {  	v6 =	vld.idx.msk [tilespmem:v25+s1+$0x0], $0xffff  }
0x43f: {  	[tilespmem:v15+s2+$0x0] =	vst.idx.add.f32.msk $0xffff, v14  }
0x440: {  	s3 =	sadd.s32 $0xC0, s3;
	v11 =	vshrl.u32 v13, $0x10;
	[tilespmem:v12+s2+$0x0] =	vst.idx.add.f32.msk $0xffff, v20  }
0x441: {  	_ =	sdelay $0x3  }
0x442: {  	[tilespmem:v4+s2+$0x0] =	vst.idx.add.f32.msk $0xffff, v7  }
0x443: {  	[tilespmem:v10+s2+$0x0] =	vst.idx.add.f32.msk $0xffff, v9  }
0x444: {  	[tilespmem:v5+s2+$0x0] =	vst.idx.add.f32.msk $0xffff, v2  }
0x445: {  	[tilespmem:v11+s2+$0x0] =	vst.idx.add.f32.msk $0xffff, v3  }
0x446: {  	[tilespmem:v8+s2+$0x0] =	vst.idx.add.f32.msk $0xffff, v6  }
.LBB2_44:
0x447: {  	s0 =	sshra.s32 s1, $0x2  }
0x448: {  	v2 =	vld [tilespmem:s0+$0xEB80];
	_ =	sdelay $0x4  }
0x449: {  	v3 =	vand.u32 $0xFFFF, v2;
	_ =	sdelay $0x4  }
0x44a: {  	p1 =	sne.s32 s1, $0x40;
	v2 =	vshrl.u32 v2, $0x10;
	v3 =	vld.idx.msk [tilespmem:v3+s15+$0x0], $0xffff  }
.Ltmp21:
0x44b: {  	_ = 	snop;
	(pc) =	sbr.rel @p1 .LBB2_44-.Ltmp21, $2  }
0x44c: {  	_ =	sdelay $0x2  }
0x44d: {  	s1 =	sadd.s32 $0x40, s1;
	[tilespmem:v2+s2+$0x0] =	vst.idx.add.f32.msk $0xffff, v3  }
0x44e: {  	s0 =	rddreg [dreg:$0x1a];
	s4 =	simm.s32 $0x80;
	s5 =	simm.s32 $0x400  }
0x44f: {  	[hbm4b:s0+s4] =	stream.strided.scatter [tilespmem:s2], [sflag:$0x4], $0x2780, s5, s4, $0x38;
	[tilespmem:$0x19100] =	vst v63  }
0x450: {  	_ =	swait.ge [sflag:s9], $0x2780  }
0x451: {  	s1 =	rddreg [dreg:$0x1c]  }
0x452: {  	s31 =	rddreg [dreg:$0x1b];
	s1 =	sadd.s32 $0x1, s1  }
0x453: {  	p1 =	sne.s32 s1, s31  }
.Ltmp22:
0x454: {  	_ = 	snop;
	(pc) =	sbr.rel @p1 .LBB2_1-.Ltmp22, $3  }
0x455: {  	_ =	sdelay $0x1  }
0x456: {  	[sflag:s9] =	ssyncset.done $0x0  }
0x457: {  	[sflag:s9] =	ssyncadd.s32 $0xFFFFD880  }
0x458: {  	_ =	sfence.sel $0x180000  }
0x459: {  	[bflag:$0x0] =	sbarrier.arrive $0xFFFF  }
0x45a: {  	_ =	strace $0x90000047  }
0x45b: {  	s0 =	stileid.u32;
	[bflag:$0x2] =	sbarrier.arrive $0xFFFF  }
0x45c: {  	p0 =	sne.s32 s0, $0x0;
	s0 =	rddreg [dreg:$0x3]  }
0x45d: {  	s0 =	sadd.s32 @!p0 $0x100000, s0  }
0x45e: {  	[sflag:s0] =	ssyncadd.tile.s32 @!p0 $0x1;
	_ =	shalt  }
.Lfunc_end2:
_tile_overlayer_lowered:
.L_overlay_start_2:
0x45f: {  	(tag) =	ssettag $0x2  }
0x460: {  	s0 =	rddreg [dreg:$0x0];
	s2 =	stileid.u32  }
0x461: {  	s1 =	rddreg [dreg:$0x1];
	p0 =	sne.s32 s2, $0x0  }
0x462: {  	s3 =	rddreg [dreg:$0x2];
	[bflag:$0x3] =	sbarrier.arrive $0xFFFF;
	s2 =	simm.s32 @!p0 $0x1C04  }
0x463: {  	[timem:s3], [sflag:s2] =	dma.local @!p0 [hbm:s0], s1  }
0x464: {  	s0 =	simm.s32 @!p0 $0x4  }
0x465: {  	_ =	swait.ge @!p0 [sflag:s0], s1  }
0x466: {  	s1 =	ssub.s32 @!p0 $0x0, s1;
	[sflag:s0] =	ssyncset.done @!p0 $0x0  }
0x467: {  	[sflag:s0] =	ssyncadd.s32 @!p0 s1  }
0x468: {  	[bflag:$0x3] =	sbarrier.arrive $0xFFFF  }
0x469: {  	_ =	shalt  }

</sc_bundles>
